<compile_context>
chip_gen: v7x
topology: tpu7x:2x2x1
jax: 0.10.2.dev20260603
libtpu: 0.0.44.dev20260713+nightly
codegen_flags: <defaults>
</compile_context>

<pallas_src>
import functools

import jax
import jax.numpy as jnp
from jax import lax
from jax.experimental import pallas as pl
from jax.experimental.pallas import tpu as pltpu
from jax.experimental.pallas import tpu_sc as plsc

N = 10000
E = 160000
D = 128
CAP = 64

NC = 2
NS = 16
NW = NC * NS

N_PAD = 10240
ROWS_PER_W = N_PAD // NW
E_PAD = 160256
E_PER_W = E_PAD // NW
SENT = 1 << 20

FLAT = N * CAP
GCHUNK = 128
CH_PER_W = 157
NCHUNKS = NW * CH_PER_W
FLAT_PAD = NCHUNKS * GCHUNK
NBUF = 4

_SC_PARAMS = pltpu.CompilerParams(needs_layout_passes=False)


def _mesh():
    return plsc.VectorSubcoreMesh(core_axis_name="c", subcore_axis_name="s")


def _wid():
    return lax.axis_index("s") * NC + lax.axis_index("c")


def _deg_partial(cols_pad):
    @functools.partial(
        pl.kernel,
        mesh=_mesh(),
        out_type=jax.ShapeDtypeStruct((NW, N_PAD), jnp.float32),
        scratch_types=[
            pltpu.VMEM((N_PAD,), jnp.float32),
            pltpu.VMEM((E_PER_W,), jnp.int32),
        ],
        compiler_params=_SC_PARAMS,
        name="sc_deg_partial",
    )
    def k(cols_hbm, degp_hbm, hist_v, cbuf_v):
        wid = _wid()
        zeros16 = jnp.zeros((16,), jnp.float32)
        ones16 = jnp.ones((16,), jnp.float32)

        def zero_body(i, _):
            hist_v[pl.ds(i * 16, 16)] = zeros16
            return _

        lax.fori_loop(0, N_PAD // 16, zero_body, None)

        pltpu.sync_copy(cols_hbm.at[pl.ds(wid * E_PER_W, E_PER_W)], cbuf_v)

        def body(i, _):
            c = cbuf_v[pl.ds(i * 16, 16)]
            m = c < N
            plsc.addupdate_scatter(hist_v, [c], ones16, mask=m)
            return _

        lax.fori_loop(0, E_PER_W // 16, body, None)
        pltpu.sync_copy(hist_v, degp_hbm.at[wid])

    return k(cols_pad)


def _matmul_deg(x, w, degp):
    n = x.shape[0]
    blk = 400
    assert n % blk == 0

    def body(x_ref, w_ref, degp_ref, o_ref, deg_ref):
        o_ref[...] = lax.dot_general(
            x_ref[...], w_ref[...], (((1,), (0,)), ((), ())),
            preferred_element_type=jnp.float32)

        @pl.when(pl.program_id(0) == 0)
        def _():
            deg_ref[...] = jnp.sum(degp_ref[...], axis=0) + 1.0

    return pl.pallas_call(
        body,
        grid=(n // blk,),
        in_specs=[
            pl.BlockSpec((blk, D), lambda i: (i, 0)),
            pl.BlockSpec((D, D), lambda i: (0, 0)),
            pl.BlockSpec((NW, N_PAD // 128, 128), lambda i: (0, 0, 0)),
        ],
        out_specs=[
            pl.BlockSpec((blk, D), lambda i: (i, 0)),
            pl.BlockSpec((N_PAD // 128, 128), lambda i: (0, 0)),
        ],
        out_shape=[
            jax.ShapeDtypeStruct((n, D), jnp.float32),
            jax.ShapeDtypeStruct((N_PAD // 128, 128), jnp.float32),
        ],
        name="tc_matmul_deg",
    )(x, w, degp)


def _build_lists(rows_pad, cols_pad, deg_flat):
    ECHUNK = 2048
    NEC = E_PAD // ECHUNK if E_PAD % ECHUNK == 0 else E_PAD // ECHUNK + 1
    NFULL = E_PAD // ECHUNK
    TAIL = E_PAD - NFULL * ECHUNK

    @functools.partial(
        pl.kernel,
        mesh=_mesh(),
        out_type=[
            jax.ShapeDtypeStruct((N_PAD * CAP,), jnp.int32),
            jax.ShapeDtypeStruct((N_PAD * CAP,), jnp.float32),
        ],
        scratch_types=[
            pltpu.VMEM((N_PAD,), jnp.float32),
            pltpu.VMEM((ROWS_PER_W * CAP,), jnp.int32),
            pltpu.VMEM((ROWS_PER_W * CAP,), jnp.float32),
            pltpu.VMEM((ROWS_PER_W,), jnp.int32),
            pltpu.VMEM((ECHUNK,), jnp.int32),
            pltpu.VMEM((ECHUNK,), jnp.int32),
        ],
        compiler_params=_SC_PARAMS,
        name="sc_build_lists",
    )
    def k(rows_hbm, cols_hbm, deg_hbm, idx_hbm, dp_hbm,
          deg_v, idx_b, dp_b, cnt_v, rbuf, cbuf):
        wid = _wid()
        rlo = wid * ROWS_PER_W

        pltpu.sync_copy(deg_hbm, deg_v)

        zero16i = jnp.zeros((16,), jnp.int32)
        zero16f = jnp.zeros((16,), jnp.float32)
        one16i = jnp.ones((16,), jnp.int32)
        iota16 = lax.iota(jnp.int32, 16)

        def zb(i, _):
            pad16 = jnp.mod(rlo * CAP + i * 16 + iota16, N)
            idx_b[pl.ds(i * 16, 16)] = pad16
            return _

        lax.fori_loop(0, ROWS_PER_W * CAP // 16, zb, None)

        def init_body(i, _):
            rl = iota16 + i * 16
            rg = rl + rlo
            ok = rg < N
            plsc.store_scatter(idx_b, [rl * CAP], rg, mask=ok)
            cnt_v[pl.ds(i * 16, 16)] = one16i
            return _

        lax.fori_loop(0, ROWS_PER_W // 16, init_body, None)

        def process(nvec):
            def body(j, _):
                r = rbuf[pl.ds(j * 16, 16)]
                c = cbuf[pl.ds(j * 16, 16)]
                m = (r >= rlo) & (r < rlo + ROWS_PER_W)
                rl = jnp.where(m, r - rlo, ROWS_PER_W + iota16)
                occ, lastm = plsc.scan_count(rl, mask=m)
                base = plsc.load_gather(cnt_v, [rl], mask=m)
                slot = base + occ - 1
                ok = m & (slot < CAP)
                flat = jnp.where(ok, rl * CAP + slot, 0)
                plsc.store_scatter(idx_b, [flat], c, mask=ok)
                newc = jnp.minimum(base + occ, CAP)
                plsc.store_scatter(cnt_v, [rl], newc, mask=m & lastm)
                return _

            lax.fori_loop(0, nvec, body, None)

        def chunk_body(ci, _):
            off = ci * ECHUNK
            pltpu.sync_copy(rows_hbm.at[pl.ds(off, ECHUNK)], rbuf)
            pltpu.sync_copy(cols_hbm.at[pl.ds(off, ECHUNK)], cbuf)
            process(ECHUNK // 16)
            return _

        lax.fori_loop(0, NFULL, chunk_body, None)
        if TAIL:
            off = NFULL * ECHUNK
            pltpu.sync_copy(rows_hbm.at[pl.ds(off, TAIL)],
                            rbuf.at[pl.ds(0, TAIL)])
            pltpu.sync_copy(cols_hbm.at[pl.ds(off, TAIL)],
                            cbuf.at[pl.ds(0, TAIL)])
            process(TAIL // 16)

        def dp_outer(g, _):
            rl16 = iota16 + g * 16
            rg16 = rl16 + rlo
            dr16 = plsc.load_gather(deg_v, [rg16])
            cnt16 = plsc.load_gather(cnt_v, [rl16])
            for sl in range(CAP):
                flat16 = rl16 * CAP + sl
                idx16 = plsc.load_gather(idx_b, [flat16])
                d16 = plsc.load_gather(deg_v, [idx16])
                dp16 = jnp.where(cnt16 > sl, dr16 * d16, 0.0)
                plsc.store_scatter(dp_b, [flat16], dp16)
            return _

        lax.fori_loop(0, ROWS_PER_W // 16, dp_outer, None)

        pltpu.sync_copy(idx_b, idx_hbm.at[pl.ds(rlo * CAP, ROWS_PER_W * CAP)])
        pltpu.sync_copy(dp_b, dp_hbm.at[pl.ds(rlo * CAP, ROWS_PER_W * CAP)])

    return k(rows_pad, cols_pad, deg_flat)


def _gather_rows(nbr_idx_flat, h):
    OUTER = CH_PER_W // NBUF
    TAIL = CH_PER_W - OUTER * NBUF

    @functools.partial(
        pl.kernel,
        mesh=_mesh(),
        out_type=jax.ShapeDtypeStruct((FLAT_PAD, D), jnp.float32),
        scratch_types=[
            pltpu.VMEM((CH_PER_W * GCHUNK,), jnp.int32),
            [pltpu.VMEM((GCHUNK, D), jnp.float32) for _ in range(NBUF)],
            [pltpu.SemaphoreType.DMA for _ in range(NBUF)],
        ],
        compiler_params=_SC_PARAMS,
        name="sc_gather_rows",
    )
    def k(idx_hbm, h_hbm, out_hbm, idx_v, bufs, sems):
        wid = _wid()
        base = wid * CH_PER_W

        pltpu.sync_copy(idx_hbm.at[pl.ds(base * GCHUNK, CH_PER_W * GCHUNK)],
                        idx_v)

        def gather(i, b):
            pltpu.async_copy(
                h_hbm.at[idx_v.at[pl.ds(i * GCHUNK, GCHUNK)]], bufs[b],
                sems[b])

        def drain(i, b):
            pltpu.make_async_copy(
                h_hbm.at[idx_v.at[pl.ds(i * GCHUNK, GCHUNK)]], bufs[b],
                sems[b]).wait()
            pltpu.sync_copy(bufs[b],
                            out_hbm.at[pl.ds((base + i) * GCHUNK, GCHUNK)])

        for b in range(NBUF):
            gather(b, b)

        def outer(o, _):
            for b in range(NBUF):
                i = o * NBUF + b
                drain(i, b)
                gather(i + NBUF, b)
            return _

        lax.fori_loop(0, OUTER - 1, outer, None)
        for b in range(NBUF):
            i = (OUTER - 1) * NBUF + b
            drain(i, b)
            if b < TAIL:
                gather(i + NBUF, b)
        for b in range(TAIL):
            i = OUTER * NBUF + b
            drain(i, b)

    return k(nbr_idx_flat, h)


def _medoid_aggregate(hn, dp, b, eyeT, R, w2=None):
    RC = R * CAP

    def body(hn_ref, dp_ref, b_ref, eyeT_ref, *rest):
        f32 = jnp.float32

        def dot(a, bb, dims):
            return lax.dot_general(a, bb, (dims, ((), ())),
                                   preferred_element_type=f32)

        dpb = dp_ref[...]
        w = jnp.where(dpb > 0.0, lax.rsqrt(jnp.maximum(dpb, 1e-30)), 0.0)
        rs = jnp.sum(w, axis=1, keepdims=True)

        eyeT = eyeT_ref[...]

        gs = []
        for r in range(R):
            hr = hn_ref[r]
            gs.append(dot(hr, hr, ((1,), (1,))))
        g_all = jnp.concatenate(gs, axis=0)

        def bexp(x):
            return jnp.broadcast_to(x[:, None, :], (R, CAP, CAP)).reshape(RC, CAP)

        def bsum(x, n):
            return jnp.sum(x.reshape(R, CAP, n), axis=1)

        gd = g_all * eyeT
        sq_col = jnp.sum(gd, axis=1, keepdims=True)
        sq_rows = bsum(gd, CAP)
        d2 = jnp.maximum(sq_col + bexp(sq_rows) - 2.0 * g_all, 0.0)
        dist = jnp.sqrt(d2 + 1e-12)
        dist = jnp.where(eyeT > 0.5, 1e-6, dist)

        w_col = jnp.sum(bexp(w) * eyeT, axis=1, keepdims=True)
        dk = bsum(dist * w_col, CAP)

        valid = dpb > 0.0
        z = -dk / rs
        e = jnp.where(valid, jnp.exp(z), 0.0)
        uw = e * w
        s = jnp.sum(uw, axis=1, keepdims=True)
        wgt = uw / s

        w2_col = jnp.sum(bexp(wgt) * eyeT, axis=1, keepdims=True)
        hc = hn_ref[...].reshape(RC, D)
        out = bsum(hc * w2_col, D)
        ob = rs * out + b_ref[...]
        relu = jnp.maximum(ob, 0.0)
        if w2 is None:
            o_ref = rest[0]
            o_ref[...] = relu
        else:
            w2_ref, o_ref = rest
            o_ref[...] = dot(relu, w2_ref[...], ((1,), (0,)))

    return pl.pallas_call(
        body,
        grid=(N // R,),
        in_specs=[
            pl.BlockSpec((R, CAP, D), lambda i: (i, 0, 0)),
            pl.BlockSpec((R, CAP), lambda i: (i, 0)),
            pl.BlockSpec((1, D), lambda i: (0, 0)),
            pl.BlockSpec((R * CAP, CAP), lambda i: (0, 0)),
        ] + ([] if w2 is None else [pl.BlockSpec((D, D), lambda i: (0, 0))]),
        out_specs=pl.BlockSpec((R, D), lambda i: (i, 0)),
        out_shape=jax.ShapeDtypeStruct((N, D), jnp.float32),
        name="tc_medoid_aggregate",
    )(*((hn, dp, b, eyeT) if w2 is None else (hn, dp, b, eyeT, w2)))


def kernel(x, edge_index, W1, b1, W2, b2):
    pad = jnp.full((E_PAD - E,), SENT, jnp.int32)
    rows_pad = jnp.concatenate([edge_index[0].astype(jnp.int32), pad])
    cols_pad = jnp.concatenate([edge_index[1].astype(jnp.int32), pad])

    degp = _deg_partial(cols_pad)
    h1, deg = _matmul_deg(x, W1, degp.reshape(NW, N_PAD // 128, 128))
    deg_flat = deg.reshape(N_PAD)

    nbr_idx, nbr_dp = _build_lists(rows_pad, cols_pad, deg_flat)
    dp2d = nbr_dp.reshape(N_PAD, CAP)
    idx_gather = nbr_idx[:FLAT_PAD]

    b1r = b1.reshape(1, D)
    b2r = b2.reshape(1, D)

    R = 40
    eyeT = (jnp.arange(R * CAP, dtype=jnp.int32)[:, None] % CAP
            == jnp.arange(CAP, dtype=jnp.int32)[None, :]).astype(jnp.float32)

    hn1 = _gather_rows(idx_gather, h1).reshape(FLAT_PAD // CAP, CAP, D)
    h2 = _medoid_aggregate(hn1, dp2d, b1r, eyeT, R, w2=W2)

    hn2 = _gather_rows(idx_gather, h2).reshape(FLAT_PAD // CAP, CAP, D)
    o2 = _medoid_aggregate(hn2, dp2d, b2r, eyeT, R)
    return o2

# --- scband reference (transcript-rebuilt; emitter-appended) ---
"""Pipeline reference for scband-encoder-9663676416840 (READ-ONLY COPY).

The authoritative reference and input builder live on the scoring server;
editing this copy changes nothing except your own understanding.
"""

import jax, jax.numpy as jnp
import numpy as np

N = 10000
E = 160000
D_FEAT = 128
D_HID = 128
K = 64
TEMP = 1.0


def setup_inputs(seed: int = 0) -> dict:
    key = jax.random.key(seed)
    k1, k2, k3, k4 = jax.random.split(key, 4)
    x = jax.random.normal(k1, (N, D_FEAT), dtype=jnp.float32)
    edge_index = jax.random.randint(k2, (2, E), 0, N, dtype=jnp.int32)
    W1 = jax.random.normal(k3, (D_FEAT, D_HID), dtype=jnp.float32) / jnp.sqrt(D_FEAT)
    b1 = jnp.zeros((D_HID,), jnp.float32)
    W2 = jax.random.normal(k4, (D_HID, D_HID), dtype=jnp.float32) / jnp.sqrt(D_HID)
    b2 = jnp.zeros((D_HID,), jnp.float32)
    return {"x": x, "edge_index": edge_index, "W1": W1, "b1": b1, "W2": W2, "b2": b2}


def _gcn_norm(edge_index, num_nodes):
    # add self loops with weight 1, symmetric sqrt-degree normalization (PyG gcn_norm)
    loop = jnp.arange(num_nodes, dtype=edge_index.dtype)
    row = jnp.concatenate([edge_index[0], loop])
    col = jnp.concatenate([edge_index[1], loop])
    w = jnp.ones(row.shape[0], jnp.float32)
    deg = jax.ops.segment_sum(w, col, num_segments=num_nodes)
    dis = jnp.where(deg > 0, 1.0 / jnp.sqrt(deg), 0.0)
    norm = dis[row] * w * dis[col]
    return row, col, norm


def _soft_k_medoid_conv(x, edge_index, W, b, k=K, temperature=TEMP):
    # RGNNConv: GCNConv linear + gcn_norm, then soft_weighted_medoid_k_neighborhood
    # aggregation (k=64, temperature=1.0, with_weight_correction=True).
    n = x.shape[0]
    h = x @ W
    row, col, w = _gcn_norm(edge_index, n)
    # coalesced sparse adjacency (duplicate edges summed), materialized dense
    A = jnp.zeros((n, n), jnp.float32).at[row, col].add(w)
    topk_w, topk_idx = jax.lax.top_k(A, k)  # [n, k]
    row_sum = A.sum(-1)  # [n]

    def step(carry, idx_col):
        # distance of candidate medoid x[topk_idx[i, j]] to every neighbor l of i,
        # weighted by A[i, l]: iterate over edges, scatter-add into rows
        diff = h[idx_col[row]] - h[col]
        dist = jnp.sqrt(jnp.sum(diff * diff, axis=-1) + 1e-12)
        dj = jax.ops.segment_sum(w * dist, row, num_segments=n)
        return carry, dj

    _, Dk = jax.lax.scan(jax.checkpoint(step), None, topk_idx.T)  # [k, n]
    Dk = Dk.T  # [n, k]
    Dk = jnp.where(topk_w > 0, Dk, 1e10)
    weights = jax.nn.softmax(-Dk / (temperature * row_sum[:, None]), axis=-1)
    # with_weight_correction=True
    weights = weights * topk_w
    weights = weights / weights.sum(-1, keepdims=True)
    out = row_sum[:, None] * jnp.einsum('nk,nkd->nd', weights, h[topk_idx])
    return out + b


def reference(x, edge_index, W1, b1, W2, b2):
    # Encoder.forward (eval mode: dropout disabled)
    h = jax.nn.relu(_soft_k_medoid_conv(x, edge_index, W1, b1))
    h = jax.nn.relu(_soft_k_medoid_conv(h, edge_index, W2, b2))
    return h

if __name__ == "__main__":
    import jax
    _d = setup_inputs()
    print(jax.jit(kernel)(*tuple(_d.values())))

</pallas_src>

<mosaic_0001>
#map = affine_map<(d0, d1) -> (0)>
module attributes {stable_mosaic.version = 14 : i64} {
  func.func @sc_build_lists(%arg0: i32, %arg1: i32, %arg2: memref<160256xi32, #tpu.memory_space<hbm>>, %arg3: memref<160256xi32, #tpu.memory_space<hbm>>, %arg4: memref<10240xf32, #tpu.memory_space<hbm>>, %arg5: memref<655360xi32, #tpu.memory_space<hbm>>, %arg6: memref<655360xf32, #tpu.memory_space<hbm>>, %arg7: memref<10240xf32, #tpu.memory_space<vmem>>, %arg8: memref<20480xi32, #tpu.memory_space<vmem>>, %arg9: memref<20480xf32, #tpu.memory_space<vmem>>, %arg10: memref<320xi32, #tpu.memory_space<vmem>>, %arg11: memref<2048xi32, #tpu.memory_space<vmem>>, %arg12: memref<2048xi32, #tpu.memory_space<vmem>>) attributes {dimension_semantics = [#tpu.dimension_semantics<core_parallel>, #tpu.dimension_semantics<subcore_parallel>], iteration_bounds = array<i64: 2, 16>, scalar_prefetch = 0 : i64, scratch_operands = 6 : i64, tpu.core_type = #tpu.core_type<sc_vector_subcore>, window_params = [{transform_indices = #map}, {transform_indices = #map}, {transform_indices = #map}, {transform_indices = #map}, {transform_indices = #map}]} {
    %mul3A = arith.constant 2 : i32
    %mul3A_0 = arith.muli %arg1, %mul3A : i32
    %add3A = arith.addi %mul3A_0, %arg0 : i32
    %mul3A_1 = arith.constant 320 : i32
    %mul3A_2 = arith.muli %add3A, %mul3A_1 : i32
    "tpu.region"() ({
      %run_scoped3A = tpu.sem_alloc : memref<!tpu.dma_semaphore, #tpu.memory_space<semaphore_mem>>
      tpu.enqueue_dma source(%arg4 : memref<10240xf32, #tpu.memory_space<hbm>>) target(%arg7 : memref<10240xf32, #tpu.memory_space<vmem>>) target_semaphore(%run_scoped3A : memref<!tpu.dma_semaphore, #tpu.memory_space<semaphore_mem>>)
      tpu.wait_dma2 semaphore(%run_scoped3A : memref<!tpu.dma_semaphore, #tpu.memory_space<semaphore_mem>>) src(%arg4 : memref<10240xf32, #tpu.memory_space<hbm>>) dst(%arg7 : memref<10240xf32, #tpu.memory_space<vmem>>)
      tpu.yield
    }) : () -> ()
    %broadcast_in_dim3A = arith.constant 0 : i32
    %broadcast_in_dim3A_3 = vector.broadcast %broadcast_in_dim3A : i32 to vector<16xi32>
    %broadcast_in_dim3A_4 = arith.constant 0.000000e+00 : f32
    %broadcast_in_dim3A_5 = vector.broadcast %broadcast_in_dim3A_4 : f32 to vector<16xf32>
    %broadcast_in_dim3A_6 = arith.constant 1 : i32
    %broadcast_in_dim3A_7 = vector.broadcast %broadcast_in_dim3A_6 : i32 to vector<16xi32>
    %iota3A = tpu.iota {dimensions = array<i32: 0>} : vector<16xi32>
    %scan3A = arith.constant 0 : i32
    %scan3A_8 = arith.constant 1280 : i32
    %scan3A_9 = arith.addi %scan3A, %scan3A_8 : i32
    %scan3A_10 = arith.constant 1 : i32
    scf.for %scan3A_36 = %scan3A to %scan3A_9 step %scan3A_10  : i32 {
      %mul3A_37 = arith.constant 64 : i32
      %mul3A_38 = arith.muli %mul3A_2, %mul3A_37 : i32
      %mul3A_39 = arith.constant 16 : i32
      %mul3A_40 = arith.muli %scan3A_36, %mul3A_39 : i32
      %add3A_41 = arith.addi %mul3A_38, %mul3A_40 : i32
      %add3A_42 = vector.broadcast %add3A_41 : i32 to vector<16xi32>
      %add3A_43 = arith.addi %add3A_42, %iota3A : vector<16xi32>
      %jit3A = arith.constant 10000 : i32
      %eq3A = arith.constant 0 : i32
      %eq3A_44 = arith.cmpi eq, %jit3A, %eq3A : i32
      %jit3A_45 = arith.constant 1 : i32
      %select_n3A = arith.select %eq3A_44, %jit3A_45, %jit3A : i32
      %rem3A = vector.broadcast %select_n3A : i32 to vector<16xi32>
      %rem3A_46 = arith.remsi %add3A_43, %rem3A : vector<16xi32>
      %ne3A = arith.constant 0 : i32
      %ne3A_47 = vector.broadcast %ne3A : i32 to vector<16xi32>
      %ne3A_48 = arith.cmpi ne, %rem3A_46, %ne3A_47 : vector<16xi32>
      %lt3A = arith.constant 0 : i32
      %lt3A_49 = vector.broadcast %lt3A : i32 to vector<16xi32>
      %lt3A_50 = arith.cmpi slt, %rem3A_46, %lt3A_49 : vector<16xi32>
      %lt3A_51 = arith.constant 0 : i32
      %lt3A_52 = arith.cmpi slt, %select_n3A, %lt3A_51 : i32
      %ne3A_53 = vector.broadcast %lt3A_52 : i1 to vector<16xi1>
      %ne3A_54 = vector.broadcast %ne3A_53 : vector<16xi1> to vector<16xi1>
      %ne3A_55 = arith.xori %lt3A_50, %ne3A_54 : vector<16xi1>
      %and3A = arith.andi %ne3A_55, %ne3A_48 : vector<16xi1>
      %add3A_56 = vector.broadcast %select_n3A : i32 to vector<16xi32>
      %add3A_57 = arith.addi %rem3A_46, %add3A_56 : vector<16xi32>
      %select_n3A_58 = arith.select %and3A, %add3A_57, %rem3A_46 : vector<16xi1>, vector<16xi32>
      %mul3A_59 = arith.constant 16 : i32
      %mul3A_60 = arith.muli %scan3A_36, %mul3A_59 : i32
      %swap3A = arith.index_cast %mul3A_60 : i32 to index
      %swap3A_61 = tpu.vector_load %arg8[%swap3A] {strides = array<i32>} : memref<20480xi32, #tpu.memory_space<vmem>>, vector<16xi32>,
      tpu.vector_store %arg8[%swap3A], %select_n3A_58 {strides = array<i32>} : memref<20480xi32, #tpu.memory_space<vmem>>, vector<16xi32>,
    }
    %scan3A_11 = arith.constant 1280 : i32
    %scan3A_12 = arith.constant 0 : i32
    %scan3A_13 = arith.constant 20 : i32
    %scan3A_14 = arith.addi %scan3A_12, %scan3A_13 : i32
    %scan3A_15 = arith.constant 1 : i32
    scf.for %scan3A_36 = %scan3A_12 to %scan3A_14 step %scan3A_15  : i32 {
      %mul3A_37 = arith.constant 16 : i32
      %mul3A_38 = arith.muli %scan3A_36, %mul3A_37 : i32
      %add3A_39 = vector.broadcast %mul3A_38 : i32 to vector<16xi32>
      %add3A_40 = arith.addi %iota3A, %add3A_39 : vector<16xi32>
      %add3A_41 = vector.broadcast %mul3A_2 : i32 to vector<16xi32>
      %add3A_42 = arith.addi %add3A_40, %add3A_41 : vector<16xi32>
      %lt3A = arith.constant 10000 : i32
      %lt3A_43 = vector.broadcast %lt3A : i32 to vector<16xi32>
      %lt3A_44 = arith.cmpi slt, %add3A_42, %lt3A_43 : vector<16xi32>
      %mul3A_45 = arith.constant 64 : i32
      %mul3A_46 = vector.broadcast %mul3A_45 : i32 to vector<16xi32>
      %mul3A_47 = arith.muli %add3A_40, %mul3A_46 : vector<16xi32>
      tpu.vector_store_idx %arg8[%mul3A_47], %add3A_42 masked %lt3A_44 : memref<20480xi32, #tpu.memory_space<vmem>>[vector<16xi32>], vector<16xi32>, vector<16xi1>
      %mul3A_48 = arith.constant 16 : i32
      %mul3A_49 = arith.muli %scan3A_36, %mul3A_48 : i32
      %swap3A = arith.index_cast %mul3A_49 : i32 to index
      %swap3A_50 = tpu.vector_load %arg10[%swap3A] {strides = array<i32>} : memref<320xi32, #tpu.memory_space<vmem>>, vector<16xi32>,
      tpu.vector_store %arg10[%swap3A], %broadcast_in_dim3A_7 {strides = array<i32>} : memref<320xi32, #tpu.memory_space<vmem>>, vector<16xi32>,
    }
    %scan3A_16 = arith.constant 20 : i32
    %scan3A_17 = arith.constant 0 : i32
    %scan3A_18 = arith.constant 78 : i32
    %scan3A_19 = arith.addi %scan3A_17, %scan3A_18 : i32
    %scan3A_20 = arith.constant 1 : i32
    scf.for %scan3A_36 = %scan3A_17 to %scan3A_19 step %scan3A_20  : i32 {
      %mul3A_37 = arith.constant 2048 : i32
      %mul3A_38 = arith.muli %scan3A_36, %mul3A_37 : i32
      "tpu.region"() ({
        %run_scoped3A = tpu.sem_alloc : memref<!tpu.dma_semaphore, #tpu.memory_space<semaphore_mem>>
        %dma_start3A = tpu.memref_slice %arg2[%mul3A_38] : memref<160256xi32, #tpu.memory_space<hbm>> -> memref<2048xi32, #tpu.memory_space<hbm>>
        %dma_start3A_44 = tpu.memref_slice %arg2[%mul3A_38] : memref<160256xi32, #tpu.memory_space<hbm>> -> memref<2048xi32, #tpu.memory_space<hbm>>
        tpu.enqueue_dma source(%dma_start3A_44 : memref<2048xi32, #tpu.memory_space<hbm>>) target(%arg11 : memref<2048xi32, #tpu.memory_space<vmem>>) target_semaphore(%run_scoped3A : memref<!tpu.dma_semaphore, #tpu.memory_space<semaphore_mem>>)
        %dma_wait3A = tpu.memref_slice %arg2[%mul3A_38] : memref<160256xi32, #tpu.memory_space<hbm>> -> memref<2048xi32, #tpu.memory_space<hbm>>
        %dma_wait3A_45 = tpu.memref_slice %arg2[%mul3A_38] : memref<160256xi32, #tpu.memory_space<hbm>> -> memref<2048xi32, #tpu.memory_space<hbm>>
        tpu.wait_dma2 semaphore(%run_scoped3A : memref<!tpu.dma_semaphore, #tpu.memory_space<semaphore_mem>>) src(%dma_wait3A_45 : memref<2048xi32, #tpu.memory_space<hbm>>) dst(%arg11 : memref<2048xi32, #tpu.memory_space<vmem>>)
        tpu.yield
      }) : () -> ()
      "tpu.region"() ({
        %run_scoped3A = tpu.sem_alloc : memref<!tpu.dma_semaphore, #tpu.memory_space<semaphore_mem>>
        %dma_start3A = tpu.memref_slice %arg3[%mul3A_38] : memref<160256xi32, #tpu.memory_space<hbm>> -> memref<2048xi32, #tpu.memory_space<hbm>>
        %dma_start3A_44 = tpu.memref_slice %arg3[%mul3A_38] : memref<160256xi32, #tpu.memory_space<hbm>> -> memref<2048xi32, #tpu.memory_space<hbm>>
        tpu.enqueue_dma source(%dma_start3A_44 : memref<2048xi32, #tpu.memory_space<hbm>>) target(%arg12 : memref<2048xi32, #tpu.memory_space<vmem>>) target_semaphore(%run_scoped3A : memref<!tpu.dma_semaphore, #tpu.memory_space<semaphore_mem>>)
        %dma_wait3A = tpu.memref_slice %arg3[%mul3A_38] : memref<160256xi32, #tpu.memory_space<hbm>> -> memref<2048xi32, #tpu.memory_space<hbm>>
        %dma_wait3A_45 = tpu.memref_slice %arg3[%mul3A_38] : memref<160256xi32, #tpu.memory_space<hbm>> -> memref<2048xi32, #tpu.memory_space<hbm>>
        tpu.wait_dma2 semaphore(%run_scoped3A : memref<!tpu.dma_semaphore, #tpu.memory_space<semaphore_mem>>) src(%dma_wait3A_45 : memref<2048xi32, #tpu.memory_space<hbm>>) dst(%arg12 : memref<2048xi32, #tpu.memory_space<vmem>>)
        tpu.yield
      }) : () -> ()
      %scan3A_39 = arith.constant 0 : i32
      %scan3A_40 = arith.constant 128 : i32
      %scan3A_41 = arith.addi %scan3A_39, %scan3A_40 : i32
      %scan3A_42 = arith.constant 1 : i32
      scf.for %scan3A_44 = %scan3A_39 to %scan3A_41 step %scan3A_42  : i32 {
        %mul3A_45 = arith.constant 16 : i32
        %mul3A_46 = arith.muli %scan3A_44, %mul3A_45 : i32
        %get3A = arith.index_cast %mul3A_46 : i32 to index
        %get3A_47 = tpu.vector_load %arg11[%get3A] {strides = array<i32>} : memref<2048xi32, #tpu.memory_space<vmem>>, vector<16xi32>,
        %mul3A_48 = arith.constant 16 : i32
        %mul3A_49 = arith.muli %scan3A_44, %mul3A_48 : i32
        %get3A_50 = arith.index_cast %mul3A_49 : i32 to index
        %get3A_51 = tpu.vector_load %arg12[%get3A_50] {strides = array<i32>} : memref<2048xi32, #tpu.memory_space<vmem>>, vector<16xi32>,
        %ge3A = vector.broadcast %mul3A_2 : i32 to vector<16xi32>
        %ge3A_52 = arith.cmpi sge, %get3A_47, %ge3A : vector<16xi32>
        %add3A_53 = arith.constant 320 : i32
        %add3A_54 = arith.addi %mul3A_2, %add3A_53 : i32
        %lt3A = vector.broadcast %add3A_54 : i32 to vector<16xi32>
        %lt3A_55 = arith.cmpi slt, %get3A_47, %lt3A : vector<16xi32>
        %and3A = arith.andi %ge3A_52, %lt3A_55 : vector<16xi1>
        %sub3A = vector.broadcast %mul3A_2 : i32 to vector<16xi32>
        %sub3A_56 = arith.subi %get3A_47, %sub3A : vector<16xi32>
        %add3A_57 = arith.constant 320 : i32
        %add3A_58 = vector.broadcast %add3A_57 : i32 to vector<16xi32>
        %add3A_59 = arith.addi %add3A_58, %iota3A : vector<16xi32>
        %select_n3A = arith.select %and3A, %sub3A_56, %add3A_59 : vector<16xi1>, vector<16xi32>
        %unique3A, %unique3A_60 = tpu.scan_count mask(%and3A : vector<16xi1>) value(%select_n3A : vector<16xi32>) : vector<16xi1>, vector<16xi32>
        %gather3A = tpu.vector_load_idx %arg10[%select_n3A] masked %and3A : memref<320xi32, #tpu.memory_space<vmem>>[vector<16xi32>], vector<16xi32>, vector<16xi1>
        %add3A_61 = arith.addi %gather3A, %unique3A_60 : vector<16xi32>
        %sub3A_62 = arith.constant 1 : i32
        %sub3A_63 = vector.broadcast %sub3A_62 : i32 to vector<16xi32>
        %sub3A_64 = arith.subi %add3A_61, %sub3A_63 : vector<16xi32>
        %lt3A_65 = arith.constant 64 : i32
        %lt3A_66 = vector.broadcast %lt3A_65 : i32 to vector<16xi32>
        %lt3A_67 = arith.cmpi slt, %sub3A_64, %lt3A_66 : vector<16xi32>
        %and3A_68 = arith.andi %and3A, %lt3A_67 : vector<16xi1>
        %mul3A_69 = arith.constant 64 : i32
        %mul3A_70 = vector.broadcast %mul3A_69 : i32 to vector<16xi32>
        %mul3A_71 = arith.muli %select_n3A, %mul3A_70 : vector<16xi32>
        %add3A_72 = arith.addi %mul3A_71, %sub3A_64 : vector<16xi32>
        %jit3A = arith.constant 0 : i32
        %broadcast_in_dim3A_73 = vector.broadcast %jit3A : i32 to vector<16xi32>
        %select_n3A_74 = arith.select %and3A_68, %add3A_72, %broadcast_in_dim3A_73 : vector<16xi1>, vector<16xi32>
        tpu.vector_store_idx %arg8[%select_n3A_74], %get3A_51 masked %and3A_68 : memref<20480xi32, #tpu.memory_space<vmem>>[vector<16xi32>], vector<16xi32>, vector<16xi1>
        %add3A_75 = arith.addi %gather3A, %unique3A_60 : vector<16xi32>
        %min3A = arith.constant 64 : i32
        %min3A_76 = vector.broadcast %min3A : i32 to vector<16xi32>
        %min3A_77 = arith.minsi %add3A_75, %min3A_76 : vector<16xi32>
        %and3A_78 = arith.andi %and3A, %unique3A : vector<16xi1>
        tpu.vector_store_idx %arg10[%select_n3A], %min3A_77 masked %and3A_78 : memref<320xi32, #tpu.memory_space<vmem>>[vector<16xi32>], vector<16xi32>, vector<16xi1>
      }
      %scan3A_43 = arith.constant 128 : i32
    }
    %scan3A_21 = arith.constant 78 : i32
    "tpu.region"() ({
      %run_scoped3A = tpu.sem_alloc : memref<!tpu.dma_semaphore, #tpu.memory_space<semaphore_mem>>
      %dma_start3A = arith.constant 0 : i32
      %dma_start3A_36 = tpu.memref_slice %arg11[%dma_start3A] : memref<2048xi32, #tpu.memory_space<vmem>> -> memref<512xi32, #tpu.memory_space<vmem>>
      %dma_start3A_37 = arith.constant 159744 : i32
      %dma_start3A_38 = tpu.memref_slice %arg2[%dma_start3A_37] : memref<160256xi32, #tpu.memory_space<hbm>> -> memref<512xi32, #tpu.memory_space<hbm>>
      %dma_start3A_39 = arith.constant 0 : i32
      %dma_start3A_40 = tpu.memref_slice %arg11[%dma_start3A_39] : memref<2048xi32, #tpu.memory_space<vmem>> -> memref<512xi32, #tpu.memory_space<vmem>>
      %dma_start3A_41 = arith.constant 159744 : i32
      %dma_start3A_42 = tpu.memref_slice %arg2[%dma_start3A_41] : memref<160256xi32, #tpu.memory_space<hbm>> -> memref<512xi32, #tpu.memory_space<hbm>>
      tpu.enqueue_dma source(%dma_start3A_42 : memref<512xi32, #tpu.memory_space<hbm>>) target(%dma_start3A_40 : memref<512xi32, #tpu.memory_space<vmem>>) target_semaphore(%run_scoped3A : memref<!tpu.dma_semaphore, #tpu.memory_space<semaphore_mem>>)
      %dma_wait3A = arith.constant 0 : i32
      %dma_wait3A_43 = tpu.memref_slice %arg11[%dma_wait3A] : memref<2048xi32, #tpu.memory_space<vmem>> -> memref<512xi32, #tpu.memory_space<vmem>>
      %dma_wait3A_44 = arith.constant 159744 : i32
      %dma_wait3A_45 = tpu.memref_slice %arg2[%dma_wait3A_44] : memref<160256xi32, #tpu.memory_space<hbm>> -> memref<512xi32, #tpu.memory_space<hbm>>
      %dma_wait3A_46 = arith.constant 0 : i32
      %dma_wait3A_47 = tpu.memref_slice %arg11[%dma_wait3A_46] : memref<2048xi32, #tpu.memory_space<vmem>> -> memref<512xi32, #tpu.memory_space<vmem>>
      %dma_wait3A_48 = arith.constant 159744 : i32
      %dma_wait3A_49 = tpu.memref_slice %arg2[%dma_wait3A_48] : memref<160256xi32, #tpu.memory_space<hbm>> -> memref<512xi32, #tpu.memory_space<hbm>>
      tpu.wait_dma2 semaphore(%run_scoped3A : memref<!tpu.dma_semaphore, #tpu.memory_space<semaphore_mem>>) src(%dma_wait3A_49 : memref<512xi32, #tpu.memory_space<hbm>>) dst(%dma_wait3A_47 : memref<512xi32, #tpu.memory_space<vmem>>)
      tpu.yield
    }) : () -> ()
    "tpu.region"() ({
      %run_scoped3A = tpu.sem_alloc : memref<!tpu.dma_semaphore, #tpu.memory_space<semaphore_mem>>
      %dma_start3A = arith.constant 0 : i32
      %dma_start3A_36 = tpu.memref_slice %arg12[%dma_start3A] : memref<2048xi32, #tpu.memory_space<vmem>> -> memref<512xi32, #tpu.memory_space<vmem>>
      %dma_start3A_37 = arith.constant 159744 : i32
      %dma_start3A_38 = tpu.memref_slice %arg3[%dma_start3A_37] : memref<160256xi32, #tpu.memory_space<hbm>> -> memref<512xi32, #tpu.memory_space<hbm>>
      %dma_start3A_39 = arith.constant 0 : i32
      %dma_start3A_40 = tpu.memref_slice %arg12[%dma_start3A_39] : memref<2048xi32, #tpu.memory_space<vmem>> -> memref<512xi32, #tpu.memory_space<vmem>>
      %dma_start3A_41 = arith.constant 159744 : i32
      %dma_start3A_42 = tpu.memref_slice %arg3[%dma_start3A_41] : memref<160256xi32, #tpu.memory_space<hbm>> -> memref<512xi32, #tpu.memory_space<hbm>>
      tpu.enqueue_dma source(%dma_start3A_42 : memref<512xi32, #tpu.memory_space<hbm>>) target(%dma_start3A_40 : memref<512xi32, #tpu.memory_space<vmem>>) target_semaphore(%run_scoped3A : memref<!tpu.dma_semaphore, #tpu.memory_space<semaphore_mem>>)
      %dma_wait3A = arith.constant 0 : i32
      %dma_wait3A_43 = tpu.memref_slice %arg12[%dma_wait3A] : memref<2048xi32, #tpu.memory_space<vmem>> -> memref<512xi32, #tpu.memory_space<vmem>>
      %dma_wait3A_44 = arith.constant 159744 : i32
      %dma_wait3A_45 = tpu.memref_slice %arg3[%dma_wait3A_44] : memref<160256xi32, #tpu.memory_space<hbm>> -> memref<512xi32, #tpu.memory_space<hbm>>
      %dma_wait3A_46 = arith.constant 0 : i32
      %dma_wait3A_47 = tpu.memref_slice %arg12[%dma_wait3A_46] : memref<2048xi32, #tpu.memory_space<vmem>> -> memref<512xi32, #tpu.memory_space<vmem>>
      %dma_wait3A_48 = arith.constant 159744 : i32
      %dma_wait3A_49 = tpu.memref_slice %arg3[%dma_wait3A_48] : memref<160256xi32, #tpu.memory_space<hbm>> -> memref<512xi32, #tpu.memory_space<hbm>>
      tpu.wait_dma2 semaphore(%run_scoped3A : memref<!tpu.dma_semaphore, #tpu.memory_space<semaphore_mem>>) src(%dma_wait3A_49 : memref<512xi32, #tpu.memory_space<hbm>>) dst(%dma_wait3A_47 : memref<512xi32, #tpu.memory_space<vmem>>)
      tpu.yield
    }) : () -> ()
    %scan3A_22 = arith.constant 0 : i32
    %scan3A_23 = arith.constant 32 : i32
    %scan3A_24 = arith.addi %scan3A_22, %scan3A_23 : i32
    %scan3A_25 = arith.constant 1 : i32
    scf.for %scan3A_36 = %scan3A_22 to %scan3A_24 step %scan3A_25  : i32 {
      %mul3A_37 = arith.constant 16 : i32
      %mul3A_38 = arith.muli %scan3A_36, %mul3A_37 : i32
      %get3A = arith.index_cast %mul3A_38 : i32 to index
      %get3A_39 = tpu.vector_load %arg11[%get3A] {strides = array<i32>} : memref<2048xi32, #tpu.memory_space<vmem>>, vector<16xi32>,
      %mul3A_40 = arith.constant 16 : i32
      %mul3A_41 = arith.muli %scan3A_36, %mul3A_40 : i32
      %get3A_42 = arith.index_cast %mul3A_41 : i32 to index
      %get3A_43 = tpu.vector_load %arg12[%get3A_42] {strides = array<i32>} : memref<2048xi32, #tpu.memory_space<vmem>>, vector<16xi32>,
      %ge3A = vector.broadcast %mul3A_2 : i32 to vector<16xi32>
      %ge3A_44 = arith.cmpi sge, %get3A_39, %ge3A : vector<16xi32>
      %add3A_45 = arith.constant 320 : i32
      %add3A_46 = arith.addi %mul3A_2, %add3A_45 : i32
      %lt3A = vector.broadcast %add3A_46 : i32 to vector<16xi32>
      %lt3A_47 = arith.cmpi slt, %get3A_39, %lt3A : vector<16xi32>
      %and3A = arith.andi %ge3A_44, %lt3A_47 : vector<16xi1>
      %sub3A = vector.broadcast %mul3A_2 : i32 to vector<16xi32>
      %sub3A_48 = arith.subi %get3A_39, %sub3A : vector<16xi32>
      %add3A_49 = arith.constant 320 : i32
      %add3A_50 = vector.broadcast %add3A_49 : i32 to vector<16xi32>
      %add3A_51 = arith.addi %add3A_50, %iota3A : vector<16xi32>
      %select_n3A = arith.select %and3A, %sub3A_48, %add3A_51 : vector<16xi1>, vector<16xi32>
      %unique3A, %unique3A_52 = tpu.scan_count mask(%and3A : vector<16xi1>) value(%select_n3A : vector<16xi32>) : vector<16xi1>, vector<16xi32>
      %gather3A = tpu.vector_load_idx %arg10[%select_n3A] masked %and3A : memref<320xi32, #tpu.memory_space<vmem>>[vector<16xi32>], vector<16xi32>, vector<16xi1>
      %add3A_53 = arith.addi %gather3A, %unique3A_52 : vector<16xi32>
      %sub3A_54 = arith.constant 1 : i32
      %sub3A_55 = vector.broadcast %sub3A_54 : i32 to vector<16xi32>
      %sub3A_56 = arith.subi %add3A_53, %sub3A_55 : vector<16xi32>
      %lt3A_57 = arith.constant 64 : i32
      %lt3A_58 = vector.broadcast %lt3A_57 : i32 to vector<16xi32>
      %lt3A_59 = arith.cmpi slt, %sub3A_56, %lt3A_58 : vector<16xi32>
      %and3A_60 = arith.andi %and3A, %lt3A_59 : vector<16xi1>
      %mul3A_61 = arith.constant 64 : i32
      %mul3A_62 = vector.broadcast %mul3A_61 : i32 to vector<16xi32>
      %mul3A_63 = arith.muli %select_n3A, %mul3A_62 : vector<16xi32>
      %add3A_64 = arith.addi %mul3A_63, %sub3A_56 : vector<16xi32>
      %jit3A = arith.constant 0 : i32
      %broadcast_in_dim3A_65 = vector.broadcast %jit3A : i32 to vector<16xi32>
      %select_n3A_66 = arith.select %and3A_60, %add3A_64, %broadcast_in_dim3A_65 : vector<16xi1>, vector<16xi32>
      tpu.vector_store_idx %arg8[%select_n3A_66], %get3A_43 masked %and3A_60 : memref<20480xi32, #tpu.memory_space<vmem>>[vector<16xi32>], vector<16xi32>, vector<16xi1>
      %add3A_67 = arith.addi %gather3A, %unique3A_52 : vector<16xi32>
      %min3A = arith.constant 64 : i32
      %min3A_68 = vector.broadcast %min3A : i32 to vector<16xi32>
      %min3A_69 = arith.minsi %add3A_67, %min3A_68 : vector<16xi32>
      %and3A_70 = arith.andi %and3A, %unique3A : vector<16xi1>
      tpu.vector_store_idx %arg10[%select_n3A], %min3A_69 masked %and3A_70 : memref<320xi32, #tpu.memory_space<vmem>>[vector<16xi32>], vector<16xi32>, vector<16xi1>
    }
    %scan3A_26 = arith.constant 32 : i32
    %scan3A_27 = arith.constant 0 : i32
    %scan3A_28 = arith.constant 20 : i32
    %scan3A_29 = arith.addi %scan3A_27, %scan3A_28 : i32
    %scan3A_30 = arith.constant 1 : i32
    scf.for %scan3A_36 = %scan3A_27 to %scan3A_29 step %scan3A_30  : i32 {
      %mul3A_37 = arith.constant 16 : i32
      %mul3A_38 = arith.muli %scan3A_36, %mul3A_37 : i32
      %add3A_39 = vector.broadcast %mul3A_38 : i32 to vector<16xi32>
      %add3A_40 = arith.addi %iota3A, %add3A_39 : vector<16xi32>
      %add3A_41 = vector.broadcast %mul3A_2 : i32 to vector<16xi32>
      %add3A_42 = arith.addi %add3A_40, %add3A_41 : vector<16xi32>
      %gather3A = tpu.vector_load_idx %arg7[%add3A_42] : memref<10240xf32, #tpu.memory_space<vmem>>[vector<16xi32>], vector<16xf32>,
      %gather3A_43 = tpu.vector_load_idx %arg10[%add3A_40] : memref<320xi32, #tpu.memory_space<vmem>>[vector<16xi32>], vector<16xi32>,
      %mul3A_44 = arith.constant 64 : i32
      %mul3A_45 = vector.broadcast %mul3A_44 : i32 to vector<16xi32>
      %mul3A_46 = arith.muli %add3A_40, %mul3A_45 : vector<16xi32>
      %add3A_47 = arith.constant 0 : i32
      %add3A_48 = vector.broadcast %add3A_47 : i32 to vector<16xi32>
      %add3A_49 = arith.addi %mul3A_46, %add3A_48 : vector<16xi32>
      %gather3A_50 = tpu.vector_load_idx %arg8[%add3A_49] : memref<20480xi32, #tpu.memory_space<vmem>>[vector<16xi32>], vector<16xi32>,
      %gather3A_51 = tpu.vector_load_idx %arg7[%gather3A_50] : memref<10240xf32, #tpu.memory_space<vmem>>[vector<16xi32>], vector<16xf32>,
      %gt3A = arith.constant 0 : i32
      %gt3A_52 = vector.broadcast %gt3A : i32 to vector<16xi32>
      %gt3A_53 = arith.cmpi sgt, %gather3A_43, %gt3A_52 : vector<16xi32>
      %mul3A_54 = arith.mulf %gather3A, %gather3A_51 : vector<16xf32>
      %jit3A = arith.constant 0.000000e+00 : f32
      %broadcast_in_dim3A_55 = vector.broadcast %jit3A : f32 to vector<16xf32>
      %select_n3A = arith.select %gt3A_53, %mul3A_54, %broadcast_in_dim3A_55 : vector<16xi1>, vector<16xf32>
      tpu.vector_store_idx %arg9[%add3A_49], %select_n3A : memref<20480xf32, #tpu.memory_space<vmem>>[vector<16xi32>], vector<16xf32>,
      %mul3A_56 = arith.constant 64 : i32
      %mul3A_57 = vector.broadcast %mul3A_56 : i32 to vector<16xi32>
      %mul3A_58 = arith.muli %add3A_40, %mul3A_57 : vector<16xi32>
      %add3A_59 = arith.constant 1 : i32
      %add3A_60 = vector.broadcast %add3A_59 : i32 to vector<16xi32>
      %add3A_61 = arith.addi %mul3A_58, %add3A_60 : vector<16xi32>
      %gather3A_62 = tpu.vector_load_idx %arg8[%add3A_61] : memref<20480xi32, #tpu.memory_space<vmem>>[vector<16xi32>], vector<16xi32>,
      %gather3A_63 = tpu.vector_load_idx %arg7[%gather3A_62] : memref<10240xf32, #tpu.memory_space<vmem>>[vector<16xi32>], vector<16xf32>,
      %gt3A_64 = arith.constant 1 : i32
      %gt3A_65 = vector.broadcast %gt3A_64 : i32 to vector<16xi32>
      %gt3A_66 = arith.cmpi sgt, %gather3A_43, %gt3A_65 : vector<16xi32>
      %mul3A_67 = arith.mulf %gather3A, %gather3A_63 : vector<16xf32>
      %jit3A_68 = arith.constant 0.000000e+00 : f32
      %broadcast_in_dim3A_69 = vector.broadcast %jit3A_68 : f32 to vector<16xf32>
      %select_n3A_70 = arith.select %gt3A_66, %mul3A_67, %broadcast_in_dim3A_69 : vector<16xi1>, vector<16xf32>
      tpu.vector_store_idx %arg9[%add3A_61], %select_n3A_70 : memref<20480xf32, #tpu.memory_space<vmem>>[vector<16xi32>], vector<16xf32>,
      %mul3A_71 = arith.constant 64 : i32
      %mul3A_72 = vector.broadcast %mul3A_71 : i32 to vector<16xi32>
      %mul3A_73 = arith.muli %add3A_40, %mul3A_72 : vector<16xi32>
      %add3A_74 = arith.constant 2 : i32
      %add3A_75 = vector.broadcast %add3A_74 : i32 to vector<16xi32>
      %add3A_76 = arith.addi %mul3A_73, %add3A_75 : vector<16xi32>
      %gather3A_77 = tpu.vector_load_idx %arg8[%add3A_76] : memref<20480xi32, #tpu.memory_space<vmem>>[vector<16xi32>], vector<16xi32>,
      %gather3A_78 = tpu.vector_load_idx %arg7[%gather3A_77] : memref<10240xf32, #tpu.memory_space<vmem>>[vector<16xi32>], vector<16xf32>,
      %gt3A_79 = arith.constant 2 : i32
      %gt3A_80 = vector.broadcast %gt3A_79 : i32 to vector<16xi32>
      %gt3A_81 = arith.cmpi sgt, %gather3A_43, %gt3A_80 : vector<16xi32>
      %mul3A_82 = arith.mulf %gather3A, %gather3A_78 : vector<16xf32>
      %jit3A_83 = arith.constant 0.000000e+00 : f32
      %broadcast_in_dim3A_84 = vector.broadcast %jit3A_83 : f32 to vector<16xf32>
      %select_n3A_85 = arith.select %gt3A_81, %mul3A_82, %broadcast_in_dim3A_84 : vector<16xi1>, vector<16xf32>
      tpu.vector_store_idx %arg9[%add3A_76], %select_n3A_85 : memref<20480xf32, #tpu.memory_space<vmem>>[vector<16xi32>], vector<16xf32>,
      %mul3A_86 = arith.constant 64 : i32
      %mul3A_87 = vector.broadcast %mul3A_86 : i32 to vector<16xi32>
      %mul3A_88 = arith.muli %add3A_40, %mul3A_87 : vector<16xi32>
      %add3A_89 = arith.constant 3 : i32
      %add3A_90 = vector.broadcast %add3A_89 : i32 to vector<16xi32>
      %add3A_91 = arith.addi %mul3A_88, %add3A_90 : vector<16xi32>
      %gather3A_92 = tpu.vector_load_idx %arg8[%add3A_91] : memref<20480xi32, #tpu.memory_space<vmem>>[vector<16xi32>], vector<16xi32>,
      %gather3A_93 = tpu.vector_load_idx %arg7[%gather3A_92] : memref<10240xf32, #tpu.memory_space<vmem>>[vector<16xi32>], vector<16xf32>,
      %gt3A_94 = arith.constant 3 : i32
      %gt3A_95 = vector.broadcast %gt3A_94 : i32 to vector<16xi32>
      %gt3A_96 = arith.cmpi sgt, %gather3A_43, %gt3A_95 : vector<16xi32>
      %mul3A_97 = arith.mulf %gather3A, %gather3A_93 : vector<16xf32>
      %jit3A_98 = arith.constant 0.000000e+00 : f32
      %broadcast_in_dim3A_99 = vector.broadcast %jit3A_98 : f32 to vector<16xf32>
      %select_n3A_100 = arith.select %gt3A_96, %mul3A_97, %broadcast_in_dim3A_99 : vector<16xi1>, vector<16xf32>
      tpu.vector_store_idx %arg9[%add3A_91], %select_n3A_100 : memref<20480xf32, #tpu.memory_space<vmem>>[vector<16xi32>], vector<16xf32>,
      %mul3A_101 = arith.constant 64 : i32
      %mul3A_102 = vector.broadcast %mul3A_101 : i32 to vector<16xi32>
      %mul3A_103 = arith.muli %add3A_40, %mul3A_102 : vector<16xi32>
      %add3A_104 = arith.constant 4 : i32
      %add3A_105 = vector.broadcast %add3A_104 : i32 to vector<16xi32>
      %add3A_106 = arith.addi %mul3A_103, %add3A_105 : vector<16xi32>
      %gather3A_107 = tpu.vector_load_idx %arg8[%add3A_106] : memref<20480xi32, #tpu.memory_space<vmem>>[vector<16xi32>], vector<16xi32>,
      %gather3A_108 = tpu.vector_load_idx %arg7[%gather3A_107] : memref<10240xf32, #tpu.memory_space<vmem>>[vector<16xi32>], vector<16xf32>,
      %gt3A_109 = arith.constant 4 : i32
      %gt3A_110 = vector.broadcast %gt3A_109 : i32 to vector<16xi32>
      %gt3A_111 = arith.cmpi sgt, %gather3A_43, %gt3A_110 : vector<16xi32>
      %mul3A_112 = arith.mulf %gather3A, %gather3A_108 : vector<16xf32>
      %jit3A_113 = arith.constant 0.000000e+00 : f32
      %broadcast_in_dim3A_114 = vector.broadcast %jit3A_113 : f32 to vector<16xf32>
      %select_n3A_115 = arith.select %gt3A_111, %mul3A_112, %broadcast_in_dim3A_114 : vector<16xi1>, vector<16xf32>
      tpu.vector_store_idx %arg9[%add3A_106], %select_n3A_115 : memref<20480xf32, #tpu.memory_space<vmem>>[vector<16xi32>], vector<16xf32>,
      %mul3A_116 = arith.constant 64 : i32
      %mul3A_117 = vector.broadcast %mul3A_116 : i32 to vector<16xi32>
      %mul3A_118 = arith.muli %add3A_40, %mul3A_117 : vector<16xi32>
      %add3A_119 = arith.constant 5 : i32
      %add3A_120 = vector.broadcast %add3A_119 : i32 to vector<16xi32>
      %add3A_121 = arith.addi %mul3A_118, %add3A_120 : vector<16xi32>
      %gather3A_122 = tpu.vector_load_idx %arg8[%add3A_121] : memref<20480xi32, #tpu.memory_space<vmem>>[vector<16xi32>], vector<16xi32>,
      %gather3A_123 = tpu.vector_load_idx %arg7[%gather3A_122] : memref<10240xf32, #tpu.memory_space<vmem>>[vector<16xi32>], vector<16xf32>,
      %gt3A_124 = arith.constant 5 : i32
      %gt3A_125 = vector.broadcast %gt3A_124 : i32 to vector<16xi32>
      %gt3A_126 = arith.cmpi sgt, %gather3A_43, %gt3A_125 : vector<16xi32>
      %mul3A_127 = arith.mulf %gather3A, %gather3A_123 : vector<16xf32>
      %jit3A_128 = arith.constant 0.000000e+00 : f32
      %broadcast_in_dim3A_129 = vector.broadcast %jit3A_128 : f32 to vector<16xf32>
      %select_n3A_130 = arith.select %gt3A_126, %mul3A_127, %broadcast_in_dim3A_129 : vector<16xi1>, vector<16xf32>
      tpu.vector_store_idx %arg9[%add3A_121], %select_n3A_130 : memref<20480xf32, #tpu.memory_space<vmem>>[vector<16xi32>], vector<16xf32>,
      %mul3A_131 = arith.constant 64 : i32
      %mul3A_132 = vector.broadcast %mul3A_131 : i32 to vector<16xi32>
      %mul3A_133 = arith.muli %add3A_40, %mul3A_132 : vector<16xi32>
      %add3A_134 = arith.constant 6 : i32
      %add3A_135 = vector.broadcast %add3A_134 : i32 to vector<16xi32>
      %add3A_136 = arith.addi %mul3A_133, %add3A_135 : vector<16xi32>
      %gather3A_137 = tpu.vector_load_idx %arg8[%add3A_136] : memref<20480xi32, #tpu.memory_space<vmem>>[vector<16xi32>], vector<16xi32>,
      %gather3A_138 = tpu.vector_load_idx %arg7[%gather3A_137] : memref<10240xf32, #tpu.memory_space<vmem>>[vector<16xi32>], vector<16xf32>,
      %gt3A_139 = arith.constant 6 : i32
      %gt3A_140 = vector.broadcast %gt3A_139 : i32 to vector<16xi32>
      %gt3A_141 = arith.cmpi sgt, %gather3A_43, %gt3A_140 : vector<16xi32>
      %mul3A_142 = arith.mulf %gather3A, %gather3A_138 : vector<16xf32>
      %jit3A_143 = arith.constant 0.000000e+00 : f32
      %broadcast_in_dim3A_144 = vector.broadcast %jit3A_143 : f32 to vector<16xf32>
      %select_n3A_145 = arith.select %gt3A_141, %mul3A_142, %broadcast_in_dim3A_144 : vector<16xi1>, vector<16xf32>
      tpu.vector_store_idx %arg9[%add3A_136], %select_n3A_145 : memref<20480xf32, #tpu.memory_space<vmem>>[vector<16xi32>], vector<16xf32>,
      %mul3A_146 = arith.constant 64 : i32
      %mul3A_147 = vector.broadcast %mul3A_146 : i32 to vector<16xi32>
      %mul3A_148 = arith.muli %add3A_40, %mul3A_147 : vector<16xi32>
      %add3A_149 = arith.constant 7 : i32
      %add3A_150 = vector.broadcast %add3A_149 : i32 to vector<16xi32>
      %add3A_151 = arith.addi %mul3A_148, %add3A_150 : vector<16xi32>
      %gather3A_152 = tpu.vector_load_idx %arg8[%add3A_151] : memref<20480xi32, #tpu.memory_space<vmem>>[vector<16xi32>], vector<16xi32>,
      %gather3A_153 = tpu.vector_load_idx %arg7[%gather3A_152] : memref<10240xf32, #tpu.memory_space<vmem>>[vector<16xi32>], vector<16xf32>,
      %gt3A_154 = arith.constant 7 : i32
      %gt3A_155 = vector.broadcast %gt3A_154 : i32 to vector<16xi32>
      %gt3A_156 = arith.cmpi sgt, %gather3A_43, %gt3A_155 : vector<16xi32>
      %mul3A_157 = arith.mulf %gather3A, %gather3A_153 : vector<16xf32>
      %jit3A_158 = arith.constant 0.000000e+00 : f32
      %broadcast_in_dim3A_159 = vector.broadcast %jit3A_158 : f32 to vector<16xf32>
      %select_n3A_160 = arith.select %gt3A_156, %mul3A_157, %broadcast_in_dim3A_159 : vector<16xi1>, vector<16xf32>
      tpu.vector_store_idx %arg9[%add3A_151], %select_n3A_160 : memref<20480xf32, #tpu.memory_space<vmem>>[vector<16xi32>], vector<16xf32>,
      %mul3A_161 = arith.constant 64 : i32
      %mul3A_162 = vector.broadcast %mul3A_161 : i32 to vector<16xi32>
      %mul3A_163 = arith.muli %add3A_40, %mul3A_162 : vector<16xi32>
      %add3A_164 = arith.constant 8 : i32
      %add3A_165 = vector.broadcast %add3A_164 : i32 to vector<16xi32>
      %add3A_166 = arith.addi %mul3A_163, %add3A_165 : vector<16xi32>
      %gather3A_167 = tpu.vector_load_idx %arg8[%add3A_166] : memref<20480xi32, #tpu.memory_space<vmem>>[vector<16xi32>], vector<16xi32>,
      %gather3A_168 = tpu.vector_load_idx %arg7[%gather3A_167] : memref<10240xf32, #tpu.memory_space<vmem>>[vector<16xi32>], vector<16xf32>,
      %gt3A_169 = arith.constant 8 : i32
      %gt3A_170 = vector.broadcast %gt3A_169 : i32 to vector<16xi32>
      %gt3A_171 = arith.cmpi sgt, %gather3A_43, %gt3A_170 : vector<16xi32>
      %mul3A_172 = arith.mulf %gather3A, %gather3A_168 : vector<16xf32>
      %jit3A_173 = arith.constant 0.000000e+00 : f32
      %broadcast_in_dim3A_174 = vector.broadcast %jit3A_173 : f32 to vector<16xf32>
      %select_n3A_175 = arith.select %gt3A_171, %mul3A_172, %broadcast_in_dim3A_174 : vector<16xi1>, vector<16xf32>
      tpu.vector_store_idx %arg9[%add3A_166], %select_n3A_175 : memref<20480xf32, #tpu.memory_space<vmem>>[vector<16xi32>], vector<16xf32>,
      %mul3A_176 = arith.constant 64 : i32
      %mul3A_177 = vector.broadcast %mul3A_176 : i32 to vector<16xi32>
      %mul3A_178 = arith.muli %add3A_40, %mul3A_177 : vector<16xi32>
      %add3A_179 = arith.constant 9 : i32
      %add3A_180 = vector.broadcast %add3A_179 : i32 to vector<16xi32>
      %add3A_181 = arith.addi %mul3A_178, %add3A_180 : vector<16xi32>
      %gather3A_182 = tpu.vector_load_idx %arg8[%add3A_181] : memref<20480xi32, #tpu.memory_space<vmem>>[vector<16xi32>], vector<16xi32>,
      %gather3A_183 = tpu.vector_load_idx %arg7[%gather3A_182] : memref<10240xf32, #tpu.memory_space<vmem>>[vector<16xi32>], vector<16xf32>,
      %gt3A_184 = arith.constant 9 : i32
      %gt3A_185 = vector.broadcast %gt3A_184 : i32 to vector<16xi32>
      %gt3A_186 = arith.cmpi sgt, %gather3A_43, %gt3A_185 : vector<16xi32>
      %mul3A_187 = arith.mulf %gather3A, %gather3A_183 : vector<16xf32>
      %jit3A_188 = arith.constant 0.000000e+00 : f32
      %broadcast_in_dim3A_189 = vector.broadcast %jit3A_188 : f32 to vector<16xf32>
      %select_n3A_190 = arith.select %gt3A_186, %mul3A_187, %broadcast_in_dim3A_189 : vector<16xi1>, vector<16xf32>
      tpu.vector_store_idx %arg9[%add3A_181], %select_n3A_190 : memref<20480xf32, #tpu.memory_space<vmem>>[vector<16xi32>], vector<16xf32>,
      %mul3A_191 = arith.constant 64 : i32
      %mul3A_192 = vector.broadcast %mul3A_191 : i32 to vector<16xi32>
      %mul3A_193 = arith.muli %add3A_40, %mul3A_192 : vector<16xi32>
      %add3A_194 = arith.constant 10 : i32
      %add3A_195 = vector.broadcast %add3A_194 : i32 to vector<16xi32>
      %add3A_196 = arith.addi %mul3A_193, %add3A_195 : vector<16xi32>
      %gather3A_197 = tpu.vector_load_idx %arg8[%add3A_196] : memref<20480xi32, #tpu.memory_space<vmem>>[vector<16xi32>], vector<16xi32>,
      %gather3A_198 = tpu.vector_load_idx %arg7[%gather3A_197] : memref<10240xf32, #tpu.memory_space<vmem>>[vector<16xi32>], vector<16xf32>,
      %gt3A_199 = arith.constant 10 : i32
      %gt3A_200 = vector.broadcast %gt3A_199 : i32 to vector<16xi32>
      %gt3A_201 = arith.cmpi sgt, %gather3A_43, %gt3A_200 : vector<16xi32>
      %mul3A_202 = arith.mulf %gather3A, %gather3A_198 : vector<16xf32>
      %jit3A_203 = arith.constant 0.000000e+00 : f32
      %broadcast_in_dim3A_204 = vector.broadcast %jit3A_203 : f32 to vector<16xf32>
      %select_n3A_205 = arith.select %gt3A_201, %mul3A_202, %broadcast_in_dim3A_204 : vector<16xi1>, vector<16xf32>
      tpu.vector_store_idx %arg9[%add3A_196], %select_n3A_205 : memref<20480xf32, #tpu.memory_space<vmem>>[vector<16xi32>], vector<16xf32>,
      %mul3A_206 = arith.constant 64 : i32
      %mul3A_207 = vector.broadcast %mul3A_206 : i32 to vector<16xi32>
      %mul3A_208 = arith.muli %add3A_40, %mul3A_207 : vector<16xi32>
      %add3A_209 = arith.constant 11 : i32
      %add3A_210 = vector.broadcast %add3A_209 : i32 to vector<16xi32>
      %add3A_211 = arith.addi %mul3A_208, %add3A_210 : vector<16xi32>
      %gather3A_212 = tpu.vector_load_idx %arg8[%add3A_211] : memref<20480xi32, #tpu.memory_space<vmem>>[vector<16xi32>], vector<16xi32>,
      %gather3A_213 = tpu.vector_load_idx %arg7[%gather3A_212] : memref<10240xf32, #tpu.memory_space<vmem>>[vector<16xi32>], vector<16xf32>,
      %gt3A_214 = arith.constant 11 : i32
      %gt3A_215 = vector.broadcast %gt3A_214 : i32 to vector<16xi32>
      %gt3A_216 = arith.cmpi sgt, %gather3A_43, %gt3A_215 : vector<16xi32>
      %mul3A_217 = arith.mulf %gather3A, %gather3A_213 : vector<16xf32>
      %jit3A_218 = arith.constant 0.000000e+00 : f32
      %broadcast_in_dim3A_219 = vector.broadcast %jit3A_218 : f32 to vector<16xf32>
      %select_n3A_220 = arith.select %gt3A_216, %mul3A_217, %broadcast_in_dim3A_219 : vector<16xi1>, vector<16xf32>
      tpu.vector_store_idx %arg9[%add3A_211], %select_n3A_220 : memref<20480xf32, #tpu.memory_space<vmem>>[vector<16xi32>], vector<16xf32>,
      %mul3A_221 = arith.constant 64 : i32
      %mul3A_222 = vector.broadcast %mul3A_221 : i32 to vector<16xi32>
      %mul3A_223 = arith.muli %add3A_40, %mul3A_222 : vector<16xi32>
      %add3A_224 = arith.constant 12 : i32
      %add3A_225 = vector.broadcast %add3A_224 : i32 to vector<16xi32>
      %add3A_226 = arith.addi %mul3A_223, %add3A_225 : vector<16xi32>
      %gather3A_227 = tpu.vector_load_idx %arg8[%add3A_226] : memref<20480xi32, #tpu.memory_space<vmem>>[vector<16xi32>], vector<16xi32>,
      %gather3A_228 = tpu.vector_load_idx %arg7[%gather3A_227] : memref<10240xf32, #tpu.memory_space<vmem>>[vector<16xi32>], vector<16xf32>,
      %gt3A_229 = arith.constant 12 : i32
      %gt3A_230 = vector.broadcast %gt3A_229 : i32 to vector<16xi32>
      %gt3A_231 = arith.cmpi sgt, %gather3A_43, %gt3A_230 : vector<16xi32>
      %mul3A_232 = arith.mulf %gather3A, %gather3A_228 : vector<16xf32>
      %jit3A_233 = arith.constant 0.000000e+00 : f32
      %broadcast_in_dim3A_234 = vector.broadcast %jit3A_233 : f32 to vector<16xf32>
      %select_n3A_235 = arith.select %gt3A_231, %mul3A_232, %broadcast_in_dim3A_234 : vector<16xi1>, vector<16xf32>
      tpu.vector_store_idx %arg9[%add3A_226], %select_n3A_235 : memref<20480xf32, #tpu.memory_space<vmem>>[vector<16xi32>], vector<16xf32>,
      %mul3A_236 = arith.constant 64 : i32
      %mul3A_237 = vector.broadcast %mul3A_236 : i32 to vector<16xi32>
      %mul3A_238 = arith.muli %add3A_40, %mul3A_237 : vector<16xi32>
      %add3A_239 = arith.constant 13 : i32
      %add3A_240 = vector.broadcast %add3A_239 : i32 to vector<16xi32>
      %add3A_241 = arith.addi %mul3A_238, %add3A_240 : vector<16xi32>
      %gather3A_242 = tpu.vector_load_idx %arg8[%add3A_241] : memref<20480xi32, #tpu.memory_space<vmem>>[vector<16xi32>], vector<16xi32>,
      %gather3A_243 = tpu.vector_load_idx %arg7[%gather3A_242] : memref<10240xf32, #tpu.memory_space<vmem>>[vector<16xi32>], vector<16xf32>,
      %gt3A_244 = arith.constant 13 : i32
      %gt3A_245 = vector.broadcast %gt3A_244 : i32 to vector<16xi32>
      %gt3A_246 = arith.cmpi sgt, %gather3A_43, %gt3A_245 : vector<16xi32>
      %mul3A_247 = arith.mulf %gather3A, %gather3A_243 : vector<16xf32>
      %jit3A_248 = arith.constant 0.000000e+00 : f32
      %broadcast_in_dim3A_249 = vector.broadcast %jit3A_248 : f32 to vector<16xf32>
      %select_n3A_250 = arith.select %gt3A_246, %mul3A_247, %broadcast_in_dim3A_249 : vector<16xi1>, vector<16xf32>
      tpu.vector_store_idx %arg9[%add3A_241], %select_n3A_250 : memref<20480xf32, #tpu.memory_space<vmem>>[vector<16xi32>], vector<16xf32>,
      %mul3A_251 = arith.constant 64 : i32
      %mul3A_252 = vector.broadcast %mul3A_251 : i32 to vector<16xi32>
      %mul3A_253 = arith.muli %add3A_40, %mul3A_252 : vector<16xi32>
      %add3A_254 = arith.constant 14 : i32
      %add3A_255 = vector.broadcast %add3A_254 : i32 to vector<16xi32>
      %add3A_256 = arith.addi %mul3A_253, %add3A_255 : vector<16xi32>
      %gather3A_257 = tpu.vector_load_idx %arg8[%add3A_256] : memref<20480xi32, #tpu.memory_space<vmem>>[vector<16xi32>], vector<16xi32>,
      %gather3A_258 = tpu.vector_load_idx %arg7[%gather3A_257] : memref<10240xf32, #tpu.memory_space<vmem>>[vector<16xi32>], vector<16xf32>,
      %gt3A_259 = arith.constant 14 : i32
      %gt3A_260 = vector.broadcast %gt3A_259 : i32 to vector<16xi32>
      %gt3A_261 = arith.cmpi sgt, %gather3A_43, %gt3A_260 : vector<16xi32>
      %mul3A_262 = arith.mulf %gather3A, %gather3A_258 : vector<16xf32>
      %jit3A_263 = arith.constant 0.000000e+00 : f32
      %broadcast_in_dim3A_264 = vector.broadcast %jit3A_263 : f32 to vector<16xf32>
      %select_n3A_265 = arith.select %gt3A_261, %mul3A_262, %broadcast_in_dim3A_264 : vector<16xi1>, vector<16xf32>
      tpu.vector_store_idx %arg9[%add3A_256], %select_n3A_265 : memref<20480xf32, #tpu.memory_space<vmem>>[vector<16xi32>], vector<16xf32>,
      %mul3A_266 = arith.constant 64 : i32
      %mul3A_267 = vector.broadcast %mul3A_266 : i32 to vector<16xi32>
      %mul3A_268 = arith.muli %add3A_40, %mul3A_267 : vector<16xi32>
      %add3A_269 = arith.constant 15 : i32
      %add3A_270 = vector.broadcast %add3A_269 : i32 to vector<16xi32>
      %add3A_271 = arith.addi %mul3A_268, %add3A_270 : vector<16xi32>
      %gather3A_272 = tpu.vector_load_idx %arg8[%add3A_271] : memref<20480xi32, #tpu.memory_space<vmem>>[vector<16xi32>], vector<16xi32>,
      %gather3A_273 = tpu.vector_load_idx %arg7[%gather3A_272] : memref<10240xf32, #tpu.memory_space<vmem>>[vector<16xi32>], vector<16xf32>,
      %gt3A_274 = arith.constant 15 : i32
      %gt3A_275 = vector.broadcast %gt3A_274 : i32 to vector<16xi32>
      %gt3A_276 = arith.cmpi sgt, %gather3A_43, %gt3A_275 : vector<16xi32>
      %mul3A_277 = arith.mulf %gather3A, %gather3A_273 : vector<16xf32>
      %jit3A_278 = arith.constant 0.000000e+00 : f32
      %broadcast_in_dim3A_279 = vector.broadcast %jit3A_278 : f32 to vector<16xf32>
      %select_n3A_280 = arith.select %gt3A_276, %mul3A_277, %broadcast_in_dim3A_279 : vector<16xi1>, vector<16xf32>
      tpu.vector_store_idx %arg9[%add3A_271], %select_n3A_280 : memref<20480xf32, #tpu.memory_space<vmem>>[vector<16xi32>], vector<16xf32>,
      %mul3A_281 = arith.constant 64 : i32
      %mul3A_282 = vector.broadcast %mul3A_281 : i32 to vector<16xi32>
      %mul3A_283 = arith.muli %add3A_40, %mul3A_282 : vector<16xi32>
      %add3A_284 = arith.constant 16 : i32
      %add3A_285 = vector.broadcast %add3A_284 : i32 to vector<16xi32>
      %add3A_286 = arith.addi %mul3A_283, %add3A_285 : vector<16xi32>
      %gather3A_287 = tpu.vector_load_idx %arg8[%add3A_286] : memref<20480xi32, #tpu.memory_space<vmem>>[vector<16xi32>], vector<16xi32>,
      %gather3A_288 = tpu.vector_load_idx %arg7[%gather3A_287] : memref<10240xf32, #tpu.memory_space<vmem>>[vector<16xi32>], vector<16xf32>,
      %gt3A_289 = arith.constant 16 : i32
      %gt3A_290 = vector.broadcast %gt3A_289 : i32 to vector<16xi32>
      %gt3A_291 = arith.cmpi sgt, %gather3A_43, %gt3A_290 : vector<16xi32>
      %mul3A_292 = arith.mulf %gather3A, %gather3A_288 : vector<16xf32>
      %jit3A_293 = arith.constant 0.000000e+00 : f32
      %broadcast_in_dim3A_294 = vector.broadcast %jit3A_293 : f32 to vector<16xf32>
      %select_n3A_295 = arith.select %gt3A_291, %mul3A_292, %broadcast_in_dim3A_294 : vector<16xi1>, vector<16xf32>
      tpu.vector_store_idx %arg9[%add3A_286], %select_n3A_295 : memref<20480xf32, #tpu.memory_space<vmem>>[vector<16xi32>], vector<16xf32>,
      %mul3A_296 = arith.constant 64 : i32
      %mul3A_297 = vector.broadcast %mul3A_296 : i32 to vector<16xi32>
      %mul3A_298 = arith.muli %add3A_40, %mul3A_297 : vector<16xi32>
      %add3A_299 = arith.constant 17 : i32
      %add3A_300 = vector.broadcast %add3A_299 : i32 to vector<16xi32>
      %add3A_301 = arith.addi %mul3A_298, %add3A_300 : vector<16xi32>
      %gather3A_302 = tpu.vector_load_idx %arg8[%add3A_301] : memref<20480xi32, #tpu.memory_space<vmem>>[vector<16xi32>], vector<16xi32>,
      %gather3A_303 = tpu.vector_load_idx %arg7[%gather3A_302] : memref<10240xf32, #tpu.memory_space<vmem>>[vector<16xi32>], vector<16xf32>,
      %gt3A_304 = arith.constant 17 : i32
      %gt3A_305 = vector.broadcast %gt3A_304 : i32 to vector<16xi32>
      %gt3A_306 = arith.cmpi sgt, %gather3A_43, %gt3A_305 : vector<16xi32>
      %mul3A_307 = arith.mulf %gather3A, %gather3A_303 : vector<16xf32>
      %jit3A_308 = arith.constant 0.000000e+00 : f32
      %broadcast_in_dim3A_309 = vector.broadcast %jit3A_308 : f32 to vector<16xf32>
      %select_n3A_310 = arith.select %gt3A_306, %mul3A_307, %broadcast_in_dim3A_309 : vector<16xi1>, vector<16xf32>
      tpu.vector_store_idx %arg9[%add3A_301], %select_n3A_310 : memref<20480xf32, #tpu.memory_space<vmem>>[vector<16xi32>], vector<16xf32>,
      %mul3A_311 = arith.constant 64 : i32
      %mul3A_312 = vector.broadcast %mul3A_311 : i32 to vector<16xi32>
      %mul3A_313 = arith.muli %add3A_40, %mul3A_312 : vector<16xi32>
      %add3A_314 = arith.constant 18 : i32
      %add3A_315 = vector.broadcast %add3A_314 : i32 to vector<16xi32>
      %add3A_316 = arith.addi %mul3A_313, %add3A_315 : vector<16xi32>
      %gather3A_317 = tpu.vector_load_idx %arg8[%add3A_316] : memref<20480xi32, #tpu.memory_space<vmem>>[vector<16xi32>], vector<16xi32>,
      %gather3A_318 = tpu.vector_load_idx %arg7[%gather3A_317] : memref<10240xf32, #tpu.memory_space<vmem>>[vector<16xi32>], vector<16xf32>,
      %gt3A_319 = arith.constant 18 : i32
      %gt3A_320 = vector.broadcast %gt3A_319 : i32 to vector<16xi32>
      %gt3A_321 = arith.cmpi sgt, %gather3A_43, %gt3A_320 : vector<16xi32>
      %mul3A_322 = arith.mulf %gather3A, %gather3A_318 : vector<16xf32>
      %jit3A_323 = arith.constant 0.000000e+00 : f32
      %broadcast_in_dim3A_324 = vector.broadcast %jit3A_323 : f32 to vector<16xf32>
      %select_n3A_325 = arith.select %gt3A_321, %mul3A_322, %broadcast_in_dim3A_324 : vector<16xi1>, vector<16xf32>
      tpu.vector_store_idx %arg9[%add3A_316], %select_n3A_325 : memref<20480xf32, #tpu.memory_space<vmem>>[vector<16xi32>], vector<16xf32>,
      %mul3A_326 = arith.constant 64 : i32
      %mul3A_327 = vector.broadcast %mul3A_326 : i32 to vector<16xi32>
      %mul3A_328 = arith.muli %add3A_40, %mul3A_327 : vector<16xi32>
      %add3A_329 = arith.constant 19 : i32
      %add3A_330 = vector.broadcast %add3A_329 : i32 to vector<16xi32>
      %add3A_331 = arith.addi %mul3A_328, %add3A_330 : vector<16xi32>
      %gather3A_332 = tpu.vector_load_idx %arg8[%add3A_331] : memref<20480xi32, #tpu.memory_space<vmem>>[vector<16xi32>], vector<16xi32>,
      %gather3A_333 = tpu.vector_load_idx %arg7[%gather3A_332] : memref<10240xf32, #tpu.memory_space<vmem>>[vector<16xi32>], vector<16xf32>,
      %gt3A_334 = arith.constant 19 : i32
      %gt3A_335 = vector.broadcast %gt3A_334 : i32 to vector<16xi32>
      %gt3A_336 = arith.cmpi sgt, %gather3A_43, %gt3A_335 : vector<16xi32>
      %mul3A_337 = arith.mulf %gather3A, %gather3A_333 : vector<16xf32>
      %jit3A_338 = arith.constant 0.000000e+00 : f32
      %broadcast_in_dim3A_339 = vector.broadcast %jit3A_338 : f32 to vector<16xf32>
      %select_n3A_340 = arith.select %gt3A_336, %mul3A_337, %broadcast_in_dim3A_339 : vector<16xi1>, vector<16xf32>
      tpu.vector_store_idx %arg9[%add3A_331], %select_n3A_340 : memref<20480xf32, #tpu.memory_space<vmem>>[vector<16xi32>], vector<16xf32>,
      %mul3A_341 = arith.constant 64 : i32
      %mul3A_342 = vector.broadcast %mul3A_341 : i32 to vector<16xi32>
      %mul3A_343 = arith.muli %add3A_40, %mul3A_342 : vector<16xi32>
      %add3A_344 = arith.constant 20 : i32
      %add3A_345 = vector.broadcast %add3A_344 : i32 to vector<16xi32>
      %add3A_346 = arith.addi %mul3A_343, %add3A_345 : vector<16xi32>
      %gather3A_347 = tpu.vector_load_idx %arg8[%add3A_346] : memref<20480xi32, #tpu.memory_space<vmem>>[vector<16xi32>], vector<16xi32>,
      %gather3A_348 = tpu.vector_load_idx %arg7[%gather3A_347] : memref<10240xf32, #tpu.memory_space<vmem>>[vector<16xi32>], vector<16xf32>,
      %gt3A_349 = arith.constant 20 : i32
      %gt3A_350 = vector.broadcast %gt3A_349 : i32 to vector<16xi32>
      %gt3A_351 = arith.cmpi sgt, %gather3A_43, %gt3A_350 : vector<16xi32>
      %mul3A_352 = arith.mulf %gather3A, %gather3A_348 : vector<16xf32>
      %jit3A_353 = arith.constant 0.000000e+00 : f32
      %broadcast_in_dim3A_354 = vector.broadcast %jit3A_353 : f32 to vector<16xf32>
      %select_n3A_355 = arith.select %gt3A_351, %mul3A_352, %broadcast_in_dim3A_354 : vector<16xi1>, vector<16xf32>
      tpu.vector_store_idx %arg9[%add3A_346], %select_n3A_355 : memref<20480xf32, #tpu.memory_space<vmem>>[vector<16xi32>], vector<16xf32>,
      %mul3A_356 = arith.constant 64 : i32
      %mul3A_357 = vector.broadcast %mul3A_356 : i32 to vector<16xi32>
      %mul3A_358 = arith.muli %add3A_40, %mul3A_357 : vector<16xi32>
      %add3A_359 = arith.constant 21 : i32
      %add3A_360 = vector.broadcast %add3A_359 : i32 to vector<16xi32>
      %add3A_361 = arith.addi %mul3A_358, %add3A_360 : vector<16xi32>
      %gather3A_362 = tpu.vector_load_idx %arg8[%add3A_361] : memref<20480xi32, #tpu.memory_space<vmem>>[vector<16xi32>], vector<16xi32>,
      %gather3A_363 = tpu.vector_load_idx %arg7[%gather3A_362] : memref<10240xf32, #tpu.memory_space<vmem>>[vector<16xi32>], vector<16xf32>,
      %gt3A_364 = arith.constant 21 : i32
      %gt3A_365 = vector.broadcast %gt3A_364 : i32 to vector<16xi32>
      %gt3A_366 = arith.cmpi sgt, %gather3A_43, %gt3A_365 : vector<16xi32>
      %mul3A_367 = arith.mulf %gather3A, %gather3A_363 : vector<16xf32>
      %jit3A_368 = arith.constant 0.000000e+00 : f32
      %broadcast_in_dim3A_369 = vector.broadcast %jit3A_368 : f32 to vector<16xf32>
      %select_n3A_370 = arith.select %gt3A_366, %mul3A_367, %broadcast_in_dim3A_369 : vector<16xi1>, vector<16xf32>
      tpu.vector_store_idx %arg9[%add3A_361], %select_n3A_370 : memref<20480xf32, #tpu.memory_space<vmem>>[vector<16xi32>], vector<16xf32>,
      %mul3A_371 = arith.constant 64 : i32
      %mul3A_372 = vector.broadcast %mul3A_371 : i32 to vector<16xi32>
      %mul3A_373 = arith.muli %add3A_40, %mul3A_372 : vector<16xi32>
      %add3A_374 = arith.constant 22 : i32
      %add3A_375 = vector.broadcast %add3A_374 : i32 to vector<16xi32>
      %add3A_376 = arith.addi %mul3A_373, %add3A_375 : vector<16xi32>
      %gather3A_377 = tpu.vector_load_idx %arg8[%add3A_376] : memref<20480xi32, #tpu.memory_space<vmem>>[vector<16xi32>], vector<16xi32>,
      %gather3A_378 = tpu.vector_load_idx %arg7[%gather3A_377] : memref<10240xf32, #tpu.memory_space<vmem>>[vector<16xi32>], vector<16xf32>,
      %gt3A_379 = arith.constant 22 : i32
      %gt3A_380 = vector.broadcast %gt3A_379 : i32 to vector<16xi32>
      %gt3A_381 = arith.cmpi sgt, %gather3A_43, %gt3A_380 : vector<16xi32>
      %mul3A_382 = arith.mulf %gather3A, %gather3A_378 : vector<16xf32>
      %jit3A_383 = arith.constant 0.000000e+00 : f32
      %broadcast_in_dim3A_384 = vector.broadcast %jit3A_383 : f32 to vector<16xf32>
      %select_n3A_385 = arith.select %gt3A_381, %mul3A_382, %broadcast_in_dim3A_384 : vector<16xi1>, vector<16xf32>
      tpu.vector_store_idx %arg9[%add3A_376], %select_n3A_385 : memref<20480xf32, #tpu.memory_space<vmem>>[vector<16xi32>], vector<16xf32>,
      %mul3A_386 = arith.constant 64 : i32
      %mul3A_387 = vector.broadcast %mul3A_386 : i32 to vector<16xi32>
      %mul3A_388 = arith.muli %add3A_40, %mul3A_387 : vector<16xi32>
      %add3A_389 = arith.constant 23 : i32
      %add3A_390 = vector.broadcast %add3A_389 : i32 to vector<16xi32>
      %add3A_391 = arith.addi %mul3A_388, %add3A_390 : vector<16xi32>
      %gather3A_392 = tpu.vector_load_idx %arg8[%add3A_391] : memref<20480xi32, #tpu.memory_space<vmem>>[vector<16xi32>], vector<16xi32>,
      %gather3A_393 = tpu.vector_load_idx %arg7[%gather3A_392] : memref<10240xf32, #tpu.memory_space<vmem>>[vector<16xi32>], vector<16xf32>,
      %gt3A_394 = arith.constant 23 : i32
      %gt3A_395 = vector.broadcast %gt3A_394 : i32 to vector<16xi32>
      %gt3A_396 = arith.cmpi sgt, %gather3A_43, %gt3A_395 : vector<16xi32>
      %mul3A_397 = arith.mulf %gather3A, %gather3A_393 : vector<16xf32>
      %jit3A_398 = arith.constant 0.000000e+00 : f32
      %broadcast_in_dim3A_399 = vector.broadcast %jit3A_398 : f32 to vector<16xf32>
      %select_n3A_400 = arith.select %gt3A_396, %mul3A_397, %broadcast_in_dim3A_399 : vector<16xi1>, vector<16xf32>
      tpu.vector_store_idx %arg9[%add3A_391], %select_n3A_400 : memref<20480xf32, #tpu.memory_space<vmem>>[vector<16xi32>], vector<16xf32>,
      %mul3A_401 = arith.constant 64 : i32
      %mul3A_402 = vector.broadcast %mul3A_401 : i32 to vector<16xi32>
      %mul3A_403 = arith.muli %add3A_40, %mul3A_402 : vector<16xi32>
      %add3A_404 = arith.constant 24 : i32
      %add3A_405 = vector.broadcast %add3A_404 : i32 to vector<16xi32>
      %add3A_406 = arith.addi %mul3A_403, %add3A_405 : vector<16xi32>
      %gather3A_407 = tpu.vector_load_idx %arg8[%add3A_406] : memref<20480xi32, #tpu.memory_space<vmem>>[vector<16xi32>], vector<16xi32>,
      %gather3A_408 = tpu.vector_load_idx %arg7[%gather3A_407] : memref<10240xf32, #tpu.memory_space<vmem>>[vector<16xi32>], vector<16xf32>,
      %gt3A_409 = arith.constant 24 : i32
      %gt3A_410 = vector.broadcast %gt3A_409 : i32 to vector<16xi32>
      %gt3A_411 = arith.cmpi sgt, %gather3A_43, %gt3A_410 : vector<16xi32>
      %mul3A_412 = arith.mulf %gather3A, %gather3A_408 : vector<16xf32>
      %jit3A_413 = arith.constant 0.000000e+00 : f32
      %broadcast_in_dim3A_414 = vector.broadcast %jit3A_413 : f32 to vector<16xf32>
      %select_n3A_415 = arith.select %gt3A_411, %mul3A_412, %broadcast_in_dim3A_414 : vector<16xi1>, vector<16xf32>
      tpu.vector_store_idx %arg9[%add3A_406], %select_n3A_415 : memref<20480xf32, #tpu.memory_space<vmem>>[vector<16xi32>], vector<16xf32>,
      %mul3A_416 = arith.constant 64 : i32
      %mul3A_417 = vector.broadcast %mul3A_416 : i32 to vector<16xi32>
      %mul3A_418 = arith.muli %add3A_40, %mul3A_417 : vector<16xi32>
      %add3A_419 = arith.constant 25 : i32
      %add3A_420 = vector.broadcast %add3A_419 : i32 to vector<16xi32>
      %add3A_421 = arith.addi %mul3A_418, %add3A_420 : vector<16xi32>
      %gather3A_422 = tpu.vector_load_idx %arg8[%add3A_421] : memref<20480xi32, #tpu.memory_space<vmem>>[vector<16xi32>], vector<16xi32>,
      %gather3A_423 = tpu.vector_load_idx %arg7[%gather3A_422] : memref<10240xf32, #tpu.memory_space<vmem>>[vector<16xi32>], vector<16xf32>,
      %gt3A_424 = arith.constant 25 : i32
      %gt3A_425 = vector.broadcast %gt3A_424 : i32 to vector<16xi32>
      %gt3A_426 = arith.cmpi sgt, %gather3A_43, %gt3A_425 : vector<16xi32>
      %mul3A_427 = arith.mulf %gather3A, %gather3A_423 : vector<16xf32>
      %jit3A_428 = arith.constant 0.000000e+00 : f32
      %broadcast_in_dim3A_429 = vector.broadcast %jit3A_428 : f32 to vector<16xf32>
      %select_n3A_430 = arith.select %gt3A_426, %mul3A_427, %broadcast_in_dim3A_429 : vector<16xi1>, vector<16xf32>
      tpu.vector_store_idx %arg9[%add3A_421], %select_n3A_430 : memref<20480xf32, #tpu.memory_space<vmem>>[vector<16xi32>], vector<16xf32>,
      %mul3A_431 = arith.constant 64 : i32
      %mul3A_432 = vector.broadcast %mul3A_431 : i32 to vector<16xi32>
      %mul3A_433 = arith.muli %add3A_40, %mul3A_432 : vector<16xi32>
      %add3A_434 = arith.constant 26 : i32
      %add3A_435 = vector.broadcast %add3A_434 : i32 to vector<16xi32>
      %add3A_436 = arith.addi %mul3A_433, %add3A_435 : vector<16xi32>
      %gather3A_437 = tpu.vector_load_idx %arg8[%add3A_436] : memref<20480xi32, #tpu.memory_space<vmem>>[vector<16xi32>], vector<16xi32>,
      %gather3A_438 = tpu.vector_load_idx %arg7[%gather3A_437] : memref<10240xf32, #tpu.memory_space<vmem>>[vector<16xi32>], vector<16xf32>,
      %gt3A_439 = arith.constant 26 : i32
      %gt3A_440 = vector.broadcast %gt3A_439 : i32 to vector<16xi32>
      %gt3A_441 = arith.cmpi sgt, %gather3A_43, %gt3A_440 : vector<16xi32>
      %mul3A_442 = arith.mulf %gather3A, %gather3A_438 : vector<16xf32>
      %jit3A_443 = arith.constant 0.000000e+00 : f32
      %broadcast_in_dim3A_444 = vector.broadcast %jit3A_443 : f32 to vector<16xf32>
      %select_n3A_445 = arith.select %gt3A_441, %mul3A_442, %broadcast_in_dim3A_444 : vector<16xi1>, vector<16xf32>
      tpu.vector_store_idx %arg9[%add3A_436], %select_n3A_445 : memref<20480xf32, #tpu.memory_space<vmem>>[vector<16xi32>], vector<16xf32>,
      %mul3A_446 = arith.constant 64 : i32
      %mul3A_447 = vector.broadcast %mul3A_446 : i32 to vector<16xi32>
      %mul3A_448 = arith.muli %add3A_40, %mul3A_447 : vector<16xi32>
      %add3A_449 = arith.constant 27 : i32
      %add3A_450 = vector.broadcast %add3A_449 : i32 to vector<16xi32>
      %add3A_451 = arith.addi %mul3A_448, %add3A_450 : vector<16xi32>
      %gather3A_452 = tpu.vector_load_idx %arg8[%add3A_451] : memref<20480xi32, #tpu.memory_space<vmem>>[vector<16xi32>], vector<16xi32>,
      %gather3A_453 = tpu.vector_load_idx %arg7[%gather3A_452] : memref<10240xf32, #tpu.memory_space<vmem>>[vector<16xi32>], vector<16xf32>,
      %gt3A_454 = arith.constant 27 : i32
      %gt3A_455 = vector.broadcast %gt3A_454 : i32 to vector<16xi32>
      %gt3A_456 = arith.cmpi sgt, %gather3A_43, %gt3A_455 : vector<16xi32>
      %mul3A_457 = arith.mulf %gather3A, %gather3A_453 : vector<16xf32>
      %jit3A_458 = arith.constant 0.000000e+00 : f32
      %broadcast_in_dim3A_459 = vector.broadcast %jit3A_458 : f32 to vector<16xf32>
      %select_n3A_460 = arith.select %gt3A_456, %mul3A_457, %broadcast_in_dim3A_459 : vector<16xi1>, vector<16xf32>
      tpu.vector_store_idx %arg9[%add3A_451], %select_n3A_460 : memref<20480xf32, #tpu.memory_space<vmem>>[vector<16xi32>], vector<16xf32>,
      %mul3A_461 = arith.constant 64 : i32
      %mul3A_462 = vector.broadcast %mul3A_461 : i32 to vector<16xi32>
      %mul3A_463 = arith.muli %add3A_40, %mul3A_462 : vector<16xi32>
      %add3A_464 = arith.constant 28 : i32
      %add3A_465 = vector.broadcast %add3A_464 : i32 to vector<16xi32>
      %add3A_466 = arith.addi %mul3A_463, %add3A_465 : vector<16xi32>
      %gather3A_467 = tpu.vector_load_idx %arg8[%add3A_466] : memref<20480xi32, #tpu.memory_space<vmem>>[vector<16xi32>], vector<16xi32>,
      %gather3A_468 = tpu.vector_load_idx %arg7[%gather3A_467] : memref<10240xf32, #tpu.memory_space<vmem>>[vector<16xi32>], vector<16xf32>,
      %gt3A_469 = arith.constant 28 : i32
      %gt3A_470 = vector.broadcast %gt3A_469 : i32 to vector<16xi32>
      %gt3A_471 = arith.cmpi sgt, %gather3A_43, %gt3A_470 : vector<16xi32>
      %mul3A_472 = arith.mulf %gather3A, %gather3A_468 : vector<16xf32>
      %jit3A_473 = arith.constant 0.000000e+00 : f32
      %broadcast_in_dim3A_474 = vector.broadcast %jit3A_473 : f32 to vector<16xf32>
      %select_n3A_475 = arith.select %gt3A_471, %mul3A_472, %broadcast_in_dim3A_474 : vector<16xi1>, vector<16xf32>
      tpu.vector_store_idx %arg9[%add3A_466], %select_n3A_475 : memref<20480xf32, #tpu.memory_space<vmem>>[vector<16xi32>], vector<16xf32>,
      %mul3A_476 = arith.constant 64 : i32
      %mul3A_477 = vector.broadcast %mul3A_476 : i32 to vector<16xi32>
      %mul3A_478 = arith.muli %add3A_40, %mul3A_477 : vector<16xi32>
      %add3A_479 = arith.constant 29 : i32
      %add3A_480 = vector.broadcast %add3A_479 : i32 to vector<16xi32>
      %add3A_481 = arith.addi %mul3A_478, %add3A_480 : vector<16xi32>
      %gather3A_482 = tpu.vector_load_idx %arg8[%add3A_481] : memref<20480xi32, #tpu.memory_space<vmem>>[vector<16xi32>], vector<16xi32>,
      %gather3A_483 = tpu.vector_load_idx %arg7[%gather3A_482] : memref<10240xf32, #tpu.memory_space<vmem>>[vector<16xi32>], vector<16xf32>,
      %gt3A_484 = arith.constant 29 : i32
      %gt3A_485 = vector.broadcast %gt3A_484 : i32 to vector<16xi32>
      %gt3A_486 = arith.cmpi sgt, %gather3A_43, %gt3A_485 : vector<16xi32>
      %mul3A_487 = arith.mulf %gather3A, %gather3A_483 : vector<16xf32>
      %jit3A_488 = arith.constant 0.000000e+00 : f32
      %broadcast_in_dim3A_489 = vector.broadcast %jit3A_488 : f32 to vector<16xf32>
      %select_n3A_490 = arith.select %gt3A_486, %mul3A_487, %broadcast_in_dim3A_489 : vector<16xi1>, vector<16xf32>
      tpu.vector_store_idx %arg9[%add3A_481], %select_n3A_490 : memref<20480xf32, #tpu.memory_space<vmem>>[vector<16xi32>], vector<16xf32>,
      %mul3A_491 = arith.constant 64 : i32
      %mul3A_492 = vector.broadcast %mul3A_491 : i32 to vector<16xi32>
      %mul3A_493 = arith.muli %add3A_40, %mul3A_492 : vector<16xi32>
      %add3A_494 = arith.constant 30 : i32
      %add3A_495 = vector.broadcast %add3A_494 : i32 to vector<16xi32>
      %add3A_496 = arith.addi %mul3A_493, %add3A_495 : vector<16xi32>
      %gather3A_497 = tpu.vector_load_idx %arg8[%add3A_496] : memref<20480xi32, #tpu.memory_space<vmem>>[vector<16xi32>], vector<16xi32>,
      %gather3A_498 = tpu.vector_load_idx %arg7[%gather3A_497] : memref<10240xf32, #tpu.memory_space<vmem>>[vector<16xi32>], vector<16xf32>,
      %gt3A_499 = arith.constant 30 : i32
      %gt3A_500 = vector.broadcast %gt3A_499 : i32 to vector<16xi32>
      %gt3A_501 = arith.cmpi sgt, %gather3A_43, %gt3A_500 : vector<16xi32>
      %mul3A_502 = arith.mulf %gather3A, %gather3A_498 : vector<16xf32>
      %jit3A_503 = arith.constant 0.000000e+00 : f32
      %broadcast_in_dim3A_504 = vector.broadcast %jit3A_503 : f32 to vector<16xf32>
      %select_n3A_505 = arith.select %gt3A_501, %mul3A_502, %broadcast_in_dim3A_504 : vector<16xi1>, vector<16xf32>
      tpu.vector_store_idx %arg9[%add3A_496], %select_n3A_505 : memref<20480xf32, #tpu.memory_space<vmem>>[vector<16xi32>], vector<16xf32>,
      %mul3A_506 = arith.constant 64 : i32
      %mul3A_507 = vector.broadcast %mul3A_506 : i32 to vector<16xi32>
      %mul3A_508 = arith.muli %add3A_40, %mul3A_507 : vector<16xi32>
      %add3A_509 = arith.constant 31 : i32
      %add3A_510 = vector.broadcast %add3A_509 : i32 to vector<16xi32>
      %add3A_511 = arith.addi %mul3A_508, %add3A_510 : vector<16xi32>
      %gather3A_512 = tpu.vector_load_idx %arg8[%add3A_511] : memref<20480xi32, #tpu.memory_space<vmem>>[vector<16xi32>], vector<16xi32>,
      %gather3A_513 = tpu.vector_load_idx %arg7[%gather3A_512] : memref<10240xf32, #tpu.memory_space<vmem>>[vector<16xi32>], vector<16xf32>,
      %gt3A_514 = arith.constant 31 : i32
      %gt3A_515 = vector.broadcast %gt3A_514 : i32 to vector<16xi32>
      %gt3A_516 = arith.cmpi sgt, %gather3A_43, %gt3A_515 : vector<16xi32>
      %mul3A_517 = arith.mulf %gather3A, %gather3A_513 : vector<16xf32>
      %jit3A_518 = arith.constant 0.000000e+00 : f32
      %broadcast_in_dim3A_519 = vector.broadcast %jit3A_518 : f32 to vector<16xf32>
      %select_n3A_520 = arith.select %gt3A_516, %mul3A_517, %broadcast_in_dim3A_519 : vector<16xi1>, vector<16xf32>
      tpu.vector_store_idx %arg9[%add3A_511], %select_n3A_520 : memref<20480xf32, #tpu.memory_space<vmem>>[vector<16xi32>], vector<16xf32>,
      %mul3A_521 = arith.constant 64 : i32
      %mul3A_522 = vector.broadcast %mul3A_521 : i32 to vector<16xi32>
      %mul3A_523 = arith.muli %add3A_40, %mul3A_522 : vector<16xi32>
      %add3A_524 = arith.constant 32 : i32
      %add3A_525 = vector.broadcast %add3A_524 : i32 to vector<16xi32>
      %add3A_526 = arith.addi %mul3A_523, %add3A_525 : vector<16xi32>
      %gather3A_527 = tpu.vector_load_idx %arg8[%add3A_526] : memref<20480xi32, #tpu.memory_space<vmem>>[vector<16xi32>], vector<16xi32>,
      %gather3A_528 = tpu.vector_load_idx %arg7[%gather3A_527] : memref<10240xf32, #tpu.memory_space<vmem>>[vector<16xi32>], vector<16xf32>,
      %gt3A_529 = arith.constant 32 : i32
      %gt3A_530 = vector.broadcast %gt3A_529 : i32 to vector<16xi32>
      %gt3A_531 = arith.cmpi sgt, %gather3A_43, %gt3A_530 : vector<16xi32>
      %mul3A_532 = arith.mulf %gather3A, %gather3A_528 : vector<16xf32>
      %jit3A_533 = arith.constant 0.000000e+00 : f32
      %broadcast_in_dim3A_534 = vector.broadcast %jit3A_533 : f32 to vector<16xf32>
      %select_n3A_535 = arith.select %gt3A_531, %mul3A_532, %broadcast_in_dim3A_534 : vector<16xi1>, vector<16xf32>
      tpu.vector_store_idx %arg9[%add3A_526], %select_n3A_535 : memref<20480xf32, #tpu.memory_space<vmem>>[vector<16xi32>], vector<16xf32>,
      %mul3A_536 = arith.constant 64 : i32
      %mul3A_537 = vector.broadcast %mul3A_536 : i32 to vector<16xi32>
      %mul3A_538 = arith.muli %add3A_40, %mul3A_537 : vector<16xi32>
      %add3A_539 = arith.constant 33 : i32
      %add3A_540 = vector.broadcast %add3A_539 : i32 to vector<16xi32>
      %add3A_541 = arith.addi %mul3A_538, %add3A_540 : vector<16xi32>
      %gather3A_542 = tpu.vector_load_idx %arg8[%add3A_541] : memref<20480xi32, #tpu.memory_space<vmem>>[vector<16xi32>], vector<16xi32>,
      %gather3A_543 = tpu.vector_load_idx %arg7[%gather3A_542] : memref<10240xf32, #tpu.memory_space<vmem>>[vector<16xi32>], vector<16xf32>,
      %gt3A_544 = arith.constant 33 : i32
      %gt3A_545 = vector.broadcast %gt3A_544 : i32 to vector<16xi32>
      %gt3A_546 = arith.cmpi sgt, %gather3A_43, %gt3A_545 : vector<16xi32>
      %mul3A_547 = arith.mulf %gather3A, %gather3A_543 : vector<16xf32>
      %jit3A_548 = arith.constant 0.000000e+00 : f32
      %broadcast_in_dim3A_549 = vector.broadcast %jit3A_548 : f32 to vector<16xf32>
      %select_n3A_550 = arith.select %gt3A_546, %mul3A_547, %broadcast_in_dim3A_549 : vector<16xi1>, vector<16xf32>
      tpu.vector_store_idx %arg9[%add3A_541], %select_n3A_550 : memref<20480xf32, #tpu.memory_space<vmem>>[vector<16xi32>], vector<16xf32>,
      %mul3A_551 = arith.constant 64 : i32
      %mul3A_552 = vector.broadcast %mul3A_551 : i32 to vector<16xi32>
      %mul3A_553 = arith.muli %add3A_40, %mul3A_552 : vector<16xi32>
      %add3A_554 = arith.constant 34 : i32
      %add3A_555 = vector.broadcast %add3A_554 : i32 to vector<16xi32>
      %add3A_556 = arith.addi %mul3A_553, %add3A_555 : vector<16xi32>
      %gather3A_557 = tpu.vector_load_idx %arg8[%add3A_556] : memref<20480xi32, #tpu.memory_space<vmem>>[vector<16xi32>], vector<16xi32>,
      %gather3A_558 = tpu.vector_load_idx %arg7[%gather3A_557] : memref<10240xf32, #tpu.memory_space<vmem>>[vector<16xi32>], vector<16xf32>,
      %gt3A_559 = arith.constant 34 : i32
      %gt3A_560 = vector.broadcast %gt3A_559 : i32 to vector<16xi32>
      %gt3A_561 = arith.cmpi sgt, %gather3A_43, %gt3A_560 : vector<16xi32>
      %mul3A_562 = arith.mulf %gather3A, %gather3A_558 : vector<16xf32>
      %jit3A_563 = arith.constant 0.000000e+00 : f32
      %broadcast_in_dim3A_564 = vector.broadcast %jit3A_563 : f32 to vector<16xf32>
      %select_n3A_565 = arith.select %gt3A_561, %mul3A_562, %broadcast_in_dim3A_564 : vector<16xi1>, vector<16xf32>
      tpu.vector_store_idx %arg9[%add3A_556], %select_n3A_565 : memref<20480xf32, #tpu.memory_space<vmem>>[vector<16xi32>], vector<16xf32>,
      %mul3A_566 = arith.constant 64 : i32
      %mul3A_567 = vector.broadcast %mul3A_566 : i32 to vector<16xi32>
      %mul3A_568 = arith.muli %add3A_40, %mul3A_567 : vector<16xi32>
      %add3A_569 = arith.constant 35 : i32
      %add3A_570 = vector.broadcast %add3A_569 : i32 to vector<16xi32>
      %add3A_571 = arith.addi %mul3A_568, %add3A_570 : vector<16xi32>
      %gather3A_572 = tpu.vector_load_idx %arg8[%add3A_571] : memref<20480xi32, #tpu.memory_space<vmem>>[vector<16xi32>], vector<16xi32>,
      %gather3A_573 = tpu.vector_load_idx %arg7[%gather3A_572] : memref<10240xf32, #tpu.memory_space<vmem>>[vector<16xi32>], vector<16xf32>,
      %gt3A_574 = arith.constant 35 : i32
      %gt3A_575 = vector.broadcast %gt3A_574 : i32 to vector<16xi32>
      %gt3A_576 = arith.cmpi sgt, %gather3A_43, %gt3A_575 : vector<16xi32>
      %mul3A_577 = arith.mulf %gather3A, %gather3A_573 : vector<16xf32>
      %jit3A_578 = arith.constant 0.000000e+00 : f32
      %broadcast_in_dim3A_579 = vector.broadcast %jit3A_578 : f32 to vector<16xf32>
      %select_n3A_580 = arith.select %gt3A_576, %mul3A_577, %broadcast_in_dim3A_579 : vector<16xi1>, vector<16xf32>
      tpu.vector_store_idx %arg9[%add3A_571], %select_n3A_580 : memref<20480xf32, #tpu.memory_space<vmem>>[vector<16xi32>], vector<16xf32>,
      %mul3A_581 = arith.constant 64 : i32
      %mul3A_582 = vector.broadcast %mul3A_581 : i32 to vector<16xi32>
      %mul3A_583 = arith.muli %add3A_40, %mul3A_582 : vector<16xi32>
      %add3A_584 = arith.constant 36 : i32
      %add3A_585 = vector.broadcast %add3A_584 : i32 to vector<16xi32>
      %add3A_586 = arith.addi %mul3A_583, %add3A_585 : vector<16xi32>
      %gather3A_587 = tpu.vector_load_idx %arg8[%add3A_586] : memref<20480xi32, #tpu.memory_space<vmem>>[vector<16xi32>], vector<16xi32>,
      %gather3A_588 = tpu.vector_load_idx %arg7[%gather3A_587] : memref<10240xf32, #tpu.memory_space<vmem>>[vector<16xi32>], vector<16xf32>,
      %gt3A_589 = arith.constant 36 : i32
      %gt3A_590 = vector.broadcast %gt3A_589 : i32 to vector<16xi32>
      %gt3A_591 = arith.cmpi sgt, %gather3A_43, %gt3A_590 : vector<16xi32>
      %mul3A_592 = arith.mulf %gather3A, %gather3A_588 : vector<16xf32>
      %jit3A_593 = arith.constant 0.000000e+00 : f32
      %broadcast_in_dim3A_594 = vector.broadcast %jit3A_593 : f32 to vector<16xf32>
      %select_n3A_595 = arith.select %gt3A_591, %mul3A_592, %broadcast_in_dim3A_594 : vector<16xi1>, vector<16xf32>
      tpu.vector_store_idx %arg9[%add3A_586], %select_n3A_595 : memref<20480xf32, #tpu.memory_space<vmem>>[vector<16xi32>], vector<16xf32>,
      %mul3A_596 = arith.constant 64 : i32
      %mul3A_597 = vector.broadcast %mul3A_596 : i32 to vector<16xi32>
      %mul3A_598 = arith.muli %add3A_40, %mul3A_597 : vector<16xi32>
      %add3A_599 = arith.constant 37 : i32
      %add3A_600 = vector.broadcast %add3A_599 : i32 to vector<16xi32>
      %add3A_601 = arith.addi %mul3A_598, %add3A_600 : vector<16xi32>
      %gather3A_602 = tpu.vector_load_idx %arg8[%add3A_601] : memref<20480xi32, #tpu.memory_space<vmem>>[vector<16xi32>], vector<16xi32>,
      %gather3A_603 = tpu.vector_load_idx %arg7[%gather3A_602] : memref<10240xf32, #tpu.memory_space<vmem>>[vector<16xi32>], vector<16xf32>,
      %gt3A_604 = arith.constant 37 : i32
      %gt3A_605 = vector.broadcast %gt3A_604 : i32 to vector<16xi32>
      %gt3A_606 = arith.cmpi sgt, %gather3A_43, %gt3A_605 : vector<16xi32>
      %mul3A_607 = arith.mulf %gather3A, %gather3A_603 : vector<16xf32>
      %jit3A_608 = arith.constant 0.000000e+00 : f32
      %broadcast_in_dim3A_609 = vector.broadcast %jit3A_608 : f32 to vector<16xf32>
      %select_n3A_610 = arith.select %gt3A_606, %mul3A_607, %broadcast_in_dim3A_609 : vector<16xi1>, vector<16xf32>
      tpu.vector_store_idx %arg9[%add3A_601], %select_n3A_610 : memref<20480xf32, #tpu.memory_space<vmem>>[vector<16xi32>], vector<16xf32>,
      %mul3A_611 = arith.constant 64 : i32
      %mul3A_612 = vector.broadcast %mul3A_611 : i32 to vector<16xi32>
      %mul3A_613 = arith.muli %add3A_40, %mul3A_612 : vector<16xi32>
      %add3A_614 = arith.constant 38 : i32
      %add3A_615 = vector.broadcast %add3A_614 : i32 to vector<16xi32>
      %add3A_616 = arith.addi %mul3A_613, %add3A_615 : vector<16xi32>
      %gather3A_617 = tpu.vector_load_idx %arg8[%add3A_616] : memref<20480xi32, #tpu.memory_space<vmem>>[vector<16xi32>], vector<16xi32>,
      %gather3A_618 = tpu.vector_load_idx %arg7[%gather3A_617] : memref<10240xf32, #tpu.memory_space<vmem>>[vector<16xi32>], vector<16xf32>,
      %gt3A_619 = arith.constant 38 : i32
      %gt3A_620 = vector.broadcast %gt3A_619 : i32 to vector<16xi32>
      %gt3A_621 = arith.cmpi sgt, %gather3A_43, %gt3A_620 : vector<16xi32>
      %mul3A_622 = arith.mulf %gather3A, %gather3A_618 : vector<16xf32>
      %jit3A_623 = arith.constant 0.000000e+00 : f32
      %broadcast_in_dim3A_624 = vector.broadcast %jit3A_623 : f32 to vector<16xf32>
      %select_n3A_625 = arith.select %gt3A_621, %mul3A_622, %broadcast_in_dim3A_624 : vector<16xi1>, vector<16xf32>
      tpu.vector_store_idx %arg9[%add3A_616], %select_n3A_625 : memref<20480xf32, #tpu.memory_space<vmem>>[vector<16xi32>], vector<16xf32>,
      %mul3A_626 = arith.constant 64 : i32
      %mul3A_627 = vector.broadcast %mul3A_626 : i32 to vector<16xi32>
      %mul3A_628 = arith.muli %add3A_40, %mul3A_627 : vector<16xi32>
      %add3A_629 = arith.constant 39 : i32
      %add3A_630 = vector.broadcast %add3A_629 : i32 to vector<16xi32>
      %add3A_631 = arith.addi %mul3A_628, %add3A_630 : vector<16xi32>
      %gather3A_632 = tpu.vector_load_idx %arg8[%add3A_631] : memref<20480xi32, #tpu.memory_space<vmem>>[vector<16xi32>], vector<16xi32>,
      %gather3A_633 = tpu.vector_load_idx %arg7[%gather3A_632] : memref<10240xf32, #tpu.memory_space<vmem>>[vector<16xi32>], vector<16xf32>,
      %gt3A_634 = arith.constant 39 : i32
      %gt3A_635 = vector.broadcast %gt3A_634 : i32 to vector<16xi32>
      %gt3A_636 = arith.cmpi sgt, %gather3A_43, %gt3A_635 : vector<16xi32>
      %mul3A_637 = arith.mulf %gather3A, %gather3A_633 : vector<16xf32>
      %jit3A_638 = arith.constant 0.000000e+00 : f32
      %broadcast_in_dim3A_639 = vector.broadcast %jit3A_638 : f32 to vector<16xf32>
      %select_n3A_640 = arith.select %gt3A_636, %mul3A_637, %broadcast_in_dim3A_639 : vector<16xi1>, vector<16xf32>
      tpu.vector_store_idx %arg9[%add3A_631], %select_n3A_640 : memref<20480xf32, #tpu.memory_space<vmem>>[vector<16xi32>], vector<16xf32>,
      %mul3A_641 = arith.constant 64 : i32
      %mul3A_642 = vector.broadcast %mul3A_641 : i32 to vector<16xi32>
      %mul3A_643 = arith.muli %add3A_40, %mul3A_642 : vector<16xi32>
      %add3A_644 = arith.constant 40 : i32
      %add3A_645 = vector.broadcast %add3A_644 : i32 to vector<16xi32>
      %add3A_646 = arith.addi %mul3A_643, %add3A_645 : vector<16xi32>
      %gather3A_647 = tpu.vector_load_idx %arg8[%add3A_646] : memref<20480xi32, #tpu.memory_space<vmem>>[vector<16xi32>], vector<16xi32>,
      %gather3A_648 = tpu.vector_load_idx %arg7[%gather3A_647] : memref<10240xf32, #tpu.memory_space<vmem>>[vector<16xi32>], vector<16xf32>,
      %gt3A_649 = arith.constant 40 : i32
      %gt3A_650 = vector.broadcast %gt3A_649 : i32 to vector<16xi32>
      %gt3A_651 = arith.cmpi sgt, %gather3A_43, %gt3A_650 : vector<16xi32>
      %mul3A_652 = arith.mulf %gather3A, %gather3A_648 : vector<16xf32>
      %jit3A_653 = arith.constant 0.000000e+00 : f32
      %broadcast_in_dim3A_654 = vector.broadcast %jit3A_653 : f32 to vector<16xf32>
      %select_n3A_655 = arith.select %gt3A_651, %mul3A_652, %broadcast_in_dim3A_654 : vector<16xi1>, vector<16xf32>
      tpu.vector_store_idx %arg9[%add3A_646], %select_n3A_655 : memref<20480xf32, #tpu.memory_space<vmem>>[vector<16xi32>], vector<16xf32>,
      %mul3A_656 = arith.constant 64 : i32
      %mul3A_657 = vector.broadcast %mul3A_656 : i32 to vector<16xi32>
      %mul3A_658 = arith.muli %add3A_40, %mul3A_657 : vector<16xi32>
      %add3A_659 = arith.constant 41 : i32
      %add3A_660 = vector.broadcast %add3A_659 : i32 to vector<16xi32>
      %add3A_661 = arith.addi %mul3A_658, %add3A_660 : vector<16xi32>
      %gather3A_662 = tpu.vector_load_idx %arg8[%add3A_661] : memref<20480xi32, #tpu.memory_space<vmem>>[vector<16xi32>], vector<16xi32>,
      %gather3A_663 = tpu.vector_load_idx %arg7[%gather3A_662] : memref<10240xf32, #tpu.memory_space<vmem>>[vector<16xi32>], vector<16xf32>,
      %gt3A_664 = arith.constant 41 : i32
      %gt3A_665 = vector.broadcast %gt3A_664 : i32 to vector<16xi32>
      %gt3A_666 = arith.cmpi sgt, %gather3A_43, %gt3A_665 : vector<16xi32>
      %mul3A_667 = arith.mulf %gather3A, %gather3A_663 : vector<16xf32>
      %jit3A_668 = arith.constant 0.000000e+00 : f32
      %broadcast_in_dim3A_669 = vector.broadcast %jit3A_668 : f32 to vector<16xf32>
      %select_n3A_670 = arith.select %gt3A_666, %mul3A_667, %broadcast_in_dim3A_669 : vector<16xi1>, vector<16xf32>
      tpu.vector_store_idx %arg9[%add3A_661], %select_n3A_670 : memref<20480xf32, #tpu.memory_space<vmem>>[vector<16xi32>], vector<16xf32>,
      %mul3A_671 = arith.constant 64 : i32
      %mul3A_672 = vector.broadcast %mul3A_671 : i32 to vector<16xi32>
      %mul3A_673 = arith.muli %add3A_40, %mul3A_672 : vector<16xi32>
      %add3A_674 = arith.constant 42 : i32
      %add3A_675 = vector.broadcast %add3A_674 : i32 to vector<16xi32>
      %add3A_676 = arith.addi %mul3A_673, %add3A_675 : vector<16xi32>
      %gather3A_677 = tpu.vector_load_idx %arg8[%add3A_676] : memref<20480xi32, #tpu.memory_space<vmem>>[vector<16xi32>], vector<16xi32>,
      %gather3A_678 = tpu.vector_load_idx %arg7[%gather3A_677] : memref<10240xf32, #tpu.memory_space<vmem>>[vector<16xi32>], vector<16xf32>,
      %gt3A_679 = arith.constant 42 : i32
      %gt3A_680 = vector.broadcast %gt3A_679 : i32 to vector<16xi32>
      %gt3A_681 = arith.cmpi sgt, %gather3A_43, %gt3A_680 : vector<16xi32>
      %mul3A_682 = arith.mulf %gather3A, %gather3A_678 : vector<16xf32>
      %jit3A_683 = arith.constant 0.000000e+00 : f32
      %broadcast_in_dim3A_684 = vector.broadcast %jit3A_683 : f32 to vector<16xf32>
      %select_n3A_685 = arith.select %gt3A_681, %mul3A_682, %broadcast_in_dim3A_684 : vector<16xi1>, vector<16xf32>
      tpu.vector_store_idx %arg9[%add3A_676], %select_n3A_685 : memref<20480xf32, #tpu.memory_space<vmem>>[vector<16xi32>], vector<16xf32>,
      %mul3A_686 = arith.constant 64 : i32
      %mul3A_687 = vector.broadcast %mul3A_686 : i32 to vector<16xi32>
      %mul3A_688 = arith.muli %add3A_40, %mul3A_687 : vector<16xi32>
      %add3A_689 = arith.constant 43 : i32
      %add3A_690 = vector.broadcast %add3A_689 : i32 to vector<16xi32>
      %add3A_691 = arith.addi %mul3A_688, %add3A_690 : vector<16xi32>
      %gather3A_692 = tpu.vector_load_idx %arg8[%add3A_691] : memref<20480xi32, #tpu.memory_space<vmem>>[vector<16xi32>], vector<16xi32>,
      %gather3A_693 = tpu.vector_load_idx %arg7[%gather3A_692] : memref<10240xf32, #tpu.memory_space<vmem>>[vector<16xi32>], vector<16xf32>,
      %gt3A_694 = arith.constant 43 : i32
      %gt3A_695 = vector.broadcast %gt3A_694 : i32 to vector<16xi32>
      %gt3A_696 = arith.cmpi sgt, %gather3A_43, %gt3A_695 : vector<16xi32>
      %mul3A_697 = arith.mulf %gather3A, %gather3A_693 : vector<16xf32>
      %jit3A_698 = arith.constant 0.000000e+00 : f32
      %broadcast_in_dim3A_699 = vector.broadcast %jit3A_698 : f32 to vector<16xf32>
      %select_n3A_700 = arith.select %gt3A_696, %mul3A_697, %broadcast_in_dim3A_699 : vector<16xi1>, vector<16xf32>
      tpu.vector_store_idx %arg9[%add3A_691], %select_n3A_700 : memref<20480xf32, #tpu.memory_space<vmem>>[vector<16xi32>], vector<16xf32>,
      %mul3A_701 = arith.constant 64 : i32
      %mul3A_702 = vector.broadcast %mul3A_701 : i32 to vector<16xi32>
      %mul3A_703 = arith.muli %add3A_40, %mul3A_702 : vector<16xi32>
      %add3A_704 = arith.constant 44 : i32
      %add3A_705 = vector.broadcast %add3A_704 : i32 to vector<16xi32>
      %add3A_706 = arith.addi %mul3A_703, %add3A_705 : vector<16xi32>
      %gather3A_707 = tpu.vector_load_idx %arg8[%add3A_706] : memref<20480xi32, #tpu.memory_space<vmem>>[vector<16xi32>], vector<16xi32>,
      %gather3A_708 = tpu.vector_load_idx %arg7[%gather3A_707] : memref<10240xf32, #tpu.memory_space<vmem>>[vector<16xi32>], vector<16xf32>,
      %gt3A_709 = arith.constant 44 : i32
      %gt3A_710 = vector.broadcast %gt3A_709 : i32 to vector<16xi32>
      %gt3A_711 = arith.cmpi sgt, %gather3A_43, %gt3A_710 : vector<16xi32>
      %mul3A_712 = arith.mulf %gather3A, %gather3A_708 : vector<16xf32>
      %jit3A_713 = arith.constant 0.000000e+00 : f32
      %broadcast_in_dim3A_714 = vector.broadcast %jit3A_713 : f32 to vector<16xf32>
      %select_n3A_715 = arith.select %gt3A_711, %mul3A_712, %broadcast_in_dim3A_714 : vector<16xi1>, vector<16xf32>
      tpu.vector_store_idx %arg9[%add3A_706], %select_n3A_715 : memref<20480xf32, #tpu.memory_space<vmem>>[vector<16xi32>], vector<16xf32>,
      %mul3A_716 = arith.constant 64 : i32
      %mul3A_717 = vector.broadcast %mul3A_716 : i32 to vector<16xi32>
      %mul3A_718 = arith.muli %add3A_40, %mul3A_717 : vector<16xi32>
      %add3A_719 = arith.constant 45 : i32
      %add3A_720 = vector.broadcast %add3A_719 : i32 to vector<16xi32>
      %add3A_721 = arith.addi %mul3A_718, %add3A_720 : vector<16xi32>
      %gather3A_722 = tpu.vector_load_idx %arg8[%add3A_721] : memref<20480xi32, #tpu.memory_space<vmem>>[vector<16xi32>], vector<16xi32>,
      %gather3A_723 = tpu.vector_load_idx %arg7[%gather3A_722] : memref<10240xf32, #tpu.memory_space<vmem>>[vector<16xi32>], vector<16xf32>,
      %gt3A_724 = arith.constant 45 : i32
      %gt3A_725 = vector.broadcast %gt3A_724 : i32 to vector<16xi32>
      %gt3A_726 = arith.cmpi sgt, %gather3A_43, %gt3A_725 : vector<16xi32>
      %mul3A_727 = arith.mulf %gather3A, %gather3A_723 : vector<16xf32>
      %jit3A_728 = arith.constant 0.000000e+00 : f32
      %broadcast_in_dim3A_729 = vector.broadcast %jit3A_728 : f32 to vector<16xf32>
      %select_n3A_730 = arith.select %gt3A_726, %mul3A_727, %broadcast_in_dim3A_729 : vector<16xi1>, vector<16xf32>
      tpu.vector_store_idx %arg9[%add3A_721], %select_n3A_730 : memref<20480xf32, #tpu.memory_space<vmem>>[vector<16xi32>], vector<16xf32>,
      %mul3A_731 = arith.constant 64 : i32
      %mul3A_732 = vector.broadcast %mul3A_731 : i32 to vector<16xi32>
      %mul3A_733 = arith.muli %add3A_40, %mul3A_732 : vector<16xi32>
      %add3A_734 = arith.constant 46 : i32
      %add3A_735 = vector.broadcast %add3A_734 : i32 to vector<16xi32>
      %add3A_736 = arith.addi %mul3A_733, %add3A_735 : vector<16xi32>
      %gather3A_737 = tpu.vector_load_idx %arg8[%add3A_736] : memref<20480xi32, #tpu.memory_space<vmem>>[vector<16xi32>], vector<16xi32>,
      %gather3A_738 = tpu.vector_load_idx %arg7[%gather3A_737] : memref<10240xf32, #tpu.memory_space<vmem>>[vector<16xi32>], vector<16xf32>,
      %gt3A_739 = arith.constant 46 : i32
      %gt3A_740 = vector.broadcast %gt3A_739 : i32 to vector<16xi32>
      %gt3A_741 = arith.cmpi sgt, %gather3A_43, %gt3A_740 : vector<16xi32>
      %mul3A_742 = arith.mulf %gather3A, %gather3A_738 : vector<16xf32>
      %jit3A_743 = arith.constant 0.000000e+00 : f32
      %broadcast_in_dim3A_744 = vector.broadcast %jit3A_743 : f32 to vector<16xf32>
      %select_n3A_745 = arith.select %gt3A_741, %mul3A_742, %broadcast_in_dim3A_744 : vector<16xi1>, vector<16xf32>
      tpu.vector_store_idx %arg9[%add3A_736], %select_n3A_745 : memref<20480xf32, #tpu.memory_space<vmem>>[vector<16xi32>], vector<16xf32>,
      %mul3A_746 = arith.constant 64 : i32
      %mul3A_747 = vector.broadcast %mul3A_746 : i32 to vector<16xi32>
      %mul3A_748 = arith.muli %add3A_40, %mul3A_747 : vector<16xi32>
      %add3A_749 = arith.constant 47 : i32
      %add3A_750 = vector.broadcast %add3A_749 : i32 to vector<16xi32>
      %add3A_751 = arith.addi %mul3A_748, %add3A_750 : vector<16xi32>
      %gather3A_752 = tpu.vector_load_idx %arg8[%add3A_751] : memref<20480xi32, #tpu.memory_space<vmem>>[vector<16xi32>], vector<16xi32>,
      %gather3A_753 = tpu.vector_load_idx %arg7[%gather3A_752] : memref<10240xf32, #tpu.memory_space<vmem>>[vector<16xi32>], vector<16xf32>,
      %gt3A_754 = arith.constant 47 : i32
      %gt3A_755 = vector.broadcast %gt3A_754 : i32 to vector<16xi32>
      %gt3A_756 = arith.cmpi sgt, %gather3A_43, %gt3A_755 : vector<16xi32>
      %mul3A_757 = arith.mulf %gather3A, %gather3A_753 : vector<16xf32>
      %jit3A_758 = arith.constant 0.000000e+00 : f32
      %broadcast_in_dim3A_759 = vector.broadcast %jit3A_758 : f32 to vector<16xf32>
      %select_n3A_760 = arith.select %gt3A_756, %mul3A_757, %broadcast_in_dim3A_759 : vector<16xi1>, vector<16xf32>
      tpu.vector_store_idx %arg9[%add3A_751], %select_n3A_760 : memref<20480xf32, #tpu.memory_space<vmem>>[vector<16xi32>], vector<16xf32>,
      %mul3A_761 = arith.constant 64 : i32
      %mul3A_762 = vector.broadcast %mul3A_761 : i32 to vector<16xi32>
      %mul3A_763 = arith.muli %add3A_40, %mul3A_762 : vector<16xi32>
      %add3A_764 = arith.constant 48 : i32
      %add3A_765 = vector.broadcast %add3A_764 : i32 to vector<16xi32>
      %add3A_766 = arith.addi %mul3A_763, %add3A_765 : vector<16xi32>
      %gather3A_767 = tpu.vector_load_idx %arg8[%add3A_766] : memref<20480xi32, #tpu.memory_space<vmem>>[vector<16xi32>], vector<16xi32>,
      %gather3A_768 = tpu.vector_load_idx %arg7[%gather3A_767] : memref<10240xf32, #tpu.memory_space<vmem>>[vector<16xi32>], vector<16xf32>,
      %gt3A_769 = arith.constant 48 : i32
      %gt3A_770 = vector.broadcast %gt3A_769 : i32 to vector<16xi32>
      %gt3A_771 = arith.cmpi sgt, %gather3A_43, %gt3A_770 : vector<16xi32>
      %mul3A_772 = arith.mulf %gather3A, %gather3A_768 : vector<16xf32>
      %jit3A_773 = arith.constant 0.000000e+00 : f32
      %broadcast_in_dim3A_774 = vector.broadcast %jit3A_773 : f32 to vector<16xf32>
      %select_n3A_775 = arith.select %gt3A_771, %mul3A_772, %broadcast_in_dim3A_774 : vector<16xi1>, vector<16xf32>
      tpu.vector_store_idx %arg9[%add3A_766], %select_n3A_775 : memref<20480xf32, #tpu.memory_space<vmem>>[vector<16xi32>], vector<16xf32>,
      %mul3A_776 = arith.constant 64 : i32
      %mul3A_777 = vector.broadcast %mul3A_776 : i32 to vector<16xi32>
      %mul3A_778 = arith.muli %add3A_40, %mul3A_777 : vector<16xi32>
      %add3A_779 = arith.constant 49 : i32
      %add3A_780 = vector.broadcast %add3A_779 : i32 to vector<16xi32>
      %add3A_781 = arith.addi %mul3A_778, %add3A_780 : vector<16xi32>
      %gather3A_782 = tpu.vector_load_idx %arg8[%add3A_781] : memref<20480xi32, #tpu.memory_space<vmem>>[vector<16xi32>], vector<16xi32>,
      %gather3A_783 = tpu.vector_load_idx %arg7[%gather3A_782] : memref<10240xf32, #tpu.memory_space<vmem>>[vector<16xi32>], vector<16xf32>,
      %gt3A_784 = arith.constant 49 : i32
      %gt3A_785 = vector.broadcast %gt3A_784 : i32 to vector<16xi32>
      %gt3A_786 = arith.cmpi sgt, %gather3A_43, %gt3A_785 : vector<16xi32>
      %mul3A_787 = arith.mulf %gather3A, %gather3A_783 : vector<16xf32>
      %jit3A_788 = arith.constant 0.000000e+00 : f32
      %broadcast_in_dim3A_789 = vector.broadcast %jit3A_788 : f32 to vector<16xf32>
      %select_n3A_790 = arith.select %gt3A_786, %mul3A_787, %broadcast_in_dim3A_789 : vector<16xi1>, vector<16xf32>
      tpu.vector_store_idx %arg9[%add3A_781], %select_n3A_790 : memref<20480xf32, #tpu.memory_space<vmem>>[vector<16xi32>], vector<16xf32>,
      %mul3A_791 = arith.constant 64 : i32
      %mul3A_792 = vector.broadcast %mul3A_791 : i32 to vector<16xi32>
      %mul3A_793 = arith.muli %add3A_40, %mul3A_792 : vector<16xi32>
      %add3A_794 = arith.constant 50 : i32
      %add3A_795 = vector.broadcast %add3A_794 : i32 to vector<16xi32>
      %add3A_796 = arith.addi %mul3A_793, %add3A_795 : vector<16xi32>
      %gather3A_797 = tpu.vector_load_idx %arg8[%add3A_796] : memref<20480xi32, #tpu.memory_space<vmem>>[vector<16xi32>], vector<16xi32>,
      %gather3A_798 = tpu.vector_load_idx %arg7[%gather3A_797] : memref<10240xf32, #tpu.memory_space<vmem>>[vector<16xi32>], vector<16xf32>,
      %gt3A_799 = arith.constant 50 : i32
      %gt3A_800 = vector.broadcast %gt3A_799 : i32 to vector<16xi32>
      %gt3A_801 = arith.cmpi sgt, %gather3A_43, %gt3A_800 : vector<16xi32>
      %mul3A_802 = arith.mulf %gather3A, %gather3A_798 : vector<16xf32>
      %jit3A_803 = arith.constant 0.000000e+00 : f32
      %broadcast_in_dim3A_804 = vector.broadcast %jit3A_803 : f32 to vector<16xf32>
      %select_n3A_805 = arith.select %gt3A_801, %mul3A_802, %broadcast_in_dim3A_804 : vector<16xi1>, vector<16xf32>
      tpu.vector_store_idx %arg9[%add3A_796], %select_n3A_805 : memref<20480xf32, #tpu.memory_space<vmem>>[vector<16xi32>], vector<16xf32>,
      %mul3A_806 = arith.constant 64 : i32
      %mul3A_807 = vector.broadcast %mul3A_806 : i32 to vector<16xi32>
      %mul3A_808 = arith.muli %add3A_40, %mul3A_807 : vector<16xi32>
      %add3A_809 = arith.constant 51 : i32
      %add3A_810 = vector.broadcast %add3A_809 : i32 to vector<16xi32>
      %add3A_811 = arith.addi %mul3A_808, %add3A_810 : vector<16xi32>
      %gather3A_812 = tpu.vector_load_idx %arg8[%add3A_811] : memref<20480xi32, #tpu.memory_space<vmem>>[vector<16xi32>], vector<16xi32>,
      %gather3A_813 = tpu.vector_load_idx %arg7[%gather3A_812] : memref<10240xf32, #tpu.memory_space<vmem>>[vector<16xi32>], vector<16xf32>,
      %gt3A_814 = arith.constant 51 : i32
      %gt3A_815 = vector.broadcast %gt3A_814 : i32 to vector<16xi32>
      %gt3A_816 = arith.cmpi sgt, %gather3A_43, %gt3A_815 : vector<16xi32>
      %mul3A_817 = arith.mulf %gather3A, %gather3A_813 : vector<16xf32>
      %jit3A_818 = arith.constant 0.000000e+00 : f32
      %broadcast_in_dim3A_819 = vector.broadcast %jit3A_818 : f32 to vector<16xf32>
      %select_n3A_820 = arith.select %gt3A_816, %mul3A_817, %broadcast_in_dim3A_819 : vector<16xi1>, vector<16xf32>
      tpu.vector_store_idx %arg9[%add3A_811], %select_n3A_820 : memref<20480xf32, #tpu.memory_space<vmem>>[vector<16xi32>], vector<16xf32>,
      %mul3A_821 = arith.constant 64 : i32
      %mul3A_822 = vector.broadcast %mul3A_821 : i32 to vector<16xi32>
      %mul3A_823 = arith.muli %add3A_40, %mul3A_822 : vector<16xi32>
      %add3A_824 = arith.constant 52 : i32
      %add3A_825 = vector.broadcast %add3A_824 : i32 to vector<16xi32>
      %add3A_826 = arith.addi %mul3A_823, %add3A_825 : vector<16xi32>
      %gather3A_827 = tpu.vector_load_idx %arg8[%add3A_826] : memref<20480xi32, #tpu.memory_space<vmem>>[vector<16xi32>], vector<16xi32>,
      %gather3A_828 = tpu.vector_load_idx %arg7[%gather3A_827] : memref<10240xf32, #tpu.memory_space<vmem>>[vector<16xi32>], vector<16xf32>,
      %gt3A_829 = arith.constant 52 : i32
      %gt3A_830 = vector.broadcast %gt3A_829 : i32 to vector<16xi32>
      %gt3A_831 = arith.cmpi sgt, %gather3A_43, %gt3A_830 : vector<16xi32>
      %mul3A_832 = arith.mulf %gather3A, %gather3A_828 : vector<16xf32>
      %jit3A_833 = arith.constant 0.000000e+00 : f32
      %broadcast_in_dim3A_834 = vector.broadcast %jit3A_833 : f32 to vector<16xf32>
      %select_n3A_835 = arith.select %gt3A_831, %mul3A_832, %broadcast_in_dim3A_834 : vector<16xi1>, vector<16xf32>
      tpu.vector_store_idx %arg9[%add3A_826], %select_n3A_835 : memref<20480xf32, #tpu.memory_space<vmem>>[vector<16xi32>], vector<16xf32>,
      %mul3A_836 = arith.constant 64 : i32
      %mul3A_837 = vector.broadcast %mul3A_836 : i32 to vector<16xi32>
      %mul3A_838 = arith.muli %add3A_40, %mul3A_837 : vector<16xi32>
      %add3A_839 = arith.constant 53 : i32
      %add3A_840 = vector.broadcast %add3A_839 : i32 to vector<16xi32>
      %add3A_841 = arith.addi %mul3A_838, %add3A_840 : vector<16xi32>
      %gather3A_842 = tpu.vector_load_idx %arg8[%add3A_841] : memref<20480xi32, #tpu.memory_space<vmem>>[vector<16xi32>], vector<16xi32>,
      %gather3A_843 = tpu.vector_load_idx %arg7[%gather3A_842] : memref<10240xf32, #tpu.memory_space<vmem>>[vector<16xi32>], vector<16xf32>,
      %gt3A_844 = arith.constant 53 : i32
      %gt3A_845 = vector.broadcast %gt3A_844 : i32 to vector<16xi32>
      %gt3A_846 = arith.cmpi sgt, %gather3A_43, %gt3A_845 : vector<16xi32>
      %mul3A_847 = arith.mulf %gather3A, %gather3A_843 : vector<16xf32>
      %jit3A_848 = arith.constant 0.000000e+00 : f32
      %broadcast_in_dim3A_849 = vector.broadcast %jit3A_848 : f32 to vector<16xf32>
      %select_n3A_850 = arith.select %gt3A_846, %mul3A_847, %broadcast_in_dim3A_849 : vector<16xi1>, vector<16xf32>
      tpu.vector_store_idx %arg9[%add3A_841], %select_n3A_850 : memref<20480xf32, #tpu.memory_space<vmem>>[vector<16xi32>], vector<16xf32>,
      %mul3A_851 = arith.constant 64 : i32
      %mul3A_852 = vector.broadcast %mul3A_851 : i32 to vector<16xi32>
      %mul3A_853 = arith.muli %add3A_40, %mul3A_852 : vector<16xi32>
      %add3A_854 = arith.constant 54 : i32
      %add3A_855 = vector.broadcast %add3A_854 : i32 to vector<16xi32>
      %add3A_856 = arith.addi %mul3A_853, %add3A_855 : vector<16xi32>
      %gather3A_857 = tpu.vector_load_idx %arg8[%add3A_856] : memref<20480xi32, #tpu.memory_space<vmem>>[vector<16xi32>], vector<16xi32>,
      %gather3A_858 = tpu.vector_load_idx %arg7[%gather3A_857] : memref<10240xf32, #tpu.memory_space<vmem>>[vector<16xi32>], vector<16xf32>,
      %gt3A_859 = arith.constant 54 : i32
      %gt3A_860 = vector.broadcast %gt3A_859 : i32 to vector<16xi32>
      %gt3A_861 = arith.cmpi sgt, %gather3A_43, %gt3A_860 : vector<16xi32>
      %mul3A_862 = arith.mulf %gather3A, %gather3A_858 : vector<16xf32>
      %jit3A_863 = arith.constant 0.000000e+00 : f32
      %broadcast_in_dim3A_864 = vector.broadcast %jit3A_863 : f32 to vector<16xf32>
      %select_n3A_865 = arith.select %gt3A_861, %mul3A_862, %broadcast_in_dim3A_864 : vector<16xi1>, vector<16xf32>
      tpu.vector_store_idx %arg9[%add3A_856], %select_n3A_865 : memref<20480xf32, #tpu.memory_space<vmem>>[vector<16xi32>], vector<16xf32>,
      %mul3A_866 = arith.constant 64 : i32
      %mul3A_867 = vector.broadcast %mul3A_866 : i32 to vector<16xi32>
      %mul3A_868 = arith.muli %add3A_40, %mul3A_867 : vector<16xi32>
      %add3A_869 = arith.constant 55 : i32
      %add3A_870 = vector.broadcast %add3A_869 : i32 to vector<16xi32>
      %add3A_871 = arith.addi %mul3A_868, %add3A_870 : vector<16xi32>
      %gather3A_872 = tpu.vector_load_idx %arg8[%add3A_871] : memref<20480xi32, #tpu.memory_space<vmem>>[vector<16xi32>], vector<16xi32>,
      %gather3A_873 = tpu.vector_load_idx %arg7[%gather3A_872] : memref<10240xf32, #tpu.memory_space<vmem>>[vector<16xi32>], vector<16xf32>,
      %gt3A_874 = arith.constant 55 : i32
      %gt3A_875 = vector.broadcast %gt3A_874 : i32 to vector<16xi32>
      %gt3A_876 = arith.cmpi sgt, %gather3A_43, %gt3A_875 : vector<16xi32>
      %mul3A_877 = arith.mulf %gather3A, %gather3A_873 : vector<16xf32>
      %jit3A_878 = arith.constant 0.000000e+00 : f32
      %broadcast_in_dim3A_879 = vector.broadcast %jit3A_878 : f32 to vector<16xf32>
      %select_n3A_880 = arith.select %gt3A_876, %mul3A_877, %broadcast_in_dim3A_879 : vector<16xi1>, vector<16xf32>
      tpu.vector_store_idx %arg9[%add3A_871], %select_n3A_880 : memref<20480xf32, #tpu.memory_space<vmem>>[vector<16xi32>], vector<16xf32>,
      %mul3A_881 = arith.constant 64 : i32
      %mul3A_882 = vector.broadcast %mul3A_881 : i32 to vector<16xi32>
      %mul3A_883 = arith.muli %add3A_40, %mul3A_882 : vector<16xi32>
      %add3A_884 = arith.constant 56 : i32
      %add3A_885 = vector.broadcast %add3A_884 : i32 to vector<16xi32>
      %add3A_886 = arith.addi %mul3A_883, %add3A_885 : vector<16xi32>
      %gather3A_887 = tpu.vector_load_idx %arg8[%add3A_886] : memref<20480xi32, #tpu.memory_space<vmem>>[vector<16xi32>], vector<16xi32>,
      %gather3A_888 = tpu.vector_load_idx %arg7[%gather3A_887] : memref<10240xf32, #tpu.memory_space<vmem>>[vector<16xi32>], vector<16xf32>,
      %gt3A_889 = arith.constant 56 : i32
      %gt3A_890 = vector.broadcast %gt3A_889 : i32 to vector<16xi32>
      %gt3A_891 = arith.cmpi sgt, %gather3A_43, %gt3A_890 : vector<16xi32>
      %mul3A_892 = arith.mulf %gather3A, %gather3A_888 : vector<16xf32>
      %jit3A_893 = arith.constant 0.000000e+00 : f32
      %broadcast_in_dim3A_894 = vector.broadcast %jit3A_893 : f32 to vector<16xf32>
      %select_n3A_895 = arith.select %gt3A_891, %mul3A_892, %broadcast_in_dim3A_894 : vector<16xi1>, vector<16xf32>
      tpu.vector_store_idx %arg9[%add3A_886], %select_n3A_895 : memref<20480xf32, #tpu.memory_space<vmem>>[vector<16xi32>], vector<16xf32>,
      %mul3A_896 = arith.constant 64 : i32
      %mul3A_897 = vector.broadcast %mul3A_896 : i32 to vector<16xi32>
      %mul3A_898 = arith.muli %add3A_40, %mul3A_897 : vector<16xi32>
      %add3A_899 = arith.constant 57 : i32
      %add3A_900 = vector.broadcast %add3A_899 : i32 to vector<16xi32>
      %add3A_901 = arith.addi %mul3A_898, %add3A_900 : vector<16xi32>
      %gather3A_902 = tpu.vector_load_idx %arg8[%add3A_901] : memref<20480xi32, #tpu.memory_space<vmem>>[vector<16xi32>], vector<16xi32>,
      %gather3A_903 = tpu.vector_load_idx %arg7[%gather3A_902] : memref<10240xf32, #tpu.memory_space<vmem>>[vector<16xi32>], vector<16xf32>,
      %gt3A_904 = arith.constant 57 : i32
      %gt3A_905 = vector.broadcast %gt3A_904 : i32 to vector<16xi32>
      %gt3A_906 = arith.cmpi sgt, %gather3A_43, %gt3A_905 : vector<16xi32>
      %mul3A_907 = arith.mulf %gather3A, %gather3A_903 : vector<16xf32>
      %jit3A_908 = arith.constant 0.000000e+00 : f32
      %broadcast_in_dim3A_909 = vector.broadcast %jit3A_908 : f32 to vector<16xf32>
      %select_n3A_910 = arith.select %gt3A_906, %mul3A_907, %broadcast_in_dim3A_909 : vector<16xi1>, vector<16xf32>
      tpu.vector_store_idx %arg9[%add3A_901], %select_n3A_910 : memref<20480xf32, #tpu.memory_space<vmem>>[vector<16xi32>], vector<16xf32>,
      %mul3A_911 = arith.constant 64 : i32
      %mul3A_912 = vector.broadcast %mul3A_911 : i32 to vector<16xi32>
      %mul3A_913 = arith.muli %add3A_40, %mul3A_912 : vector<16xi32>
      %add3A_914 = arith.constant 58 : i32
      %add3A_915 = vector.broadcast %add3A_914 : i32 to vector<16xi32>
      %add3A_916 = arith.addi %mul3A_913, %add3A_915 : vector<16xi32>
      %gather3A_917 = tpu.vector_load_idx %arg8[%add3A_916] : memref<20480xi32, #tpu.memory_space<vmem>>[vector<16xi32>], vector<16xi32>,
      %gather3A_918 = tpu.vector_load_idx %arg7[%gather3A_917] : memref<10240xf32, #tpu.memory_space<vmem>>[vector<16xi32>], vector<16xf32>,
      %gt3A_919 = arith.constant 58 : i32
      %gt3A_920 = vector.broadcast %gt3A_919 : i32 to vector<16xi32>
      %gt3A_921 = arith.cmpi sgt, %gather3A_43, %gt3A_920 : vector<16xi32>
      %mul3A_922 = arith.mulf %gather3A, %gather3A_918 : vector<16xf32>
      %jit3A_923 = arith.constant 0.000000e+00 : f32
      %broadcast_in_dim3A_924 = vector.broadcast %jit3A_923 : f32 to vector<16xf32>
      %select_n3A_925 = arith.select %gt3A_921, %mul3A_922, %broadcast_in_dim3A_924 : vector<16xi1>, vector<16xf32>
      tpu.vector_store_idx %arg9[%add3A_916], %select_n3A_925 : memref<20480xf32, #tpu.memory_space<vmem>>[vector<16xi32>], vector<16xf32>,
      %mul3A_926 = arith.constant 64 : i32
      %mul3A_927 = vector.broadcast %mul3A_926 : i32 to vector<16xi32>
      %mul3A_928 = arith.muli %add3A_40, %mul3A_927 : vector<16xi32>
      %add3A_929 = arith.constant 59 : i32
      %add3A_930 = vector.broadcast %add3A_929 : i32 to vector<16xi32>
      %add3A_931 = arith.addi %mul3A_928, %add3A_930 : vector<16xi32>
      %gather3A_932 = tpu.vector_load_idx %arg8[%add3A_931] : memref<20480xi32, #tpu.memory_space<vmem>>[vector<16xi32>], vector<16xi32>,
      %gather3A_933 = tpu.vector_load_idx %arg7[%gather3A_932] : memref<10240xf32, #tpu.memory_space<vmem>>[vector<16xi32>], vector<16xf32>,
      %gt3A_934 = arith.constant 59 : i32
      %gt3A_935 = vector.broadcast %gt3A_934 : i32 to vector<16xi32>
      %gt3A_936 = arith.cmpi sgt, %gather3A_43, %gt3A_935 : vector<16xi32>
      %mul3A_937 = arith.mulf %gather3A, %gather3A_933 : vector<16xf32>
      %jit3A_938 = arith.constant 0.000000e+00 : f32
      %broadcast_in_dim3A_939 = vector.broadcast %jit3A_938 : f32 to vector<16xf32>
      %select_n3A_940 = arith.select %gt3A_936, %mul3A_937, %broadcast_in_dim3A_939 : vector<16xi1>, vector<16xf32>
      tpu.vector_store_idx %arg9[%add3A_931], %select_n3A_940 : memref<20480xf32, #tpu.memory_space<vmem>>[vector<16xi32>], vector<16xf32>,
      %mul3A_941 = arith.constant 64 : i32
      %mul3A_942 = vector.broadcast %mul3A_941 : i32 to vector<16xi32>
      %mul3A_943 = arith.muli %add3A_40, %mul3A_942 : vector<16xi32>
      %add3A_944 = arith.constant 60 : i32
      %add3A_945 = vector.broadcast %add3A_944 : i32 to vector<16xi32>
      %add3A_946 = arith.addi %mul3A_943, %add3A_945 : vector<16xi32>
      %gather3A_947 = tpu.vector_load_idx %arg8[%add3A_946] : memref<20480xi32, #tpu.memory_space<vmem>>[vector<16xi32>], vector<16xi32>,
      %gather3A_948 = tpu.vector_load_idx %arg7[%gather3A_947] : memref<10240xf32, #tpu.memory_space<vmem>>[vector<16xi32>], vector<16xf32>,
      %gt3A_949 = arith.constant 60 : i32
      %gt3A_950 = vector.broadcast %gt3A_949 : i32 to vector<16xi32>
      %gt3A_951 = arith.cmpi sgt, %gather3A_43, %gt3A_950 : vector<16xi32>
      %mul3A_952 = arith.mulf %gather3A, %gather3A_948 : vector<16xf32>
      %jit3A_953 = arith.constant 0.000000e+00 : f32
      %broadcast_in_dim3A_954 = vector.broadcast %jit3A_953 : f32 to vector<16xf32>
      %select_n3A_955 = arith.select %gt3A_951, %mul3A_952, %broadcast_in_dim3A_954 : vector<16xi1>, vector<16xf32>
      tpu.vector_store_idx %arg9[%add3A_946], %select_n3A_955 : memref<20480xf32, #tpu.memory_space<vmem>>[vector<16xi32>], vector<16xf32>,
      %mul3A_956 = arith.constant 64 : i32
      %mul3A_957 = vector.broadcast %mul3A_956 : i32 to vector<16xi32>
      %mul3A_958 = arith.muli %add3A_40, %mul3A_957 : vector<16xi32>
      %add3A_959 = arith.constant 61 : i32
      %add3A_960 = vector.broadcast %add3A_959 : i32 to vector<16xi32>
      %add3A_961 = arith.addi %mul3A_958, %add3A_960 : vector<16xi32>
      %gather3A_962 = tpu.vector_load_idx %arg8[%add3A_961] : memref<20480xi32, #tpu.memory_space<vmem>>[vector<16xi32>], vector<16xi32>,
      %gather3A_963 = tpu.vector_load_idx %arg7[%gather3A_962] : memref<10240xf32, #tpu.memory_space<vmem>>[vector<16xi32>], vector<16xf32>,
      %gt3A_964 = arith.constant 61 : i32
      %gt3A_965 = vector.broadcast %gt3A_964 : i32 to vector<16xi32>
      %gt3A_966 = arith.cmpi sgt, %gather3A_43, %gt3A_965 : vector<16xi32>
      %mul3A_967 = arith.mulf %gather3A, %gather3A_963 : vector<16xf32>
      %jit3A_968 = arith.constant 0.000000e+00 : f32
      %broadcast_in_dim3A_969 = vector.broadcast %jit3A_968 : f32 to vector<16xf32>
      %select_n3A_970 = arith.select %gt3A_966, %mul3A_967, %broadcast_in_dim3A_969 : vector<16xi1>, vector<16xf32>
      tpu.vector_store_idx %arg9[%add3A_961], %select_n3A_970 : memref<20480xf32, #tpu.memory_space<vmem>>[vector<16xi32>], vector<16xf32>,
      %mul3A_971 = arith.constant 64 : i32
      %mul3A_972 = vector.broadcast %mul3A_971 : i32 to vector<16xi32>
      %mul3A_973 = arith.muli %add3A_40, %mul3A_972 : vector<16xi32>
      %add3A_974 = arith.constant 62 : i32
      %add3A_975 = vector.broadcast %add3A_974 : i32 to vector<16xi32>
      %add3A_976 = arith.addi %mul3A_973, %add3A_975 : vector<16xi32>
      %gather3A_977 = tpu.vector_load_idx %arg8[%add3A_976] : memref<20480xi32, #tpu.memory_space<vmem>>[vector<16xi32>], vector<16xi32>,
      %gather3A_978 = tpu.vector_load_idx %arg7[%gather3A_977] : memref<10240xf32, #tpu.memory_space<vmem>>[vector<16xi32>], vector<16xf32>,
      %gt3A_979 = arith.constant 62 : i32
      %gt3A_980 = vector.broadcast %gt3A_979 : i32 to vector<16xi32>
      %gt3A_981 = arith.cmpi sgt, %gather3A_43, %gt3A_980 : vector<16xi32>
      %mul3A_982 = arith.mulf %gather3A, %gather3A_978 : vector<16xf32>
      %jit3A_983 = arith.constant 0.000000e+00 : f32
      %broadcast_in_dim3A_984 = vector.broadcast %jit3A_983 : f32 to vector<16xf32>
      %select_n3A_985 = arith.select %gt3A_981, %mul3A_982, %broadcast_in_dim3A_984 : vector<16xi1>, vector<16xf32>
      tpu.vector_store_idx %arg9[%add3A_976], %select_n3A_985 : memref<20480xf32, #tpu.memory_space<vmem>>[vector<16xi32>], vector<16xf32>,
      %mul3A_986 = arith.constant 64 : i32
      %mul3A_987 = vector.broadcast %mul3A_986 : i32 to vector<16xi32>
      %mul3A_988 = arith.muli %add3A_40, %mul3A_987 : vector<16xi32>
      %add3A_989 = arith.constant 63 : i32
      %add3A_990 = vector.broadcast %add3A_989 : i32 to vector<16xi32>
      %add3A_991 = arith.addi %mul3A_988, %add3A_990 : vector<16xi32>
      %gather3A_992 = tpu.vector_load_idx %arg8[%add3A_991] : memref<20480xi32, #tpu.memory_space<vmem>>[vector<16xi32>], vector<16xi32>,
      %gather3A_993 = tpu.vector_load_idx %arg7[%gather3A_992] : memref<10240xf32, #tpu.memory_space<vmem>>[vector<16xi32>], vector<16xf32>,
      %gt3A_994 = arith.constant 63 : i32
      %gt3A_995 = vector.broadcast %gt3A_994 : i32 to vector<16xi32>
      %gt3A_996 = arith.cmpi sgt, %gather3A_43, %gt3A_995 : vector<16xi32>
      %mul3A_997 = arith.mulf %gather3A, %gather3A_993 : vector<16xf32>
      %jit3A_998 = arith.constant 0.000000e+00 : f32
      %broadcast_in_dim3A_999 = vector.broadcast %jit3A_998 : f32 to vector<16xf32>
      %select_n3A_1000 = arith.select %gt3A_996, %mul3A_997, %broadcast_in_dim3A_999 : vector<16xi1>, vector<16xf32>
      tpu.vector_store_idx %arg9[%add3A_991], %select_n3A_1000 : memref<20480xf32, #tpu.memory_space<vmem>>[vector<16xi32>], vector<16xf32>,
    }
    %scan3A_31 = arith.constant 20 : i32
    %mul3A_32 = arith.constant 64 : i32
    %mul3A_33 = arith.muli %mul3A_2, %mul3A_32 : i32
    "tpu.region"() ({
      %run_scoped3A = tpu.sem_alloc : memref<!tpu.dma_semaphore, #tpu.memory_space<semaphore_mem>>
      %dma_start3A = tpu.memref_slice %arg5[%mul3A_33] : memref<655360xi32, #tpu.memory_space<hbm>> -> memref<20480xi32, #tpu.memory_space<hbm>>
      %dma_start3A_36 = tpu.memref_slice %arg5[%mul3A_33] : memref<655360xi32, #tpu.memory_space<hbm>> -> memref<20480xi32, #tpu.memory_space<hbm>>
      tpu.enqueue_dma source(%arg8 : memref<20480xi32, #tpu.memory_space<vmem>>) target(%dma_start3A_36 : memref<20480xi32, #tpu.memory_space<hbm>>) target_semaphore(%run_scoped3A : memref<!tpu.dma_semaphore, #tpu.memory_space<semaphore_mem>>)
      %dma_wait3A = tpu.memref_slice %arg5[%mul3A_33] : memref<655360xi32, #tpu.memory_space<hbm>> -> memref<20480xi32, #tpu.memory_space<hbm>>
      %dma_wait3A_37 = tpu.memref_slice %arg5[%mul3A_33] : memref<655360xi32, #tpu.memory_space<hbm>> -> memref<20480xi32, #tpu.memory_space<hbm>>
      tpu.wait_dma2 semaphore(%run_scoped3A : memref<!tpu.dma_semaphore, #tpu.memory_space<semaphore_mem>>) src(%arg8 : memref<20480xi32, #tpu.memory_space<vmem>>) dst(%dma_wait3A_37 : memref<20480xi32, #tpu.memory_space<hbm>>)
      tpu.yield
    }) : () -> ()
    %mul3A_34 = arith.constant 64 : i32
    %mul3A_35 = arith.muli %mul3A_2, %mul3A_34 : i32
    "tpu.region"() ({
      %run_scoped3A = tpu.sem_alloc : memref<!tpu.dma_semaphore, #tpu.memory_space<semaphore_mem>>
      %dma_start3A = tpu.memref_slice %arg6[%mul3A_35] : memref<655360xf32, #tpu.memory_space<hbm>> -> memref<20480xf32, #tpu.memory_space<hbm>>
      %dma_start3A_36 = tpu.memref_slice %arg6[%mul3A_35] : memref<655360xf32, #tpu.memory_space<hbm>> -> memref<20480xf32, #tpu.memory_space<hbm>>
      tpu.enqueue_dma source(%arg9 : memref<20480xf32, #tpu.memory_space<vmem>>) target(%dma_start3A_36 : memref<20480xf32, #tpu.memory_space<hbm>>) target_semaphore(%run_scoped3A : memref<!tpu.dma_semaphore, #tpu.memory_space<semaphore_mem>>)
      %dma_wait3A = tpu.memref_slice %arg6[%mul3A_35] : memref<655360xf32, #tpu.memory_space<hbm>> -> memref<20480xf32, #tpu.memory_space<hbm>>
      %dma_wait3A_37 = tpu.memref_slice %arg6[%mul3A_35] : memref<655360xf32, #tpu.memory_space<hbm>> -> memref<20480xf32, #tpu.memory_space<hbm>>
      tpu.wait_dma2 semaphore(%run_scoped3A : memref<!tpu.dma_semaphore, #tpu.memory_space<semaphore_mem>>) src(%arg9 : memref<20480xf32, #tpu.memory_space<vmem>>) dst(%dma_wait3A_37 : memref<20480xf32, #tpu.memory_space<hbm>>)
      tpu.yield
    }) : () -> ()
    return
  }
}

#map = affine_map<(d0, d1) -> (0)>
#map1 = affine_map<(d0, d1) -> (0, 0)>
module attributes {stable_mosaic.version = 14 : i64} {
  func.func @sc_gather_rows(%arg0: i32, %arg1: i32, %arg2: memref<643072xi32, #tpu.memory_space<hbm>>, %arg3: memref<10000x128xf32, #tpu.memory_space<hbm>>, %arg4: memref<643072x128xf32, #tpu.memory_space<hbm>>, %arg5: memref<20096xi32, #tpu.memory_space<vmem>>, %arg6: memref<128x128xf32, #tpu.memory_space<vmem>>, %arg7: memref<128x128xf32, #tpu.memory_space<vmem>>, %arg8: memref<128x128xf32, #tpu.memory_space<vmem>>, %arg9: memref<128x128xf32, #tpu.memory_space<vmem>>, %arg10: memref<!tpu.dma_semaphore, #tpu.memory_space<semaphore_mem>>, %arg11: memref<!tpu.dma_semaphore, #tpu.memory_space<semaphore_mem>>, %arg12: memref<!tpu.dma_semaphore, #tpu.memory_space<semaphore_mem>>, %arg13: memref<!tpu.dma_semaphore, #tpu.memory_space<semaphore_mem>>) attributes {dimension_semantics = [#tpu.dimension_semantics<core_parallel>, #tpu.dimension_semantics<subcore_parallel>], iteration_bounds = array<i64: 2, 16>, scalar_prefetch = 0 : i64, scratch_operands = 9 : i64, tpu.core_type = #tpu.core_type<sc_vector_subcore>, window_params = [{transform_indices = #map}, {transform_indices = #map1}, {transform_indices = #map1}]} {
    %mul3A = arith.constant 2 : i32
    %mul3A_0 = arith.muli %arg1, %mul3A : i32
    %add3A = arith.addi %mul3A_0, %arg0 : i32
    %mul3A_1 = arith.constant 157 : i32
    %mul3A_2 = arith.muli %add3A, %mul3A_1 : i32
    %mul3A_3 = arith.constant 128 : i32
    %mul3A_4 = arith.muli %mul3A_2, %mul3A_3 : i32
    "tpu.region"() ({
      %run_scoped3A = tpu.sem_alloc : memref<!tpu.dma_semaphore, #tpu.memory_space<semaphore_mem>>
      %dma_start3A_77 = tpu.memref_slice %arg2[%mul3A_4] : memref<643072xi32, #tpu.memory_space<hbm>> -> memref<20096xi32, #tpu.memory_space<hbm>>
      %dma_start3A_78 = tpu.memref_slice %arg2[%mul3A_4] : memref<643072xi32, #tpu.memory_space<hbm>> -> memref<20096xi32, #tpu.memory_space<hbm>>
      tpu.enqueue_dma source(%dma_start3A_78 : memref<20096xi32, #tpu.memory_space<hbm>>) target(%arg5 : memref<20096xi32, #tpu.memory_space<vmem>>) target_semaphore(%run_scoped3A : memref<!tpu.dma_semaphore, #tpu.memory_space<semaphore_mem>>)
      %dma_wait3A_79 = tpu.memref_slice %arg2[%mul3A_4] : memref<643072xi32, #tpu.memory_space<hbm>> -> memref<20096xi32, #tpu.memory_space<hbm>>
      %dma_wait3A_80 = tpu.memref_slice %arg2[%mul3A_4] : memref<643072xi32, #tpu.memory_space<hbm>> -> memref<20096xi32, #tpu.memory_space<hbm>>
      tpu.wait_dma2 semaphore(%run_scoped3A : memref<!tpu.dma_semaphore, #tpu.memory_space<semaphore_mem>>) src(%dma_wait3A_80 : memref<20096xi32, #tpu.memory_space<hbm>>) dst(%arg5 : memref<20096xi32, #tpu.memory_space<vmem>>)
      tpu.yield
    }) : () -> ()
    %dma_start3A = arith.constant 0 : i32
    %dma_start3A_5 = tpu.memref_slice %arg5[%dma_start3A] : memref<20096xi32, #tpu.memory_space<vmem>> -> memref<128xi32, #tpu.memory_space<vmem>>
    %dma_start3A_6 = arith.constant 0 : i32
    %dma_start3A_7 = arith.constant 0 : i32
    %dma_start3A_8 = tpu.memref_slice %arg3[%dma_start3A_6, %dma_start3A_7] : memref<10000x128xf32, #tpu.memory_space<hbm>> -> memref<10000x128xf32, #tpu.memory_space<hbm>>
    tpu.enqueue_indirect_dma source(%dma_start3A_8 : memref<10000x128xf32, #tpu.memory_space<hbm>>) target(%arg6 : memref<128x128xf32, #tpu.memory_space<vmem>>) offsets(%dma_start3A_5 : memref<128xi32, #tpu.memory_space<vmem>>) semaphore(%arg10 : memref<!tpu.dma_semaphore, #tpu.memory_space<semaphore_mem>>)
    %dma_start3A_9 = arith.constant 128 : i32
    %dma_start3A_10 = tpu.memref_slice %arg5[%dma_start3A_9] : memref<20096xi32, #tpu.memory_space<vmem>> -> memref<128xi32, #tpu.memory_space<vmem>>
    %dma_start3A_11 = arith.constant 0 : i32
    %dma_start3A_12 = arith.constant 0 : i32
    %dma_start3A_13 = tpu.memref_slice %arg3[%dma_start3A_11, %dma_start3A_12] : memref<10000x128xf32, #tpu.memory_space<hbm>> -> memref<10000x128xf32, #tpu.memory_space<hbm>>
    tpu.enqueue_indirect_dma source(%dma_start3A_13 : memref<10000x128xf32, #tpu.memory_space<hbm>>) target(%arg7 : memref<128x128xf32, #tpu.memory_space<vmem>>) offsets(%dma_start3A_10 : memref<128xi32, #tpu.memory_space<vmem>>) semaphore(%arg11 : memref<!tpu.dma_semaphore, #tpu.memory_space<semaphore_mem>>)
    %dma_start3A_14 = arith.constant 256 : i32
    %dma_start3A_15 = tpu.memref_slice %arg5[%dma_start3A_14] : memref<20096xi32, #tpu.memory_space<vmem>> -> memref<128xi32, #tpu.memory_space<vmem>>
    %dma_start3A_16 = arith.constant 0 : i32
    %dma_start3A_17 = arith.constant 0 : i32
    %dma_start3A_18 = tpu.memref_slice %arg3[%dma_start3A_16, %dma_start3A_17] : memref<10000x128xf32, #tpu.memory_space<hbm>> -> memref<10000x128xf32, #tpu.memory_space<hbm>>
    tpu.enqueue_indirect_dma source(%dma_start3A_18 : memref<10000x128xf32, #tpu.memory_space<hbm>>) target(%arg8 : memref<128x128xf32, #tpu.memory_space<vmem>>) offsets(%dma_start3A_15 : memref<128xi32, #tpu.memory_space<vmem>>) semaphore(%arg12 : memref<!tpu.dma_semaphore, #tpu.memory_space<semaphore_mem>>)
    %dma_start3A_19 = arith.constant 384 : i32
    %dma_start3A_20 = tpu.memref_slice %arg5[%dma_start3A_19] : memref<20096xi32, #tpu.memory_space<vmem>> -> memref<128xi32, #tpu.memory_space<vmem>>
    %dma_start3A_21 = arith.constant 0 : i32
    %dma_start3A_22 = arith.constant 0 : i32
    %dma_start3A_23 = tpu.memref_slice %arg3[%dma_start3A_21, %dma_start3A_22] : memref<10000x128xf32, #tpu.memory_space<hbm>> -> memref<10000x128xf32, #tpu.memory_space<hbm>>
    tpu.enqueue_indirect_dma source(%dma_start3A_23 : memref<10000x128xf32, #tpu.memory_space<hbm>>) target(%arg9 : memref<128x128xf32, #tpu.memory_space<vmem>>) offsets(%dma_start3A_20 : memref<128xi32, #tpu.memory_space<vmem>>) semaphore(%arg13 : memref<!tpu.dma_semaphore, #tpu.memory_space<semaphore_mem>>)
    %scan3A = arith.constant 0 : i32
    %scan3A_24 = arith.constant 38 : i32
    %scan3A_25 = arith.addi %scan3A, %scan3A_24 : i32
    %scan3A_26 = arith.constant 1 : i32
    scf.for %scan3A_77 = %scan3A to %scan3A_25 step %scan3A_26  : i32 {
      %mul3A_78 = arith.constant 4 : i32
      %mul3A_79 = arith.muli %scan3A_77, %mul3A_78 : i32
      %add3A_80 = arith.constant 0 : i32
      %add3A_81 = arith.addi %mul3A_79, %add3A_80 : i32
      %mul3A_82 = arith.constant 128 : i32
      %mul3A_83 = arith.muli %add3A_81, %mul3A_82 : i32
      %dma_wait3A_84 = tpu.memref_slice %arg5[%mul3A_83] : memref<20096xi32, #tpu.memory_space<vmem>> -> memref<128xi32, #tpu.memory_space<vmem>>
      %dma_wait3A_85 = arith.constant 0 : i32
      %dma_wait3A_86 = arith.constant 0 : i32
      %dma_wait3A_87 = tpu.memref_slice %arg3[%dma_wait3A_85, %dma_wait3A_86] : memref<10000x128xf32, #tpu.memory_space<hbm>> -> memref<10000x128xf32, #tpu.memory_space<hbm>>
      tpu.wait_indirect_dma semaphore(%arg10 : memref<!tpu.dma_semaphore, #tpu.memory_space<semaphore_mem>>) src(%dma_wait3A_87 : memref<10000x128xf32, #tpu.memory_space<hbm>>) dst(%arg6 : memref<128x128xf32, #tpu.memory_space<vmem>>)
      %add3A_88 = arith.addi %mul3A_2, %add3A_81 : i32
      %mul3A_89 = arith.constant 128 : i32
      %mul3A_90 = arith.muli %add3A_88, %mul3A_89 : i32
      "tpu.region"() ({
        %run_scoped3A = tpu.sem_alloc : memref<!tpu.dma_semaphore, #tpu.memory_space<semaphore_mem>>
        %dma_start3A_162 = arith.constant 0 : i32
        %dma_start3A_163 = tpu.memref_slice %arg4[%mul3A_90, %dma_start3A_162] : memref<643072x128xf32, #tpu.memory_space<hbm>> -> memref<128x128xf32, #tpu.memory_space<hbm>>
        %dma_start3A_164 = arith.constant 0 : i32
        %dma_start3A_165 = tpu.memref_slice %arg4[%mul3A_90, %dma_start3A_164] : memref<643072x128xf32, #tpu.memory_space<hbm>> -> memref<128x128xf32, #tpu.memory_space<hbm>>
        tpu.enqueue_dma source(%arg6 : memref<128x128xf32, #tpu.memory_space<vmem>>) target(%dma_start3A_165 : memref<128x128xf32, #tpu.memory_space<hbm>>) target_semaphore(%run_scoped3A : memref<!tpu.dma_semaphore, #tpu.memory_space<semaphore_mem>>)
        %dma_wait3A_166 = arith.constant 0 : i32
        %dma_wait3A_167 = tpu.memref_slice %arg4[%mul3A_90, %dma_wait3A_166] : memref<643072x128xf32, #tpu.memory_space<hbm>> -> memref<128x128xf32, #tpu.memory_space<hbm>>
        %dma_wait3A_168 = arith.constant 0 : i32
        %dma_wait3A_169 = tpu.memref_slice %arg4[%mul3A_90, %dma_wait3A_168] : memref<643072x128xf32, #tpu.memory_space<hbm>> -> memref<128x128xf32, #tpu.memory_space<hbm>>
        tpu.wait_dma2 semaphore(%run_scoped3A : memref<!tpu.dma_semaphore, #tpu.memory_space<semaphore_mem>>) src(%arg6 : memref<128x128xf32, #tpu.memory_space<vmem>>) dst(%dma_wait3A_169 : memref<128x128xf32, #tpu.memory_space<hbm>>)
        tpu.yield
      }) : () -> ()
      %add3A_91 = arith.constant 4 : i32
      %add3A_92 = arith.addi %add3A_81, %add3A_91 : i32
      %mul3A_93 = arith.constant 128 : i32
      %mul3A_94 = arith.muli %add3A_92, %mul3A_93 : i32
      %dma_start3A_95 = tpu.memref_slice %arg5[%mul3A_94] : memref<20096xi32, #tpu.memory_space<vmem>> -> memref<128xi32, #tpu.memory_space<vmem>>
      %dma_start3A_96 = arith.constant 0 : i32
      %dma_start3A_97 = arith.constant 0 : i32
      %dma_start3A_98 = tpu.memref_slice %arg3[%dma_start3A_96, %dma_start3A_97] : memref<10000x128xf32, #tpu.memory_space<hbm>> -> memref<10000x128xf32, #tpu.memory_space<hbm>>
      tpu.enqueue_indirect_dma source(%dma_start3A_98 : memref<10000x128xf32, #tpu.memory_space<hbm>>) target(%arg6 : memref<128x128xf32, #tpu.memory_space<vmem>>) offsets(%dma_start3A_95 : memref<128xi32, #tpu.memory_space<vmem>>) semaphore(%arg10 : memref<!tpu.dma_semaphore, #tpu.memory_space<semaphore_mem>>)
      %mul3A_99 = arith.constant 4 : i32
      %mul3A_100 = arith.muli %scan3A_77, %mul3A_99 : i32
      %add3A_101 = arith.constant 1 : i32
      %add3A_102 = arith.addi %mul3A_100, %add3A_101 : i32
      %mul3A_103 = arith.constant 128 : i32
      %mul3A_104 = arith.muli %add3A_102, %mul3A_103 : i32
      %dma_wait3A_105 = tpu.memref_slice %arg5[%mul3A_104] : memref<20096xi32, #tpu.memory_space<vmem>> -> memref<128xi32, #tpu.memory_space<vmem>>
      %dma_wait3A_106 = arith.constant 0 : i32
      %dma_wait3A_107 = arith.constant 0 : i32
      %dma_wait3A_108 = tpu.memref_slice %arg3[%dma_wait3A_106, %dma_wait3A_107] : memref<10000x128xf32, #tpu.memory_space<hbm>> -> memref<10000x128xf32, #tpu.memory_space<hbm>>
      tpu.wait_indirect_dma semaphore(%arg11 : memref<!tpu.dma_semaphore, #tpu.memory_space<semaphore_mem>>) src(%dma_wait3A_108 : memref<10000x128xf32, #tpu.memory_space<hbm>>) dst(%arg7 : memref<128x128xf32, #tpu.memory_space<vmem>>)
      %add3A_109 = arith.addi %mul3A_2, %add3A_102 : i32
      %mul3A_110 = arith.constant 128 : i32
      %mul3A_111 = arith.muli %add3A_109, %mul3A_110 : i32
      "tpu.region"() ({
        %run_scoped3A = tpu.sem_alloc : memref<!tpu.dma_semaphore, #tpu.memory_space<semaphore_mem>>
        %dma_start3A_162 = arith.constant 0 : i32
        %dma_start3A_163 = tpu.memref_slice %arg4[%mul3A_111, %dma_start3A_162] : memref<643072x128xf32, #tpu.memory_space<hbm>> -> memref<128x128xf32, #tpu.memory_space<hbm>>
        %dma_start3A_164 = arith.constant 0 : i32
        %dma_start3A_165 = tpu.memref_slice %arg4[%mul3A_111, %dma_start3A_164] : memref<643072x128xf32, #tpu.memory_space<hbm>> -> memref<128x128xf32, #tpu.memory_space<hbm>>
        tpu.enqueue_dma source(%arg7 : memref<128x128xf32, #tpu.memory_space<vmem>>) target(%dma_start3A_165 : memref<128x128xf32, #tpu.memory_space<hbm>>) target_semaphore(%run_scoped3A : memref<!tpu.dma_semaphore, #tpu.memory_space<semaphore_mem>>)
        %dma_wait3A_166 = arith.constant 0 : i32
        %dma_wait3A_167 = tpu.memref_slice %arg4[%mul3A_111, %dma_wait3A_166] : memref<643072x128xf32, #tpu.memory_space<hbm>> -> memref<128x128xf32, #tpu.memory_space<hbm>>
        %dma_wait3A_168 = arith.constant 0 : i32
        %dma_wait3A_169 = tpu.memref_slice %arg4[%mul3A_111, %dma_wait3A_168] : memref<643072x128xf32, #tpu.memory_space<hbm>> -> memref<128x128xf32, #tpu.memory_space<hbm>>
        tpu.wait_dma2 semaphore(%run_scoped3A : memref<!tpu.dma_semaphore, #tpu.memory_space<semaphore_mem>>) src(%arg7 : memref<128x128xf32, #tpu.memory_space<vmem>>) dst(%dma_wait3A_169 : memref<128x128xf32, #tpu.memory_space<hbm>>)
        tpu.yield
      }) : () -> ()
      %add3A_112 = arith.constant 4 : i32
      %add3A_113 = arith.addi %add3A_102, %add3A_112 : i32
      %mul3A_114 = arith.constant 128 : i32
      %mul3A_115 = arith.muli %add3A_113, %mul3A_114 : i32
      %dma_start3A_116 = tpu.memref_slice %arg5[%mul3A_115] : memref<20096xi32, #tpu.memory_space<vmem>> -> memref<128xi32, #tpu.memory_space<vmem>>
      %dma_start3A_117 = arith.constant 0 : i32
      %dma_start3A_118 = arith.constant 0 : i32
      %dma_start3A_119 = tpu.memref_slice %arg3[%dma_start3A_117, %dma_start3A_118] : memref<10000x128xf32, #tpu.memory_space<hbm>> -> memref<10000x128xf32, #tpu.memory_space<hbm>>
      tpu.enqueue_indirect_dma source(%dma_start3A_119 : memref<10000x128xf32, #tpu.memory_space<hbm>>) target(%arg7 : memref<128x128xf32, #tpu.memory_space<vmem>>) offsets(%dma_start3A_116 : memref<128xi32, #tpu.memory_space<vmem>>) semaphore(%arg11 : memref<!tpu.dma_semaphore, #tpu.memory_space<semaphore_mem>>)
      %mul3A_120 = arith.constant 4 : i32
      %mul3A_121 = arith.muli %scan3A_77, %mul3A_120 : i32
      %add3A_122 = arith.constant 2 : i32
      %add3A_123 = arith.addi %mul3A_121, %add3A_122 : i32
      %mul3A_124 = arith.constant 128 : i32
      %mul3A_125 = arith.muli %add3A_123, %mul3A_124 : i32
      %dma_wait3A_126 = tpu.memref_slice %arg5[%mul3A_125] : memref<20096xi32, #tpu.memory_space<vmem>> -> memref<128xi32, #tpu.memory_space<vmem>>
      %dma_wait3A_127 = arith.constant 0 : i32
      %dma_wait3A_128 = arith.constant 0 : i32
      %dma_wait3A_129 = tpu.memref_slice %arg3[%dma_wait3A_127, %dma_wait3A_128] : memref<10000x128xf32, #tpu.memory_space<hbm>> -> memref<10000x128xf32, #tpu.memory_space<hbm>>
      tpu.wait_indirect_dma semaphore(%arg12 : memref<!tpu.dma_semaphore, #tpu.memory_space<semaphore_mem>>) src(%dma_wait3A_129 : memref<10000x128xf32, #tpu.memory_space<hbm>>) dst(%arg8 : memref<128x128xf32, #tpu.memory_space<vmem>>)
      %add3A_130 = arith.addi %mul3A_2, %add3A_123 : i32
      %mul3A_131 = arith.constant 128 : i32
      %mul3A_132 = arith.muli %add3A_130, %mul3A_131 : i32
      "tpu.region"() ({
        %run_scoped3A = tpu.sem_alloc : memref<!tpu.dma_semaphore, #tpu.memory_space<semaphore_mem>>
        %dma_start3A_162 = arith.constant 0 : i32
        %dma_start3A_163 = tpu.memref_slice %arg4[%mul3A_132, %dma_start3A_162] : memref<643072x128xf32, #tpu.memory_space<hbm>> -> memref<128x128xf32, #tpu.memory_space<hbm>>
        %dma_start3A_164 = arith.constant 0 : i32
        %dma_start3A_165 = tpu.memref_slice %arg4[%mul3A_132, %dma_start3A_164] : memref<643072x128xf32, #tpu.memory_space<hbm>> -> memref<128x128xf32, #tpu.memory_space<hbm>>
        tpu.enqueue_dma source(%arg8 : memref<128x128xf32, #tpu.memory_space<vmem>>) target(%dma_start3A_165 : memref<128x128xf32, #tpu.memory_space<hbm>>) target_semaphore(%run_scoped3A : memref<!tpu.dma_semaphore, #tpu.memory_space<semaphore_mem>>)
        %dma_wait3A_166 = arith.constant 0 : i32
        %dma_wait3A_167 = tpu.memref_slice %arg4[%mul3A_132, %dma_wait3A_166] : memref<643072x128xf32, #tpu.memory_space<hbm>> -> memref<128x128xf32, #tpu.memory_space<hbm>>
        %dma_wait3A_168 = arith.constant 0 : i32
        %dma_wait3A_169 = tpu.memref_slice %arg4[%mul3A_132, %dma_wait3A_168] : memref<643072x128xf32, #tpu.memory_space<hbm>> -> memref<128x128xf32, #tpu.memory_space<hbm>>
        tpu.wait_dma2 semaphore(%run_scoped3A : memref<!tpu.dma_semaphore, #tpu.memory_space<semaphore_mem>>) src(%arg8 : memref<128x128xf32, #tpu.memory_space<vmem>>) dst(%dma_wait3A_169 : memref<128x128xf32, #tpu.memory_space<hbm>>)
        tpu.yield
      }) : () -> ()
      %add3A_133 = arith.constant 4 : i32
      %add3A_134 = arith.addi %add3A_123, %add3A_133 : i32
      %mul3A_135 = arith.constant 128 : i32
      %mul3A_136 = arith.muli %add3A_134, %mul3A_135 : i32
      %dma_start3A_137 = tpu.memref_slice %arg5[%mul3A_136] : memref<20096xi32, #tpu.memory_space<vmem>> -> memref<128xi32, #tpu.memory_space<vmem>>
      %dma_start3A_138 = arith.constant 0 : i32
      %dma_start3A_139 = arith.constant 0 : i32
      %dma_start3A_140 = tpu.memref_slice %arg3[%dma_start3A_138, %dma_start3A_139] : memref<10000x128xf32, #tpu.memory_space<hbm>> -> memref<10000x128xf32, #tpu.memory_space<hbm>>
      tpu.enqueue_indirect_dma source(%dma_start3A_140 : memref<10000x128xf32, #tpu.memory_space<hbm>>) target(%arg8 : memref<128x128xf32, #tpu.memory_space<vmem>>) offsets(%dma_start3A_137 : memref<128xi32, #tpu.memory_space<vmem>>) semaphore(%arg12 : memref<!tpu.dma_semaphore, #tpu.memory_space<semaphore_mem>>)
      %mul3A_141 = arith.constant 4 : i32
      %mul3A_142 = arith.muli %scan3A_77, %mul3A_141 : i32
      %add3A_143 = arith.constant 3 : i32
      %add3A_144 = arith.addi %mul3A_142, %add3A_143 : i32
      %mul3A_145 = arith.constant 128 : i32
      %mul3A_146 = arith.muli %add3A_144, %mul3A_145 : i32
      %dma_wait3A_147 = tpu.memref_slice %arg5[%mul3A_146] : memref<20096xi32, #tpu.memory_space<vmem>> -> memref<128xi32, #tpu.memory_space<vmem>>
      %dma_wait3A_148 = arith.constant 0 : i32
      %dma_wait3A_149 = arith.constant 0 : i32
      %dma_wait3A_150 = tpu.memref_slice %arg3[%dma_wait3A_148, %dma_wait3A_149] : memref<10000x128xf32, #tpu.memory_space<hbm>> -> memref<10000x128xf32, #tpu.memory_space<hbm>>
      tpu.wait_indirect_dma semaphore(%arg13 : memref<!tpu.dma_semaphore, #tpu.memory_space<semaphore_mem>>) src(%dma_wait3A_150 : memref<10000x128xf32, #tpu.memory_space<hbm>>) dst(%arg9 : memref<128x128xf32, #tpu.memory_space<vmem>>)
      %add3A_151 = arith.addi %mul3A_2, %add3A_144 : i32
      %mul3A_152 = arith.constant 128 : i32
      %mul3A_153 = arith.muli %add3A_151, %mul3A_152 : i32
      "tpu.region"() ({
        %run_scoped3A = tpu.sem_alloc : memref<!tpu.dma_semaphore, #tpu.memory_space<semaphore_mem>>
        %dma_start3A_162 = arith.constant 0 : i32
        %dma_start3A_163 = tpu.memref_slice %arg4[%mul3A_153, %dma_start3A_162] : memref<643072x128xf32, #tpu.memory_space<hbm>> -> memref<128x128xf32, #tpu.memory_space<hbm>>
        %dma_start3A_164 = arith.constant 0 : i32
        %dma_start3A_165 = tpu.memref_slice %arg4[%mul3A_153, %dma_start3A_164] : memref<643072x128xf32, #tpu.memory_space<hbm>> -> memref<128x128xf32, #tpu.memory_space<hbm>>
        tpu.enqueue_dma source(%arg9 : memref<128x128xf32, #tpu.memory_space<vmem>>) target(%dma_start3A_165 : memref<128x128xf32, #tpu.memory_space<hbm>>) target_semaphore(%run_scoped3A : memref<!tpu.dma_semaphore, #tpu.memory_space<semaphore_mem>>)
        %dma_wait3A_166 = arith.constant 0 : i32
        %dma_wait3A_167 = tpu.memref_slice %arg4[%mul3A_153, %dma_wait3A_166] : memref<643072x128xf32, #tpu.memory_space<hbm>> -> memref<128x128xf32, #tpu.memory_space<hbm>>
        %dma_wait3A_168 = arith.constant 0 : i32
        %dma_wait3A_169 = tpu.memref_slice %arg4[%mul3A_153, %dma_wait3A_168] : memref<643072x128xf32, #tpu.memory_space<hbm>> -> memref<128x128xf32, #tpu.memory_space<hbm>>
        tpu.wait_dma2 semaphore(%run_scoped3A : memref<!tpu.dma_semaphore, #tpu.memory_space<semaphore_mem>>) src(%arg9 : memref<128x128xf32, #tpu.memory_space<vmem>>) dst(%dma_wait3A_169 : memref<128x128xf32, #tpu.memory_space<hbm>>)
        tpu.yield
      }) : () -> ()
      %add3A_154 = arith.constant 4 : i32
      %add3A_155 = arith.addi %add3A_144, %add3A_154 : i32
      %mul3A_156 = arith.constant 128 : i32
      %mul3A_157 = arith.muli %add3A_155, %mul3A_156 : i32
      %dma_start3A_158 = tpu.memref_slice %arg5[%mul3A_157] : memref<20096xi32, #tpu.memory_space<vmem>> -> memref<128xi32, #tpu.memory_space<vmem>>
      %dma_start3A_159 = arith.constant 0 : i32
      %dma_start3A_160 = arith.constant 0 : i32
      %dma_start3A_161 = tpu.memref_slice %arg3[%dma_start3A_159, %dma_start3A_160] : memref<10000x128xf32, #tpu.memory_space<hbm>> -> memref<10000x128xf32, #tpu.memory_space<hbm>>
      tpu.enqueue_indirect_dma source(%dma_start3A_161 : memref<10000x128xf32, #tpu.memory_space<hbm>>) target(%arg9 : memref<128x128xf32, #tpu.memory_space<vmem>>) offsets(%dma_start3A_158 : memref<128xi32, #tpu.memory_space<vmem>>) semaphore(%arg13 : memref<!tpu.dma_semaphore, #tpu.memory_space<semaphore_mem>>)
    }
    %scan3A_27 = arith.constant 38 : i32
    %dma_wait3A = arith.constant 19456 : i32
    %dma_wait3A_28 = tpu.memref_slice %arg5[%dma_wait3A] : memref<20096xi32, #tpu.memory_space<vmem>> -> memref<128xi32, #tpu.memory_space<vmem>>
    %dma_wait3A_29 = arith.constant 0 : i32
    %dma_wait3A_30 = arith.constant 0 : i32
    %dma_wait3A_31 = tpu.memref_slice %arg3[%dma_wait3A_29, %dma_wait3A_30] : memref<10000x128xf32, #tpu.memory_space<hbm>> -> memref<10000x128xf32, #tpu.memory_space<hbm>>
    tpu.wait_indirect_dma semaphore(%arg10 : memref<!tpu.dma_semaphore, #tpu.memory_space<semaphore_mem>>) src(%dma_wait3A_31 : memref<10000x128xf32, #tpu.memory_space<hbm>>) dst(%arg6 : memref<128x128xf32, #tpu.memory_space<vmem>>)
    %add3A_32 = arith.constant 152 : i32
    %add3A_33 = arith.addi %mul3A_2, %add3A_32 : i32
    %mul3A_34 = arith.constant 128 : i32
    %mul3A_35 = arith.muli %add3A_33, %mul3A_34 : i32
    "tpu.region"() ({
      %run_scoped3A = tpu.sem_alloc : memref<!tpu.dma_semaphore, #tpu.memory_space<semaphore_mem>>
      %dma_start3A_77 = arith.constant 0 : i32
      %dma_start3A_78 = tpu.memref_slice %arg4[%mul3A_35, %dma_start3A_77] : memref<643072x128xf32, #tpu.memory_space<hbm>> -> memref<128x128xf32, #tpu.memory_space<hbm>>
      %dma_start3A_79 = arith.constant 0 : i32
      %dma_start3A_80 = tpu.memref_slice %arg4[%mul3A_35, %dma_start3A_79] : memref<643072x128xf32, #tpu.memory_space<hbm>> -> memref<128x128xf32, #tpu.memory_space<hbm>>
      tpu.enqueue_dma source(%arg6 : memref<128x128xf32, #tpu.memory_space<vmem>>) target(%dma_start3A_80 : memref<128x128xf32, #tpu.memory_space<hbm>>) target_semaphore(%run_scoped3A : memref<!tpu.dma_semaphore, #tpu.memory_space<semaphore_mem>>)
      %dma_wait3A_81 = arith.constant 0 : i32
      %dma_wait3A_82 = tpu.memref_slice %arg4[%mul3A_35, %dma_wait3A_81] : memref<643072x128xf32, #tpu.memory_space<hbm>> -> memref<128x128xf32, #tpu.memory_space<hbm>>
      %dma_wait3A_83 = arith.constant 0 : i32
      %dma_wait3A_84 = tpu.memref_slice %arg4[%mul3A_35, %dma_wait3A_83] : memref<643072x128xf32, #tpu.memory_space<hbm>> -> memref<128x128xf32, #tpu.memory_space<hbm>>
      tpu.wait_dma2 semaphore(%run_scoped3A : memref<!tpu.dma_semaphore, #tpu.memory_space<semaphore_mem>>) src(%arg6 : memref<128x128xf32, #tpu.memory_space<vmem>>) dst(%dma_wait3A_84 : memref<128x128xf32, #tpu.memory_space<hbm>>)
      tpu.yield
    }) : () -> ()
    %dma_start3A_36 = arith.constant 19968 : i32
    %dma_start3A_37 = tpu.memref_slice %arg5[%dma_start3A_36] : memref<20096xi32, #tpu.memory_space<vmem>> -> memref<128xi32, #tpu.memory_space<vmem>>
    %dma_start3A_38 = arith.constant 0 : i32
    %dma_start3A_39 = arith.constant 0 : i32
    %dma_start3A_40 = tpu.memref_slice %arg3[%dma_start3A_38, %dma_start3A_39] : memref<10000x128xf32, #tpu.memory_space<hbm>> -> memref<10000x128xf32, #tpu.memory_space<hbm>>
    tpu.enqueue_indirect_dma source(%dma_start3A_40 : memref<10000x128xf32, #tpu.memory_space<hbm>>) target(%arg6 : memref<128x128xf32, #tpu.memory_space<vmem>>) offsets(%dma_start3A_37 : memref<128xi32, #tpu.memory_space<vmem>>) semaphore(%arg10 : memref<!tpu.dma_semaphore, #tpu.memory_space<semaphore_mem>>)
    %dma_wait3A_41 = arith.constant 19584 : i32
    %dma_wait3A_42 = tpu.memref_slice %arg5[%dma_wait3A_41] : memref<20096xi32, #tpu.memory_space<vmem>> -> memref<128xi32, #tpu.memory_space<vmem>>
    %dma_wait3A_43 = arith.constant 0 : i32
    %dma_wait3A_44 = arith.constant 0 : i32
    %dma_wait3A_45 = tpu.memref_slice %arg3[%dma_wait3A_43, %dma_wait3A_44] : memref<10000x128xf32, #tpu.memory_space<hbm>> -> memref<10000x128xf32, #tpu.memory_space<hbm>>
    tpu.wait_indirect_dma semaphore(%arg11 : memref<!tpu.dma_semaphore, #tpu.memory_space<semaphore_mem>>) src(%dma_wait3A_45 : memref<10000x128xf32, #tpu.memory_space<hbm>>) dst(%arg7 : memref<128x128xf32, #tpu.memory_space<vmem>>)
    %add3A_46 = arith.constant 153 : i32
    %add3A_47 = arith.addi %mul3A_2, %add3A_46 : i32
    %mul3A_48 = arith.constant 128 : i32
    %mul3A_49 = arith.muli %add3A_47, %mul3A_48 : i32
    "tpu.region"() ({
      %run_scoped3A = tpu.sem_alloc : memref<!tpu.dma_semaphore, #tpu.memory_space<semaphore_mem>>
      %dma_start3A_77 = arith.constant 0 : i32
      %dma_start3A_78 = tpu.memref_slice %arg4[%mul3A_49, %dma_start3A_77] : memref<643072x128xf32, #tpu.memory_space<hbm>> -> memref<128x128xf32, #tpu.memory_space<hbm>>
      %dma_start3A_79 = arith.constant 0 : i32
      %dma_start3A_80 = tpu.memref_slice %arg4[%mul3A_49, %dma_start3A_79] : memref<643072x128xf32, #tpu.memory_space<hbm>> -> memref<128x128xf32, #tpu.memory_space<hbm>>
      tpu.enqueue_dma source(%arg7 : memref<128x128xf32, #tpu.memory_space<vmem>>) target(%dma_start3A_80 : memref<128x128xf32, #tpu.memory_space<hbm>>) target_semaphore(%run_scoped3A : memref<!tpu.dma_semaphore, #tpu.memory_space<semaphore_mem>>)
      %dma_wait3A_81 = arith.constant 0 : i32
      %dma_wait3A_82 = tpu.memref_slice %arg4[%mul3A_49, %dma_wait3A_81] : memref<643072x128xf32, #tpu.memory_space<hbm>> -> memref<128x128xf32, #tpu.memory_space<hbm>>
      %dma_wait3A_83 = arith.constant 0 : i32
      %dma_wait3A_84 = tpu.memref_slice %arg4[%mul3A_49, %dma_wait3A_83] : memref<643072x128xf32, #tpu.memory_space<hbm>> -> memref<128x128xf32, #tpu.memory_space<hbm>>
      tpu.wait_dma2 semaphore(%run_scoped3A : memref<!tpu.dma_semaphore, #tpu.memory_space<semaphore_mem>>) src(%arg7 : memref<128x128xf32, #tpu.memory_space<vmem>>) dst(%dma_wait3A_84 : memref<128x128xf32, #tpu.memory_space<hbm>>)
      tpu.yield
    }) : () -> ()
    %dma_wait3A_50 = arith.constant 19712 : i32
    %dma_wait3A_51 = tpu.memref_slice %arg5[%dma_wait3A_50] : memref<20096xi32, #tpu.memory_space<vmem>> -> memref<128xi32, #tpu.memory_space<vmem>>
    %dma_wait3A_52 = arith.constant 0 : i32
    %dma_wait3A_53 = arith.constant 0 : i32
    %dma_wait3A_54 = tpu.memref_slice %arg3[%dma_wait3A_52, %dma_wait3A_53] : memref<10000x128xf32, #tpu.memory_space<hbm>> -> memref<10000x128xf32, #tpu.memory_space<hbm>>
    tpu.wait_indirect_dma semaphore(%arg12 : memref<!tpu.dma_semaphore, #tpu.memory_space<semaphore_mem>>) src(%dma_wait3A_54 : memref<10000x128xf32, #tpu.memory_space<hbm>>) dst(%arg8 : memref<128x128xf32, #tpu.memory_space<vmem>>)
    %add3A_55 = arith.constant 154 : i32
    %add3A_56 = arith.addi %mul3A_2, %add3A_55 : i32
    %mul3A_57 = arith.constant 128 : i32
    %mul3A_58 = arith.muli %add3A_56, %mul3A_57 : i32
    "tpu.region"() ({
      %run_scoped3A = tpu.sem_alloc : memref<!tpu.dma_semaphore, #tpu.memory_space<semaphore_mem>>
      %dma_start3A_77 = arith.constant 0 : i32
      %dma_start3A_78 = tpu.memref_slice %arg4[%mul3A_58, %dma_start3A_77] : memref<643072x128xf32, #tpu.memory_space<hbm>> -> memref<128x128xf32, #tpu.memory_space<hbm>>
      %dma_start3A_79 = arith.constant 0 : i32
      %dma_start3A_80 = tpu.memref_slice %arg4[%mul3A_58, %dma_start3A_79] : memref<643072x128xf32, #tpu.memory_space<hbm>> -> memref<128x128xf32, #tpu.memory_space<hbm>>
      tpu.enqueue_dma source(%arg8 : memref<128x128xf32, #tpu.memory_space<vmem>>) target(%dma_start3A_80 : memref<128x128xf32, #tpu.memory_space<hbm>>) target_semaphore(%run_scoped3A : memref<!tpu.dma_semaphore, #tpu.memory_space<semaphore_mem>>)
      %dma_wait3A_81 = arith.constant 0 : i32
      %dma_wait3A_82 = tpu.memref_slice %arg4[%mul3A_58, %dma_wait3A_81] : memref<643072x128xf32, #tpu.memory_space<hbm>> -> memref<128x128xf32, #tpu.memory_space<hbm>>
      %dma_wait3A_83 = arith.constant 0 : i32
      %dma_wait3A_84 = tpu.memref_slice %arg4[%mul3A_58, %dma_wait3A_83] : memref<643072x128xf32, #tpu.memory_space<hbm>> -> memref<128x128xf32, #tpu.memory_space<hbm>>
      tpu.wait_dma2 semaphore(%run_scoped3A : memref<!tpu.dma_semaphore, #tpu.memory_space<semaphore_mem>>) src(%arg8 : memref<128x128xf32, #tpu.memory_space<vmem>>) dst(%dma_wait3A_84 : memref<128x128xf32, #tpu.memory_space<hbm>>)
      tpu.yield
    }) : () -> ()
    %dma_wait3A_59 = arith.constant 19840 : i32
    %dma_wait3A_60 = tpu.memref_slice %arg5[%dma_wait3A_59] : memref<20096xi32, #tpu.memory_space<vmem>> -> memref<128xi32, #tpu.memory_space<vmem>>
    %dma_wait3A_61 = arith.constant 0 : i32
    %dma_wait3A_62 = arith.constant 0 : i32
    %dma_wait3A_63 = tpu.memref_slice %arg3[%dma_wait3A_61, %dma_wait3A_62] : memref<10000x128xf32, #tpu.memory_space<hbm>> -> memref<10000x128xf32, #tpu.memory_space<hbm>>
    tpu.wait_indirect_dma semaphore(%arg13 : memref<!tpu.dma_semaphore, #tpu.memory_space<semaphore_mem>>) src(%dma_wait3A_63 : memref<10000x128xf32, #tpu.memory_space<hbm>>) dst(%arg9 : memref<128x128xf32, #tpu.memory_space<vmem>>)
    %add3A_64 = arith.constant 155 : i32
    %add3A_65 = arith.addi %mul3A_2, %add3A_64 : i32
    %mul3A_66 = arith.constant 128 : i32
    %mul3A_67 = arith.muli %add3A_65, %mul3A_66 : i32
    "tpu.region"() ({
      %run_scoped3A = tpu.sem_alloc : memref<!tpu.dma_semaphore, #tpu.memory_space<semaphore_mem>>
      %dma_start3A_77 = arith.constant 0 : i32
      %dma_start3A_78 = tpu.memref_slice %arg4[%mul3A_67, %dma_start3A_77] : memref<643072x128xf32, #tpu.memory_space<hbm>> -> memref<128x128xf32, #tpu.memory_space<hbm>>
      %dma_start3A_79 = arith.constant 0 : i32
      %dma_start3A_80 = tpu.memref_slice %arg4[%mul3A_67, %dma_start3A_79] : memref<643072x128xf32, #tpu.memory_space<hbm>> -> memref<128x128xf32, #tpu.memory_space<hbm>>
      tpu.enqueue_dma source(%arg9 : memref<128x128xf32, #tpu.memory_space<vmem>>) target(%dma_start3A_80 : memref<128x128xf32, #tpu.memory_space<hbm>>) target_semaphore(%run_scoped3A : memref<!tpu.dma_semaphore, #tpu.memory_space<semaphore_mem>>)
      %dma_wait3A_81 = arith.constant 0 : i32
      %dma_wait3A_82 = tpu.memref_slice %arg4[%mul3A_67, %dma_wait3A_81] : memref<643072x128xf32, #tpu.memory_space<hbm>> -> memref<128x128xf32, #tpu.memory_space<hbm>>
      %dma_wait3A_83 = arith.constant 0 : i32
      %dma_wait3A_84 = tpu.memref_slice %arg4[%mul3A_67, %dma_wait3A_83] : memref<643072x128xf32, #tpu.memory_space<hbm>> -> memref<128x128xf32, #tpu.memory_space<hbm>>
      tpu.wait_dma2 semaphore(%run_scoped3A : memref<!tpu.dma_semaphore, #tpu.memory_space<semaphore_mem>>) src(%arg9 : memref<128x128xf32, #tpu.memory_space<vmem>>) dst(%dma_wait3A_84 : memref<128x128xf32, #tpu.memory_space<hbm>>)
      tpu.yield
    }) : () -> ()
    %dma_wait3A_68 = arith.constant 19968 : i32
    %dma_wait3A_69 = tpu.memref_slice %arg5[%dma_wait3A_68] : memref<20096xi32, #tpu.memory_space<vmem>> -> memref<128xi32, #tpu.memory_space<vmem>>
    %dma_wait3A_70 = arith.constant 0 : i32
    %dma_wait3A_71 = arith.constant 0 : i32
    %dma_wait3A_72 = tpu.memref_slice %arg3[%dma_wait3A_70, %dma_wait3A_71] : memref<10000x128xf32, #tpu.memory_space<hbm>> -> memref<10000x128xf32, #tpu.memory_space<hbm>>
    tpu.wait_indirect_dma semaphore(%arg10 : memref<!tpu.dma_semaphore, #tpu.memory_space<semaphore_mem>>) src(%dma_wait3A_72 : memref<10000x128xf32, #tpu.memory_space<hbm>>) dst(%arg6 : memref<128x128xf32, #tpu.memory_space<vmem>>)
    %add3A_73 = arith.constant 156 : i32
    %add3A_74 = arith.addi %mul3A_2, %add3A_73 : i32
    %mul3A_75 = arith.constant 128 : i32
    %mul3A_76 = arith.muli %add3A_74, %mul3A_75 : i32
    "tpu.region"() ({
      %run_scoped3A = tpu.sem_alloc : memref<!tpu.dma_semaphore, #tpu.memory_space<semaphore_mem>>
      %dma_start3A_77 = arith.constant 0 : i32
      %dma_start3A_78 = tpu.memref_slice %arg4[%mul3A_76, %dma_start3A_77] : memref<643072x128xf32, #tpu.memory_space<hbm>> -> memref<128x128xf32, #tpu.memory_space<hbm>>
      %dma_start3A_79 = arith.constant 0 : i32
      %dma_start3A_80 = tpu.memref_slice %arg4[%mul3A_76, %dma_start3A_79] : memref<643072x128xf32, #tpu.memory_space<hbm>> -> memref<128x128xf32, #tpu.memory_space<hbm>>
      tpu.enqueue_dma source(%arg6 : memref<128x128xf32, #tpu.memory_space<vmem>>) target(%dma_start3A_80 : memref<128x128xf32, #tpu.memory_space<hbm>>) target_semaphore(%run_scoped3A : memref<!tpu.dma_semaphore, #tpu.memory_space<semaphore_mem>>)
      %dma_wait3A_81 = arith.constant 0 : i32
      %dma_wait3A_82 = tpu.memref_slice %arg4[%mul3A_76, %dma_wait3A_81] : memref<643072x128xf32, #tpu.memory_space<hbm>> -> memref<128x128xf32, #tpu.memory_space<hbm>>
      %dma_wait3A_83 = arith.constant 0 : i32
      %dma_wait3A_84 = tpu.memref_slice %arg4[%mul3A_76, %dma_wait3A_83] : memref<643072x128xf32, #tpu.memory_space<hbm>> -> memref<128x128xf32, #tpu.memory_space<hbm>>
      tpu.wait_dma2 semaphore(%run_scoped3A : memref<!tpu.dma_semaphore, #tpu.memory_space<semaphore_mem>>) src(%arg6 : memref<128x128xf32, #tpu.memory_space<vmem>>) dst(%dma_wait3A_84 : memref<128x128xf32, #tpu.memory_space<hbm>>)
      tpu.yield
    }) : () -> ()
    return
  }
}

#map = affine_map<(d0, d1) -> (0)>
#map1 = affine_map<(d0, d1) -> (0, 0)>
module attributes {stable_mosaic.version = 14 : i64} {
  func.func @sc_deg_partial(%arg0: i32, %arg1: i32, %arg2: memref<160256xi32, #tpu.memory_space<hbm>>, %arg3: memref<32x10240xf32, #tpu.memory_space<hbm>>, %arg4: memref<10240xf32, #tpu.memory_space<vmem>>, %arg5: memref<5008xi32, #tpu.memory_space<vmem>>) attributes {dimension_semantics = [#tpu.dimension_semantics<core_parallel>, #tpu.dimension_semantics<subcore_parallel>], iteration_bounds = array<i64: 2, 16>, scalar_prefetch = 0 : i64, scratch_operands = 2 : i64, tpu.core_type = #tpu.core_type<sc_vector_subcore>, window_params = [{transform_indices = #map}, {transform_indices = #map1}]} {
    %mul3A = arith.constant 2 : i32
    %mul3A_0 = arith.muli %arg1, %mul3A : i32
    %add3A = arith.addi %mul3A_0, %arg0 : i32
    %broadcast_in_dim3A = arith.constant 0.000000e+00 : f32
    %broadcast_in_dim3A_1 = vector.broadcast %broadcast_in_dim3A : f32 to vector<16xf32>
    %broadcast_in_dim3A_2 = arith.constant 1.000000e+00 : f32
    %broadcast_in_dim3A_3 = vector.broadcast %broadcast_in_dim3A_2 : f32 to vector<16xf32>
    %scan3A = arith.constant 0 : i32
    %scan3A_4 = arith.constant 640 : i32
    %scan3A_5 = arith.addi %scan3A, %scan3A_4 : i32
    %scan3A_6 = arith.constant 1 : i32
    scf.for %scan3A_15 = %scan3A to %scan3A_5 step %scan3A_6  : i32 {
      %mul3A_16 = arith.constant 16 : i32
      %mul3A_17 = arith.muli %scan3A_15, %mul3A_16 : i32
      %swap3A = arith.index_cast %mul3A_17 : i32 to index
      %swap3A_18 = tpu.vector_load %arg4[%swap3A] {strides = array<i32>} : memref<10240xf32, #tpu.memory_space<vmem>>, vector<16xf32>,
      tpu.vector_store %arg4[%swap3A], %broadcast_in_dim3A_1 {strides = array<i32>} : memref<10240xf32, #tpu.memory_space<vmem>>, vector<16xf32>,
    }
    %scan3A_7 = arith.constant 640 : i32
    %mul3A_8 = arith.constant 5008 : i32
    %mul3A_9 = arith.muli %add3A, %mul3A_8 : i32
    "tpu.region"() ({
      %run_scoped3A = tpu.sem_alloc : memref<!tpu.dma_semaphore, #tpu.memory_space<semaphore_mem>>
      %dma_start3A = tpu.memref_slice %arg2[%mul3A_9] : memref<160256xi32, #tpu.memory_space<hbm>> -> memref<5008xi32, #tpu.memory_space<hbm>>
      %dma_start3A_15 = tpu.memref_slice %arg2[%mul3A_9] : memref<160256xi32, #tpu.memory_space<hbm>> -> memref<5008xi32, #tpu.memory_space<hbm>>
      tpu.enqueue_dma source(%dma_start3A_15 : memref<5008xi32, #tpu.memory_space<hbm>>) target(%arg5 : memref<5008xi32, #tpu.memory_space<vmem>>) target_semaphore(%run_scoped3A : memref<!tpu.dma_semaphore, #tpu.memory_space<semaphore_mem>>)
      %dma_wait3A = tpu.memref_slice %arg2[%mul3A_9] : memref<160256xi32, #tpu.memory_space<hbm>> -> memref<5008xi32, #tpu.memory_space<hbm>>
      %dma_wait3A_16 = tpu.memref_slice %arg2[%mul3A_9] : memref<160256xi32, #tpu.memory_space<hbm>> -> memref<5008xi32, #tpu.memory_space<hbm>>
      tpu.wait_dma2 semaphore(%run_scoped3A : memref<!tpu.dma_semaphore, #tpu.memory_space<semaphore_mem>>) src(%dma_wait3A_16 : memref<5008xi32, #tpu.memory_space<hbm>>) dst(%arg5 : memref<5008xi32, #tpu.memory_space<vmem>>)
      tpu.yield
    }) : () -> ()
    %scan3A_10 = arith.constant 0 : i32
    %scan3A_11 = arith.constant 313 : i32
    %scan3A_12 = arith.addi %scan3A_10, %scan3A_11 : i32
    %scan3A_13 = arith.constant 1 : i32
    scf.for %scan3A_15 = %scan3A_10 to %scan3A_12 step %scan3A_13  : i32 {
      %mul3A_16 = arith.constant 16 : i32
      %mul3A_17 = arith.muli %scan3A_15, %mul3A_16 : i32
      %get3A = arith.index_cast %mul3A_17 : i32 to index
      %get3A_18 = tpu.vector_load %arg5[%get3A] {strides = array<i32>} : memref<5008xi32, #tpu.memory_space<vmem>>, vector<16xi32>,
      %lt3A = arith.constant 10000 : i32
      %lt3A_19 = vector.broadcast %lt3A : i32 to vector<16xi32>
      %lt3A_20 = arith.cmpi slt, %get3A_18, %lt3A_19 : vector<16xi32>
      tpu.vector_store_idx %arg4[%get3A_18], %broadcast_in_dim3A_3 masked %lt3A_20 {add = true} : memref<10240xf32, #tpu.memory_space<vmem>>[vector<16xi32>], vector<16xf32>, vector<16xi1>
    }
    %scan3A_14 = arith.constant 313 : i32
    "tpu.region"() ({
      %run_scoped3A = tpu.sem_alloc : memref<!tpu.dma_semaphore, #tpu.memory_space<semaphore_mem>>
      %dma_start3A = arith.constant 0 : i32
      %dma_start3A_15 = tpu.memref_slice %arg3[%add3A, %dma_start3A] : memref<32x10240xf32, #tpu.memory_space<hbm>> -> memref<1x10240xf32, #tpu.memory_space<hbm>>
      %dma_start3A_16 = tpu.memref_squeeze %dma_start3A_15 : memref<1x10240xf32, #tpu.memory_space<hbm>> -> memref<10240xf32, #tpu.memory_space<hbm>>
      %dma_start3A_17 = arith.constant 0 : i32
      %dma_start3A_18 = tpu.memref_slice %arg3[%add3A, %dma_start3A_17] : memref<32x10240xf32, #tpu.memory_space<hbm>> -> memref<1x10240xf32, #tpu.memory_space<hbm>>
      %dma_start3A_19 = tpu.memref_squeeze %dma_start3A_18 : memref<1x10240xf32, #tpu.memory_space<hbm>> -> memref<10240xf32, #tpu.memory_space<hbm>>
      tpu.enqueue_dma source(%arg4 : memref<10240xf32, #tpu.memory_space<vmem>>) target(%dma_start3A_19 : memref<10240xf32, #tpu.memory_space<hbm>>) target_semaphore(%run_scoped3A : memref<!tpu.dma_semaphore, #tpu.memory_space<semaphore_mem>>)
      %dma_wait3A = arith.constant 0 : i32
      %dma_wait3A_20 = tpu.memref_slice %arg3[%add3A, %dma_wait3A] : memref<32x10240xf32, #tpu.memory_space<hbm>> -> memref<1x10240xf32, #tpu.memory_space<hbm>>
      %dma_wait3A_21 = tpu.memref_squeeze %dma_wait3A_20 : memref<1x10240xf32, #tpu.memory_space<hbm>> -> memref<10240xf32, #tpu.memory_space<hbm>>
      %dma_wait3A_22 = arith.constant 0 : i32
      %dma_wait3A_23 = tpu.memref_slice %arg3[%add3A, %dma_wait3A_22] : memref<32x10240xf32, #tpu.memory_space<hbm>> -> memref<1x10240xf32, #tpu.memory_space<hbm>>
      %dma_wait3A_24 = tpu.memref_squeeze %dma_wait3A_23 : memref<1x10240xf32, #tpu.memory_space<hbm>> -> memref<10240xf32, #tpu.memory_space<hbm>>
      tpu.wait_dma2 semaphore(%run_scoped3A : memref<!tpu.dma_semaphore, #tpu.memory_space<semaphore_mem>>) src(%arg4 : memref<10240xf32, #tpu.memory_space<vmem>>) dst(%dma_wait3A_24 : memref<10240xf32, #tpu.memory_space<hbm>>)
      tpu.yield
    }) : () -> ()
    return
  }
}

#map = affine_map<(d0, d1) -> (0)>
#map1 = affine_map<(d0, d1) -> (0, 0)>
module attributes {stable_mosaic.version = 14 : i64} {
  func.func @sc_gather_rows(%arg0: i32, %arg1: i32, %arg2: memref<643072xi32, #tpu.memory_space<hbm>>, %arg3: memref<10000x128xf32, #tpu.memory_space<hbm>>, %arg4: memref<643072x128xf32, #tpu.memory_space<hbm>>, %arg5: memref<20096xi32, #tpu.memory_space<vmem>>, %arg6: memref<128x128xf32, #tpu.memory_space<vmem>>, %arg7: memref<128x128xf32, #tpu.memory_space<vmem>>, %arg8: memref<128x128xf32, #tpu.memory_space<vmem>>, %arg9: memref<128x128xf32, #tpu.memory_space<vmem>>, %arg10: memref<!tpu.dma_semaphore, #tpu.memory_space<semaphore_mem>>, %arg11: memref<!tpu.dma_semaphore, #tpu.memory_space<semaphore_mem>>, %arg12: memref<!tpu.dma_semaphore, #tpu.memory_space<semaphore_mem>>, %arg13: memref<!tpu.dma_semaphore, #tpu.memory_space<semaphore_mem>>) attributes {dimension_semantics = [#tpu.dimension_semantics<core_parallel>, #tpu.dimension_semantics<subcore_parallel>], iteration_bounds = array<i64: 2, 16>, scalar_prefetch = 0 : i64, scratch_operands = 9 : i64, tpu.core_type = #tpu.core_type<sc_vector_subcore>, window_params = [{transform_indices = #map}, {transform_indices = #map1}, {transform_indices = #map1}]} {
    %mul3A = arith.constant 2 : i32
    %mul3A_0 = arith.muli %arg1, %mul3A : i32
    %add3A = arith.addi %mul3A_0, %arg0 : i32
    %mul3A_1 = arith.constant 157 : i32
    %mul3A_2 = arith.muli %add3A, %mul3A_1 : i32
    %mul3A_3 = arith.constant 128 : i32
    %mul3A_4 = arith.muli %mul3A_2, %mul3A_3 : i32
    "tpu.region"() ({
      %run_scoped3A = tpu.sem_alloc : memref<!tpu.dma_semaphore, #tpu.memory_space<semaphore_mem>>
      %dma_start3A_77 = tpu.memref_slice %arg2[%mul3A_4] : memref<643072xi32, #tpu.memory_space<hbm>> -> memref<20096xi32, #tpu.memory_space<hbm>>
      %dma_start3A_78 = tpu.memref_slice %arg2[%mul3A_4] : memref<643072xi32, #tpu.memory_space<hbm>> -> memref<20096xi32, #tpu.memory_space<hbm>>
      tpu.enqueue_dma source(%dma_start3A_78 : memref<20096xi32, #tpu.memory_space<hbm>>) target(%arg5 : memref<20096xi32, #tpu.memory_space<vmem>>) target_semaphore(%run_scoped3A : memref<!tpu.dma_semaphore, #tpu.memory_space<semaphore_mem>>)
      %dma_wait3A_79 = tpu.memref_slice %arg2[%mul3A_4] : memref<643072xi32, #tpu.memory_space<hbm>> -> memref<20096xi32, #tpu.memory_space<hbm>>
      %dma_wait3A_80 = tpu.memref_slice %arg2[%mul3A_4] : memref<643072xi32, #tpu.memory_space<hbm>> -> memref<20096xi32, #tpu.memory_space<hbm>>
      tpu.wait_dma2 semaphore(%run_scoped3A : memref<!tpu.dma_semaphore, #tpu.memory_space<semaphore_mem>>) src(%dma_wait3A_80 : memref<20096xi32, #tpu.memory_space<hbm>>) dst(%arg5 : memref<20096xi32, #tpu.memory_space<vmem>>)
      tpu.yield
    }) : () -> ()
    %dma_start3A = arith.constant 0 : i32
    %dma_start3A_5 = tpu.memref_slice %arg5[%dma_start3A] : memref<20096xi32, #tpu.memory_space<vmem>> -> memref<128xi32, #tpu.memory_space<vmem>>
    %dma_start3A_6 = arith.constant 0 : i32
    %dma_start3A_7 = arith.constant 0 : i32
    %dma_start3A_8 = tpu.memref_slice %arg3[%dma_start3A_6, %dma_start3A_7] : memref<10000x128xf32, #tpu.memory_space<hbm>> -> memref<10000x128xf32, #tpu.memory_space<hbm>>
    tpu.enqueue_indirect_dma source(%dma_start3A_8 : memref<10000x128xf32, #tpu.memory_space<hbm>>) target(%arg6 : memref<128x128xf32, #tpu.memory_space<vmem>>) offsets(%dma_start3A_5 : memref<128xi32, #tpu.memory_space<vmem>>) semaphore(%arg10 : memref<!tpu.dma_semaphore, #tpu.memory_space<semaphore_mem>>)
    %dma_start3A_9 = arith.constant 128 : i32
    %dma_start3A_10 = tpu.memref_slice %arg5[%dma_start3A_9] : memref<20096xi32, #tpu.memory_space<vmem>> -> memref<128xi32, #tpu.memory_space<vmem>>
    %dma_start3A_11 = arith.constant 0 : i32
    %dma_start3A_12 = arith.constant 0 : i32
    %dma_start3A_13 = tpu.memref_slice %arg3[%dma_start3A_11, %dma_start3A_12] : memref<10000x128xf32, #tpu.memory_space<hbm>> -> memref<10000x128xf32, #tpu.memory_space<hbm>>
    tpu.enqueue_indirect_dma source(%dma_start3A_13 : memref<10000x128xf32, #tpu.memory_space<hbm>>) target(%arg7 : memref<128x128xf32, #tpu.memory_space<vmem>>) offsets(%dma_start3A_10 : memref<128xi32, #tpu.memory_space<vmem>>) semaphore(%arg11 : memref<!tpu.dma_semaphore, #tpu.memory_space<semaphore_mem>>)
    %dma_start3A_14 = arith.constant 256 : i32
    %dma_start3A_15 = tpu.memref_slice %arg5[%dma_start3A_14] : memref<20096xi32, #tpu.memory_space<vmem>> -> memref<128xi32, #tpu.memory_space<vmem>>
    %dma_start3A_16 = arith.constant 0 : i32
    %dma_start3A_17 = arith.constant 0 : i32
    %dma_start3A_18 = tpu.memref_slice %arg3[%dma_start3A_16, %dma_start3A_17] : memref<10000x128xf32, #tpu.memory_space<hbm>> -> memref<10000x128xf32, #tpu.memory_space<hbm>>
    tpu.enqueue_indirect_dma source(%dma_start3A_18 : memref<10000x128xf32, #tpu.memory_space<hbm>>) target(%arg8 : memref<128x128xf32, #tpu.memory_space<vmem>>) offsets(%dma_start3A_15 : memref<128xi32, #tpu.memory_space<vmem>>) semaphore(%arg12 : memref<!tpu.dma_semaphore, #tpu.memory_space<semaphore_mem>>)
    %dma_start3A_19 = arith.constant 384 : i32
    %dma_start3A_20 = tpu.memref_slice %arg5[%dma_start3A_19] : memref<20096xi32, #tpu.memory_space<vmem>> -> memref<128xi32, #tpu.memory_space<vmem>>
    %dma_start3A_21 = arith.constant 0 : i32
    %dma_start3A_22 = arith.constant 0 : i32
    %dma_start3A_23 = tpu.memref_slice %arg3[%dma_start3A_21, %dma_start3A_22] : memref<10000x128xf32, #tpu.memory_space<hbm>> -> memref<10000x128xf32, #tpu.memory_space<hbm>>
    tpu.enqueue_indirect_dma source(%dma_start3A_23 : memref<10000x128xf32, #tpu.memory_space<hbm>>) target(%arg9 : memref<128x128xf32, #tpu.memory_space<vmem>>) offsets(%dma_start3A_20 : memref<128xi32, #tpu.memory_space<vmem>>) semaphore(%arg13 : memref<!tpu.dma_semaphore, #tpu.memory_space<semaphore_mem>>)
    %scan3A = arith.constant 0 : i32
    %scan3A_24 = arith.constant 38 : i32
    %scan3A_25 = arith.addi %scan3A, %scan3A_24 : i32
    %scan3A_26 = arith.constant 1 : i32
    scf.for %scan3A_77 = %scan3A to %scan3A_25 step %scan3A_26  : i32 {
      %mul3A_78 = arith.constant 4 : i32
      %mul3A_79 = arith.muli %scan3A_77, %mul3A_78 : i32
      %add3A_80 = arith.constant 0 : i32
      %add3A_81 = arith.addi %mul3A_79, %add3A_80 : i32
      %mul3A_82 = arith.constant 128 : i32
      %mul3A_83 = arith.muli %add3A_81, %mul3A_82 : i32
      %dma_wait3A_84 = tpu.memref_slice %arg5[%mul3A_83] : memref<20096xi32, #tpu.memory_space<vmem>> -> memref<128xi32, #tpu.memory_space<vmem>>
      %dma_wait3A_85 = arith.constant 0 : i32
      %dma_wait3A_86 = arith.constant 0 : i32
      %dma_wait3A_87 = tpu.memref_slice %arg3[%dma_wait3A_85, %dma_wait3A_86] : memref<10000x128xf32, #tpu.memory_space<hbm>> -> memref<10000x128xf32, #tpu.memory_space<hbm>>
      tpu.wait_indirect_dma semaphore(%arg10 : memref<!tpu.dma_semaphore, #tpu.memory_space<semaphore_mem>>) src(%dma_wait3A_87 : memref<10000x128xf32, #tpu.memory_space<hbm>>) dst(%arg6 : memref<128x128xf32, #tpu.memory_space<vmem>>)
      %add3A_88 = arith.addi %mul3A_2, %add3A_81 : i32
      %mul3A_89 = arith.constant 128 : i32
      %mul3A_90 = arith.muli %add3A_88, %mul3A_89 : i32
      "tpu.region"() ({
        %run_scoped3A = tpu.sem_alloc : memref<!tpu.dma_semaphore, #tpu.memory_space<semaphore_mem>>
        %dma_start3A_162 = arith.constant 0 : i32
        %dma_start3A_163 = tpu.memref_slice %arg4[%mul3A_90, %dma_start3A_162] : memref<643072x128xf32, #tpu.memory_space<hbm>> -> memref<128x128xf32, #tpu.memory_space<hbm>>
        %dma_start3A_164 = arith.constant 0 : i32
        %dma_start3A_165 = tpu.memref_slice %arg4[%mul3A_90, %dma_start3A_164] : memref<643072x128xf32, #tpu.memory_space<hbm>> -> memref<128x128xf32, #tpu.memory_space<hbm>>
        tpu.enqueue_dma source(%arg6 : memref<128x128xf32, #tpu.memory_space<vmem>>) target(%dma_start3A_165 : memref<128x128xf32, #tpu.memory_space<hbm>>) target_semaphore(%run_scoped3A : memref<!tpu.dma_semaphore, #tpu.memory_space<semaphore_mem>>)
        %dma_wait3A_166 = arith.constant 0 : i32
        %dma_wait3A_167 = tpu.memref_slice %arg4[%mul3A_90, %dma_wait3A_166] : memref<643072x128xf32, #tpu.memory_space<hbm>> -> memref<128x128xf32, #tpu.memory_space<hbm>>
        %dma_wait3A_168 = arith.constant 0 : i32
        %dma_wait3A_169 = tpu.memref_slice %arg4[%mul3A_90, %dma_wait3A_168] : memref<643072x128xf32, #tpu.memory_space<hbm>> -> memref<128x128xf32, #tpu.memory_space<hbm>>
        tpu.wait_dma2 semaphore(%run_scoped3A : memref<!tpu.dma_semaphore, #tpu.memory_space<semaphore_mem>>) src(%arg6 : memref<128x128xf32, #tpu.memory_space<vmem>>) dst(%dma_wait3A_169 : memref<128x128xf32, #tpu.memory_space<hbm>>)
        tpu.yield
      }) : () -> ()
      %add3A_91 = arith.constant 4 : i32
      %add3A_92 = arith.addi %add3A_81, %add3A_91 : i32
      %mul3A_93 = arith.constant 128 : i32
      %mul3A_94 = arith.muli %add3A_92, %mul3A_93 : i32
      %dma_start3A_95 = tpu.memref_slice %arg5[%mul3A_94] : memref<20096xi32, #tpu.memory_space<vmem>> -> memref<128xi32, #tpu.memory_space<vmem>>
      %dma_start3A_96 = arith.constant 0 : i32
      %dma_start3A_97 = arith.constant 0 : i32
      %dma_start3A_98 = tpu.memref_slice %arg3[%dma_start3A_96, %dma_start3A_97] : memref<10000x128xf32, #tpu.memory_space<hbm>> -> memref<10000x128xf32, #tpu.memory_space<hbm>>
      tpu.enqueue_indirect_dma source(%dma_start3A_98 : memref<10000x128xf32, #tpu.memory_space<hbm>>) target(%arg6 : memref<128x128xf32, #tpu.memory_space<vmem>>) offsets(%dma_start3A_95 : memref<128xi32, #tpu.memory_space<vmem>>) semaphore(%arg10 : memref<!tpu.dma_semaphore, #tpu.memory_space<semaphore_mem>>)
      %mul3A_99 = arith.constant 4 : i32
      %mul3A_100 = arith.muli %scan3A_77, %mul3A_99 : i32
      %add3A_101 = arith.constant 1 : i32
      %add3A_102 = arith.addi %mul3A_100, %add3A_101 : i32
      %mul3A_103 = arith.constant 128 : i32
      %mul3A_104 = arith.muli %add3A_102, %mul3A_103 : i32
      %dma_wait3A_105 = tpu.memref_slice %arg5[%mul3A_104] : memref<20096xi32, #tpu.memory_space<vmem>> -> memref<128xi32, #tpu.memory_space<vmem>>
      %dma_wait3A_106 = arith.constant 0 : i32
      %dma_wait3A_107 = arith.constant 0 : i32
      %dma_wait3A_108 = tpu.memref_slice %arg3[%dma_wait3A_106, %dma_wait3A_107] : memref<10000x128xf32, #tpu.memory_space<hbm>> -> memref<10000x128xf32, #tpu.memory_space<hbm>>
      tpu.wait_indirect_dma semaphore(%arg11 : memref<!tpu.dma_semaphore, #tpu.memory_space<semaphore_mem>>) src(%dma_wait3A_108 : memref<10000x128xf32, #tpu.memory_space<hbm>>) dst(%arg7 : memref<128x128xf32, #tpu.memory_space<vmem>>)
      %add3A_109 = arith.addi %mul3A_2, %add3A_102 : i32
      %mul3A_110 = arith.constant 128 : i32
      %mul3A_111 = arith.muli %add3A_109, %mul3A_110 : i32
      "tpu.region"() ({
        %run_scoped3A = tpu.sem_alloc : memref<!tpu.dma_semaphore, #tpu.memory_space<semaphore_mem>>
        %dma_start3A_162 = arith.constant 0 : i32
        %dma_start3A_163 = tpu.memref_slice %arg4[%mul3A_111, %dma_start3A_162] : memref<643072x128xf32, #tpu.memory_space<hbm>> -> memref<128x128xf32, #tpu.memory_space<hbm>>
        %dma_start3A_164 = arith.constant 0 : i32
        %dma_start3A_165 = tpu.memref_slice %arg4[%mul3A_111, %dma_start3A_164] : memref<643072x128xf32, #tpu.memory_space<hbm>> -> memref<128x128xf32, #tpu.memory_space<hbm>>
        tpu.enqueue_dma source(%arg7 : memref<128x128xf32, #tpu.memory_space<vmem>>) target(%dma_start3A_165 : memref<128x128xf32, #tpu.memory_space<hbm>>) target_semaphore(%run_scoped3A : memref<!tpu.dma_semaphore, #tpu.memory_space<semaphore_mem>>)
        %dma_wait3A_166 = arith.constant 0 : i32
        %dma_wait3A_167 = tpu.memref_slice %arg4[%mul3A_111, %dma_wait3A_166] : memref<643072x128xf32, #tpu.memory_space<hbm>> -> memref<128x128xf32, #tpu.memory_space<hbm>>
        %dma_wait3A_168 = arith.constant 0 : i32
        %dma_wait3A_169 = tpu.memref_slice %arg4[%mul3A_111, %dma_wait3A_168] : memref<643072x128xf32, #tpu.memory_space<hbm>> -> memref<128x128xf32, #tpu.memory_space<hbm>>
        tpu.wait_dma2 semaphore(%run_scoped3A : memref<!tpu.dma_semaphore, #tpu.memory_space<semaphore_mem>>) src(%arg7 : memref<128x128xf32, #tpu.memory_space<vmem>>) dst(%dma_wait3A_169 : memref<128x128xf32, #tpu.memory_space<hbm>>)
        tpu.yield
      }) : () -> ()
      %add3A_112 = arith.constant 4 : i32
      %add3A_113 = arith.addi %add3A_102, %add3A_112 : i32
      %mul3A_114 = arith.constant 128 : i32
      %mul3A_115 = arith.muli %add3A_113, %mul3A_114 : i32
      %dma_start3A_116 = tpu.memref_slice %arg5[%mul3A_115] : memref<20096xi32, #tpu.memory_space<vmem>> -> memref<128xi32, #tpu.memory_space<vmem>>
      %dma_start3A_117 = arith.constant 0 : i32
      %dma_start3A_118 = arith.constant 0 : i32
      %dma_start3A_119 = tpu.memref_slice %arg3[%dma_start3A_117, %dma_start3A_118] : memref<10000x128xf32, #tpu.memory_space<hbm>> -> memref<10000x128xf32, #tpu.memory_space<hbm>>
      tpu.enqueue_indirect_dma source(%dma_start3A_119 : memref<10000x128xf32, #tpu.memory_space<hbm>>) target(%arg7 : memref<128x128xf32, #tpu.memory_space<vmem>>) offsets(%dma_start3A_116 : memref<128xi32, #tpu.memory_space<vmem>>) semaphore(%arg11 : memref<!tpu.dma_semaphore, #tpu.memory_space<semaphore_mem>>)
      %mul3A_120 = arith.constant 4 : i32
      %mul3A_121 = arith.muli %scan3A_77, %mul3A_120 : i32
      %add3A_122 = arith.constant 2 : i32
      %add3A_123 = arith.addi %mul3A_121, %add3A_122 : i32
      %mul3A_124 = arith.constant 128 : i32
      %mul3A_125 = arith.muli %add3A_123, %mul3A_124 : i32
      %dma_wait3A_126 = tpu.memref_slice %arg5[%mul3A_125] : memref<20096xi32, #tpu.memory_space<vmem>> -> memref<128xi32, #tpu.memory_space<vmem>>
      %dma_wait3A_127 = arith.constant 0 : i32
      %dma_wait3A_128 = arith.constant 0 : i32
      %dma_wait3A_129 = tpu.memref_slice %arg3[%dma_wait3A_127, %dma_wait3A_128] : memref<10000x128xf32, #tpu.memory_space<hbm>> -> memref<10000x128xf32, #tpu.memory_space<hbm>>
      tpu.wait_indirect_dma semaphore(%arg12 : memref<!tpu.dma_semaphore, #tpu.memory_space<semaphore_mem>>) src(%dma_wait3A_129 : memref<10000x128xf32, #tpu.memory_space<hbm>>) dst(%arg8 : memref<128x128xf32, #tpu.memory_space<vmem>>)
      %add3A_130 = arith.addi %mul3A_2, %add3A_123 : i32
      %mul3A_131 = arith.constant 128 : i32
      %mul3A_132 = arith.muli %add3A_130, %mul3A_131 : i32
      "tpu.region"() ({
        %run_scoped3A = tpu.sem_alloc : memref<!tpu.dma_semaphore, #tpu.memory_space<semaphore_mem>>
        %dma_start3A_162 = arith.constant 0 : i32
        %dma_start3A_163 = tpu.memref_slice %arg4[%mul3A_132, %dma_start3A_162] : memref<643072x128xf32, #tpu.memory_space<hbm>> -> memref<128x128xf32, #tpu.memory_space<hbm>>
        %dma_start3A_164 = arith.constant 0 : i32
        %dma_start3A_165 = tpu.memref_slice %arg4[%mul3A_132, %dma_start3A_164] : memref<643072x128xf32, #tpu.memory_space<hbm>> -> memref<128x128xf32, #tpu.memory_space<hbm>>
        tpu.enqueue_dma source(%arg8 : memref<128x128xf32, #tpu.memory_space<vmem>>) target(%dma_start3A_165 : memref<128x128xf32, #tpu.memory_space<hbm>>) target_semaphore(%run_scoped3A : memref<!tpu.dma_semaphore, #tpu.memory_space<semaphore_mem>>)
        %dma_wait3A_166 = arith.constant 0 : i32
        %dma_wait3A_167 = tpu.memref_slice %arg4[%mul3A_132, %dma_wait3A_166] : memref<643072x128xf32, #tpu.memory_space<hbm>> -> memref<128x128xf32, #tpu.memory_space<hbm>>
        %dma_wait3A_168 = arith.constant 0 : i32
        %dma_wait3A_169 = tpu.memref_slice %arg4[%mul3A_132, %dma_wait3A_168] : memref<643072x128xf32, #tpu.memory_space<hbm>> -> memref<128x128xf32, #tpu.memory_space<hbm>>
        tpu.wait_dma2 semaphore(%run_scoped3A : memref<!tpu.dma_semaphore, #tpu.memory_space<semaphore_mem>>) src(%arg8 : memref<128x128xf32, #tpu.memory_space<vmem>>) dst(%dma_wait3A_169 : memref<128x128xf32, #tpu.memory_space<hbm>>)
        tpu.yield
      }) : () -> ()
      %add3A_133 = arith.constant 4 : i32
      %add3A_134 = arith.addi %add3A_123, %add3A_133 : i32
      %mul3A_135 = arith.constant 128 : i32
      %mul3A_136 = arith.muli %add3A_134, %mul3A_135 : i32
      %dma_start3A_137 = tpu.memref_slice %arg5[%mul3A_136] : memref<20096xi32, #tpu.memory_space<vmem>> -> memref<128xi32, #tpu.memory_space<vmem>>
      %dma_start3A_138 = arith.constant 0 : i32
      %dma_start3A_139 = arith.constant 0 : i32
      %dma_start3A_140 = tpu.memref_slice %arg3[%dma_start3A_138, %dma_start3A_139] : memref<10000x128xf32, #tpu.memory_space<hbm>> -> memref<10000x128xf32, #tpu.memory_space<hbm>>
      tpu.enqueue_indirect_dma source(%dma_start3A_140 : memref<10000x128xf32, #tpu.memory_space<hbm>>) target(%arg8 : memref<128x128xf32, #tpu.memory_space<vmem>>) offsets(%dma_start3A_137 : memref<128xi32, #tpu.memory_space<vmem>>) semaphore(%arg12 : memref<!tpu.dma_semaphore, #tpu.memory_space<semaphore_mem>>)
      %mul3A_141 = arith.constant 4 : i32
      %mul3A_142 = arith.muli %scan3A_77, %mul3A_141 : i32
      %add3A_143 = arith.constant 3 : i32
      %add3A_144 = arith.addi %mul3A_142, %add3A_143 : i32
      %mul3A_145 = arith.constant 128 : i32
      %mul3A_146 = arith.muli %add3A_144, %mul3A_145 : i32
      %dma_wait3A_147 = tpu.memref_slice %arg5[%mul3A_146] : memref<20096xi32, #tpu.memory_space<vmem>> -> memref<128xi32, #tpu.memory_space<vmem>>
      %dma_wait3A_148 = arith.constant 0 : i32
      %dma_wait3A_149 = arith.constant 0 : i32
      %dma_wait3A_150 = tpu.memref_slice %arg3[%dma_wait3A_148, %dma_wait3A_149] : memref<10000x128xf32, #tpu.memory_space<hbm>> -> memref<10000x128xf32, #tpu.memory_space<hbm>>
      tpu.wait_indirect_dma semaphore(%arg13 : memref<!tpu.dma_semaphore, #tpu.memory_space<semaphore_mem>>) src(%dma_wait3A_150 : memref<10000x128xf32, #tpu.memory_space<hbm>>) dst(%arg9 : memref<128x128xf32, #tpu.memory_space<vmem>>)
      %add3A_151 = arith.addi %mul3A_2, %add3A_144 : i32
      %mul3A_152 = arith.constant 128 : i32
      %mul3A_153 = arith.muli %add3A_151, %mul3A_152 : i32
      "tpu.region"() ({
        %run_scoped3A = tpu.sem_alloc : memref<!tpu.dma_semaphore, #tpu.memory_space<semaphore_mem>>
        %dma_start3A_162 = arith.constant 0 : i32
        %dma_start3A_163 = tpu.memref_slice %arg4[%mul3A_153, %dma_start3A_162] : memref<643072x128xf32, #tpu.memory_space<hbm>> -> memref<128x128xf32, #tpu.memory_space<hbm>>
        %dma_start3A_164 = arith.constant 0 : i32
        %dma_start3A_165 = tpu.memref_slice %arg4[%mul3A_153, %dma_start3A_164] : memref<643072x128xf32, #tpu.memory_space<hbm>> -> memref<128x128xf32, #tpu.memory_space<hbm>>
        tpu.enqueue_dma source(%arg9 : memref<128x128xf32, #tpu.memory_space<vmem>>) target(%dma_start3A_165 : memref<128x128xf32, #tpu.memory_space<hbm>>) target_semaphore(%run_scoped3A : memref<!tpu.dma_semaphore, #tpu.memory_space<semaphore_mem>>)
        %dma_wait3A_166 = arith.constant 0 : i32
        %dma_wait3A_167 = tpu.memref_slice %arg4[%mul3A_153, %dma_wait3A_166] : memref<643072x128xf32, #tpu.memory_space<hbm>> -> memref<128x128xf32, #tpu.memory_space<hbm>>
        %dma_wait3A_168 = arith.constant 0 : i32
        %dma_wait3A_169 = tpu.memref_slice %arg4[%mul3A_153, %dma_wait3A_168] : memref<643072x128xf32, #tpu.memory_space<hbm>> -> memref<128x128xf32, #tpu.memory_space<hbm>>
        tpu.wait_dma2 semaphore(%run_scoped3A : memref<!tpu.dma_semaphore, #tpu.memory_space<semaphore_mem>>) src(%arg9 : memref<128x128xf32, #tpu.memory_space<vmem>>) dst(%dma_wait3A_169 : memref<128x128xf32, #tpu.memory_space<hbm>>)
        tpu.yield
      }) : () -> ()
      %add3A_154 = arith.constant 4 : i32
      %add3A_155 = arith.addi %add3A_144, %add3A_154 : i32
      %mul3A_156 = arith.constant 128 : i32
      %mul3A_157 = arith.muli %add3A_155, %mul3A_156 : i32
      %dma_start3A_158 = tpu.memref_slice %arg5[%mul3A_157] : memref<20096xi32, #tpu.memory_space<vmem>> -> memref<128xi32, #tpu.memory_space<vmem>>
      %dma_start3A_159 = arith.constant 0 : i32
      %dma_start3A_160 = arith.constant 0 : i32
      %dma_start3A_161 = tpu.memref_slice %arg3[%dma_start3A_159, %dma_start3A_160] : memref<10000x128xf32, #tpu.memory_space<hbm>> -> memref<10000x128xf32, #tpu.memory_space<hbm>>
      tpu.enqueue_indirect_dma source(%dma_start3A_161 : memref<10000x128xf32, #tpu.memory_space<hbm>>) target(%arg9 : memref<128x128xf32, #tpu.memory_space<vmem>>) offsets(%dma_start3A_158 : memref<128xi32, #tpu.memory_space<vmem>>) semaphore(%arg13 : memref<!tpu.dma_semaphore, #tpu.memory_space<semaphore_mem>>)
    }
    %scan3A_27 = arith.constant 38 : i32
    %dma_wait3A = arith.constant 19456 : i32
    %dma_wait3A_28 = tpu.memref_slice %arg5[%dma_wait3A] : memref<20096xi32, #tpu.memory_space<vmem>> -> memref<128xi32, #tpu.memory_space<vmem>>
    %dma_wait3A_29 = arith.constant 0 : i32
    %dma_wait3A_30 = arith.constant 0 : i32
    %dma_wait3A_31 = tpu.memref_slice %arg3[%dma_wait3A_29, %dma_wait3A_30] : memref<10000x128xf32, #tpu.memory_space<hbm>> -> memref<10000x128xf32, #tpu.memory_space<hbm>>
    tpu.wait_indirect_dma semaphore(%arg10 : memref<!tpu.dma_semaphore, #tpu.memory_space<semaphore_mem>>) src(%dma_wait3A_31 : memref<10000x128xf32, #tpu.memory_space<hbm>>) dst(%arg6 : memref<128x128xf32, #tpu.memory_space<vmem>>)
    %add3A_32 = arith.constant 152 : i32
    %add3A_33 = arith.addi %mul3A_2, %add3A_32 : i32
    %mul3A_34 = arith.constant 128 : i32
    %mul3A_35 = arith.muli %add3A_33, %mul3A_34 : i32
    "tpu.region"() ({
      %run_scoped3A = tpu.sem_alloc : memref<!tpu.dma_semaphore, #tpu.memory_space<semaphore_mem>>
      %dma_start3A_77 = arith.constant 0 : i32
      %dma_start3A_78 = tpu.memref_slice %arg4[%mul3A_35, %dma_start3A_77] : memref<643072x128xf32, #tpu.memory_space<hbm>> -> memref<128x128xf32, #tpu.memory_space<hbm>>
      %dma_start3A_79 = arith.constant 0 : i32
      %dma_start3A_80 = tpu.memref_slice %arg4[%mul3A_35, %dma_start3A_79] : memref<643072x128xf32, #tpu.memory_space<hbm>> -> memref<128x128xf32, #tpu.memory_space<hbm>>
      tpu.enqueue_dma source(%arg6 : memref<128x128xf32, #tpu.memory_space<vmem>>) target(%dma_start3A_80 : memref<128x128xf32, #tpu.memory_space<hbm>>) target_semaphore(%run_scoped3A : memref<!tpu.dma_semaphore, #tpu.memory_space<semaphore_mem>>)
      %dma_wait3A_81 = arith.constant 0 : i32
      %dma_wait3A_82 = tpu.memref_slice %arg4[%mul3A_35, %dma_wait3A_81] : memref<643072x128xf32, #tpu.memory_space<hbm>> -> memref<128x128xf32, #tpu.memory_space<hbm>>
      %dma_wait3A_83 = arith.constant 0 : i32
      %dma_wait3A_84 = tpu.memref_slice %arg4[%mul3A_35, %dma_wait3A_83] : memref<643072x128xf32, #tpu.memory_space<hbm>> -> memref<128x128xf32, #tpu.memory_space<hbm>>
      tpu.wait_dma2 semaphore(%run_scoped3A : memref<!tpu.dma_semaphore, #tpu.memory_space<semaphore_mem>>) src(%arg6 : memref<128x128xf32, #tpu.memory_space<vmem>>) dst(%dma_wait3A_84 : memref<128x128xf32, #tpu.memory_space<hbm>>)
      tpu.yield
    }) : () -> ()
    %dma_start3A_36 = arith.constant 19968 : i32
    %dma_start3A_37 = tpu.memref_slice %arg5[%dma_start3A_36] : memref<20096xi32, #tpu.memory_space<vmem>> -> memref<128xi32, #tpu.memory_space<vmem>>
    %dma_start3A_38 = arith.constant 0 : i32
    %dma_start3A_39 = arith.constant 0 : i32
    %dma_start3A_40 = tpu.memref_slice %arg3[%dma_start3A_38, %dma_start3A_39] : memref<10000x128xf32, #tpu.memory_space<hbm>> -> memref<10000x128xf32, #tpu.memory_space<hbm>>
    tpu.enqueue_indirect_dma source(%dma_start3A_40 : memref<10000x128xf32, #tpu.memory_space<hbm>>) target(%arg6 : memref<128x128xf32, #tpu.memory_space<vmem>>) offsets(%dma_start3A_37 : memref<128xi32, #tpu.memory_space<vmem>>) semaphore(%arg10 : memref<!tpu.dma_semaphore, #tpu.memory_space<semaphore_mem>>)
    %dma_wait3A_41 = arith.constant 19584 : i32
    %dma_wait3A_42 = tpu.memref_slice %arg5[%dma_wait3A_41] : memref<20096xi32, #tpu.memory_space<vmem>> -> memref<128xi32, #tpu.memory_space<vmem>>
    %dma_wait3A_43 = arith.constant 0 : i32
    %dma_wait3A_44 = arith.constant 0 : i32
    %dma_wait3A_45 = tpu.memref_slice %arg3[%dma_wait3A_43, %dma_wait3A_44] : memref<10000x128xf32, #tpu.memory_space<hbm>> -> memref<10000x128xf32, #tpu.memory_space<hbm>>
    tpu.wait_indirect_dma semaphore(%arg11 : memref<!tpu.dma_semaphore, #tpu.memory_space<semaphore_mem>>) src(%dma_wait3A_45 : memref<10000x128xf32, #tpu.memory_space<hbm>>) dst(%arg7 : memref<128x128xf32, #tpu.memory_space<vmem>>)
    %add3A_46 = arith.constant 153 : i32
    %add3A_47 = arith.addi %mul3A_2, %add3A_46 : i32
    %mul3A_48 = arith.constant 128 : i32
    %mul3A_49 = arith.muli %add3A_47, %mul3A_48 : i32
    "tpu.region"() ({
      %run_scoped3A = tpu.sem_alloc : memref<!tpu.dma_semaphore, #tpu.memory_space<semaphore_mem>>
      %dma_start3A_77 = arith.constant 0 : i32
      %dma_start3A_78 = tpu.memref_slice %arg4[%mul3A_49, %dma_start3A_77] : memref<643072x128xf32, #tpu.memory_space<hbm>> -> memref<128x128xf32, #tpu.memory_space<hbm>>
      %dma_start3A_79 = arith.constant 0 : i32
      %dma_start3A_80 = tpu.memref_slice %arg4[%mul3A_49, %dma_start3A_79] : memref<643072x128xf32, #tpu.memory_space<hbm>> -> memref<128x128xf32, #tpu.memory_space<hbm>>
      tpu.enqueue_dma source(%arg7 : memref<128x128xf32, #tpu.memory_space<vmem>>) target(%dma_start3A_80 : memref<128x128xf32, #tpu.memory_space<hbm>>) target_semaphore(%run_scoped3A : memref<!tpu.dma_semaphore, #tpu.memory_space<semaphore_mem>>)
      %dma_wait3A_81 = arith.constant 0 : i32
      %dma_wait3A_82 = tpu.memref_slice %arg4[%mul3A_49, %dma_wait3A_81] : memref<643072x128xf32, #tpu.memory_space<hbm>> -> memref<128x128xf32, #tpu.memory_space<hbm>>
      %dma_wait3A_83 = arith.constant 0 : i32
      %dma_wait3A_84 = tpu.memref_slice %arg4[%mul3A_49, %dma_wait3A_83] : memref<643072x128xf32, #tpu.memory_space<hbm>> -> memref<128x128xf32, #tpu.memory_space<hbm>>
      tpu.wait_dma2 semaphore(%run_scoped3A : memref<!tpu.dma_semaphore, #tpu.memory_space<semaphore_mem>>) src(%arg7 : memref<128x128xf32, #tpu.memory_space<vmem>>) dst(%dma_wait3A_84 : memref<128x128xf32, #tpu.memory_space<hbm>>)
      tpu.yield
    }) : () -> ()
    %dma_wait3A_50 = arith.constant 19712 : i32
    %dma_wait3A_51 = tpu.memref_slice %arg5[%dma_wait3A_50] : memref<20096xi32, #tpu.memory_space<vmem>> -> memref<128xi32, #tpu.memory_space<vmem>>
    %dma_wait3A_52 = arith.constant 0 : i32
    %dma_wait3A_53 = arith.constant 0 : i32
    %dma_wait3A_54 = tpu.memref_slice %arg3[%dma_wait3A_52, %dma_wait3A_53] : memref<10000x128xf32, #tpu.memory_space<hbm>> -> memref<10000x128xf32, #tpu.memory_space<hbm>>
    tpu.wait_indirect_dma semaphore(%arg12 : memref<!tpu.dma_semaphore, #tpu.memory_space<semaphore_mem>>) src(%dma_wait3A_54 : memref<10000x128xf32, #tpu.memory_space<hbm>>) dst(%arg8 : memref<128x128xf32, #tpu.memory_space<vmem>>)
    %add3A_55 = arith.constant 154 : i32
    %add3A_56 = arith.addi %mul3A_2, %add3A_55 : i32
    %mul3A_57 = arith.constant 128 : i32
    %mul3A_58 = arith.muli %add3A_56, %mul3A_57 : i32
    "tpu.region"() ({
      %run_scoped3A = tpu.sem_alloc : memref<!tpu.dma_semaphore, #tpu.memory_space<semaphore_mem>>
      %dma_start3A_77 = arith.constant 0 : i32
      %dma_start3A_78 = tpu.memref_slice %arg4[%mul3A_58, %dma_start3A_77] : memref<643072x128xf32, #tpu.memory_space<hbm>> -> memref<128x128xf32, #tpu.memory_space<hbm>>
      %dma_start3A_79 = arith.constant 0 : i32
      %dma_start3A_80 = tpu.memref_slice %arg4[%mul3A_58, %dma_start3A_79] : memref<643072x128xf32, #tpu.memory_space<hbm>> -> memref<128x128xf32, #tpu.memory_space<hbm>>
      tpu.enqueue_dma source(%arg8 : memref<128x128xf32, #tpu.memory_space<vmem>>) target(%dma_start3A_80 : memref<128x128xf32, #tpu.memory_space<hbm>>) target_semaphore(%run_scoped3A : memref<!tpu.dma_semaphore, #tpu.memory_space<semaphore_mem>>)
      %dma_wait3A_81 = arith.constant 0 : i32
      %dma_wait3A_82 = tpu.memref_slice %arg4[%mul3A_58, %dma_wait3A_81] : memref<643072x128xf32, #tpu.memory_space<hbm>> -> memref<128x128xf32, #tpu.memory_space<hbm>>
      %dma_wait3A_83 = arith.constant 0 : i32
      %dma_wait3A_84 = tpu.memref_slice %arg4[%mul3A_58, %dma_wait3A_83] : memref<643072x128xf32, #tpu.memory_space<hbm>> -> memref<128x128xf32, #tpu.memory_space<hbm>>
      tpu.wait_dma2 semaphore(%run_scoped3A : memref<!tpu.dma_semaphore, #tpu.memory_space<semaphore_mem>>) src(%arg8 : memref<128x128xf32, #tpu.memory_space<vmem>>) dst(%dma_wait3A_84 : memref<128x128xf32, #tpu.memory_space<hbm>>)
      tpu.yield
    }) : () -> ()
    %dma_wait3A_59 = arith.constant 19840 : i32
    %dma_wait3A_60 = tpu.memref_slice %arg5[%dma_wait3A_59] : memref<20096xi32, #tpu.memory_space<vmem>> -> memref<128xi32, #tpu.memory_space<vmem>>
    %dma_wait3A_61 = arith.constant 0 : i32
    %dma_wait3A_62 = arith.constant 0 : i32
    %dma_wait3A_63 = tpu.memref_slice %arg3[%dma_wait3A_61, %dma_wait3A_62] : memref<10000x128xf32, #tpu.memory_space<hbm>> -> memref<10000x128xf32, #tpu.memory_space<hbm>>
    tpu.wait_indirect_dma semaphore(%arg13 : memref<!tpu.dma_semaphore, #tpu.memory_space<semaphore_mem>>) src(%dma_wait3A_63 : memref<10000x128xf32, #tpu.memory_space<hbm>>) dst(%arg9 : memref<128x128xf32, #tpu.memory_space<vmem>>)
    %add3A_64 = arith.constant 155 : i32
    %add3A_65 = arith.addi %mul3A_2, %add3A_64 : i32
    %mul3A_66 = arith.constant 128 : i32
    %mul3A_67 = arith.muli %add3A_65, %mul3A_66 : i32
    "tpu.region"() ({
      %run_scoped3A = tpu.sem_alloc : memref<!tpu.dma_semaphore, #tpu.memory_space<semaphore_mem>>
      %dma_start3A_77 = arith.constant 0 : i32
      %dma_start3A_78 = tpu.memref_slice %arg4[%mul3A_67, %dma_start3A_77] : memref<643072x128xf32, #tpu.memory_space<hbm>> -> memref<128x128xf32, #tpu.memory_space<hbm>>
      %dma_start3A_79 = arith.constant 0 : i32
      %dma_start3A_80 = tpu.memref_slice %arg4[%mul3A_67, %dma_start3A_79] : memref<643072x128xf32, #tpu.memory_space<hbm>> -> memref<128x128xf32, #tpu.memory_space<hbm>>
      tpu.enqueue_dma source(%arg9 : memref<128x128xf32, #tpu.memory_space<vmem>>) target(%dma_start3A_80 : memref<128x128xf32, #tpu.memory_space<hbm>>) target_semaphore(%run_scoped3A : memref<!tpu.dma_semaphore, #tpu.memory_space<semaphore_mem>>)
      %dma_wait3A_81 = arith.constant 0 : i32
      %dma_wait3A_82 = tpu.memref_slice %arg4[%mul3A_67, %dma_wait3A_81] : memref<643072x128xf32, #tpu.memory_space<hbm>> -> memref<128x128xf32, #tpu.memory_space<hbm>>
      %dma_wait3A_83 = arith.constant 0 : i32
      %dma_wait3A_84 = tpu.memref_slice %arg4[%mul3A_67, %dma_wait3A_83] : memref<643072x128xf32, #tpu.memory_space<hbm>> -> memref<128x128xf32, #tpu.memory_space<hbm>>
      tpu.wait_dma2 semaphore(%run_scoped3A : memref<!tpu.dma_semaphore, #tpu.memory_space<semaphore_mem>>) src(%arg9 : memref<128x128xf32, #tpu.memory_space<vmem>>) dst(%dma_wait3A_84 : memref<128x128xf32, #tpu.memory_space<hbm>>)
      tpu.yield
    }) : () -> ()
    %dma_wait3A_68 = arith.constant 19968 : i32
    %dma_wait3A_69 = tpu.memref_slice %arg5[%dma_wait3A_68] : memref<20096xi32, #tpu.memory_space<vmem>> -> memref<128xi32, #tpu.memory_space<vmem>>
    %dma_wait3A_70 = arith.constant 0 : i32
    %dma_wait3A_71 = arith.constant 0 : i32
    %dma_wait3A_72 = tpu.memref_slice %arg3[%dma_wait3A_70, %dma_wait3A_71] : memref<10000x128xf32, #tpu.memory_space<hbm>> -> memref<10000x128xf32, #tpu.memory_space<hbm>>
    tpu.wait_indirect_dma semaphore(%arg10 : memref<!tpu.dma_semaphore, #tpu.memory_space<semaphore_mem>>) src(%dma_wait3A_72 : memref<10000x128xf32, #tpu.memory_space<hbm>>) dst(%arg6 : memref<128x128xf32, #tpu.memory_space<vmem>>)
    %add3A_73 = arith.constant 156 : i32
    %add3A_74 = arith.addi %mul3A_2, %add3A_73 : i32
    %mul3A_75 = arith.constant 128 : i32
    %mul3A_76 = arith.muli %add3A_74, %mul3A_75 : i32
    "tpu.region"() ({
      %run_scoped3A = tpu.sem_alloc : memref<!tpu.dma_semaphore, #tpu.memory_space<semaphore_mem>>
      %dma_start3A_77 = arith.constant 0 : i32
      %dma_start3A_78 = tpu.memref_slice %arg4[%mul3A_76, %dma_start3A_77] : memref<643072x128xf32, #tpu.memory_space<hbm>> -> memref<128x128xf32, #tpu.memory_space<hbm>>
      %dma_start3A_79 = arith.constant 0 : i32
      %dma_start3A_80 = tpu.memref_slice %arg4[%mul3A_76, %dma_start3A_79] : memref<643072x128xf32, #tpu.memory_space<hbm>> -> memref<128x128xf32, #tpu.memory_space<hbm>>
      tpu.enqueue_dma source(%arg6 : memref<128x128xf32, #tpu.memory_space<vmem>>) target(%dma_start3A_80 : memref<128x128xf32, #tpu.memory_space<hbm>>) target_semaphore(%run_scoped3A : memref<!tpu.dma_semaphore, #tpu.memory_space<semaphore_mem>>)
      %dma_wait3A_81 = arith.constant 0 : i32
      %dma_wait3A_82 = tpu.memref_slice %arg4[%mul3A_76, %dma_wait3A_81] : memref<643072x128xf32, #tpu.memory_space<hbm>> -> memref<128x128xf32, #tpu.memory_space<hbm>>
      %dma_wait3A_83 = arith.constant 0 : i32
      %dma_wait3A_84 = tpu.memref_slice %arg4[%mul3A_76, %dma_wait3A_83] : memref<643072x128xf32, #tpu.memory_space<hbm>> -> memref<128x128xf32, #tpu.memory_space<hbm>>
      tpu.wait_dma2 semaphore(%run_scoped3A : memref<!tpu.dma_semaphore, #tpu.memory_space<semaphore_mem>>) src(%arg6 : memref<128x128xf32, #tpu.memory_space<vmem>>) dst(%dma_wait3A_84 : memref<128x128xf32, #tpu.memory_space<hbm>>)
      tpu.yield
    }) : () -> ()
    return
  }
}

module attributes {stable_mosaic.version = 14 : i64} {
  func.func @tc_matmul_deg(%arg0: i32, %arg1: memref<400x128xf32, #tpu.memory_space<vmem>>, %arg2: memref<128x128xf32, #tpu.memory_space<vmem>>, %arg3: memref<32x80x128xf32, #tpu.memory_space<vmem>>, %arg4: memref<400x128xf32, #tpu.memory_space<vmem>>, %arg5: memref<80x128xf32, #tpu.memory_space<vmem>>) attributes {dimension_semantics = [#tpu.dimension_semantics<arbitrary>], iteration_bounds = array<i64: 25>, scalar_prefetch = 0 : i64, scratch_operands = 0 : i64, tpu.core_type = #tpu.core_type<tc>, window_params = [{transform_indices = @transform_0, window_bounds = array<i64: 400, 128>}, {pipeline_mode = #tpu.pipeline_mode<synchronous>, transform_indices = @transform_1, window_bounds = array<i64: 128, 128>}, {pipeline_mode = #tpu.pipeline_mode<synchronous>, transform_indices = @transform_2, window_bounds = array<i64: 32, 80, 128>}, {transform_indices = @transform_3, window_bounds = array<i64: 400, 128>}, {pipeline_mode = #tpu.pipeline_mode<synchronous>, transform_indices = @transform_4, window_bounds = array<i64: 80, 128>}]} {
    %get3A = arith.constant 0 : index
    %get3A_0 = arith.constant 0 : index
    %get3A_1 = vector.load %arg1[%get3A, %get3A_0] : memref<400x128xf32, #tpu.memory_space<vmem>>, vector<400x128xf32>
    %get3A_2 = arith.constant 0 : index
    %get3A_3 = arith.constant 0 : index
    %get3A_4 = vector.load %arg2[%get3A_2, %get3A_3] : memref<128x128xf32, #tpu.memory_space<vmem>>, vector<128x128xf32>
    %dot_general3A = arith.constant dense<0.000000e+00> : vector<400x128xf32>
    %dot_general3A_5 = tpu.matmul %get3A_1, %get3A_4, %dot_general3A {dimension_numbers = #tpu.dot_dimension_numbers<[1], [0], [0], [1], [0, 0, 1, 1], [], []>, transpose_lhs_hint = false} : vector<400x128xf32>, vector<128x128xf32>, vector<400x128xf32> -> vector<400x128xf32>
    %swap3A = arith.constant 0 : index
    %swap3A_6 = arith.constant 0 : index
    %swap3A_7 = vector.load %arg4[%swap3A, %swap3A_6] : memref<400x128xf32, #tpu.memory_space<vmem>>, vector<400x128xf32>
    tpu.vector_store %arg4[%swap3A, %swap3A_6], %dot_general3A_5 {strides = array<i32>} : memref<400x128xf32, #tpu.memory_space<vmem>>, vector<400x128xf32>,
    %eq3A = arith.constant 0 : i32
    %eq3A_8 = arith.cmpi eq, %arg0, %eq3A : i32
    %convert_element_type3A = arith.extui %eq3A_8 : i1 to i32
    %cond3A = arith.constant 0 : i32
    %cond3A_9 = arith.cmpi ne, %convert_element_type3A, %cond3A : i32
    scf.if %cond3A_9 {
      %get3A_10 = arith.constant 0 : index
      %get3A_11 = arith.constant 0 : index
      %get3A_12 = arith.constant 0 : index
      %get3A_13 = vector.load %arg3[%get3A_10, %get3A_11, %get3A_12] : memref<32x80x128xf32, #tpu.memory_space<vmem>>, vector<32x80x128xf32>
      %reduce_sum3A = arith.constant dense<0.000000e+00> : vector<80x128xf32>
      %reduce_sum3A_14 = vector.multi_reduction <add>, %get3A_13, %reduce_sum3A [0] : vector<32x80x128xf32> to vector<80x128xf32>
      %add3A = arith.constant 1.000000e+00 : f32
      %add3A_15 = vector.broadcast %add3A : f32 to vector<80x128xf32>
      %add3A_16 = arith.addf %reduce_sum3A_14, %add3A_15 : vector<80x128xf32>
      %swap3A_17 = arith.constant 0 : index
      %swap3A_18 = arith.constant 0 : index
      %swap3A_19 = vector.load %arg5[%swap3A_17, %swap3A_18] : memref<80x128xf32, #tpu.memory_space<vmem>>, vector<80x128xf32>
      tpu.vector_store %arg5[%swap3A_17, %swap3A_18], %add3A_16 {strides = array<i32>} : memref<80x128xf32, #tpu.memory_space<vmem>>, vector<80x128xf32>,
    } else {
    }
    return
  }
  func.func @transform_0(%arg0: i32) -> (i32, i32) {
    %c0_i32 = arith.constant 0 : i32
    %c0_i32_0 = arith.constant 0 : i32
    return %arg0, %c0_i32 : i32, i32
  }
  func.func @transform_1(%arg0: i32) -> (i32, i32) {
    %c0_i32 = arith.constant 0 : i32
    %c0_i32_0 = arith.constant 0 : i32
    %c0_i32_1 = arith.constant 0 : i32
    return %c0_i32, %c0_i32_0 : i32, i32
  }
  func.func @transform_2(%arg0: i32) -> (i32, i32, i32) {
    %c0_i32 = arith.constant 0 : i32
    %c0_i32_0 = arith.constant 0 : i32
    %c0_i32_1 = arith.constant 0 : i32
    %c0_i32_2 = arith.constant 0 : i32
    return %c0_i32, %c0_i32_0, %c0_i32_1 : i32, i32, i32
  }
  func.func @transform_3(%arg0: i32) -> (i32, i32) {
    %c0_i32 = arith.constant 0 : i32
    %c0_i32_0 = arith.constant 0 : i32
    return %arg0, %c0_i32 : i32, i32
  }
  func.func @transform_4(%arg0: i32) -> (i32, i32) {
    %c0_i32 = arith.constant 0 : i32
    %c0_i32_0 = arith.constant 0 : i32
    %c0_i32_1 = arith.constant 0 : i32
    return %c0_i32, %c0_i32_0 : i32, i32
  }
}

module attributes {stable_mosaic.version = 14 : i64} {
  func.func @tc_medoid_aggregate(%arg0: i32, %arg1: memref<40x64x128xf32, #tpu.memory_space<vmem>>, %arg2: memref<40x64xf32, #tpu.memory_space<vmem>>, %arg3: memref<1x128xf32, #tpu.memory_space<vmem>>, %arg4: memref<2560x64xf32, #tpu.memory_space<vmem>>, %arg5: memref<128x128xf32, #tpu.memory_space<vmem>>, %arg6: memref<40x128xf32, #tpu.memory_space<vmem>>) attributes {dimension_semantics = [#tpu.dimension_semantics<arbitrary>], iteration_bounds = array<i64: 250>, scalar_prefetch = 0 : i64, scratch_operands = 0 : i64, tpu.core_type = #tpu.core_type<tc>, window_params = [{transform_indices = @transform_0, window_bounds = array<i64: 40, 64, 128>}, {transform_indices = @transform_1, window_bounds = array<i64: 40, 64>}, {pipeline_mode = #tpu.pipeline_mode<synchronous>, transform_indices = @transform_2, window_bounds = array<i64: 1, 128>}, {pipeline_mode = #tpu.pipeline_mode<synchronous>, transform_indices = @transform_3, window_bounds = array<i64: 2560, 64>}, {pipeline_mode = #tpu.pipeline_mode<synchronous>, transform_indices = @transform_4, window_bounds = array<i64: 128, 128>}, {transform_indices = @transform_5, window_bounds = array<i64: 40, 128>}]} {
    %get3A = arith.constant 0 : index
    %get3A_0 = arith.constant 0 : index
    %get3A_1 = vector.load %arg2[%get3A, %get3A_0] : memref<40x64xf32, #tpu.memory_space<vmem>>, vector<40x64xf32>
    %gt3A = arith.constant 0.000000e+00 : f32
    %gt3A_2 = vector.broadcast %gt3A : f32 to vector<40x64xf32>
    %gt3A_3 = arith.cmpf ogt, %get3A_1, %gt3A_2 : vector<40x64xf32>
    %max3A = arith.constant 1.000000e-30 : f32
    %max3A_4 = vector.broadcast %max3A : f32 to vector<40x64xf32>
    %max3A_5 = arith.maximumf %get3A_1, %max3A_4 : vector<40x64xf32>
    %rsqrt3A = math.rsqrt %max3A_5 : vector<40x64xf32>
    %jit3A = arith.constant 0.000000e+00 : f32
    %broadcast_in_dim3A = vector.broadcast %jit3A : f32 to vector<40x64xf32>
    %select_n3A = arith.select %gt3A_3, %rsqrt3A, %broadcast_in_dim3A : vector<40x64xi1>, vector<40x64xf32>
    %reduce_sum3A = arith.constant dense<0.000000e+00> : vector<40xf32>
    %reduce_sum3A_6 = vector.multi_reduction <add>, %select_n3A, %reduce_sum3A [1] : vector<40x64xf32> to vector<40xf32>
    %broadcast_in_dim3A_7 = vector.shape_cast %reduce_sum3A_6 : vector<40xf32> to vector<40x1xf32>
    %get3A_8 = arith.constant 0 : index
    %get3A_9 = arith.constant 0 : index
    %get3A_10 = vector.load %arg4[%get3A_8, %get3A_9] : memref<2560x64xf32, #tpu.memory_space<vmem>>, vector<2560x64xf32>
    %get3A_11 = arith.constant 0 : index
    %get3A_12 = arith.constant 0 : index
    %get3A_13 = arith.constant 0 : index
    %get3A_14 = vector.load %arg1[%get3A_11, %get3A_12, %get3A_13] : memref<40x64x128xf32, #tpu.memory_space<vmem>>, vector<1x64x128xf32>
    %get3A_15 = vector.shape_cast %get3A_14 : vector<1x64x128xf32> to vector<64x128xf32>
    %dot_general3A = arith.constant dense<0.000000e+00> : vector<64x64xf32>
    %dot_general3A_16 = tpu.matmul %get3A_15, %get3A_15, %dot_general3A {dimension_numbers = #tpu.dot_dimension_numbers<[1], [1], [0], [0], [0, 0, 1, 0], [], []>, transpose_lhs_hint = false} : vector<64x128xf32>, vector<64x128xf32>, vector<64x64xf32> -> vector<64x64xf32>
    %get3A_17 = arith.constant 1 : index
    %get3A_18 = arith.constant 0 : index
    %get3A_19 = arith.constant 0 : index
    %get3A_20 = vector.load %arg1[%get3A_17, %get3A_18, %get3A_19] : memref<40x64x128xf32, #tpu.memory_space<vmem>>, vector<1x64x128xf32>
    %get3A_21 = vector.shape_cast %get3A_20 : vector<1x64x128xf32> to vector<64x128xf32>
    %dot_general3A_22 = arith.constant dense<0.000000e+00> : vector<64x64xf32>
    %dot_general3A_23 = tpu.matmul %get3A_21, %get3A_21, %dot_general3A_22 {dimension_numbers = #tpu.dot_dimension_numbers<[1], [1], [0], [0], [0, 0, 1, 0], [], []>, transpose_lhs_hint = false} : vector<64x128xf32>, vector<64x128xf32>, vector<64x64xf32> -> vector<64x64xf32>
    %get3A_24 = arith.constant 2 : index
    %get3A_25 = arith.constant 0 : index
    %get3A_26 = arith.constant 0 : index
    %get3A_27 = vector.load %arg1[%get3A_24, %get3A_25, %get3A_26] : memref<40x64x128xf32, #tpu.memory_space<vmem>>, vector<1x64x128xf32>
    %get3A_28 = vector.shape_cast %get3A_27 : vector<1x64x128xf32> to vector<64x128xf32>
    %dot_general3A_29 = arith.constant dense<0.000000e+00> : vector<64x64xf32>
    %dot_general3A_30 = tpu.matmul %get3A_28, %get3A_28, %dot_general3A_29 {dimension_numbers = #tpu.dot_dimension_numbers<[1], [1], [0], [0], [0, 0, 1, 0], [], []>, transpose_lhs_hint = false} : vector<64x128xf32>, vector<64x128xf32>, vector<64x64xf32> -> vector<64x64xf32>
    %get3A_31 = arith.constant 3 : index
    %get3A_32 = arith.constant 0 : index
    %get3A_33 = arith.constant 0 : index
    %get3A_34 = vector.load %arg1[%get3A_31, %get3A_32, %get3A_33] : memref<40x64x128xf32, #tpu.memory_space<vmem>>, vector<1x64x128xf32>
    %get3A_35 = vector.shape_cast %get3A_34 : vector<1x64x128xf32> to vector<64x128xf32>
    %dot_general3A_36 = arith.constant dense<0.000000e+00> : vector<64x64xf32>
    %dot_general3A_37 = tpu.matmul %get3A_35, %get3A_35, %dot_general3A_36 {dimension_numbers = #tpu.dot_dimension_numbers<[1], [1], [0], [0], [0, 0, 1, 0], [], []>, transpose_lhs_hint = false} : vector<64x128xf32>, vector<64x128xf32>, vector<64x64xf32> -> vector<64x64xf32>
    %get3A_38 = arith.constant 4 : index
    %get3A_39 = arith.constant 0 : index
    %get3A_40 = arith.constant 0 : index
    %get3A_41 = vector.load %arg1[%get3A_38, %get3A_39, %get3A_40] : memref<40x64x128xf32, #tpu.memory_space<vmem>>, vector<1x64x128xf32>
    %get3A_42 = vector.shape_cast %get3A_41 : vector<1x64x128xf32> to vector<64x128xf32>
    %dot_general3A_43 = arith.constant dense<0.000000e+00> : vector<64x64xf32>
    %dot_general3A_44 = tpu.matmul %get3A_42, %get3A_42, %dot_general3A_43 {dimension_numbers = #tpu.dot_dimension_numbers<[1], [1], [0], [0], [0, 0, 1, 0], [], []>, transpose_lhs_hint = false} : vector<64x128xf32>, vector<64x128xf32>, vector<64x64xf32> -> vector<64x64xf32>
    %get3A_45 = arith.constant 5 : index
    %get3A_46 = arith.constant 0 : index
    %get3A_47 = arith.constant 0 : index
    %get3A_48 = vector.load %arg1[%get3A_45, %get3A_46, %get3A_47] : memref<40x64x128xf32, #tpu.memory_space<vmem>>, vector<1x64x128xf32>
    %get3A_49 = vector.shape_cast %get3A_48 : vector<1x64x128xf32> to vector<64x128xf32>
    %dot_general3A_50 = arith.constant dense<0.000000e+00> : vector<64x64xf32>
    %dot_general3A_51 = tpu.matmul %get3A_49, %get3A_49, %dot_general3A_50 {dimension_numbers = #tpu.dot_dimension_numbers<[1], [1], [0], [0], [0, 0, 1, 0], [], []>, transpose_lhs_hint = false} : vector<64x128xf32>, vector<64x128xf32>, vector<64x64xf32> -> vector<64x64xf32>
    %get3A_52 = arith.constant 6 : index
    %get3A_53 = arith.constant 0 : index
    %get3A_54 = arith.constant 0 : index
    %get3A_55 = vector.load %arg1[%get3A_52, %get3A_53, %get3A_54] : memref<40x64x128xf32, #tpu.memory_space<vmem>>, vector<1x64x128xf32>
    %get3A_56 = vector.shape_cast %get3A_55 : vector<1x64x128xf32> to vector<64x128xf32>
    %dot_general3A_57 = arith.constant dense<0.000000e+00> : vector<64x64xf32>
    %dot_general3A_58 = tpu.matmul %get3A_56, %get3A_56, %dot_general3A_57 {dimension_numbers = #tpu.dot_dimension_numbers<[1], [1], [0], [0], [0, 0, 1, 0], [], []>, transpose_lhs_hint = false} : vector<64x128xf32>, vector<64x128xf32>, vector<64x64xf32> -> vector<64x64xf32>
    %get3A_59 = arith.constant 7 : index
    %get3A_60 = arith.constant 0 : index
    %get3A_61 = arith.constant 0 : index
    %get3A_62 = vector.load %arg1[%get3A_59, %get3A_60, %get3A_61] : memref<40x64x128xf32, #tpu.memory_space<vmem>>, vector<1x64x128xf32>
    %get3A_63 = vector.shape_cast %get3A_62 : vector<1x64x128xf32> to vector<64x128xf32>
    %dot_general3A_64 = arith.constant dense<0.000000e+00> : vector<64x64xf32>
    %dot_general3A_65 = tpu.matmul %get3A_63, %get3A_63, %dot_general3A_64 {dimension_numbers = #tpu.dot_dimension_numbers<[1], [1], [0], [0], [0, 0, 1, 0], [], []>, transpose_lhs_hint = false} : vector<64x128xf32>, vector<64x128xf32>, vector<64x64xf32> -> vector<64x64xf32>
    %get3A_66 = arith.constant 8 : index
    %get3A_67 = arith.constant 0 : index
    %get3A_68 = arith.constant 0 : index
    %get3A_69 = vector.load %arg1[%get3A_66, %get3A_67, %get3A_68] : memref<40x64x128xf32, #tpu.memory_space<vmem>>, vector<1x64x128xf32>
    %get3A_70 = vector.shape_cast %get3A_69 : vector<1x64x128xf32> to vector<64x128xf32>
    %dot_general3A_71 = arith.constant dense<0.000000e+00> : vector<64x64xf32>
    %dot_general3A_72 = tpu.matmul %get3A_70, %get3A_70, %dot_general3A_71 {dimension_numbers = #tpu.dot_dimension_numbers<[1], [1], [0], [0], [0, 0, 1, 0], [], []>, transpose_lhs_hint = false} : vector<64x128xf32>, vector<64x128xf32>, vector<64x64xf32> -> vector<64x64xf32>
    %get3A_73 = arith.constant 9 : index
    %get3A_74 = arith.constant 0 : index
    %get3A_75 = arith.constant 0 : index
    %get3A_76 = vector.load %arg1[%get3A_73, %get3A_74, %get3A_75] : memref<40x64x128xf32, #tpu.memory_space<vmem>>, vector<1x64x128xf32>
    %get3A_77 = vector.shape_cast %get3A_76 : vector<1x64x128xf32> to vector<64x128xf32>
    %dot_general3A_78 = arith.constant dense<0.000000e+00> : vector<64x64xf32>
    %dot_general3A_79 = tpu.matmul %get3A_77, %get3A_77, %dot_general3A_78 {dimension_numbers = #tpu.dot_dimension_numbers<[1], [1], [0], [0], [0, 0, 1, 0], [], []>, transpose_lhs_hint = false} : vector<64x128xf32>, vector<64x128xf32>, vector<64x64xf32> -> vector<64x64xf32>
    %get3A_80 = arith.constant 10 : index
    %get3A_81 = arith.constant 0 : index
    %get3A_82 = arith.constant 0 : index
    %get3A_83 = vector.load %arg1[%get3A_80, %get3A_81, %get3A_82] : memref<40x64x128xf32, #tpu.memory_space<vmem>>, vector<1x64x128xf32>
    %get3A_84 = vector.shape_cast %get3A_83 : vector<1x64x128xf32> to vector<64x128xf32>
    %dot_general3A_85 = arith.constant dense<0.000000e+00> : vector<64x64xf32>
    %dot_general3A_86 = tpu.matmul %get3A_84, %get3A_84, %dot_general3A_85 {dimension_numbers = #tpu.dot_dimension_numbers<[1], [1], [0], [0], [0, 0, 1, 0], [], []>, transpose_lhs_hint = false} : vector<64x128xf32>, vector<64x128xf32>, vector<64x64xf32> -> vector<64x64xf32>
    %get3A_87 = arith.constant 11 : index
    %get3A_88 = arith.constant 0 : index
    %get3A_89 = arith.constant 0 : index
    %get3A_90 = vector.load %arg1[%get3A_87, %get3A_88, %get3A_89] : memref<40x64x128xf32, #tpu.memory_space<vmem>>, vector<1x64x128xf32>
    %get3A_91 = vector.shape_cast %get3A_90 : vector<1x64x128xf32> to vector<64x128xf32>
    %dot_general3A_92 = arith.constant dense<0.000000e+00> : vector<64x64xf32>
    %dot_general3A_93 = tpu.matmul %get3A_91, %get3A_91, %dot_general3A_92 {dimension_numbers = #tpu.dot_dimension_numbers<[1], [1], [0], [0], [0, 0, 1, 0], [], []>, transpose_lhs_hint = false} : vector<64x128xf32>, vector<64x128xf32>, vector<64x64xf32> -> vector<64x64xf32>
    %get3A_94 = arith.constant 12 : index
    %get3A_95 = arith.constant 0 : index
    %get3A_96 = arith.constant 0 : index
    %get3A_97 = vector.load %arg1[%get3A_94, %get3A_95, %get3A_96] : memref<40x64x128xf32, #tpu.memory_space<vmem>>, vector<1x64x128xf32>
    %get3A_98 = vector.shape_cast %get3A_97 : vector<1x64x128xf32> to vector<64x128xf32>
    %dot_general3A_99 = arith.constant dense<0.000000e+00> : vector<64x64xf32>
    %dot_general3A_100 = tpu.matmul %get3A_98, %get3A_98, %dot_general3A_99 {dimension_numbers = #tpu.dot_dimension_numbers<[1], [1], [0], [0], [0, 0, 1, 0], [], []>, transpose_lhs_hint = false} : vector<64x128xf32>, vector<64x128xf32>, vector<64x64xf32> -> vector<64x64xf32>
    %get3A_101 = arith.constant 13 : index
    %get3A_102 = arith.constant 0 : index
    %get3A_103 = arith.constant 0 : index
    %get3A_104 = vector.load %arg1[%get3A_101, %get3A_102, %get3A_103] : memref<40x64x128xf32, #tpu.memory_space<vmem>>, vector<1x64x128xf32>
    %get3A_105 = vector.shape_cast %get3A_104 : vector<1x64x128xf32> to vector<64x128xf32>
    %dot_general3A_106 = arith.constant dense<0.000000e+00> : vector<64x64xf32>
    %dot_general3A_107 = tpu.matmul %get3A_105, %get3A_105, %dot_general3A_106 {dimension_numbers = #tpu.dot_dimension_numbers<[1], [1], [0], [0], [0, 0, 1, 0], [], []>, transpose_lhs_hint = false} : vector<64x128xf32>, vector<64x128xf32>, vector<64x64xf32> -> vector<64x64xf32>
    %get3A_108 = arith.constant 14 : index
    %get3A_109 = arith.constant 0 : index
    %get3A_110 = arith.constant 0 : index
    %get3A_111 = vector.load %arg1[%get3A_108, %get3A_109, %get3A_110] : memref<40x64x128xf32, #tpu.memory_space<vmem>>, vector<1x64x128xf32>
    %get3A_112 = vector.shape_cast %get3A_111 : vector<1x64x128xf32> to vector<64x128xf32>
    %dot_general3A_113 = arith.constant dense<0.000000e+00> : vector<64x64xf32>
    %dot_general3A_114 = tpu.matmul %get3A_112, %get3A_112, %dot_general3A_113 {dimension_numbers = #tpu.dot_dimension_numbers<[1], [1], [0], [0], [0, 0, 1, 0], [], []>, transpose_lhs_hint = false} : vector<64x128xf32>, vector<64x128xf32>, vector<64x64xf32> -> vector<64x64xf32>
    %get3A_115 = arith.constant 15 : index
    %get3A_116 = arith.constant 0 : index
    %get3A_117 = arith.constant 0 : index
    %get3A_118 = vector.load %arg1[%get3A_115, %get3A_116, %get3A_117] : memref<40x64x128xf32, #tpu.memory_space<vmem>>, vector<1x64x128xf32>
    %get3A_119 = vector.shape_cast %get3A_118 : vector<1x64x128xf32> to vector<64x128xf32>
    %dot_general3A_120 = arith.constant dense<0.000000e+00> : vector<64x64xf32>
    %dot_general3A_121 = tpu.matmul %get3A_119, %get3A_119, %dot_general3A_120 {dimension_numbers = #tpu.dot_dimension_numbers<[1], [1], [0], [0], [0, 0, 1, 0], [], []>, transpose_lhs_hint = false} : vector<64x128xf32>, vector<64x128xf32>, vector<64x64xf32> -> vector<64x64xf32>
    %get3A_122 = arith.constant 16 : index
    %get3A_123 = arith.constant 0 : index
    %get3A_124 = arith.constant 0 : index
    %get3A_125 = vector.load %arg1[%get3A_122, %get3A_123, %get3A_124] : memref<40x64x128xf32, #tpu.memory_space<vmem>>, vector<1x64x128xf32>
    %get3A_126 = vector.shape_cast %get3A_125 : vector<1x64x128xf32> to vector<64x128xf32>
    %dot_general3A_127 = arith.constant dense<0.000000e+00> : vector<64x64xf32>
    %dot_general3A_128 = tpu.matmul %get3A_126, %get3A_126, %dot_general3A_127 {dimension_numbers = #tpu.dot_dimension_numbers<[1], [1], [0], [0], [0, 0, 1, 0], [], []>, transpose_lhs_hint = false} : vector<64x128xf32>, vector<64x128xf32>, vector<64x64xf32> -> vector<64x64xf32>
    %get3A_129 = arith.constant 17 : index
    %get3A_130 = arith.constant 0 : index
    %get3A_131 = arith.constant 0 : index
    %get3A_132 = vector.load %arg1[%get3A_129, %get3A_130, %get3A_131] : memref<40x64x128xf32, #tpu.memory_space<vmem>>, vector<1x64x128xf32>
    %get3A_133 = vector.shape_cast %get3A_132 : vector<1x64x128xf32> to vector<64x128xf32>
    %dot_general3A_134 = arith.constant dense<0.000000e+00> : vector<64x64xf32>
    %dot_general3A_135 = tpu.matmul %get3A_133, %get3A_133, %dot_general3A_134 {dimension_numbers = #tpu.dot_dimension_numbers<[1], [1], [0], [0], [0, 0, 1, 0], [], []>, transpose_lhs_hint = false} : vector<64x128xf32>, vector<64x128xf32>, vector<64x64xf32> -> vector<64x64xf32>
    %get3A_136 = arith.constant 18 : index
    %get3A_137 = arith.constant 0 : index
    %get3A_138 = arith.constant 0 : index
    %get3A_139 = vector.load %arg1[%get3A_136, %get3A_137, %get3A_138] : memref<40x64x128xf32, #tpu.memory_space<vmem>>, vector<1x64x128xf32>
    %get3A_140 = vector.shape_cast %get3A_139 : vector<1x64x128xf32> to vector<64x128xf32>
    %dot_general3A_141 = arith.constant dense<0.000000e+00> : vector<64x64xf32>
    %dot_general3A_142 = tpu.matmul %get3A_140, %get3A_140, %dot_general3A_141 {dimension_numbers = #tpu.dot_dimension_numbers<[1], [1], [0], [0], [0, 0, 1, 0], [], []>, transpose_lhs_hint = false} : vector<64x128xf32>, vector<64x128xf32>, vector<64x64xf32> -> vector<64x64xf32>
    %get3A_143 = arith.constant 19 : index
    %get3A_144 = arith.constant 0 : index
    %get3A_145 = arith.constant 0 : index
    %get3A_146 = vector.load %arg1[%get3A_143, %get3A_144, %get3A_145] : memref<40x64x128xf32, #tpu.memory_space<vmem>>, vector<1x64x128xf32>
    %get3A_147 = vector.shape_cast %get3A_146 : vector<1x64x128xf32> to vector<64x128xf32>
    %dot_general3A_148 = arith.constant dense<0.000000e+00> : vector<64x64xf32>
    %dot_general3A_149 = tpu.matmul %get3A_147, %get3A_147, %dot_general3A_148 {dimension_numbers = #tpu.dot_dimension_numbers<[1], [1], [0], [0], [0, 0, 1, 0], [], []>, transpose_lhs_hint = false} : vector<64x128xf32>, vector<64x128xf32>, vector<64x64xf32> -> vector<64x64xf32>
    %get3A_150 = arith.constant 20 : index
    %get3A_151 = arith.constant 0 : index
    %get3A_152 = arith.constant 0 : index
    %get3A_153 = vector.load %arg1[%get3A_150, %get3A_151, %get3A_152] : memref<40x64x128xf32, #tpu.memory_space<vmem>>, vector<1x64x128xf32>
    %get3A_154 = vector.shape_cast %get3A_153 : vector<1x64x128xf32> to vector<64x128xf32>
    %dot_general3A_155 = arith.constant dense<0.000000e+00> : vector<64x64xf32>
    %dot_general3A_156 = tpu.matmul %get3A_154, %get3A_154, %dot_general3A_155 {dimension_numbers = #tpu.dot_dimension_numbers<[1], [1], [0], [0], [0, 0, 1, 0], [], []>, transpose_lhs_hint = false} : vector<64x128xf32>, vector<64x128xf32>, vector<64x64xf32> -> vector<64x64xf32>
    %get3A_157 = arith.constant 21 : index
    %get3A_158 = arith.constant 0 : index
    %get3A_159 = arith.constant 0 : index
    %get3A_160 = vector.load %arg1[%get3A_157, %get3A_158, %get3A_159] : memref<40x64x128xf32, #tpu.memory_space<vmem>>, vector<1x64x128xf32>
    %get3A_161 = vector.shape_cast %get3A_160 : vector<1x64x128xf32> to vector<64x128xf32>
    %dot_general3A_162 = arith.constant dense<0.000000e+00> : vector<64x64xf32>
    %dot_general3A_163 = tpu.matmul %get3A_161, %get3A_161, %dot_general3A_162 {dimension_numbers = #tpu.dot_dimension_numbers<[1], [1], [0], [0], [0, 0, 1, 0], [], []>, transpose_lhs_hint = false} : vector<64x128xf32>, vector<64x128xf32>, vector<64x64xf32> -> vector<64x64xf32>
    %get3A_164 = arith.constant 22 : index
    %get3A_165 = arith.constant 0 : index
    %get3A_166 = arith.constant 0 : index
    %get3A_167 = vector.load %arg1[%get3A_164, %get3A_165, %get3A_166] : memref<40x64x128xf32, #tpu.memory_space<vmem>>, vector<1x64x128xf32>
    %get3A_168 = vector.shape_cast %get3A_167 : vector<1x64x128xf32> to vector<64x128xf32>
    %dot_general3A_169 = arith.constant dense<0.000000e+00> : vector<64x64xf32>
    %dot_general3A_170 = tpu.matmul %get3A_168, %get3A_168, %dot_general3A_169 {dimension_numbers = #tpu.dot_dimension_numbers<[1], [1], [0], [0], [0, 0, 1, 0], [], []>, transpose_lhs_hint = false} : vector<64x128xf32>, vector<64x128xf32>, vector<64x64xf32> -> vector<64x64xf32>
    %get3A_171 = arith.constant 23 : index
    %get3A_172 = arith.constant 0 : index
    %get3A_173 = arith.constant 0 : index
    %get3A_174 = vector.load %arg1[%get3A_171, %get3A_172, %get3A_173] : memref<40x64x128xf32, #tpu.memory_space<vmem>>, vector<1x64x128xf32>
    %get3A_175 = vector.shape_cast %get3A_174 : vector<1x64x128xf32> to vector<64x128xf32>
    %dot_general3A_176 = arith.constant dense<0.000000e+00> : vector<64x64xf32>
    %dot_general3A_177 = tpu.matmul %get3A_175, %get3A_175, %dot_general3A_176 {dimension_numbers = #tpu.dot_dimension_numbers<[1], [1], [0], [0], [0, 0, 1, 0], [], []>, transpose_lhs_hint = false} : vector<64x128xf32>, vector<64x128xf32>, vector<64x64xf32> -> vector<64x64xf32>
    %get3A_178 = arith.constant 24 : index
    %get3A_179 = arith.constant 0 : index
    %get3A_180 = arith.constant 0 : index
    %get3A_181 = vector.load %arg1[%get3A_178, %get3A_179, %get3A_180] : memref<40x64x128xf32, #tpu.memory_space<vmem>>, vector<1x64x128xf32>
    %get3A_182 = vector.shape_cast %get3A_181 : vector<1x64x128xf32> to vector<64x128xf32>
    %dot_general3A_183 = arith.constant dense<0.000000e+00> : vector<64x64xf32>
    %dot_general3A_184 = tpu.matmul %get3A_182, %get3A_182, %dot_general3A_183 {dimension_numbers = #tpu.dot_dimension_numbers<[1], [1], [0], [0], [0, 0, 1, 0], [], []>, transpose_lhs_hint = false} : vector<64x128xf32>, vector<64x128xf32>, vector<64x64xf32> -> vector<64x64xf32>
    %get3A_185 = arith.constant 25 : index
    %get3A_186 = arith.constant 0 : index
    %get3A_187 = arith.constant 0 : index
    %get3A_188 = vector.load %arg1[%get3A_185, %get3A_186, %get3A_187] : memref<40x64x128xf32, #tpu.memory_space<vmem>>, vector<1x64x128xf32>
    %get3A_189 = vector.shape_cast %get3A_188 : vector<1x64x128xf32> to vector<64x128xf32>
    %dot_general3A_190 = arith.constant dense<0.000000e+00> : vector<64x64xf32>
    %dot_general3A_191 = tpu.matmul %get3A_189, %get3A_189, %dot_general3A_190 {dimension_numbers = #tpu.dot_dimension_numbers<[1], [1], [0], [0], [0, 0, 1, 0], [], []>, transpose_lhs_hint = false} : vector<64x128xf32>, vector<64x128xf32>, vector<64x64xf32> -> vector<64x64xf32>
    %get3A_192 = arith.constant 26 : index
    %get3A_193 = arith.constant 0 : index
    %get3A_194 = arith.constant 0 : index
    %get3A_195 = vector.load %arg1[%get3A_192, %get3A_193, %get3A_194] : memref<40x64x128xf32, #tpu.memory_space<vmem>>, vector<1x64x128xf32>
    %get3A_196 = vector.shape_cast %get3A_195 : vector<1x64x128xf32> to vector<64x128xf32>
    %dot_general3A_197 = arith.constant dense<0.000000e+00> : vector<64x64xf32>
    %dot_general3A_198 = tpu.matmul %get3A_196, %get3A_196, %dot_general3A_197 {dimension_numbers = #tpu.dot_dimension_numbers<[1], [1], [0], [0], [0, 0, 1, 0], [], []>, transpose_lhs_hint = false} : vector<64x128xf32>, vector<64x128xf32>, vector<64x64xf32> -> vector<64x64xf32>
    %get3A_199 = arith.constant 27 : index
    %get3A_200 = arith.constant 0 : index
    %get3A_201 = arith.constant 0 : index
    %get3A_202 = vector.load %arg1[%get3A_199, %get3A_200, %get3A_201] : memref<40x64x128xf32, #tpu.memory_space<vmem>>, vector<1x64x128xf32>
    %get3A_203 = vector.shape_cast %get3A_202 : vector<1x64x128xf32> to vector<64x128xf32>
    %dot_general3A_204 = arith.constant dense<0.000000e+00> : vector<64x64xf32>
    %dot_general3A_205 = tpu.matmul %get3A_203, %get3A_203, %dot_general3A_204 {dimension_numbers = #tpu.dot_dimension_numbers<[1], [1], [0], [0], [0, 0, 1, 0], [], []>, transpose_lhs_hint = false} : vector<64x128xf32>, vector<64x128xf32>, vector<64x64xf32> -> vector<64x64xf32>
    %get3A_206 = arith.constant 28 : index
    %get3A_207 = arith.constant 0 : index
    %get3A_208 = arith.constant 0 : index
    %get3A_209 = vector.load %arg1[%get3A_206, %get3A_207, %get3A_208] : memref<40x64x128xf32, #tpu.memory_space<vmem>>, vector<1x64x128xf32>
    %get3A_210 = vector.shape_cast %get3A_209 : vector<1x64x128xf32> to vector<64x128xf32>
    %dot_general3A_211 = arith.constant dense<0.000000e+00> : vector<64x64xf32>
    %dot_general3A_212 = tpu.matmul %get3A_210, %get3A_210, %dot_general3A_211 {dimension_numbers = #tpu.dot_dimension_numbers<[1], [1], [0], [0], [0, 0, 1, 0], [], []>, transpose_lhs_hint = false} : vector<64x128xf32>, vector<64x128xf32>, vector<64x64xf32> -> vector<64x64xf32>
    %get3A_213 = arith.constant 29 : index
    %get3A_214 = arith.constant 0 : index
    %get3A_215 = arith.constant 0 : index
    %get3A_216 = vector.load %arg1[%get3A_213, %get3A_214, %get3A_215] : memref<40x64x128xf32, #tpu.memory_space<vmem>>, vector<1x64x128xf32>
    %get3A_217 = vector.shape_cast %get3A_216 : vector<1x64x128xf32> to vector<64x128xf32>
    %dot_general3A_218 = arith.constant dense<0.000000e+00> : vector<64x64xf32>
    %dot_general3A_219 = tpu.matmul %get3A_217, %get3A_217, %dot_general3A_218 {dimension_numbers = #tpu.dot_dimension_numbers<[1], [1], [0], [0], [0, 0, 1, 0], [], []>, transpose_lhs_hint = false} : vector<64x128xf32>, vector<64x128xf32>, vector<64x64xf32> -> vector<64x64xf32>
    %get3A_220 = arith.constant 30 : index
    %get3A_221 = arith.constant 0 : index
    %get3A_222 = arith.constant 0 : index
    %get3A_223 = vector.load %arg1[%get3A_220, %get3A_221, %get3A_222] : memref<40x64x128xf32, #tpu.memory_space<vmem>>, vector<1x64x128xf32>
    %get3A_224 = vector.shape_cast %get3A_223 : vector<1x64x128xf32> to vector<64x128xf32>
    %dot_general3A_225 = arith.constant dense<0.000000e+00> : vector<64x64xf32>
    %dot_general3A_226 = tpu.matmul %get3A_224, %get3A_224, %dot_general3A_225 {dimension_numbers = #tpu.dot_dimension_numbers<[1], [1], [0], [0], [0, 0, 1, 0], [], []>, transpose_lhs_hint = false} : vector<64x128xf32>, vector<64x128xf32>, vector<64x64xf32> -> vector<64x64xf32>
    %get3A_227 = arith.constant 31 : index
    %get3A_228 = arith.constant 0 : index
    %get3A_229 = arith.constant 0 : index
    %get3A_230 = vector.load %arg1[%get3A_227, %get3A_228, %get3A_229] : memref<40x64x128xf32, #tpu.memory_space<vmem>>, vector<1x64x128xf32>
    %get3A_231 = vector.shape_cast %get3A_230 : vector<1x64x128xf32> to vector<64x128xf32>
    %dot_general3A_232 = arith.constant dense<0.000000e+00> : vector<64x64xf32>
    %dot_general3A_233 = tpu.matmul %get3A_231, %get3A_231, %dot_general3A_232 {dimension_numbers = #tpu.dot_dimension_numbers<[1], [1], [0], [0], [0, 0, 1, 0], [], []>, transpose_lhs_hint = false} : vector<64x128xf32>, vector<64x128xf32>, vector<64x64xf32> -> vector<64x64xf32>
    %get3A_234 = arith.constant 32 : index
    %get3A_235 = arith.constant 0 : index
    %get3A_236 = arith.constant 0 : index
    %get3A_237 = vector.load %arg1[%get3A_234, %get3A_235, %get3A_236] : memref<40x64x128xf32, #tpu.memory_space<vmem>>, vector<1x64x128xf32>
    %get3A_238 = vector.shape_cast %get3A_237 : vector<1x64x128xf32> to vector<64x128xf32>
    %dot_general3A_239 = arith.constant dense<0.000000e+00> : vector<64x64xf32>
    %dot_general3A_240 = tpu.matmul %get3A_238, %get3A_238, %dot_general3A_239 {dimension_numbers = #tpu.dot_dimension_numbers<[1], [1], [0], [0], [0, 0, 1, 0], [], []>, transpose_lhs_hint = false} : vector<64x128xf32>, vector<64x128xf32>, vector<64x64xf32> -> vector<64x64xf32>
    %get3A_241 = arith.constant 33 : index
    %get3A_242 = arith.constant 0 : index
    %get3A_243 = arith.constant 0 : index
    %get3A_244 = vector.load %arg1[%get3A_241, %get3A_242, %get3A_243] : memref<40x64x128xf32, #tpu.memory_space<vmem>>, vector<1x64x128xf32>
    %get3A_245 = vector.shape_cast %get3A_244 : vector<1x64x128xf32> to vector<64x128xf32>
    %dot_general3A_246 = arith.constant dense<0.000000e+00> : vector<64x64xf32>
    %dot_general3A_247 = tpu.matmul %get3A_245, %get3A_245, %dot_general3A_246 {dimension_numbers = #tpu.dot_dimension_numbers<[1], [1], [0], [0], [0, 0, 1, 0], [], []>, transpose_lhs_hint = false} : vector<64x128xf32>, vector<64x128xf32>, vector<64x64xf32> -> vector<64x64xf32>
    %get3A_248 = arith.constant 34 : index
    %get3A_249 = arith.constant 0 : index
    %get3A_250 = arith.constant 0 : index
    %get3A_251 = vector.load %arg1[%get3A_248, %get3A_249, %get3A_250] : memref<40x64x128xf32, #tpu.memory_space<vmem>>, vector<1x64x128xf32>
    %get3A_252 = vector.shape_cast %get3A_251 : vector<1x64x128xf32> to vector<64x128xf32>
    %dot_general3A_253 = arith.constant dense<0.000000e+00> : vector<64x64xf32>
    %dot_general3A_254 = tpu.matmul %get3A_252, %get3A_252, %dot_general3A_253 {dimension_numbers = #tpu.dot_dimension_numbers<[1], [1], [0], [0], [0, 0, 1, 0], [], []>, transpose_lhs_hint = false} : vector<64x128xf32>, vector<64x128xf32>, vector<64x64xf32> -> vector<64x64xf32>
    %get3A_255 = arith.constant 35 : index
    %get3A_256 = arith.constant 0 : index
    %get3A_257 = arith.constant 0 : index
    %get3A_258 = vector.load %arg1[%get3A_255, %get3A_256, %get3A_257] : memref<40x64x128xf32, #tpu.memory_space<vmem>>, vector<1x64x128xf32>
    %get3A_259 = vector.shape_cast %get3A_258 : vector<1x64x128xf32> to vector<64x128xf32>
    %dot_general3A_260 = arith.constant dense<0.000000e+00> : vector<64x64xf32>
    %dot_general3A_261 = tpu.matmul %get3A_259, %get3A_259, %dot_general3A_260 {dimension_numbers = #tpu.dot_dimension_numbers<[1], [1], [0], [0], [0, 0, 1, 0], [], []>, transpose_lhs_hint = false} : vector<64x128xf32>, vector<64x128xf32>, vector<64x64xf32> -> vector<64x64xf32>
    %get3A_262 = arith.constant 36 : index
    %get3A_263 = arith.constant 0 : index
    %get3A_264 = arith.constant 0 : index
    %get3A_265 = vector.load %arg1[%get3A_262, %get3A_263, %get3A_264] : memref<40x64x128xf32, #tpu.memory_space<vmem>>, vector<1x64x128xf32>
    %get3A_266 = vector.shape_cast %get3A_265 : vector<1x64x128xf32> to vector<64x128xf32>
    %dot_general3A_267 = arith.constant dense<0.000000e+00> : vector<64x64xf32>
    %dot_general3A_268 = tpu.matmul %get3A_266, %get3A_266, %dot_general3A_267 {dimension_numbers = #tpu.dot_dimension_numbers<[1], [1], [0], [0], [0, 0, 1, 0], [], []>, transpose_lhs_hint = false} : vector<64x128xf32>, vector<64x128xf32>, vector<64x64xf32> -> vector<64x64xf32>
    %get3A_269 = arith.constant 37 : index
    %get3A_270 = arith.constant 0 : index
    %get3A_271 = arith.constant 0 : index
    %get3A_272 = vector.load %arg1[%get3A_269, %get3A_270, %get3A_271] : memref<40x64x128xf32, #tpu.memory_space<vmem>>, vector<1x64x128xf32>
    %get3A_273 = vector.shape_cast %get3A_272 : vector<1x64x128xf32> to vector<64x128xf32>
    %dot_general3A_274 = arith.constant dense<0.000000e+00> : vector<64x64xf32>
    %dot_general3A_275 = tpu.matmul %get3A_273, %get3A_273, %dot_general3A_274 {dimension_numbers = #tpu.dot_dimension_numbers<[1], [1], [0], [0], [0, 0, 1, 0], [], []>, transpose_lhs_hint = false} : vector<64x128xf32>, vector<64x128xf32>, vector<64x64xf32> -> vector<64x64xf32>
    %get3A_276 = arith.constant 38 : index
    %get3A_277 = arith.constant 0 : index
    %get3A_278 = arith.constant 0 : index
    %get3A_279 = vector.load %arg1[%get3A_276, %get3A_277, %get3A_278] : memref<40x64x128xf32, #tpu.memory_space<vmem>>, vector<1x64x128xf32>
    %get3A_280 = vector.shape_cast %get3A_279 : vector<1x64x128xf32> to vector<64x128xf32>
    %dot_general3A_281 = arith.constant dense<0.000000e+00> : vector<64x64xf32>
    %dot_general3A_282 = tpu.matmul %get3A_280, %get3A_280, %dot_general3A_281 {dimension_numbers = #tpu.dot_dimension_numbers<[1], [1], [0], [0], [0, 0, 1, 0], [], []>, transpose_lhs_hint = false} : vector<64x128xf32>, vector<64x128xf32>, vector<64x64xf32> -> vector<64x64xf32>
    %get3A_283 = arith.constant 39 : index
    %get3A_284 = arith.constant 0 : index
    %get3A_285 = arith.constant 0 : index
    %get3A_286 = vector.load %arg1[%get3A_283, %get3A_284, %get3A_285] : memref<40x64x128xf32, #tpu.memory_space<vmem>>, vector<1x64x128xf32>
    %get3A_287 = vector.shape_cast %get3A_286 : vector<1x64x128xf32> to vector<64x128xf32>
    %dot_general3A_288 = arith.constant dense<0.000000e+00> : vector<64x64xf32>
    %dot_general3A_289 = tpu.matmul %get3A_287, %get3A_287, %dot_general3A_288 {dimension_numbers = #tpu.dot_dimension_numbers<[1], [1], [0], [0], [0, 0, 1, 0], [], []>, transpose_lhs_hint = false} : vector<64x128xf32>, vector<64x128xf32>, vector<64x64xf32> -> vector<64x64xf32>
    %concatenate3A = tpu.concatenate %dot_general3A_16, %dot_general3A_23, %dot_general3A_30, %dot_general3A_37, %dot_general3A_44, %dot_general3A_51, %dot_general3A_58, %dot_general3A_65, %dot_general3A_72, %dot_general3A_79, %dot_general3A_86, %dot_general3A_93, %dot_general3A_100, %dot_general3A_107, %dot_general3A_114, %dot_general3A_121, %dot_general3A_128, %dot_general3A_135, %dot_general3A_142, %dot_general3A_149, %dot_general3A_156, %dot_general3A_163, %dot_general3A_170, %dot_general3A_177, %dot_general3A_184, %dot_general3A_191, %dot_general3A_198, %dot_general3A_205, %dot_general3A_212, %dot_general3A_219, %dot_general3A_226, %dot_general3A_233, %dot_general3A_240, %dot_general3A_247, %dot_general3A_254, %dot_general3A_261, %dot_general3A_268, %dot_general3A_275, %dot_general3A_282, %dot_general3A_289 in 0 : vector<64x64xf32>, vector<64x64xf32>, vector<64x64xf32>, vector<64x64xf32>, vector<64x64xf32>, vector<64x64xf32>, vector<64x64xf32>, vector<64x64xf32>, vector<64x64xf32>, vector<64x64xf32>, vector<64x64xf32>, vector<64x64xf32>, vector<64x64xf32>, vector<64x64xf32>, vector<64x64xf32>, vector<64x64xf32>, vector<64x64xf32>, vector<64x64xf32>, vector<64x64xf32>, vector<64x64xf32>, vector<64x64xf32>, vector<64x64xf32>, vector<64x64xf32>, vector<64x64xf32>, vector<64x64xf32>, vector<64x64xf32>, vector<64x64xf32>, vector<64x64xf32>, vector<64x64xf32>, vector<64x64xf32>, vector<64x64xf32>, vector<64x64xf32>, vector<64x64xf32>, vector<64x64xf32>, vector<64x64xf32>, vector<64x64xf32>, vector<64x64xf32>, vector<64x64xf32>, vector<64x64xf32>, vector<64x64xf32> -> vector<2560x64xf32>
    %mul3A = arith.mulf %concatenate3A, %get3A_10 : vector<2560x64xf32>
    %reduce_sum3A_290 = arith.constant dense<0.000000e+00> : vector<2560xf32>
    %reduce_sum3A_291 = vector.multi_reduction <add>, %mul3A, %reduce_sum3A_290 [1] : vector<2560x64xf32> to vector<2560xf32>
    %broadcast_in_dim3A_292 = vector.shape_cast %reduce_sum3A_291 : vector<2560xf32> to vector<2560x1xf32>
    %reshape3A = vector.shape_cast %mul3A : vector<2560x64xf32> to vector<40x64x64xf32>
    %reduce_sum3A_293 = arith.constant dense<0.000000e+00> : vector<40x64xf32>
    %reduce_sum3A_294 = vector.multi_reduction <add>, %reshape3A, %reduce_sum3A_293 [1] : vector<40x64x64xf32> to vector<40x64xf32>
    %broadcast_in_dim3A_295 = vector.shape_cast %reduce_sum3A_294 : vector<40x64xf32> to vector<40x1x64xf32>
    %broadcast_in_dim3A_296 = vector.shape_cast %broadcast_in_dim3A_295 : vector<40x1x64xf32> to vector<40x1x64xf32>
    %broadcast_in_dim3A_297 = vector.broadcast %broadcast_in_dim3A_296 : vector<40x1x64xf32> to vector<40x64x64xf32>
    %reshape3A_298 = vector.shape_cast %broadcast_in_dim3A_297 : vector<40x64x64xf32> to vector<2560x64xf32>
    %add3A = vector.broadcast %broadcast_in_dim3A_292 : vector<2560x1xf32> to vector<2560x64xf32>
    %add3A_299 = arith.addf %add3A, %reshape3A_298 : vector<2560x64xf32>
    %mul3A_300 = arith.constant 2.000000e+00 : f32
    %mul3A_301 = vector.broadcast %mul3A_300 : f32 to vector<2560x64xf32>
    %mul3A_302 = arith.mulf %mul3A_301, %concatenate3A : vector<2560x64xf32>
    %sub3A = arith.subf %add3A_299, %mul3A_302 : vector<2560x64xf32>
    %max3A_303 = arith.constant 0.000000e+00 : f32
    %max3A_304 = vector.broadcast %max3A_303 : f32 to vector<2560x64xf32>
    %max3A_305 = arith.maximumf %sub3A, %max3A_304 : vector<2560x64xf32>
    %add3A_306 = arith.constant 9.99999996E-13 : f32
    %add3A_307 = vector.broadcast %add3A_306 : f32 to vector<2560x64xf32>
    %add3A_308 = arith.addf %max3A_305, %add3A_307 : vector<2560x64xf32>
    %sqrt3A = math.sqrt %add3A_308 : vector<2560x64xf32>
    %gt3A_309 = arith.constant 5.000000e-01 : f32
    %gt3A_310 = vector.broadcast %gt3A_309 : f32 to vector<2560x64xf32>
    %gt3A_311 = arith.cmpf ogt, %get3A_10, %gt3A_310 : vector<2560x64xf32>
    %jit3A_312 = arith.constant 9.99999997E-7 : f32
    %broadcast_in_dim3A_313 = vector.broadcast %jit3A_312 : f32 to vector<2560x64xf32>
    %select_n3A_314 = arith.select %gt3A_311, %broadcast_in_dim3A_313, %sqrt3A : vector<2560x64xi1>, vector<2560x64xf32>
    %broadcast_in_dim3A_315 = vector.shape_cast %select_n3A : vector<40x64xf32> to vector<40x1x64xf32>
    %broadcast_in_dim3A_316 = vector.shape_cast %broadcast_in_dim3A_315 : vector<40x1x64xf32> to vector<40x1x64xf32>
    %broadcast_in_dim3A_317 = vector.broadcast %broadcast_in_dim3A_316 : vector<40x1x64xf32> to vector<40x64x64xf32>
    %reshape3A_318 = vector.shape_cast %broadcast_in_dim3A_317 : vector<40x64x64xf32> to vector<2560x64xf32>
    %mul3A_319 = arith.mulf %reshape3A_318, %get3A_10 : vector<2560x64xf32>
    %reduce_sum3A_320 = arith.constant dense<0.000000e+00> : vector<2560xf32>
    %reduce_sum3A_321 = vector.multi_reduction <add>, %mul3A_319, %reduce_sum3A_320 [1] : vector<2560x64xf32> to vector<2560xf32>
    %broadcast_in_dim3A_322 = vector.shape_cast %reduce_sum3A_321 : vector<2560xf32> to vector<2560x1xf32>
    %mul3A_323 = vector.broadcast %broadcast_in_dim3A_322 : vector<2560x1xf32> to vector<2560x64xf32>
    %mul3A_324 = arith.mulf %select_n3A_314, %mul3A_323 : vector<2560x64xf32>
    %reshape3A_325 = vector.shape_cast %mul3A_324 : vector<2560x64xf32> to vector<40x64x64xf32>
    %reduce_sum3A_326 = arith.constant dense<0.000000e+00> : vector<40x64xf32>
    %reduce_sum3A_327 = vector.multi_reduction <add>, %reshape3A_325, %reduce_sum3A_326 [1] : vector<40x64x64xf32> to vector<40x64xf32>
    %gt3A_328 = arith.constant 0.000000e+00 : f32
    %gt3A_329 = vector.broadcast %gt3A_328 : f32 to vector<40x64xf32>
    %gt3A_330 = arith.cmpf ogt, %get3A_1, %gt3A_329 : vector<40x64xf32>
    %neg3A = arith.constant 0.000000e+00 : f32
    %neg3A_331 = vector.broadcast %neg3A : f32 to vector<40x64xf32>
    %neg3A_332 = arith.subf %neg3A_331, %reduce_sum3A_327 : vector<40x64xf32>
    %div3A = vector.broadcast %broadcast_in_dim3A_7 : vector<40x1xf32> to vector<40x64xf32>
    %div3A_333 = arith.divf %neg3A_332, %div3A : vector<40x64xf32>
    %exp3A = math.exp %div3A_333 : vector<40x64xf32>
    %jit3A_334 = arith.constant 0.000000e+00 : f32
    %broadcast_in_dim3A_335 = vector.broadcast %jit3A_334 : f32 to vector<40x64xf32>
    %select_n3A_336 = arith.select %gt3A_330, %exp3A, %broadcast_in_dim3A_335 : vector<40x64xi1>, vector<40x64xf32>
    %mul3A_337 = arith.mulf %select_n3A_336, %select_n3A : vector<40x64xf32>
    %reduce_sum3A_338 = arith.constant dense<0.000000e+00> : vector<40xf32>
    %reduce_sum3A_339 = vector.multi_reduction <add>, %mul3A_337, %reduce_sum3A_338 [1] : vector<40x64xf32> to vector<40xf32>
    %broadcast_in_dim3A_340 = vector.shape_cast %reduce_sum3A_339 : vector<40xf32> to vector<40x1xf32>
    %div3A_341 = vector.broadcast %broadcast_in_dim3A_340 : vector<40x1xf32> to vector<40x64xf32>
    %div3A_342 = arith.divf %mul3A_337, %div3A_341 : vector<40x64xf32>
    %broadcast_in_dim3A_343 = vector.shape_cast %div3A_342 : vector<40x64xf32> to vector<40x1x64xf32>
    %broadcast_in_dim3A_344 = vector.shape_cast %broadcast_in_dim3A_343 : vector<40x1x64xf32> to vector<40x1x64xf32>
    %broadcast_in_dim3A_345 = vector.broadcast %broadcast_in_dim3A_344 : vector<40x1x64xf32> to vector<40x64x64xf32>
    %reshape3A_346 = vector.shape_cast %broadcast_in_dim3A_345 : vector<40x64x64xf32> to vector<2560x64xf32>
    %mul3A_347 = arith.mulf %reshape3A_346, %get3A_10 : vector<2560x64xf32>
    %reduce_sum3A_348 = arith.constant dense<0.000000e+00> : vector<2560xf32>
    %reduce_sum3A_349 = vector.multi_reduction <add>, %mul3A_347, %reduce_sum3A_348 [1] : vector<2560x64xf32> to vector<2560xf32>
    %broadcast_in_dim3A_350 = vector.shape_cast %reduce_sum3A_349 : vector<2560xf32> to vector<2560x1xf32>
    %get3A_351 = arith.constant 0 : index
    %get3A_352 = arith.constant 0 : index
    %get3A_353 = arith.constant 0 : index
    %get3A_354 = vector.load %arg1[%get3A_351, %get3A_352, %get3A_353] : memref<40x64x128xf32, #tpu.memory_space<vmem>>, vector<40x64x128xf32>
    %reshape3A_355 = vector.shape_cast %get3A_354 : vector<40x64x128xf32> to vector<2560x128xf32>
    %mul3A_356 = vector.broadcast %broadcast_in_dim3A_350 : vector<2560x1xf32> to vector<2560x128xf32>
    %mul3A_357 = arith.mulf %reshape3A_355, %mul3A_356 : vector<2560x128xf32>
    %reshape3A_358 = vector.shape_cast %mul3A_357 : vector<2560x128xf32> to vector<40x64x128xf32>
    %reduce_sum3A_359 = arith.constant dense<0.000000e+00> : vector<40x128xf32>
    %reduce_sum3A_360 = vector.multi_reduction <add>, %reshape3A_358, %reduce_sum3A_359 [1] : vector<40x64x128xf32> to vector<40x128xf32>
    %mul3A_361 = vector.broadcast %broadcast_in_dim3A_7 : vector<40x1xf32> to vector<40x128xf32>
    %mul3A_362 = arith.mulf %mul3A_361, %reduce_sum3A_360 : vector<40x128xf32>
    %get3A_363 = arith.constant 0 : index
    %get3A_364 = arith.constant 0 : index
    %get3A_365 = vector.load %arg3[%get3A_363, %get3A_364] : memref<1x128xf32, #tpu.memory_space<vmem>>, vector<1x128xf32>
    %add3A_366 = vector.broadcast %get3A_365 : vector<1x128xf32> to vector<40x128xf32>
    %add3A_367 = arith.addf %mul3A_362, %add3A_366 : vector<40x128xf32>
    %max3A_368 = arith.constant 0.000000e+00 : f32
    %max3A_369 = vector.broadcast %max3A_368 : f32 to vector<40x128xf32>
    %max3A_370 = arith.maximumf %add3A_367, %max3A_369 : vector<40x128xf32>
    %get3A_371 = arith.constant 0 : index
    %get3A_372 = arith.constant 0 : index
    %get3A_373 = vector.load %arg5[%get3A_371, %get3A_372] : memref<128x128xf32, #tpu.memory_space<vmem>>, vector<128x128xf32>
    %dot_general3A_374 = arith.constant dense<0.000000e+00> : vector<40x128xf32>
    %dot_general3A_375 = tpu.matmul %max3A_370, %get3A_373, %dot_general3A_374 {dimension_numbers = #tpu.dot_dimension_numbers<[1], [0], [0], [1], [0, 0, 1, 1], [], []>, transpose_lhs_hint = false} : vector<40x128xf32>, vector<128x128xf32>, vector<40x128xf32> -> vector<40x128xf32>
    %swap3A = arith.constant 0 : index
    %swap3A_376 = arith.constant 0 : index
    %swap3A_377 = vector.load %arg6[%swap3A, %swap3A_376] : memref<40x128xf32, #tpu.memory_space<vmem>>, vector<40x128xf32>
    tpu.vector_store %arg6[%swap3A, %swap3A_376], %dot_general3A_375 {strides = array<i32>} : memref<40x128xf32, #tpu.memory_space<vmem>>, vector<40x128xf32>,
    return
  }
  func.func @transform_0(%arg0: i32) -> (i32, i32, i32) {
    %c0_i32 = arith.constant 0 : i32
    %c0_i32_0 = arith.constant 0 : i32
    %c0_i32_1 = arith.constant 0 : i32
    return %arg0, %c0_i32, %c0_i32_0 : i32, i32, i32
  }
  func.func @transform_1(%arg0: i32) -> (i32, i32) {
    %c0_i32 = arith.constant 0 : i32
    %c0_i32_0 = arith.constant 0 : i32
    return %arg0, %c0_i32 : i32, i32
  }
  func.func @transform_2(%arg0: i32) -> (i32, i32) {
    %c0_i32 = arith.constant 0 : i32
    %c0_i32_0 = arith.constant 0 : i32
    %c0_i32_1 = arith.constant 0 : i32
    return %c0_i32, %c0_i32_0 : i32, i32
  }
  func.func @transform_3(%arg0: i32) -> (i32, i32) {
    %c0_i32 = arith.constant 0 : i32
    %c0_i32_0 = arith.constant 0 : i32
    %c0_i32_1 = arith.constant 0 : i32
    return %c0_i32, %c0_i32_0 : i32, i32
  }
  func.func @transform_4(%arg0: i32) -> (i32, i32) {
    %c0_i32 = arith.constant 0 : i32
    %c0_i32_0 = arith.constant 0 : i32
    %c0_i32_1 = arith.constant 0 : i32
    return %c0_i32, %c0_i32_0 : i32, i32
  }
  func.func @transform_5(%arg0: i32) -> (i32, i32) {
    %c0_i32 = arith.constant 0 : i32
    %c0_i32_0 = arith.constant 0 : i32
    return %arg0, %c0_i32 : i32, i32
  }
}

module attributes {stable_mosaic.version = 14 : i64} {
  func.func @tc_medoid_aggregate(%arg0: i32, %arg1: memref<40x64x128xf32, #tpu.memory_space<vmem>>, %arg2: memref<40x64xf32, #tpu.memory_space<vmem>>, %arg3: memref<1x128xf32, #tpu.memory_space<vmem>>, %arg4: memref<2560x64xf32, #tpu.memory_space<vmem>>, %arg5: memref<40x128xf32, #tpu.memory_space<vmem>>) attributes {dimension_semantics = [#tpu.dimension_semantics<arbitrary>], iteration_bounds = array<i64: 250>, scalar_prefetch = 0 : i64, scratch_operands = 0 : i64, tpu.core_type = #tpu.core_type<tc>, window_params = [{transform_indices = @transform_0, window_bounds = array<i64: 40, 64, 128>}, {transform_indices = @transform_1, window_bounds = array<i64: 40, 64>}, {pipeline_mode = #tpu.pipeline_mode<synchronous>, transform_indices = @transform_2, window_bounds = array<i64: 1, 128>}, {pipeline_mode = #tpu.pipeline_mode<synchronous>, transform_indices = @transform_3, window_bounds = array<i64: 2560, 64>}, {transform_indices = @transform_4, window_bounds = array<i64: 40, 128>}]} {
    %get3A = arith.constant 0 : index
    %get3A_0 = arith.constant 0 : index
    %get3A_1 = vector.load %arg2[%get3A, %get3A_0] : memref<40x64xf32, #tpu.memory_space<vmem>>, vector<40x64xf32>
    %gt3A = arith.constant 0.000000e+00 : f32
    %gt3A_2 = vector.broadcast %gt3A : f32 to vector<40x64xf32>
    %gt3A_3 = arith.cmpf ogt, %get3A_1, %gt3A_2 : vector<40x64xf32>
    %max3A = arith.constant 1.000000e-30 : f32
    %max3A_4 = vector.broadcast %max3A : f32 to vector<40x64xf32>
    %max3A_5 = arith.maximumf %get3A_1, %max3A_4 : vector<40x64xf32>
    %rsqrt3A = math.rsqrt %max3A_5 : vector<40x64xf32>
    %jit3A = arith.constant 0.000000e+00 : f32
    %broadcast_in_dim3A = vector.broadcast %jit3A : f32 to vector<40x64xf32>
    %select_n3A = arith.select %gt3A_3, %rsqrt3A, %broadcast_in_dim3A : vector<40x64xi1>, vector<40x64xf32>
    %reduce_sum3A = arith.constant dense<0.000000e+00> : vector<40xf32>
    %reduce_sum3A_6 = vector.multi_reduction <add>, %select_n3A, %reduce_sum3A [1] : vector<40x64xf32> to vector<40xf32>
    %broadcast_in_dim3A_7 = vector.shape_cast %reduce_sum3A_6 : vector<40xf32> to vector<40x1xf32>
    %get3A_8 = arith.constant 0 : index
    %get3A_9 = arith.constant 0 : index
    %get3A_10 = vector.load %arg4[%get3A_8, %get3A_9] : memref<2560x64xf32, #tpu.memory_space<vmem>>, vector<2560x64xf32>
    %get3A_11 = arith.constant 0 : index
    %get3A_12 = arith.constant 0 : index
    %get3A_13 = arith.constant 0 : index
    %get3A_14 = vector.load %arg1[%get3A_11, %get3A_12, %get3A_13] : memref<40x64x128xf32, #tpu.memory_space<vmem>>, vector<1x64x128xf32>
    %get3A_15 = vector.shape_cast %get3A_14 : vector<1x64x128xf32> to vector<64x128xf32>
    %dot_general3A = arith.constant dense<0.000000e+00> : vector<64x64xf32>
    %dot_general3A_16 = tpu.matmul %get3A_15, %get3A_15, %dot_general3A {dimension_numbers = #tpu.dot_dimension_numbers<[1], [1], [0], [0], [0, 0, 1, 0], [], []>, transpose_lhs_hint = false} : vector<64x128xf32>, vector<64x128xf32>, vector<64x64xf32> -> vector<64x64xf32>
    %get3A_17 = arith.constant 1 : index
    %get3A_18 = arith.constant 0 : index
    %get3A_19 = arith.constant 0 : index
    %get3A_20 = vector.load %arg1[%get3A_17, %get3A_18, %get3A_19] : memref<40x64x128xf32, #tpu.memory_space<vmem>>, vector<1x64x128xf32>
    %get3A_21 = vector.shape_cast %get3A_20 : vector<1x64x128xf32> to vector<64x128xf32>
    %dot_general3A_22 = arith.constant dense<0.000000e+00> : vector<64x64xf32>
    %dot_general3A_23 = tpu.matmul %get3A_21, %get3A_21, %dot_general3A_22 {dimension_numbers = #tpu.dot_dimension_numbers<[1], [1], [0], [0], [0, 0, 1, 0], [], []>, transpose_lhs_hint = false} : vector<64x128xf32>, vector<64x128xf32>, vector<64x64xf32> -> vector<64x64xf32>
    %get3A_24 = arith.constant 2 : index
    %get3A_25 = arith.constant 0 : index
    %get3A_26 = arith.constant 0 : index
    %get3A_27 = vector.load %arg1[%get3A_24, %get3A_25, %get3A_26] : memref<40x64x128xf32, #tpu.memory_space<vmem>>, vector<1x64x128xf32>
    %get3A_28 = vector.shape_cast %get3A_27 : vector<1x64x128xf32> to vector<64x128xf32>
    %dot_general3A_29 = arith.constant dense<0.000000e+00> : vector<64x64xf32>
    %dot_general3A_30 = tpu.matmul %get3A_28, %get3A_28, %dot_general3A_29 {dimension_numbers = #tpu.dot_dimension_numbers<[1], [1], [0], [0], [0, 0, 1, 0], [], []>, transpose_lhs_hint = false} : vector<64x128xf32>, vector<64x128xf32>, vector<64x64xf32> -> vector<64x64xf32>
    %get3A_31 = arith.constant 3 : index
    %get3A_32 = arith.constant 0 : index
    %get3A_33 = arith.constant 0 : index
    %get3A_34 = vector.load %arg1[%get3A_31, %get3A_32, %get3A_33] : memref<40x64x128xf32, #tpu.memory_space<vmem>>, vector<1x64x128xf32>
    %get3A_35 = vector.shape_cast %get3A_34 : vector<1x64x128xf32> to vector<64x128xf32>
    %dot_general3A_36 = arith.constant dense<0.000000e+00> : vector<64x64xf32>
    %dot_general3A_37 = tpu.matmul %get3A_35, %get3A_35, %dot_general3A_36 {dimension_numbers = #tpu.dot_dimension_numbers<[1], [1], [0], [0], [0, 0, 1, 0], [], []>, transpose_lhs_hint = false} : vector<64x128xf32>, vector<64x128xf32>, vector<64x64xf32> -> vector<64x64xf32>
    %get3A_38 = arith.constant 4 : index
    %get3A_39 = arith.constant 0 : index
    %get3A_40 = arith.constant 0 : index
    %get3A_41 = vector.load %arg1[%get3A_38, %get3A_39, %get3A_40] : memref<40x64x128xf32, #tpu.memory_space<vmem>>, vector<1x64x128xf32>
    %get3A_42 = vector.shape_cast %get3A_41 : vector<1x64x128xf32> to vector<64x128xf32>
    %dot_general3A_43 = arith.constant dense<0.000000e+00> : vector<64x64xf32>
    %dot_general3A_44 = tpu.matmul %get3A_42, %get3A_42, %dot_general3A_43 {dimension_numbers = #tpu.dot_dimension_numbers<[1], [1], [0], [0], [0, 0, 1, 0], [], []>, transpose_lhs_hint = false} : vector<64x128xf32>, vector<64x128xf32>, vector<64x64xf32> -> vector<64x64xf32>
    %get3A_45 = arith.constant 5 : index
    %get3A_46 = arith.constant 0 : index
    %get3A_47 = arith.constant 0 : index
    %get3A_48 = vector.load %arg1[%get3A_45, %get3A_46, %get3A_47] : memref<40x64x128xf32, #tpu.memory_space<vmem>>, vector<1x64x128xf32>
    %get3A_49 = vector.shape_cast %get3A_48 : vector<1x64x128xf32> to vector<64x128xf32>
    %dot_general3A_50 = arith.constant dense<0.000000e+00> : vector<64x64xf32>
    %dot_general3A_51 = tpu.matmul %get3A_49, %get3A_49, %dot_general3A_50 {dimension_numbers = #tpu.dot_dimension_numbers<[1], [1], [0], [0], [0, 0, 1, 0], [], []>, transpose_lhs_hint = false} : vector<64x128xf32>, vector<64x128xf32>, vector<64x64xf32> -> vector<64x64xf32>
    %get3A_52 = arith.constant 6 : index
    %get3A_53 = arith.constant 0 : index
    %get3A_54 = arith.constant 0 : index
    %get3A_55 = vector.load %arg1[%get3A_52, %get3A_53, %get3A_54] : memref<40x64x128xf32, #tpu.memory_space<vmem>>, vector<1x64x128xf32>
    %get3A_56 = vector.shape_cast %get3A_55 : vector<1x64x128xf32> to vector<64x128xf32>
    %dot_general3A_57 = arith.constant dense<0.000000e+00> : vector<64x64xf32>
    %dot_general3A_58 = tpu.matmul %get3A_56, %get3A_56, %dot_general3A_57 {dimension_numbers = #tpu.dot_dimension_numbers<[1], [1], [0], [0], [0, 0, 1, 0], [], []>, transpose_lhs_hint = false} : vector<64x128xf32>, vector<64x128xf32>, vector<64x64xf32> -> vector<64x64xf32>
    %get3A_59 = arith.constant 7 : index
    %get3A_60 = arith.constant 0 : index
    %get3A_61 = arith.constant 0 : index
    %get3A_62 = vector.load %arg1[%get3A_59, %get3A_60, %get3A_61] : memref<40x64x128xf32, #tpu.memory_space<vmem>>, vector<1x64x128xf32>
    %get3A_63 = vector.shape_cast %get3A_62 : vector<1x64x128xf32> to vector<64x128xf32>
    %dot_general3A_64 = arith.constant dense<0.000000e+00> : vector<64x64xf32>
    %dot_general3A_65 = tpu.matmul %get3A_63, %get3A_63, %dot_general3A_64 {dimension_numbers = #tpu.dot_dimension_numbers<[1], [1], [0], [0], [0, 0, 1, 0], [], []>, transpose_lhs_hint = false} : vector<64x128xf32>, vector<64x128xf32>, vector<64x64xf32> -> vector<64x64xf32>
    %get3A_66 = arith.constant 8 : index
    %get3A_67 = arith.constant 0 : index
    %get3A_68 = arith.constant 0 : index
    %get3A_69 = vector.load %arg1[%get3A_66, %get3A_67, %get3A_68] : memref<40x64x128xf32, #tpu.memory_space<vmem>>, vector<1x64x128xf32>
    %get3A_70 = vector.shape_cast %get3A_69 : vector<1x64x128xf32> to vector<64x128xf32>
    %dot_general3A_71 = arith.constant dense<0.000000e+00> : vector<64x64xf32>
    %dot_general3A_72 = tpu.matmul %get3A_70, %get3A_70, %dot_general3A_71 {dimension_numbers = #tpu.dot_dimension_numbers<[1], [1], [0], [0], [0, 0, 1, 0], [], []>, transpose_lhs_hint = false} : vector<64x128xf32>, vector<64x128xf32>, vector<64x64xf32> -> vector<64x64xf32>
    %get3A_73 = arith.constant 9 : index
    %get3A_74 = arith.constant 0 : index
    %get3A_75 = arith.constant 0 : index
    %get3A_76 = vector.load %arg1[%get3A_73, %get3A_74, %get3A_75] : memref<40x64x128xf32, #tpu.memory_space<vmem>>, vector<1x64x128xf32>
    %get3A_77 = vector.shape_cast %get3A_76 : vector<1x64x128xf32> to vector<64x128xf32>
    %dot_general3A_78 = arith.constant dense<0.000000e+00> : vector<64x64xf32>
    %dot_general3A_79 = tpu.matmul %get3A_77, %get3A_77, %dot_general3A_78 {dimension_numbers = #tpu.dot_dimension_numbers<[1], [1], [0], [0], [0, 0, 1, 0], [], []>, transpose_lhs_hint = false} : vector<64x128xf32>, vector<64x128xf32>, vector<64x64xf32> -> vector<64x64xf32>
    %get3A_80 = arith.constant 10 : index
    %get3A_81 = arith.constant 0 : index
    %get3A_82 = arith.constant 0 : index
    %get3A_83 = vector.load %arg1[%get3A_80, %get3A_81, %get3A_82] : memref<40x64x128xf32, #tpu.memory_space<vmem>>, vector<1x64x128xf32>
    %get3A_84 = vector.shape_cast %get3A_83 : vector<1x64x128xf32> to vector<64x128xf32>
    %dot_general3A_85 = arith.constant dense<0.000000e+00> : vector<64x64xf32>
    %dot_general3A_86 = tpu.matmul %get3A_84, %get3A_84, %dot_general3A_85 {dimension_numbers = #tpu.dot_dimension_numbers<[1], [1], [0], [0], [0, 0, 1, 0], [], []>, transpose_lhs_hint = false} : vector<64x128xf32>, vector<64x128xf32>, vector<64x64xf32> -> vector<64x64xf32>
    %get3A_87 = arith.constant 11 : index
    %get3A_88 = arith.constant 0 : index
    %get3A_89 = arith.constant 0 : index
    %get3A_90 = vector.load %arg1[%get3A_87, %get3A_88, %get3A_89] : memref<40x64x128xf32, #tpu.memory_space<vmem>>, vector<1x64x128xf32>
    %get3A_91 = vector.shape_cast %get3A_90 : vector<1x64x128xf32> to vector<64x128xf32>
    %dot_general3A_92 = arith.constant dense<0.000000e+00> : vector<64x64xf32>
    %dot_general3A_93 = tpu.matmul %get3A_91, %get3A_91, %dot_general3A_92 {dimension_numbers = #tpu.dot_dimension_numbers<[1], [1], [0], [0], [0, 0, 1, 0], [], []>, transpose_lhs_hint = false} : vector<64x128xf32>, vector<64x128xf32>, vector<64x64xf32> -> vector<64x64xf32>
    %get3A_94 = arith.constant 12 : index
    %get3A_95 = arith.constant 0 : index
    %get3A_96 = arith.constant 0 : index
    %get3A_97 = vector.load %arg1[%get3A_94, %get3A_95, %get3A_96] : memref<40x64x128xf32, #tpu.memory_space<vmem>>, vector<1x64x128xf32>
    %get3A_98 = vector.shape_cast %get3A_97 : vector<1x64x128xf32> to vector<64x128xf32>
    %dot_general3A_99 = arith.constant dense<0.000000e+00> : vector<64x64xf32>
    %dot_general3A_100 = tpu.matmul %get3A_98, %get3A_98, %dot_general3A_99 {dimension_numbers = #tpu.dot_dimension_numbers<[1], [1], [0], [0], [0, 0, 1, 0], [], []>, transpose_lhs_hint = false} : vector<64x128xf32>, vector<64x128xf32>, vector<64x64xf32> -> vector<64x64xf32>
    %get3A_101 = arith.constant 13 : index
    %get3A_102 = arith.constant 0 : index
    %get3A_103 = arith.constant 0 : index
    %get3A_104 = vector.load %arg1[%get3A_101, %get3A_102, %get3A_103] : memref<40x64x128xf32, #tpu.memory_space<vmem>>, vector<1x64x128xf32>
    %get3A_105 = vector.shape_cast %get3A_104 : vector<1x64x128xf32> to vector<64x128xf32>
    %dot_general3A_106 = arith.constant dense<0.000000e+00> : vector<64x64xf32>
    %dot_general3A_107 = tpu.matmul %get3A_105, %get3A_105, %dot_general3A_106 {dimension_numbers = #tpu.dot_dimension_numbers<[1], [1], [0], [0], [0, 0, 1, 0], [], []>, transpose_lhs_hint = false} : vector<64x128xf32>, vector<64x128xf32>, vector<64x64xf32> -> vector<64x64xf32>
    %get3A_108 = arith.constant 14 : index
    %get3A_109 = arith.constant 0 : index
    %get3A_110 = arith.constant 0 : index
    %get3A_111 = vector.load %arg1[%get3A_108, %get3A_109, %get3A_110] : memref<40x64x128xf32, #tpu.memory_space<vmem>>, vector<1x64x128xf32>
    %get3A_112 = vector.shape_cast %get3A_111 : vector<1x64x128xf32> to vector<64x128xf32>
    %dot_general3A_113 = arith.constant dense<0.000000e+00> : vector<64x64xf32>
    %dot_general3A_114 = tpu.matmul %get3A_112, %get3A_112, %dot_general3A_113 {dimension_numbers = #tpu.dot_dimension_numbers<[1], [1], [0], [0], [0, 0, 1, 0], [], []>, transpose_lhs_hint = false} : vector<64x128xf32>, vector<64x128xf32>, vector<64x64xf32> -> vector<64x64xf32>
    %get3A_115 = arith.constant 15 : index
    %get3A_116 = arith.constant 0 : index
    %get3A_117 = arith.constant 0 : index
    %get3A_118 = vector.load %arg1[%get3A_115, %get3A_116, %get3A_117] : memref<40x64x128xf32, #tpu.memory_space<vmem>>, vector<1x64x128xf32>
    %get3A_119 = vector.shape_cast %get3A_118 : vector<1x64x128xf32> to vector<64x128xf32>
    %dot_general3A_120 = arith.constant dense<0.000000e+00> : vector<64x64xf32>
    %dot_general3A_121 = tpu.matmul %get3A_119, %get3A_119, %dot_general3A_120 {dimension_numbers = #tpu.dot_dimension_numbers<[1], [1], [0], [0], [0, 0, 1, 0], [], []>, transpose_lhs_hint = false} : vector<64x128xf32>, vector<64x128xf32>, vector<64x64xf32> -> vector<64x64xf32>
    %get3A_122 = arith.constant 16 : index
    %get3A_123 = arith.constant 0 : index
    %get3A_124 = arith.constant 0 : index
    %get3A_125 = vector.load %arg1[%get3A_122, %get3A_123, %get3A_124] : memref<40x64x128xf32, #tpu.memory_space<vmem>>, vector<1x64x128xf32>
    %get3A_126 = vector.shape_cast %get3A_125 : vector<1x64x128xf32> to vector<64x128xf32>
    %dot_general3A_127 = arith.constant dense<0.000000e+00> : vector<64x64xf32>
    %dot_general3A_128 = tpu.matmul %get3A_126, %get3A_126, %dot_general3A_127 {dimension_numbers = #tpu.dot_dimension_numbers<[1], [1], [0], [0], [0, 0, 1, 0], [], []>, transpose_lhs_hint = false} : vector<64x128xf32>, vector<64x128xf32>, vector<64x64xf32> -> vector<64x64xf32>
    %get3A_129 = arith.constant 17 : index
    %get3A_130 = arith.constant 0 : index
    %get3A_131 = arith.constant 0 : index
    %get3A_132 = vector.load %arg1[%get3A_129, %get3A_130, %get3A_131] : memref<40x64x128xf32, #tpu.memory_space<vmem>>, vector<1x64x128xf32>
    %get3A_133 = vector.shape_cast %get3A_132 : vector<1x64x128xf32> to vector<64x128xf32>
    %dot_general3A_134 = arith.constant dense<0.000000e+00> : vector<64x64xf32>
    %dot_general3A_135 = tpu.matmul %get3A_133, %get3A_133, %dot_general3A_134 {dimension_numbers = #tpu.dot_dimension_numbers<[1], [1], [0], [0], [0, 0, 1, 0], [], []>, transpose_lhs_hint = false} : vector<64x128xf32>, vector<64x128xf32>, vector<64x64xf32> -> vector<64x64xf32>
    %get3A_136 = arith.constant 18 : index
    %get3A_137 = arith.constant 0 : index
    %get3A_138 = arith.constant 0 : index
    %get3A_139 = vector.load %arg1[%get3A_136, %get3A_137, %get3A_138] : memref<40x64x128xf32, #tpu.memory_space<vmem>>, vector<1x64x128xf32>
    %get3A_140 = vector.shape_cast %get3A_139 : vector<1x64x128xf32> to vector<64x128xf32>
    %dot_general3A_141 = arith.constant dense<0.000000e+00> : vector<64x64xf32>
    %dot_general3A_142 = tpu.matmul %get3A_140, %get3A_140, %dot_general3A_141 {dimension_numbers = #tpu.dot_dimension_numbers<[1], [1], [0], [0], [0, 0, 1, 0], [], []>, transpose_lhs_hint = false} : vector<64x128xf32>, vector<64x128xf32>, vector<64x64xf32> -> vector<64x64xf32>
    %get3A_143 = arith.constant 19 : index
    %get3A_144 = arith.constant 0 : index
    %get3A_145 = arith.constant 0 : index
    %get3A_146 = vector.load %arg1[%get3A_143, %get3A_144, %get3A_145] : memref<40x64x128xf32, #tpu.memory_space<vmem>>, vector<1x64x128xf32>
    %get3A_147 = vector.shape_cast %get3A_146 : vector<1x64x128xf32> to vector<64x128xf32>
    %dot_general3A_148 = arith.constant dense<0.000000e+00> : vector<64x64xf32>
    %dot_general3A_149 = tpu.matmul %get3A_147, %get3A_147, %dot_general3A_148 {dimension_numbers = #tpu.dot_dimension_numbers<[1], [1], [0], [0], [0, 0, 1, 0], [], []>, transpose_lhs_hint = false} : vector<64x128xf32>, vector<64x128xf32>, vector<64x64xf32> -> vector<64x64xf32>
    %get3A_150 = arith.constant 20 : index
    %get3A_151 = arith.constant 0 : index
    %get3A_152 = arith.constant 0 : index
    %get3A_153 = vector.load %arg1[%get3A_150, %get3A_151, %get3A_152] : memref<40x64x128xf32, #tpu.memory_space<vmem>>, vector<1x64x128xf32>
    %get3A_154 = vector.shape_cast %get3A_153 : vector<1x64x128xf32> to vector<64x128xf32>
    %dot_general3A_155 = arith.constant dense<0.000000e+00> : vector<64x64xf32>
    %dot_general3A_156 = tpu.matmul %get3A_154, %get3A_154, %dot_general3A_155 {dimension_numbers = #tpu.dot_dimension_numbers<[1], [1], [0], [0], [0, 0, 1, 0], [], []>, transpose_lhs_hint = false} : vector<64x128xf32>, vector<64x128xf32>, vector<64x64xf32> -> vector<64x64xf32>
    %get3A_157 = arith.constant 21 : index
    %get3A_158 = arith.constant 0 : index
    %get3A_159 = arith.constant 0 : index
    %get3A_160 = vector.load %arg1[%get3A_157, %get3A_158, %get3A_159] : memref<40x64x128xf32, #tpu.memory_space<vmem>>, vector<1x64x128xf32>
    %get3A_161 = vector.shape_cast %get3A_160 : vector<1x64x128xf32> to vector<64x128xf32>
    %dot_general3A_162 = arith.constant dense<0.000000e+00> : vector<64x64xf32>
    %dot_general3A_163 = tpu.matmul %get3A_161, %get3A_161, %dot_general3A_162 {dimension_numbers = #tpu.dot_dimension_numbers<[1], [1], [0], [0], [0, 0, 1, 0], [], []>, transpose_lhs_hint = false} : vector<64x128xf32>, vector<64x128xf32>, vector<64x64xf32> -> vector<64x64xf32>
    %get3A_164 = arith.constant 22 : index
    %get3A_165 = arith.constant 0 : index
    %get3A_166 = arith.constant 0 : index
    %get3A_167 = vector.load %arg1[%get3A_164, %get3A_165, %get3A_166] : memref<40x64x128xf32, #tpu.memory_space<vmem>>, vector<1x64x128xf32>
    %get3A_168 = vector.shape_cast %get3A_167 : vector<1x64x128xf32> to vector<64x128xf32>
    %dot_general3A_169 = arith.constant dense<0.000000e+00> : vector<64x64xf32>
    %dot_general3A_170 = tpu.matmul %get3A_168, %get3A_168, %dot_general3A_169 {dimension_numbers = #tpu.dot_dimension_numbers<[1], [1], [0], [0], [0, 0, 1, 0], [], []>, transpose_lhs_hint = false} : vector<64x128xf32>, vector<64x128xf32>, vector<64x64xf32> -> vector<64x64xf32>
    %get3A_171 = arith.constant 23 : index
    %get3A_172 = arith.constant 0 : index
    %get3A_173 = arith.constant 0 : index
    %get3A_174 = vector.load %arg1[%get3A_171, %get3A_172, %get3A_173] : memref<40x64x128xf32, #tpu.memory_space<vmem>>, vector<1x64x128xf32>
    %get3A_175 = vector.shape_cast %get3A_174 : vector<1x64x128xf32> to vector<64x128xf32>
    %dot_general3A_176 = arith.constant dense<0.000000e+00> : vector<64x64xf32>
    %dot_general3A_177 = tpu.matmul %get3A_175, %get3A_175, %dot_general3A_176 {dimension_numbers = #tpu.dot_dimension_numbers<[1], [1], [0], [0], [0, 0, 1, 0], [], []>, transpose_lhs_hint = false} : vector<64x128xf32>, vector<64x128xf32>, vector<64x64xf32> -> vector<64x64xf32>
    %get3A_178 = arith.constant 24 : index
    %get3A_179 = arith.constant 0 : index
    %get3A_180 = arith.constant 0 : index
    %get3A_181 = vector.load %arg1[%get3A_178, %get3A_179, %get3A_180] : memref<40x64x128xf32, #tpu.memory_space<vmem>>, vector<1x64x128xf32>
    %get3A_182 = vector.shape_cast %get3A_181 : vector<1x64x128xf32> to vector<64x128xf32>
    %dot_general3A_183 = arith.constant dense<0.000000e+00> : vector<64x64xf32>
    %dot_general3A_184 = tpu.matmul %get3A_182, %get3A_182, %dot_general3A_183 {dimension_numbers = #tpu.dot_dimension_numbers<[1], [1], [0], [0], [0, 0, 1, 0], [], []>, transpose_lhs_hint = false} : vector<64x128xf32>, vector<64x128xf32>, vector<64x64xf32> -> vector<64x64xf32>
    %get3A_185 = arith.constant 25 : index
    %get3A_186 = arith.constant 0 : index
    %get3A_187 = arith.constant 0 : index
    %get3A_188 = vector.load %arg1[%get3A_185, %get3A_186, %get3A_187] : memref<40x64x128xf32, #tpu.memory_space<vmem>>, vector<1x64x128xf32>
    %get3A_189 = vector.shape_cast %get3A_188 : vector<1x64x128xf32> to vector<64x128xf32>
    %dot_general3A_190 = arith.constant dense<0.000000e+00> : vector<64x64xf32>
    %dot_general3A_191 = tpu.matmul %get3A_189, %get3A_189, %dot_general3A_190 {dimension_numbers = #tpu.dot_dimension_numbers<[1], [1], [0], [0], [0, 0, 1, 0], [], []>, transpose_lhs_hint = false} : vector<64x128xf32>, vector<64x128xf32>, vector<64x64xf32> -> vector<64x64xf32>
    %get3A_192 = arith.constant 26 : index
    %get3A_193 = arith.constant 0 : index
    %get3A_194 = arith.constant 0 : index
    %get3A_195 = vector.load %arg1[%get3A_192, %get3A_193, %get3A_194] : memref<40x64x128xf32, #tpu.memory_space<vmem>>, vector<1x64x128xf32>
    %get3A_196 = vector.shape_cast %get3A_195 : vector<1x64x128xf32> to vector<64x128xf32>
    %dot_general3A_197 = arith.constant dense<0.000000e+00> : vector<64x64xf32>
    %dot_general3A_198 = tpu.matmul %get3A_196, %get3A_196, %dot_general3A_197 {dimension_numbers = #tpu.dot_dimension_numbers<[1], [1], [0], [0], [0, 0, 1, 0], [], []>, transpose_lhs_hint = false} : vector<64x128xf32>, vector<64x128xf32>, vector<64x64xf32> -> vector<64x64xf32>
    %get3A_199 = arith.constant 27 : index
    %get3A_200 = arith.constant 0 : index
    %get3A_201 = arith.constant 0 : index
    %get3A_202 = vector.load %arg1[%get3A_199, %get3A_200, %get3A_201] : memref<40x64x128xf32, #tpu.memory_space<vmem>>, vector<1x64x128xf32>
    %get3A_203 = vector.shape_cast %get3A_202 : vector<1x64x128xf32> to vector<64x128xf32>
    %dot_general3A_204 = arith.constant dense<0.000000e+00> : vector<64x64xf32>
    %dot_general3A_205 = tpu.matmul %get3A_203, %get3A_203, %dot_general3A_204 {dimension_numbers = #tpu.dot_dimension_numbers<[1], [1], [0], [0], [0, 0, 1, 0], [], []>, transpose_lhs_hint = false} : vector<64x128xf32>, vector<64x128xf32>, vector<64x64xf32> -> vector<64x64xf32>
    %get3A_206 = arith.constant 28 : index
    %get3A_207 = arith.constant 0 : index
    %get3A_208 = arith.constant 0 : index
    %get3A_209 = vector.load %arg1[%get3A_206, %get3A_207, %get3A_208] : memref<40x64x128xf32, #tpu.memory_space<vmem>>, vector<1x64x128xf32>
    %get3A_210 = vector.shape_cast %get3A_209 : vector<1x64x128xf32> to vector<64x128xf32>
    %dot_general3A_211 = arith.constant dense<0.000000e+00> : vector<64x64xf32>
    %dot_general3A_212 = tpu.matmul %get3A_210, %get3A_210, %dot_general3A_211 {dimension_numbers = #tpu.dot_dimension_numbers<[1], [1], [0], [0], [0, 0, 1, 0], [], []>, transpose_lhs_hint = false} : vector<64x128xf32>, vector<64x128xf32>, vector<64x64xf32> -> vector<64x64xf32>
    %get3A_213 = arith.constant 29 : index
    %get3A_214 = arith.constant 0 : index
    %get3A_215 = arith.constant 0 : index
    %get3A_216 = vector.load %arg1[%get3A_213, %get3A_214, %get3A_215] : memref<40x64x128xf32, #tpu.memory_space<vmem>>, vector<1x64x128xf32>
    %get3A_217 = vector.shape_cast %get3A_216 : vector<1x64x128xf32> to vector<64x128xf32>
    %dot_general3A_218 = arith.constant dense<0.000000e+00> : vector<64x64xf32>
    %dot_general3A_219 = tpu.matmul %get3A_217, %get3A_217, %dot_general3A_218 {dimension_numbers = #tpu.dot_dimension_numbers<[1], [1], [0], [0], [0, 0, 1, 0], [], []>, transpose_lhs_hint = false} : vector<64x128xf32>, vector<64x128xf32>, vector<64x64xf32> -> vector<64x64xf32>
    %get3A_220 = arith.constant 30 : index
    %get3A_221 = arith.constant 0 : index
    %get3A_222 = arith.constant 0 : index
    %get3A_223 = vector.load %arg1[%get3A_220, %get3A_221, %get3A_222] : memref<40x64x128xf32, #tpu.memory_space<vmem>>, vector<1x64x128xf32>
    %get3A_224 = vector.shape_cast %get3A_223 : vector<1x64x128xf32> to vector<64x128xf32>
    %dot_general3A_225 = arith.constant dense<0.000000e+00> : vector<64x64xf32>
    %dot_general3A_226 = tpu.matmul %get3A_224, %get3A_224, %dot_general3A_225 {dimension_numbers = #tpu.dot_dimension_numbers<[1], [1], [0], [0], [0, 0, 1, 0], [], []>, transpose_lhs_hint = false} : vector<64x128xf32>, vector<64x128xf32>, vector<64x64xf32> -> vector<64x64xf32>
    %get3A_227 = arith.constant 31 : index
    %get3A_228 = arith.constant 0 : index
    %get3A_229 = arith.constant 0 : index
    %get3A_230 = vector.load %arg1[%get3A_227, %get3A_228, %get3A_229] : memref<40x64x128xf32, #tpu.memory_space<vmem>>, vector<1x64x128xf32>
    %get3A_231 = vector.shape_cast %get3A_230 : vector<1x64x128xf32> to vector<64x128xf32>
    %dot_general3A_232 = arith.constant dense<0.000000e+00> : vector<64x64xf32>
    %dot_general3A_233 = tpu.matmul %get3A_231, %get3A_231, %dot_general3A_232 {dimension_numbers = #tpu.dot_dimension_numbers<[1], [1], [0], [0], [0, 0, 1, 0], [], []>, transpose_lhs_hint = false} : vector<64x128xf32>, vector<64x128xf32>, vector<64x64xf32> -> vector<64x64xf32>
    %get3A_234 = arith.constant 32 : index
    %get3A_235 = arith.constant 0 : index
    %get3A_236 = arith.constant 0 : index
    %get3A_237 = vector.load %arg1[%get3A_234, %get3A_235, %get3A_236] : memref<40x64x128xf32, #tpu.memory_space<vmem>>, vector<1x64x128xf32>
    %get3A_238 = vector.shape_cast %get3A_237 : vector<1x64x128xf32> to vector<64x128xf32>
    %dot_general3A_239 = arith.constant dense<0.000000e+00> : vector<64x64xf32>
    %dot_general3A_240 = tpu.matmul %get3A_238, %get3A_238, %dot_general3A_239 {dimension_numbers = #tpu.dot_dimension_numbers<[1], [1], [0], [0], [0, 0, 1, 0], [], []>, transpose_lhs_hint = false} : vector<64x128xf32>, vector<64x128xf32>, vector<64x64xf32> -> vector<64x64xf32>
    %get3A_241 = arith.constant 33 : index
    %get3A_242 = arith.constant 0 : index
    %get3A_243 = arith.constant 0 : index
    %get3A_244 = vector.load %arg1[%get3A_241, %get3A_242, %get3A_243] : memref<40x64x128xf32, #tpu.memory_space<vmem>>, vector<1x64x128xf32>
    %get3A_245 = vector.shape_cast %get3A_244 : vector<1x64x128xf32> to vector<64x128xf32>
    %dot_general3A_246 = arith.constant dense<0.000000e+00> : vector<64x64xf32>
    %dot_general3A_247 = tpu.matmul %get3A_245, %get3A_245, %dot_general3A_246 {dimension_numbers = #tpu.dot_dimension_numbers<[1], [1], [0], [0], [0, 0, 1, 0], [], []>, transpose_lhs_hint = false} : vector<64x128xf32>, vector<64x128xf32>, vector<64x64xf32> -> vector<64x64xf32>
    %get3A_248 = arith.constant 34 : index
    %get3A_249 = arith.constant 0 : index
    %get3A_250 = arith.constant 0 : index
    %get3A_251 = vector.load %arg1[%get3A_248, %get3A_249, %get3A_250] : memref<40x64x128xf32, #tpu.memory_space<vmem>>, vector<1x64x128xf32>
    %get3A_252 = vector.shape_cast %get3A_251 : vector<1x64x128xf32> to vector<64x128xf32>
    %dot_general3A_253 = arith.constant dense<0.000000e+00> : vector<64x64xf32>
    %dot_general3A_254 = tpu.matmul %get3A_252, %get3A_252, %dot_general3A_253 {dimension_numbers = #tpu.dot_dimension_numbers<[1], [1], [0], [0], [0, 0, 1, 0], [], []>, transpose_lhs_hint = false} : vector<64x128xf32>, vector<64x128xf32>, vector<64x64xf32> -> vector<64x64xf32>
    %get3A_255 = arith.constant 35 : index
    %get3A_256 = arith.constant 0 : index
    %get3A_257 = arith.constant 0 : index
    %get3A_258 = vector.load %arg1[%get3A_255, %get3A_256, %get3A_257] : memref<40x64x128xf32, #tpu.memory_space<vmem>>, vector<1x64x128xf32>
    %get3A_259 = vector.shape_cast %get3A_258 : vector<1x64x128xf32> to vector<64x128xf32>
    %dot_general3A_260 = arith.constant dense<0.000000e+00> : vector<64x64xf32>
    %dot_general3A_261 = tpu.matmul %get3A_259, %get3A_259, %dot_general3A_260 {dimension_numbers = #tpu.dot_dimension_numbers<[1], [1], [0], [0], [0, 0, 1, 0], [], []>, transpose_lhs_hint = false} : vector<64x128xf32>, vector<64x128xf32>, vector<64x64xf32> -> vector<64x64xf32>
    %get3A_262 = arith.constant 36 : index
    %get3A_263 = arith.constant 0 : index
    %get3A_264 = arith.constant 0 : index
    %get3A_265 = vector.load %arg1[%get3A_262, %get3A_263, %get3A_264] : memref<40x64x128xf32, #tpu.memory_space<vmem>>, vector<1x64x128xf32>
    %get3A_266 = vector.shape_cast %get3A_265 : vector<1x64x128xf32> to vector<64x128xf32>
    %dot_general3A_267 = arith.constant dense<0.000000e+00> : vector<64x64xf32>
    %dot_general3A_268 = tpu.matmul %get3A_266, %get3A_266, %dot_general3A_267 {dimension_numbers = #tpu.dot_dimension_numbers<[1], [1], [0], [0], [0, 0, 1, 0], [], []>, transpose_lhs_hint = false} : vector<64x128xf32>, vector<64x128xf32>, vector<64x64xf32> -> vector<64x64xf32>
    %get3A_269 = arith.constant 37 : index
    %get3A_270 = arith.constant 0 : index
    %get3A_271 = arith.constant 0 : index
    %get3A_272 = vector.load %arg1[%get3A_269, %get3A_270, %get3A_271] : memref<40x64x128xf32, #tpu.memory_space<vmem>>, vector<1x64x128xf32>
    %get3A_273 = vector.shape_cast %get3A_272 : vector<1x64x128xf32> to vector<64x128xf32>
    %dot_general3A_274 = arith.constant dense<0.000000e+00> : vector<64x64xf32>
    %dot_general3A_275 = tpu.matmul %get3A_273, %get3A_273, %dot_general3A_274 {dimension_numbers = #tpu.dot_dimension_numbers<[1], [1], [0], [0], [0, 0, 1, 0], [], []>, transpose_lhs_hint = false} : vector<64x128xf32>, vector<64x128xf32>, vector<64x64xf32> -> vector<64x64xf32>
    %get3A_276 = arith.constant 38 : index
    %get3A_277 = arith.constant 0 : index
    %get3A_278 = arith.constant 0 : index
    %get3A_279 = vector.load %arg1[%get3A_276, %get3A_277, %get3A_278] : memref<40x64x128xf32, #tpu.memory_space<vmem>>, vector<1x64x128xf32>
    %get3A_280 = vector.shape_cast %get3A_279 : vector<1x64x128xf32> to vector<64x128xf32>
    %dot_general3A_281 = arith.constant dense<0.000000e+00> : vector<64x64xf32>
    %dot_general3A_282 = tpu.matmul %get3A_280, %get3A_280, %dot_general3A_281 {dimension_numbers = #tpu.dot_dimension_numbers<[1], [1], [0], [0], [0, 0, 1, 0], [], []>, transpose_lhs_hint = false} : vector<64x128xf32>, vector<64x128xf32>, vector<64x64xf32> -> vector<64x64xf32>
    %get3A_283 = arith.constant 39 : index
    %get3A_284 = arith.constant 0 : index
    %get3A_285 = arith.constant 0 : index
    %get3A_286 = vector.load %arg1[%get3A_283, %get3A_284, %get3A_285] : memref<40x64x128xf32, #tpu.memory_space<vmem>>, vector<1x64x128xf32>
    %get3A_287 = vector.shape_cast %get3A_286 : vector<1x64x128xf32> to vector<64x128xf32>
    %dot_general3A_288 = arith.constant dense<0.000000e+00> : vector<64x64xf32>
    %dot_general3A_289 = tpu.matmul %get3A_287, %get3A_287, %dot_general3A_288 {dimension_numbers = #tpu.dot_dimension_numbers<[1], [1], [0], [0], [0, 0, 1, 0], [], []>, transpose_lhs_hint = false} : vector<64x128xf32>, vector<64x128xf32>, vector<64x64xf32> -> vector<64x64xf32>
    %concatenate3A = tpu.concatenate %dot_general3A_16, %dot_general3A_23, %dot_general3A_30, %dot_general3A_37, %dot_general3A_44, %dot_general3A_51, %dot_general3A_58, %dot_general3A_65, %dot_general3A_72, %dot_general3A_79, %dot_general3A_86, %dot_general3A_93, %dot_general3A_100, %dot_general3A_107, %dot_general3A_114, %dot_general3A_121, %dot_general3A_128, %dot_general3A_135, %dot_general3A_142, %dot_general3A_149, %dot_general3A_156, %dot_general3A_163, %dot_general3A_170, %dot_general3A_177, %dot_general3A_184, %dot_general3A_191, %dot_general3A_198, %dot_general3A_205, %dot_general3A_212, %dot_general3A_219, %dot_general3A_226, %dot_general3A_233, %dot_general3A_240, %dot_general3A_247, %dot_general3A_254, %dot_general3A_261, %dot_general3A_268, %dot_general3A_275, %dot_general3A_282, %dot_general3A_289 in 0 : vector<64x64xf32>, vector<64x64xf32>, vector<64x64xf32>, vector<64x64xf32>, vector<64x64xf32>, vector<64x64xf32>, vector<64x64xf32>, vector<64x64xf32>, vector<64x64xf32>, vector<64x64xf32>, vector<64x64xf32>, vector<64x64xf32>, vector<64x64xf32>, vector<64x64xf32>, vector<64x64xf32>, vector<64x64xf32>, vector<64x64xf32>, vector<64x64xf32>, vector<64x64xf32>, vector<64x64xf32>, vector<64x64xf32>, vector<64x64xf32>, vector<64x64xf32>, vector<64x64xf32>, vector<64x64xf32>, vector<64x64xf32>, vector<64x64xf32>, vector<64x64xf32>, vector<64x64xf32>, vector<64x64xf32>, vector<64x64xf32>, vector<64x64xf32>, vector<64x64xf32>, vector<64x64xf32>, vector<64x64xf32>, vector<64x64xf32>, vector<64x64xf32>, vector<64x64xf32>, vector<64x64xf32>, vector<64x64xf32> -> vector<2560x64xf32>
    %mul3A = arith.mulf %concatenate3A, %get3A_10 : vector<2560x64xf32>
    %reduce_sum3A_290 = arith.constant dense<0.000000e+00> : vector<2560xf32>
    %reduce_sum3A_291 = vector.multi_reduction <add>, %mul3A, %reduce_sum3A_290 [1] : vector<2560x64xf32> to vector<2560xf32>
    %broadcast_in_dim3A_292 = vector.shape_cast %reduce_sum3A_291 : vector<2560xf32> to vector<2560x1xf32>
    %reshape3A = vector.shape_cast %mul3A : vector<2560x64xf32> to vector<40x64x64xf32>
    %reduce_sum3A_293 = arith.constant dense<0.000000e+00> : vector<40x64xf32>
    %reduce_sum3A_294 = vector.multi_reduction <add>, %reshape3A, %reduce_sum3A_293 [1] : vector<40x64x64xf32> to vector<40x64xf32>
    %broadcast_in_dim3A_295 = vector.shape_cast %reduce_sum3A_294 : vector<40x64xf32> to vector<40x1x64xf32>
    %broadcast_in_dim3A_296 = vector.shape_cast %broadcast_in_dim3A_295 : vector<40x1x64xf32> to vector<40x1x64xf32>
    %broadcast_in_dim3A_297 = vector.broadcast %broadcast_in_dim3A_296 : vector<40x1x64xf32> to vector<40x64x64xf32>
    %reshape3A_298 = vector.shape_cast %broadcast_in_dim3A_297 : vector<40x64x64xf32> to vector<2560x64xf32>
    %add3A = vector.broadcast %broadcast_in_dim3A_292 : vector<2560x1xf32> to vector<2560x64xf32>
    %add3A_299 = arith.addf %add3A, %reshape3A_298 : vector<2560x64xf32>
    %mul3A_300 = arith.constant 2.000000e+00 : f32
    %mul3A_301 = vector.broadcast %mul3A_300 : f32 to vector<2560x64xf32>
    %mul3A_302 = arith.mulf %mul3A_301, %concatenate3A : vector<2560x64xf32>
    %sub3A = arith.subf %add3A_299, %mul3A_302 : vector<2560x64xf32>
    %max3A_303 = arith.constant 0.000000e+00 : f32
    %max3A_304 = vector.broadcast %max3A_303 : f32 to vector<2560x64xf32>
    %max3A_305 = arith.maximumf %sub3A, %max3A_304 : vector<2560x64xf32>
    %add3A_306 = arith.constant 9.99999996E-13 : f32
    %add3A_307 = vector.broadcast %add3A_306 : f32 to vector<2560x64xf32>
    %add3A_308 = arith.addf %max3A_305, %add3A_307 : vector<2560x64xf32>
    %sqrt3A = math.sqrt %add3A_308 : vector<2560x64xf32>
    %gt3A_309 = arith.constant 5.000000e-01 : f32
    %gt3A_310 = vector.broadcast %gt3A_309 : f32 to vector<2560x64xf32>
    %gt3A_311 = arith.cmpf ogt, %get3A_10, %gt3A_310 : vector<2560x64xf32>
    %jit3A_312 = arith.constant 9.99999997E-7 : f32
    %broadcast_in_dim3A_313 = vector.broadcast %jit3A_312 : f32 to vector<2560x64xf32>
    %select_n3A_314 = arith.select %gt3A_311, %broadcast_in_dim3A_313, %sqrt3A : vector<2560x64xi1>, vector<2560x64xf32>
    %broadcast_in_dim3A_315 = vector.shape_cast %select_n3A : vector<40x64xf32> to vector<40x1x64xf32>
    %broadcast_in_dim3A_316 = vector.shape_cast %broadcast_in_dim3A_315 : vector<40x1x64xf32> to vector<40x1x64xf32>
    %broadcast_in_dim3A_317 = vector.broadcast %broadcast_in_dim3A_316 : vector<40x1x64xf32> to vector<40x64x64xf32>
    %reshape3A_318 = vector.shape_cast %broadcast_in_dim3A_317 : vector<40x64x64xf32> to vector<2560x64xf32>
    %mul3A_319 = arith.mulf %reshape3A_318, %get3A_10 : vector<2560x64xf32>
    %reduce_sum3A_320 = arith.constant dense<0.000000e+00> : vector<2560xf32>
    %reduce_sum3A_321 = vector.multi_reduction <add>, %mul3A_319, %reduce_sum3A_320 [1] : vector<2560x64xf32> to vector<2560xf32>
    %broadcast_in_dim3A_322 = vector.shape_cast %reduce_sum3A_321 : vector<2560xf32> to vector<2560x1xf32>
    %mul3A_323 = vector.broadcast %broadcast_in_dim3A_322 : vector<2560x1xf32> to vector<2560x64xf32>
    %mul3A_324 = arith.mulf %select_n3A_314, %mul3A_323 : vector<2560x64xf32>
    %reshape3A_325 = vector.shape_cast %mul3A_324 : vector<2560x64xf32> to vector<40x64x64xf32>
    %reduce_sum3A_326 = arith.constant dense<0.000000e+00> : vector<40x64xf32>
    %reduce_sum3A_327 = vector.multi_reduction <add>, %reshape3A_325, %reduce_sum3A_326 [1] : vector<40x64x64xf32> to vector<40x64xf32>
    %gt3A_328 = arith.constant 0.000000e+00 : f32
    %gt3A_329 = vector.broadcast %gt3A_328 : f32 to vector<40x64xf32>
    %gt3A_330 = arith.cmpf ogt, %get3A_1, %gt3A_329 : vector<40x64xf32>
    %neg3A = arith.constant 0.000000e+00 : f32
    %neg3A_331 = vector.broadcast %neg3A : f32 to vector<40x64xf32>
    %neg3A_332 = arith.subf %neg3A_331, %reduce_sum3A_327 : vector<40x64xf32>
    %div3A = vector.broadcast %broadcast_in_dim3A_7 : vector<40x1xf32> to vector<40x64xf32>
    %div3A_333 = arith.divf %neg3A_332, %div3A : vector<40x64xf32>
    %exp3A = math.exp %div3A_333 : vector<40x64xf32>
    %jit3A_334 = arith.constant 0.000000e+00 : f32
    %broadcast_in_dim3A_335 = vector.broadcast %jit3A_334 : f32 to vector<40x64xf32>
    %select_n3A_336 = arith.select %gt3A_330, %exp3A, %broadcast_in_dim3A_335 : vector<40x64xi1>, vector<40x64xf32>
    %mul3A_337 = arith.mulf %select_n3A_336, %select_n3A : vector<40x64xf32>
    %reduce_sum3A_338 = arith.constant dense<0.000000e+00> : vector<40xf32>
    %reduce_sum3A_339 = vector.multi_reduction <add>, %mul3A_337, %reduce_sum3A_338 [1] : vector<40x64xf32> to vector<40xf32>
    %broadcast_in_dim3A_340 = vector.shape_cast %reduce_sum3A_339 : vector<40xf32> to vector<40x1xf32>
    %div3A_341 = vector.broadcast %broadcast_in_dim3A_340 : vector<40x1xf32> to vector<40x64xf32>
    %div3A_342 = arith.divf %mul3A_337, %div3A_341 : vector<40x64xf32>
    %broadcast_in_dim3A_343 = vector.shape_cast %div3A_342 : vector<40x64xf32> to vector<40x1x64xf32>
    %broadcast_in_dim3A_344 = vector.shape_cast %broadcast_in_dim3A_343 : vector<40x1x64xf32> to vector<40x1x64xf32>
    %broadcast_in_dim3A_345 = vector.broadcast %broadcast_in_dim3A_344 : vector<40x1x64xf32> to vector<40x64x64xf32>
    %reshape3A_346 = vector.shape_cast %broadcast_in_dim3A_345 : vector<40x64x64xf32> to vector<2560x64xf32>
    %mul3A_347 = arith.mulf %reshape3A_346, %get3A_10 : vector<2560x64xf32>
    %reduce_sum3A_348 = arith.constant dense<0.000000e+00> : vector<2560xf32>
    %reduce_sum3A_349 = vector.multi_reduction <add>, %mul3A_347, %reduce_sum3A_348 [1] : vector<2560x64xf32> to vector<2560xf32>
    %broadcast_in_dim3A_350 = vector.shape_cast %reduce_sum3A_349 : vector<2560xf32> to vector<2560x1xf32>
    %get3A_351 = arith.constant 0 : index
    %get3A_352 = arith.constant 0 : index
    %get3A_353 = arith.constant 0 : index
    %get3A_354 = vector.load %arg1[%get3A_351, %get3A_352, %get3A_353] : memref<40x64x128xf32, #tpu.memory_space<vmem>>, vector<40x64x128xf32>
    %reshape3A_355 = vector.shape_cast %get3A_354 : vector<40x64x128xf32> to vector<2560x128xf32>
    %mul3A_356 = vector.broadcast %broadcast_in_dim3A_350 : vector<2560x1xf32> to vector<2560x128xf32>
    %mul3A_357 = arith.mulf %reshape3A_355, %mul3A_356 : vector<2560x128xf32>
    %reshape3A_358 = vector.shape_cast %mul3A_357 : vector<2560x128xf32> to vector<40x64x128xf32>
    %reduce_sum3A_359 = arith.constant dense<0.000000e+00> : vector<40x128xf32>
    %reduce_sum3A_360 = vector.multi_reduction <add>, %reshape3A_358, %reduce_sum3A_359 [1] : vector<40x64x128xf32> to vector<40x128xf32>
    %mul3A_361 = vector.broadcast %broadcast_in_dim3A_7 : vector<40x1xf32> to vector<40x128xf32>
    %mul3A_362 = arith.mulf %mul3A_361, %reduce_sum3A_360 : vector<40x128xf32>
    %get3A_363 = arith.constant 0 : index
    %get3A_364 = arith.constant 0 : index
    %get3A_365 = vector.load %arg3[%get3A_363, %get3A_364] : memref<1x128xf32, #tpu.memory_space<vmem>>, vector<1x128xf32>
    %add3A_366 = vector.broadcast %get3A_365 : vector<1x128xf32> to vector<40x128xf32>
    %add3A_367 = arith.addf %mul3A_362, %add3A_366 : vector<40x128xf32>
    %max3A_368 = arith.constant 0.000000e+00 : f32
    %max3A_369 = vector.broadcast %max3A_368 : f32 to vector<40x128xf32>
    %max3A_370 = arith.maximumf %add3A_367, %max3A_369 : vector<40x128xf32>
    %swap3A = arith.constant 0 : index
    %swap3A_371 = arith.constant 0 : index
    %swap3A_372 = vector.load %arg5[%swap3A, %swap3A_371] : memref<40x128xf32, #tpu.memory_space<vmem>>, vector<40x128xf32>
    tpu.vector_store %arg5[%swap3A, %swap3A_371], %max3A_370 {strides = array<i32>} : memref<40x128xf32, #tpu.memory_space<vmem>>, vector<40x128xf32>,
    return
  }
  func.func @transform_0(%arg0: i32) -> (i32, i32, i32) {
    %c0_i32 = arith.constant 0 : i32
    %c0_i32_0 = arith.constant 0 : i32
    %c0_i32_1 = arith.constant 0 : i32
    return %arg0, %c0_i32, %c0_i32_0 : i32, i32, i32
  }
  func.func @transform_1(%arg0: i32) -> (i32, i32) {
    %c0_i32 = arith.constant 0 : i32
    %c0_i32_0 = arith.constant 0 : i32
    return %arg0, %c0_i32 : i32, i32
  }
  func.func @transform_2(%arg0: i32) -> (i32, i32) {
    %c0_i32 = arith.constant 0 : i32
    %c0_i32_0 = arith.constant 0 : i32
    %c0_i32_1 = arith.constant 0 : i32
    return %c0_i32, %c0_i32_0 : i32, i32
  }
  func.func @transform_3(%arg0: i32) -> (i32, i32) {
    %c0_i32 = arith.constant 0 : i32
    %c0_i32_0 = arith.constant 0 : i32
    %c0_i32_1 = arith.constant 0 : i32
    return %c0_i32, %c0_i32_0 : i32, i32
  }
  func.func @transform_4(%arg0: i32) -> (i32, i32) {
    %c0_i32 = arith.constant 0 : i32
    %c0_i32_0 = arith.constant 0 : i32
    return %arg0, %c0_i32 : i32, i32
  }
}

</mosaic_0001>

<sc_bundles>
// kernel: sc_build_lists.3.cloned.1.call-start
scs
__scs_entry_jumppad:
0x0: {  	(pc) =	sbr.rel $0x88, $3  }
0x1: {  	(tag) =	ssettag $0x0;
	lr =	simm.s32 $0x1  }
0x2: {  	[smem:$0x3F9B] =	sst lr;
	_ =	strace $0xD0000000  }
0x3: {  	_ = 	snop  }
0x4: {  	_ = 	snop  }
0x5: {  	_ = 	snop  }
0x6: {  	_ = 	snop  }
0x7: {  	_ = 	snop  }
__scs_overlays_trampoline_lowered:
0x8: {  	[smem:$0x3FAA] =	sst s0  }
0x9: {  	[smem:$0x3FAB] =	sst s1  }
0xa: {  	[smem:$0x3FAC] =	sst s2  }
0xb: {  	[smem:$0x3FAD] =	sst s3  }
0xc: {  	[smem:$0x3FAE] =	sst s4  }
0xd: {  	[smem:$0x3FAF] =	sst s5  }
0xe: {  	[smem:$0x3FB0] =	sst s6  }
0xf: {  	[smem:$0x3FB1] =	sst s7  }
0x10: {  	[smem:$0x3FB2] =	sst s8  }
0x11: {  	[smem:$0x3FB3] =	sst s9;
	s0 =	simm.s32 @!p0 $0x0  }
0x12: {  	s1 =	sld [smem:$0x3F99];
	s0 =	simm.s32 @p0 $0x1  }
0x13: {  	[smem:$0x3FB4] =	sst s0;
	s0 =	simm.s32 @!p1 $0x0  }
0x14: {  	s2 =	sld [smem:$0x3F98];
	s0 =	simm.s32 @p1 $0x1  }
0x15: {  	[smem:$0x3FB5] =	sst s0;
	s0 =	simm.s32 @!p2 $0x0  }
0x16: {  	s3 =	sld [smem:$0x3FDB];
	s0 =	simm.s32 @p2 $0x1  }
0x17: {  	s4 =	simm.s32 $0x1BF5;
	[smem:$0x3FB7] =	sst s0  }
0x18: {  	s0 =	sld [smem:$0x3F9A];
	_ =	swait.ge [sflag:s4], $0x0  }
0x19: {  	s7 =	sld [smem:$0x3F9B]  }
0x1a: {  	s8 =	sadd.s32 $0xFFFFE003, lr  }
0x1b: {  	s9 =	sadd.s32 $0xFFFFFEF7, lr;
	s5 =	simm.s32 $0xFFFFFFFF;
	p2 =	slt.u32 s8, $0xFFFFF086  }
0x1c: {  	p1 =	slt.u32 s9, $0xF7A;
	s5 =	simm.s32 @!p2 $0x0  }
0x1d: {  	s5 =	simm.s32 @p1 $0x1;
	p0 =	seq.s32 s7, s2  }
0x1e: {  	s7 =	smul.u32 @!p0 $0xF7A, s2;
	p2 =	seq.s32 @!p0 s5, $0x0  }
0x1f: {  	s9 =	smul.u32 $0xF7A, s1;
	s8 =	simm.s32 @!p0 $0x1BF5;
	p2 =	por !p2, p0  }
0x20: {  	[sflag:s8] =	ssyncset.s32 @!p0 $0xFFFFF086;
	s6 =	sadd.s32 @!p0 s3, s7;
	s7 =	simm.s32 @!p0 $0x108  }
0x21: {  	s3 =	sadd.s32 s3, s9;
	s6 =	sadd.s32 @!p0 $0x88, s6;
	s7 =	simm.s32 @p2 $0x1082  }
0x22: {  	[simem:s7], [sflag:s8] =	dma.local @!p0 [hbm:s6], $0xF7A  }
0x23: {  	s9 =	sor.u32 $0xD0000000, s2;
	s6 =	simm.s32 $0x108;
	_ =	swait.ge @!p0 [sflag:s8], $0x0  }
0x24: {  	s3 =	sadd.s32 $0x88, s3;
	s6 =	simm.s32 @!p1 $0x1082;
	[sflag:s4] =	ssyncset.s32 $0xFFFFF086  }
0x25: {  	[simem:s6], [sflag:s4] =	dma.local [hbm:s3], $0xF7A  }
0x26: {  	[smem:$0x3F9B] =	sst s1;
	(tag) =	ssettag s2;
	_ =	strace s9  }
0x27: {  	s1 =	sld [smem:$0x3FAB]  }
0x28: {  	s2 =	sld [smem:$0x3FAC]  }
0x29: {  	s4 =	sld [smem:$0x3FAE]  }
0x2a: {  	p0 =	seq.s32 s5, $0x0;
	s5 =	sld [smem:$0x3FAF]  }
0x2b: {  	s6 =	sld [smem:$0x3FB0]  }
0x2c: {  	s7 =	sld [smem:$0x3FB1]  }
0x2d: {  	s3 =	simm.s32 $0x108;
	s8 =	sld [smem:$0x3FB2]  }
0x2e: {  	s3 =	simm.s32 @!p0 $0x1082;
	s9 =	sld [smem:$0x3FB3]  }
0x2f: {  	lr =	sadd.s32 s0, s3;
	s0 =	sld [smem:$0x3FAA]  }
0x30: {  	s3 =	sld [smem:$0x3FAD]  }
0x31: {  	[smem:$0x3FB6] =	sst s10  }
0x32: {  	s10 =	sld [smem:$0x3FB4];
	_ =	sdelay $0x3  }
0x33: {  	p0 =	seq.s32 s10, $0x1;
	s10 =	sld [smem:$0x3FB6];
	_ =	sdelay $0x3  }
0x34: {  	[smem:$0x3FB6] =	sst s10  }
0x35: {  	s10 =	sld [smem:$0x3FB5];
	_ =	sdelay $0x3  }
0x36: {  	p1 =	seq.s32 s10, $0x1;
	s10 =	sld [smem:$0x3FB6];
	_ =	sdelay $0x3  }
0x37: {  	[smem:$0x3FB6] =	sst s10  }
0x38: {  	s10 =	sld [smem:$0x3FB7]  }
0x39: {  	_ = 	snop;
	(pc) =	sbr.ind lr, $3  }
0x3a: {  	_ = 	snop  }
0x3b: {  	_ = 	snop  }
0x3c: {  	p2 =	seq.s32 s10, $0x1;
	s10 =	sld [smem:$0x3FB6]  }
0x3d: {  	_ =	shalt  }
0x3e: {  	_ =	shalt  }
0x3f: {  	_ =	shalt  }
0x40: {  	_ =	shalt  }
0x41: {  	_ =	shalt  }
0x42: {  	_ =	shalt  }
0x43: {  	_ =	shalt  }
0x44: {  	_ =	shalt  }
0x45: {  	_ =	shalt  }
0x46: {  	_ =	shalt  }
0x47: {  	_ =	shalt  }
0x48: {  	_ =	shalt  }
0x49: {  	_ =	shalt  }
0x4a: {  	_ =	shalt  }
0x4b: {  	_ =	shalt  }
0x4c: {  	_ =	shalt  }
0x4d: {  	_ =	shalt  }
0x4e: {  	_ =	shalt  }
0x4f: {  	_ =	shalt  }
0x50: {  	_ =	shalt  }
0x51: {  	_ =	shalt  }
0x52: {  	_ =	shalt  }
0x53: {  	_ =	shalt  }
0x54: {  	_ =	shalt  }
0x55: {  	_ =	shalt  }
0x56: {  	_ =	shalt  }
0x57: {  	_ =	shalt  }
0x58: {  	_ =	shalt  }
0x59: {  	_ =	shalt  }
0x5a: {  	_ =	shalt  }
0x5b: {  	_ =	shalt  }
0x5c: {  	_ =	shalt  }
0x5d: {  	_ =	shalt  }
0x5e: {  	_ =	shalt  }
0x5f: {  	_ =	shalt  }
0x60: {  	_ =	shalt  }
0x61: {  	_ =	shalt  }
0x62: {  	_ =	shalt  }
0x63: {  	_ =	shalt  }
0x64: {  	_ =	shalt  }
0x65: {  	_ =	shalt  }
0x66: {  	_ =	shalt  }
0x67: {  	_ =	shalt  }
0x68: {  	_ =	shalt  }
0x69: {  	_ =	shalt  }
0x6a: {  	_ =	shalt  }
0x6b: {  	_ =	shalt  }
0x6c: {  	_ =	shalt  }
0x6d: {  	_ =	shalt  }
0x6e: {  	_ =	shalt  }
0x6f: {  	_ =	shalt  }
0x70: {  	_ =	shalt  }
0x71: {  	_ =	shalt  }
0x72: {  	_ =	shalt  }
0x73: {  	_ =	shalt  }
0x74: {  	_ =	shalt  }
0x75: {  	_ =	shalt  }
0x76: {  	_ =	shalt  }
0x77: {  	_ =	shalt  }
0x78: {  	_ =	shalt  }
0x79: {  	_ =	shalt  }
0x7a: {  	_ =	shalt  }
0x7b: {  	_ =	shalt  }
0x7c: {  	_ =	shalt  }
0x7d: {  	_ =	shalt  }
0x7e: {  	_ =	shalt  }
0x7f: {  	_ =	shalt  }
0x80: {  	_ =	shalt  }
0x81: {  	_ =	shalt  }
0x82: {  	_ =	shalt  }
0x83: {  	_ =	shalt  }
0x84: {  	_ =	shalt  }
0x85: {  	_ =	shalt  }
0x86: {  	_ =	shalt  }
0x87: {  	_ =	shalt  }
.Lfunc_end0:
.L_simem_size_0:
called_computation.1_lowered:
.L_overlay_start_0:
0x88: {  	s2 =	sld [smem:$0x3FD9]  }
0x89: {  	s3 =	sld [smem:$0x3FFE];
	_ =	sdelay $0x1  }
0x8a: {  	s1 =	srdreg.scid  }
0x8b: {  	s0 =	sand.u32 $0x1, s1  }
0x8c: {  	s16 =	sshll.u32 s0, $0xA;
	s2 =	sadd.s32 s3, s2  }
0x8d: {  	s2 =	sadd.s32 s2, s16  }
0x8e: {  	[smem:$0x3FC2] =	sst s2  }
0x8f: {  	_ = 	snop  }
0x90: {  	(tm) =	ssettm $0x1  }
0x91: {  	s17 =	sld [smem:$0x3FFB];
	_ =	sdelay $0x3  }
0x92: {  	_ =	strace s17  }
0x93: {  	s2 =	sld [smem:$0x3FFC];
	_ =	sdelay $0x3  }
0x94: {  	_ =	strace s2  }
0x95: {  	s2 =	sld [smem:$0x3FFD];
	_ =	sdelay $0x3  }
0x96: {  	_ =	strace s2  }
0x97: {  	_ =	strace $0x8FFFFFFF  }
0x98: {  	s18 =	sld [smem:$0x3FDB];
	_ =	sdelay $0x1  }
0x99: {  	s19 =	simm.s32 $_scs_section_size  }
0x9a: {  	s4 =	simm.s32 $_size__tile_overlayer_lowered;
	s5 =	simm.s32 $_tile_overlayer_lowered  }
0x9b: {  	s22 =	simm.s32 $0x1BFF;
	s21 =	sshll.u32 s5, $0x1;
	s2 =	sadd.s32 s19, s18  }
0x9c: {  	s6 =	simm.s32 $0x0;
	s20 =	sshll.u32 s4, $0x1;
	s4 =	sadd.s32 s21, s2  }
0x9d: {  	[timem:s6], [sflag:s22] =	dma.local [hbm:s4], s20  }
0x9e: {  	_ =	swait.ge [sflag:s22], s20  }
0x9f: {  	s3 =	ssub.s32 $0x0, s20;
	[sflag:s22] =	ssyncset.done $0x0  }
0xa0: {  	[sflag:s22] =	ssyncadd.s32 s3;
	_ =	sdelay $0x1  }
0xa1: {  	s23 =	simm.s32 $0x1B8B  }
0xa2: {  	_ =	swait.ge [sflag:s23], $0x1  }
0xa3: {  	[sflag:s23] =	ssyncset.done $0x0  }
0xa4: {  	s25 =	simm.s32 $0x1B8E;
	s24 =	sld [smem:$0x3FFE];
	[sflag:s23] =	ssyncadd.s32 $0xFFFFFFFF  }
0xa5: {  	s26 =	simm.s32 $execute0_lowered;
	[smem:$0x3FD2] =	sst s25  }
0xa6: {  	s4 =	sshll.u32 s26, $0x1;
	_ =	strace $0x80000049;
	[dreg:$0x1] =	wrdreg $0xFFFFFFFF  }
0xa7: {  	s28 =	simm.s32 $_size_execute0_lowered;
	s2 =	sadd.s32 s2, s4;
	[dreg:$0x0] =	wrdreg $0x0  }
0xa8: {  	s4 =	sshll.u32 s28, $0x1;
	[dreg:$0x2] =	wrdreg s2  }
0xa9: {  	[dreg:$0x3] =	wrdreg s4  }
0xaa: {  	[dreg:$0x4] =	wrdreg $0xC0  }
0xab: {  	_ =	task [dreg:s6], $0x5FFFF  }
0xac: {  	[dreg:$0x1] =	wrdreg $0xFFFFFFFF  }
0xad: {  	[dreg:$0x0] =	wrdreg $0x60  }
0xae: {  	[dreg:$0x2] =	wrdreg s24  }
0xaf: {  	[dreg:$0x3] =	wrdreg $0x9  }
0xb0: {  	_ =	task.clear_ibuf [dreg:s6], $0x4FFFF;
	_ =	strace $0x90000049  }
0xb1: {  	s29 =	simm.s32 $0x9;
	_ =	strace $0x8000004B  }
0xb2: {  	_ =	swait.ge [sflag:s29], $0x1  }
0xb3: {  	[sflag:s29] =	ssyncadd.s32 $0xFFFFFFFF  }
0xb4: {  	_ =	strace $0x9000004B  }
0xb5: {  	_ =	sfence  }
0xb6: {  	s30 =	sld [smem:$0x0];
	_ =	sdelay $0x2  }
0xb7: {  	s31 =	sshll.u32 s1, $0xD;
	s1 =	sshrl.u32 s1, $0x2  }
0xb8: {  	s3 =	sand.u32 $0x4000, s31;
	s1 =	sadd.s32 s1, s30  }
0xb9: {  	s0 =	sor.u32 s3, s0;
	s1 =	sshll.u32 s1, $0x11  }
0xba: {  	s0 =	sor.u32 s1, s0  }
0xbb: {  	s0 =	sadd.s32 $0x8F2B, s0  }
0xbc: {  	[sflag:s0] =	ssyncadd.remote.s32 $0x1  }
0xbd: {  	_ =	sfence.sel $0xFFFF  }
0xbe: {  	[dreg:$0x0] =	wrdreg $0xFFFFFFFF;
	(pc) =	sbr.abs _section_cstart, $3  }
0xbf: {  	[dreg:$0x1] =	wrdreg $0xFFFFFFFF  }
0xc0: {  	_ =	task.clear_ibuf [dreg:s6], $0x2FFFF;
	_ =	strace $0x9FFFFFFF  }
0xc1: {  	(tm) =	ssettm $0x7FFFFFFF  }
tec
execute0_lowered:
.L_overlay_start_1:
0x0: {  	(tag) =	ssettag $0x1  }
0x1: {  	s7 =	rddreg [dreg:$0x0]  }
0x2: {  	s0 =	rddreg [dreg:$0x1]  }
0x3: {  	s2 =	simm.s32 $0x0;
	s3 =	srdreg.scid;
	s1 =	stileid.u32  }
0x4: {  	s14 =	simm.s32 $0xC980;
	s15 =	simm.s32 $0xD180;
	s17 =	simm.s32 $0x7800  }
0x5: {  	s18 =	simm.s32 $0x0;
	[smem:$0x7FF] =	sst s2;
	s8 =	sand.u32 $0x1, s3  }
0x6: {  	s4 =	sshll.u32 s1, $0x1;
	s3 =	sadd.s32 $0x7C00, s7;
	s31 =	smul.u32 $0xA000, s1  }
0x7: {  	s5 =	sadd.s32 $0xCC00, s7;
	s6 =	sor.u32 s8, s4;
	s12 =	smul.u32 $0x5000, s8  }
0x8: {  	_ =	strace $0x8000004A;
	s10 =	ssub.s32 $0x2, s8;
	s9 =	smul.u32 $0xA00, s6  }
0x9: {  	s4 =	sadd.s32 $0x2C00, s7;
	s11 =	sshrl.u32 s10, $0x1;
	s13 =	smul.u32 $0x140, s6  }
0xa: {  	s6 =	sadd.s32 $0xCA00, s7;
	s10 =	ssub.s32 s10, s11;
	s11 =	sadd.s32 s12, s31  }
0xb: {  	s12 =	simm.s32 $0x1;
	s9 =	sadd.s32 s9, s7;
	s16 =	sadd.s32 $0x140, s13  }
0xc: {  	v1 =	vlaneseq.u32;
	s7 =	sadd.s32 $0x7A00, s7;
	s10 =	smax.u32 s10, $0x1;
	v0 =	vmov s13;
	s13 =	simm.s32 $0x2800  }
0xd: {  	v3 =	vimm.s32 $0x1;
	v4 =	vor.u32 $0x140, v1;
	s8 =	sadd.s32 $0xD200, s9;
	s9 =	sadd.s32 $0x21200, s9;
	v2 =	vmov s16;
	s16 =	simm.s32 $0xC800  }
.LBB2_1:
0xe: {  	v5 =	vor.u32 s11, v1  }
0xf: {  	[tilespmem:s2], [sflag:$0x1] =	stream.linear.gather [hbm4b:s5+s2], $0x2800, $0x38;
	v6 =	vmulhi.u32 $0xD1B71759, v5;
	[tilespmem:$0xD980] =	vst v63  }
0x10: {  	_ =	swait.ge [sflag:s12], $0x2800  }
0x11: {  	s19 =	simm.s32 $0x40;
	[sflag:s12] =	ssyncset.done $0x0;
	v6 =	vshrl.u32 v6, $0xD  }
0x12: {  	s21 =	sadd.s32 $0x10, s11;
	s20 =	simm.s32 $0x0;
	[sflag:s12] =	ssyncadd.s32 $0xFFFFD800;
	v6 =	vmul.u32 $0x2710, v6  }
.LBB2_2:
0x13: {  	p0 =	sne.s32 s19, $0x13FC0  }
0x14: {  	v6 =	vsub.s32 v5, v6;
	v5 =	vor.u32 s21, v1;
	s22 =	sshra.s32 s20, $0x2;
	s20 =	smov.u32 s19;
	s19 =	sadd.s32 $0x40, s19  }
.Ltmp0:
0x15: {  	v7 =	vmulhi.u32 $0xD1B71759, v5;
	[tilespmem:s22+$0x2800] =	vst v6;
	(pc) =	sbr.rel @p0 .LBB2_2-.Ltmp0, $4  }
0x16: {  	_ = 	snop  }
0x17: {  	v6 =	vshrl.u32 v7, $0xD  }
0x18: {  	v6 =	vmul.u32 $0x2710, v6  }
0x19: {  	s21 =	sadd.s32 $0x10, s21  }
0x1a: {  	s19 =	simm.s32 $0x0  }
0x1b: {  	v7 =	vor.u32 s19, v1  }
0x1c: {  	v8 =	vadd.s32 v0, v7  }
0x1d: {  	vm0 =	vlt.u32 v8, $0x2710  }
0x1e: {  	v7 =	vshll.u32 v7, $0x6;
	_ =	sdelay $0x2  }
0x1f: {  	v5 =	vsub.s32 v5, v6;
	s20 =	sshra.s32 s20, $0x2;
	s21 =	simm.s32 $0x10  }
0x20: {  	[tilespmem:s20+$0x2800] =	vst v5;
	v6 =	vor.u32 s21, v1  }
0x21: {  	s20 =	simm.s32 $0xC800;
	v5 =	vadd.s32 v0, v6;
	[tilespmem:v7+s13+$0x0] =	vst.idx.msk vm0, v8  }
0x22: {  	s21 =	simm.s32 $0x20;
	v6 =	vshll.u32 v6, $0x6;
	vm0 =	vlt.u32 v5, $0x2710;
	[tilespmem:s20+$0x0] =	vst v3  }
.LBB2_4:
0x23: {  	_ = 	snop  }
0x24: {  	p0 =	sne.s32 s21, $0x130  }
.Ltmp1:
0x25: {  	_ = 	snop;
	(pc) =	sbr.rel @p0 .LBB2_4-.Ltmp1, $4  }
0x26: {  	_ = 	snop  }
0x27: {  	v7 =	vor.u32 s21, v1  }
0x28: {  	[tilespmem:v6+s13+$0x0] =	vst.idx.msk vm0, v5;
	s20 =	sadd.s32 $0x10, s20;
	v8 =	vadd.s32 v0, v7  }
0x29: {  	s21 =	sadd.s32 $0x10, s21;
	v6 =	vshll.u32 v7, $0x6;
	[tilespmem:s20+$0x0] =	vst v3;
	vm0 =	vlt.u32 v8, $0x2710;
	v5 =	vmov v8  }
0x2a: {  	_ =	sdelay $0x4  }
0x2b: {  	[tilespmem:v6+s13+$0x0] =	vst.idx.msk vm0, v5;
	s20 =	sadd.s32 $0x10, s20  }
0x2c: {  	[tilespmem:s20+$0x0] =	vst v3  }
.LBB2_6:
0x2d: {  	s20 =	sshll.u32 s19, $0x8  }
0x2e: {  	s22 =	simm.s32 $0x0;
	s21 =	sadd.s32 s3, s20  }
0x2f: {  	[tilespmem:s14], [sflag:$0x1] =	stream.linear.gather [hbm4b:s21+s22], $0x800, $0x38;
	[tilespmem:$0xD980] =	vst v63  }
0x30: {  	_ =	swait.ge [sflag:s12], $0x800  }
0x31: {  	[sflag:s12] =	ssyncset.done $0x0  }
0x32: {  	s20 =	sadd.s32 s4, s20;
	[sflag:s12] =	ssyncadd.s32 $0xFFFFF800  }
0x33: {  	[tilespmem:s15], [sflag:$0x1] =	stream.linear.gather [hbm4b:s20+s22], $0x800, $0x38;
	[tilespmem:$0xD980] =	vst v63  }
0x34: {  	_ =	swait.ge [sflag:s12], $0x800  }
0x35: {  	[sflag:s12] =	ssyncset.done $0x0  }
0x36: {  	s20 =	simm.s32 $0x0;
	[sflag:s12] =	ssyncadd.s32 $0xFFFFF800  }
0x37: {  	s21 =	simm.s32 $0x40;
	v5 =	vld [tilespmem:s20+$0xC980]  }
.LBB2_7:
0x38: {  	p0 =	sne.s32 s21, $0x1FC0;
	_ =	sdelay $0x3  }
0x39: {  	vm0 =	vge.s32 v5, v0;
	vm1 =	vlt.s32 v5, v2  }
0x3a: {  	v5 =	vsub.s32 v5, v0;
	vm0 =	vmand vm0, vm1  }
0x3b: {  	v5 =	vsel vm0, v5, v4  }
0x3c: {  	(xrf1) =	vunique.msk.u32 vm0, v5;
	_ =	sdelay $0x8  }
0x3d: {  	v6 =	vld.idx.msk [tilespmem:v5+s16+$0x0], vm0;
	_ =	sdelay $0x4  }
0x3e: {  	_, v7, vm1 =	vpop (xrf1)  }
0x3f: {  	v6 =	vadd.s32 v6, v7  }
0x40: {  	v7 =	vadd.s32 $0xFFFFFFFF, v6  }
0x41: {  	v8 =	vshll.u32 v5, $0x6;
	vm2 =	vlt.s32 v7, $0x40  }
0x42: {  	v7 =	vadd.s32 v8, v7;
	vm2 =	vmand vm0, vm2  }
0x43: {  	vm0 =	vmand vm0, vm1;
	v8 =	vld [tilespmem:s20+$0xD180];
	v7 =	vnsel vm2, $0x0, v7;
	_ =	sdelay $0x2  }
.Ltmp2:
0x44: {  	(pc) =	sbr.rel @p0 .LBB2_7-.Ltmp2, $4  }
0x45: {  	vm1 =	vlt.s32 v6, $0x40  }
0x46: {  	v6 =	vnsel vm1, $0x40, v6;
	[tilespmem:v7+s13+$0x0] =	vst.idx.msk vm2, v8  }
0x47: {  	s20 =	sshra.s32 s21, $0x2;
	[tilespmem:v5+s16+$0x0] =	vst.idx.msk vm0, v6  }
0x48: {  	s21 =	sadd.s32 $0x40, s21;
	v5 =	vld [tilespmem:s20+$0xC980]  }
0x49: {  	_ =	sdelay $0x3  }
0x4a: {  	vm0 =	vge.s32 v5, v0;
	vm1 =	vlt.s32 v5, v2  }
0x4b: {  	v5 =	vsub.s32 v5, v0;
	vm0 =	vmand vm0, vm1  }
0x4c: {  	v5 =	vsel vm0, v5, v4  }
0x4d: {  	(xrf1) =	vunique.msk.u32 vm0, v5;
	_ =	sdelay $0x9  }
0x4e: {  	v6 =	vld.idx.msk [tilespmem:v5+s16+$0x0], vm0;
	_ =	sdelay $0x3  }
0x4f: {  	_, v7, vm14 =	vpop (xrf1)  }
0x50: {  	v6 =	vadd.s32 v6, v7  }
0x51: {  	v7 =	vadd.s32 $0xFFFFFFFF, v6  }
0x52: {  	v8 =	vshll.u32 v5, $0x6;
	vm2 =	vlt.s32 v7, $0x40  }
0x53: {  	v7 =	vadd.s32 v8, v7;
	vm2 =	vmand vm0, vm2  }
0x54: {  	v63 =	vld [tilespmem:s20+$0xD180];
	s19 =	sadd.s32 $0x1, s19;
	vm0 =	vmand vm0, vm14;
	v7 =	vnsel vm2, $0x0, v7  }
0x55: {  	p0 =	sne.s32 s19, $0x4E  }
.Ltmp3:
0x56: {  	_ = 	snop;
	(pc) =	sbr.rel @p0 .LBB2_6-.Ltmp3, $4  }
0x57: {  	_ = 	snop  }
0x58: {  	vm15 =	vlt.s32 v6, $0x40  }
0x59: {  	v6 =	vnsel vm15, $0x40, v6;
	[tilespmem:v7+s13+$0x0] =	vst.idx.msk vm2, v63  }
0x5a: {  	[tilespmem:v5+s16+$0x0] =	vst.idx.msk vm0, v6  }
0x5b: {  	s19 =	simm.s32 $0x0  }
0x5c: {  	[tilespmem:s14], [sflag:$0x1] =	stream.linear.gather [hbm4b:s6+s19], $0x200, $0x38;
	[tilespmem:$0xD980] =	vst v63  }
0x5d: {  	_ =	swait.ge [sflag:s12], $0x200  }
0x5e: {  	[sflag:s12] =	ssyncset.done $0x0  }
0x5f: {  	[sflag:s12] =	ssyncadd.s32 $0xFFFFFE00  }
0x60: {  	[tilespmem:s15], [sflag:$0x1] =	stream.linear.gather [hbm4b:s7+s19], $0x200, $0x38;
	[tilespmem:$0xD980] =	vst v63  }
0x61: {  	_ =	swait.ge [sflag:s12], $0x200  }
0x62: {  	[sflag:s12] =	ssyncset.done $0x0  }
0x63: {  	s20 =	simm.s32 $0x0;
	[sflag:s12] =	ssyncadd.s32 $0xFFFFFE00  }
0x64: {  	s21 =	simm.s32 $0x40;
	v5 =	vld [tilespmem:s20+$0xC980]  }
.LBB2_10:
0x65: {  	p0 =	sne.s32 s21, $0x7C0;
	_ =	sdelay $0x3  }
0x66: {  	vm0 =	vge.s32 v5, v0;
	vm1 =	vlt.s32 v5, v2  }
0x67: {  	v5 =	vsub.s32 v5, v0;
	vm0 =	vmand vm0, vm1  }
0x68: {  	v5 =	vsel vm0, v5, v4  }
0x69: {  	(xrf1) =	vunique.msk.u32 vm0, v5;
	_ =	sdelay $0x8  }
0x6a: {  	v6 =	vld.idx.msk [tilespmem:v5+s16+$0x0], vm0;
	_ =	sdelay $0x4  }
0x6b: {  	_, v7, vm1 =	vpop (xrf1)  }
0x6c: {  	v6 =	vadd.s32 v6, v7  }
0x6d: {  	v7 =	vadd.s32 $0xFFFFFFFF, v6  }
0x6e: {  	v8 =	vshll.u32 v5, $0x6;
	vm2 =	vlt.s32 v7, $0x40  }
0x6f: {  	v7 =	vadd.s32 v8, v7;
	vm2 =	vmand vm0, vm2  }
0x70: {  	vm0 =	vmand vm0, vm1;
	v8 =	vld [tilespmem:s20+$0xD180];
	v7 =	vnsel vm2, $0x0, v7;
	_ =	sdelay $0x2  }
.Ltmp4:
0x71: {  	(pc) =	sbr.rel @p0 .LBB2_10-.Ltmp4, $4  }
0x72: {  	vm1 =	vlt.s32 v6, $0x40  }
0x73: {  	v6 =	vnsel vm1, $0x40, v6;
	[tilespmem:v7+s13+$0x0] =	vst.idx.msk vm2, v8  }
0x74: {  	s20 =	sshra.s32 s21, $0x2;
	[tilespmem:v5+s16+$0x0] =	vst.idx.msk vm0, v6  }
0x75: {  	s21 =	sadd.s32 $0x40, s21;
	v5 =	vld [tilespmem:s20+$0xC980]  }
0x76: {  	_ =	sdelay $0x3  }
0x77: {  	vm0 =	vge.s32 v5, v0;
	vm1 =	vlt.s32 v5, v2  }
0x78: {  	v5 =	vsub.s32 v5, v0;
	vm0 =	vmand vm0, vm1  }
0x79: {  	v5 =	vsel vm0, v5, v4  }
0x7a: {  	(xrf1) =	vunique.msk.u32 vm0, v5;
	_ =	sdelay $0x9  }
0x7b: {  	v6 =	vld.idx.msk [tilespmem:v5+s16+$0x0], vm0;
	_ =	sdelay $0x3  }
0x7c: {  	_, v7, vm14 =	vpop (xrf1)  }
0x7d: {  	v6 =	vadd.s32 v6, v7  }
0x7e: {  	v7 =	vadd.s32 $0xFFFFFFFF, v6  }
0x7f: {  	v8 =	vshll.u32 v5, $0x6;
	vm2 =	vlt.s32 v7, $0x40  }
0x80: {  	v7 =	vadd.s32 v8, v7;
	vm2 =	vmand vm0, vm2  }
0x81: {  	v63 =	vld [tilespmem:s20+$0xD180];
	vm0 =	vmand vm0, vm14;
	v7 =	vnsel vm2, $0x0, v7;
	_ =	sdelay $0x3  }
0x82: {  	vm15 =	vlt.s32 v6, $0x40  }
0x83: {  	v6 =	vnsel vm15, $0x40, v6;
	[tilespmem:v7+s13+$0x0] =	vst.idx.msk vm2, v63  }
0x84: {  	[tilespmem:v5+s16+$0x0] =	vst.idx.msk vm0, v6  }
.LBB2_12:
0x85: {  	v6 =	vor.u32 s19, v1  }
0x86: {  	v7 =	vshll.u32 v6, $0x6;
	_ =	sdelay $0x4  }
0x87: {  	v8 =	vld.idx.msk [tilespmem:v7+s13+$0x0], $0xffff;
	_ =	sdelay $0x1  }
0x88: {  	v5 =	vadd.s32 v0, v6;
	_ =	sdelay $0x4  }
0x89: {  	v5 =	vld.idx.msk [tilespmem:v5+s2+$0x0], $0xffff  }
0x8a: {  	v8 =	vld.idx.msk [tilespmem:v8+s2+$0x0], $0xffff  }
0x8b: {  	v6 =	vld.idx.msk [tilespmem:v6+s16+$0x0], $0xffff;
	_ =	sdelay $0x2  }
0x8c: {  	v9 =	vor.u32 $0x1, v7  }
0x8d: {  	v8 =	vmul.f32 v8, v5  }
0x8e: {  	vm0 =	vgt.s32 v6, $0x0  }
0x8f: {  	v8 =	vnsel vm0, $0x0, v8  }
0x90: {  	[tilespmem:v7+s17+$0x0] =	vst.idx.msk $0xffff, v8  }
0x91: {  	v8 =	vld.idx.msk [tilespmem:v9+s13+$0x0], $0xffff;
	_ =	sdelay $0x7  }
0x92: {  	v8 =	vld.idx.msk [tilespmem:v8+s2+$0x0], $0xffff;
	_ =	sdelay $0x3  }
0x93: {  	v10 =	vor.u32 $0x2, v7  }
0x94: {  	v8 =	vmul.f32 v8, v5  }
0x95: {  	vm13 =	vgt.s32 v6, $0x1  }
0x96: {  	v8 =	vnsel vm13, $0x0, v8  }
0x97: {  	[tilespmem:v9+s17+$0x0] =	vst.idx.msk $0xffff, v8  }
0x98: {  	v8 =	vld.idx.msk [tilespmem:v10+s13+$0x0], $0xffff;
	_ =	sdelay $0x7  }
0x99: {  	v8 =	vld.idx.msk [tilespmem:v8+s2+$0x0], $0xffff;
	_ =	sdelay $0x3  }
0x9a: {  	v56 =	vor.u32 $0x3, v7  }
0x9b: {  	v8 =	vmul.f32 v8, v5  }
0x9c: {  	vm14 =	vgt.s32 v6, $0x2  }
0x9d: {  	v8 =	vnsel vm14, $0x0, v8  }
0x9e: {  	[tilespmem:v10+s17+$0x0] =	vst.idx.msk $0xffff, v8  }
0x9f: {  	v8 =	vld.idx.msk [tilespmem:v56+s13+$0x0], $0xffff;
	_ =	sdelay $0x7  }
0xa0: {  	v8 =	vld.idx.msk [tilespmem:v8+s2+$0x0], $0xffff;
	_ =	sdelay $0x3  }
0xa1: {  	v57 =	vor.u32 $0x4, v7  }
0xa2: {  	v8 =	vmul.f32 v8, v5  }
0xa3: {  	vm15 =	vgt.s32 v6, $0x3  }
0xa4: {  	v8 =	vnsel vm15, $0x0, v8  }
0xa5: {  	[tilespmem:v56+s17+$0x0] =	vst.idx.msk $0xffff, v8  }
0xa6: {  	v8 =	vld.idx.msk [tilespmem:v57+s13+$0x0], $0xffff;
	_ =	sdelay $0x7  }
0xa7: {  	v8 =	vld.idx.msk [tilespmem:v8+s2+$0x0], $0xffff;
	_ =	sdelay $0x3  }
0xa8: {  	v58 =	vor.u32 $0x5, v7  }
0xa9: {  	v8 =	vmul.f32 v8, v5  }
0xaa: {  	vm4 =	vgt.s32 v6, $0x4  }
0xab: {  	v8 =	vnsel vm4, $0x0, v8  }
0xac: {  	[tilespmem:v57+s17+$0x0] =	vst.idx.msk $0xffff, v8  }
0xad: {  	v8 =	vld.idx.msk [tilespmem:v58+s13+$0x0], $0xffff;
	_ =	sdelay $0x7  }
0xae: {  	v8 =	vld.idx.msk [tilespmem:v8+s2+$0x0], $0xffff;
	_ =	sdelay $0x3  }
0xaf: {  	v59 =	vor.u32 $0x6, v7  }
0xb0: {  	v8 =	vmul.f32 v8, v5  }
0xb1: {  	vm5 =	vgt.s32 v6, $0x5  }
0xb2: {  	v8 =	vnsel vm5, $0x0, v8  }
0xb3: {  	[tilespmem:v58+s17+$0x0] =	vst.idx.msk $0xffff, v8  }
0xb4: {  	v8 =	vld.idx.msk [tilespmem:v59+s13+$0x0], $0xffff;
	_ =	sdelay $0x7  }
0xb5: {  	v8 =	vld.idx.msk [tilespmem:v8+s2+$0x0], $0xffff;
	_ =	sdelay $0x3  }
0xb6: {  	v60 =	vor.u32 $0x7, v7  }
0xb7: {  	v8 =	vmul.f32 v8, v5  }
0xb8: {  	vm6 =	vgt.s32 v6, $0x6  }
0xb9: {  	v8 =	vnsel vm6, $0x0, v8  }
0xba: {  	[tilespmem:v59+s17+$0x0] =	vst.idx.msk $0xffff, v8  }
0xbb: {  	v8 =	vld.idx.msk [tilespmem:v60+s13+$0x0], $0xffff;
	_ =	sdelay $0x7  }
0xbc: {  	v8 =	vld.idx.msk [tilespmem:v8+s2+$0x0], $0xffff;
	_ =	sdelay $0x3  }
0xbd: {  	v61 =	vor.u32 $0x8, v7  }
0xbe: {  	v8 =	vmul.f32 v8, v5  }
0xbf: {  	vm7 =	vgt.s32 v6, $0x7  }
0xc0: {  	v8 =	vnsel vm7, $0x0, v8  }
0xc1: {  	[tilespmem:v60+s17+$0x0] =	vst.idx.msk $0xffff, v8  }
0xc2: {  	v8 =	vld.idx.msk [tilespmem:v61+s13+$0x0], $0xffff;
	_ =	sdelay $0x7  }
0xc3: {  	v8 =	vld.idx.msk [tilespmem:v8+s2+$0x0], $0xffff;
	_ =	sdelay $0x3  }
0xc4: {  	v62 =	vor.u32 $0x9, v7  }
0xc5: {  	v8 =	vmul.f32 v8, v5  }
0xc6: {  	vm8 =	vgt.s32 v6, $0x8  }
0xc7: {  	v8 =	vnsel vm8, $0x0, v8  }
0xc8: {  	[tilespmem:v61+s17+$0x0] =	vst.idx.msk $0xffff, v8  }
0xc9: {  	v8 =	vld.idx.msk [tilespmem:v62+s13+$0x0], $0xffff;
	_ =	sdelay $0x7  }
0xca: {  	v8 =	vld.idx.msk [tilespmem:v8+s2+$0x0], $0xffff;
	_ =	sdelay $0x3  }
0xcb: {  	v63 =	vor.u32 $0xA, v7  }
0xcc: {  	v8 =	vmul.f32 v8, v5  }
0xcd: {  	vm9 =	vgt.s32 v6, $0x9  }
0xce: {  	v8 =	vnsel vm9, $0x0, v8  }
0xcf: {  	[tilespmem:v62+s17+$0x0] =	vst.idx.msk $0xffff, v8  }
0xd0: {  	v8 =	vld.idx.msk [tilespmem:v63+s13+$0x0], $0xffff;
	_ =	sdelay $0x7  }
0xd1: {  	v8 =	vld.idx.msk [tilespmem:v8+s2+$0x0], $0xffff;
	_ =	sdelay $0x3  }
0xd2: {  	v12 =	vor.u32 $0xB, v7  }
0xd3: {  	v8 =	vmul.f32 v8, v5  }
0xd4: {  	vm10 =	vgt.s32 v6, $0xA  }
0xd5: {  	v8 =	vnsel vm10, $0x0, v8  }
0xd6: {  	[tilespmem:v63+s17+$0x0] =	vst.idx.msk $0xffff, v8  }
0xd7: {  	v8 =	vld.idx.msk [tilespmem:v12+s13+$0x0], $0xffff;
	_ =	sdelay $0x7  }
0xd8: {  	v8 =	vld.idx.msk [tilespmem:v8+s2+$0x0], $0xffff;
	_ =	sdelay $0x3  }
0xd9: {  	v13 =	vor.u32 $0xC, v7  }
0xda: {  	v8 =	vmul.f32 v8, v5  }
0xdb: {  	vm11 =	vgt.s32 v6, $0xB  }
0xdc: {  	v8 =	vnsel vm11, $0x0, v8  }
0xdd: {  	[tilespmem:v12+s17+$0x0] =	vst.idx.msk $0xffff, v8  }
0xde: {  	v8 =	vld.idx.msk [tilespmem:v13+s13+$0x0], $0xffff;
	_ =	sdelay $0x7  }
0xdf: {  	v8 =	vld.idx.msk [tilespmem:v8+s2+$0x0], $0xffff;
	_ =	sdelay $0x3  }
0xe0: {  	v14 =	vor.u32 $0xD, v7  }
0xe1: {  	v8 =	vmul.f32 v8, v5  }
0xe2: {  	vm12 =	vgt.s32 v6, $0xC  }
0xe3: {  	v8 =	vnsel vm12, $0x0, v8  }
0xe4: {  	[tilespmem:v13+s17+$0x0] =	vst.idx.msk $0xffff, v8  }
0xe5: {  	v8 =	vld.idx.msk [tilespmem:v14+s13+$0x0], $0xffff;
	_ =	sdelay $0x7  }
0xe6: {  	v8 =	vld.idx.msk [tilespmem:v8+s2+$0x0], $0xffff;
	_ =	sdelay $0x3  }
0xe7: {  	v15 =	vor.u32 $0xE, v7  }
0xe8: {  	v8 =	vmul.f32 v8, v5  }
0xe9: {  	vm13 =	vgt.s32 v6, $0xD  }
0xea: {  	v8 =	vnsel vm13, $0x0, v8  }
0xeb: {  	[tilespmem:v14+s17+$0x0] =	vst.idx.msk $0xffff, v8  }
0xec: {  	v8 =	vld.idx.msk [tilespmem:v15+s13+$0x0], $0xffff;
	_ =	sdelay $0x7  }
0xed: {  	v8 =	vld.idx.msk [tilespmem:v8+s2+$0x0], $0xffff;
	_ =	sdelay $0x3  }
0xee: {  	v16 =	vor.u32 $0xF, v7  }
0xef: {  	v8 =	vmul.f32 v8, v5  }
0xf0: {  	vm14 =	vgt.s32 v6, $0xE  }
0xf1: {  	v8 =	vnsel vm14, $0x0, v8  }
0xf2: {  	[tilespmem:v15+s17+$0x0] =	vst.idx.msk $0xffff, v8  }
0xf3: {  	v8 =	vld.idx.msk [tilespmem:v16+s13+$0x0], $0xffff;
	_ =	sdelay $0x7  }
0xf4: {  	v8 =	vld.idx.msk [tilespmem:v8+s2+$0x0], $0xffff;
	_ =	sdelay $0x3  }
0xf5: {  	v17 =	vor.u32 $0x10, v7  }
0xf6: {  	v8 =	vmul.f32 v8, v5  }
0xf7: {  	vm15 =	vgt.s32 v6, $0xF  }
0xf8: {  	v8 =	vnsel vm15, $0x0, v8  }
0xf9: {  	[tilespmem:v16+s17+$0x0] =	vst.idx.msk $0xffff, v8  }
0xfa: {  	v8 =	vld.idx.msk [tilespmem:v17+s13+$0x0], $0xffff;
	_ =	sdelay $0x7  }
0xfb: {  	v8 =	vld.idx.msk [tilespmem:v8+s2+$0x0], $0xffff;
	_ =	sdelay $0x3  }
0xfc: {  	v18 =	vor.u32 $0x11, v7  }
0xfd: {  	v8 =	vmul.f32 v8, v5  }
0xfe: {  	vm4 =	vgt.s32 v6, $0x10  }
0xff: {  	v8 =	vnsel vm4, $0x0, v8  }
0x100: {  	[tilespmem:v17+s17+$0x0] =	vst.idx.msk $0xffff, v8  }
0x101: {  	v8 =	vld.idx.msk [tilespmem:v18+s13+$0x0], $0xffff;
	_ =	sdelay $0x7  }
0x102: {  	v8 =	vld.idx.msk [tilespmem:v8+s2+$0x0], $0xffff;
	_ =	sdelay $0x3  }
0x103: {  	v19 =	vor.u32 $0x12, v7  }
0x104: {  	v8 =	vmul.f32 v8, v5  }
0x105: {  	vm5 =	vgt.s32 v6, $0x11  }
0x106: {  	v8 =	vnsel vm5, $0x0, v8  }
0x107: {  	[tilespmem:v18+s17+$0x0] =	vst.idx.msk $0xffff, v8  }
0x108: {  	v8 =	vld.idx.msk [tilespmem:v19+s13+$0x0], $0xffff;
	_ =	sdelay $0x7  }
0x109: {  	v8 =	vld.idx.msk [tilespmem:v8+s2+$0x0], $0xffff;
	_ =	sdelay $0x3  }
0x10a: {  	v20 =	vor.u32 $0x13, v7  }
0x10b: {  	v8 =	vmul.f32 v8, v5  }
0x10c: {  	vm6 =	vgt.s32 v6, $0x12  }
0x10d: {  	v8 =	vnsel vm6, $0x0, v8  }
0x10e: {  	[tilespmem:v19+s17+$0x0] =	vst.idx.msk $0xffff, v8  }
0x10f: {  	v8 =	vld.idx.msk [tilespmem:v20+s13+$0x0], $0xffff;
	_ =	sdelay $0x7  }
0x110: {  	v8 =	vld.idx.msk [tilespmem:v8+s2+$0x0], $0xffff;
	_ =	sdelay $0x3  }
0x111: {  	v21 =	vor.u32 $0x14, v7  }
0x112: {  	v8 =	vmul.f32 v8, v5  }
0x113: {  	vm7 =	vgt.s32 v6, $0x13  }
0x114: {  	v8 =	vnsel vm7, $0x0, v8  }
0x115: {  	[tilespmem:v20+s17+$0x0] =	vst.idx.msk $0xffff, v8  }
0x116: {  	v8 =	vld.idx.msk [tilespmem:v21+s13+$0x0], $0xffff;
	_ =	sdelay $0x7  }
0x117: {  	v8 =	vld.idx.msk [tilespmem:v8+s2+$0x0], $0xffff;
	_ =	sdelay $0x3  }
0x118: {  	v22 =	vor.u32 $0x15, v7  }
0x119: {  	v8 =	vmul.f32 v8, v5  }
0x11a: {  	vm8 =	vgt.s32 v6, $0x14  }
0x11b: {  	v8 =	vnsel vm8, $0x0, v8  }
0x11c: {  	[tilespmem:v21+s17+$0x0] =	vst.idx.msk $0xffff, v8  }
0x11d: {  	v8 =	vld.idx.msk [tilespmem:v22+s13+$0x0], $0xffff;
	_ =	sdelay $0x7  }
0x11e: {  	v8 =	vld.idx.msk [tilespmem:v8+s2+$0x0], $0xffff;
	_ =	sdelay $0x3  }
0x11f: {  	v23 =	vor.u32 $0x16, v7  }
0x120: {  	v8 =	vmul.f32 v8, v5  }
0x121: {  	vm9 =	vgt.s32 v6, $0x15  }
0x122: {  	v8 =	vnsel vm9, $0x0, v8  }
0x123: {  	[tilespmem:v22+s17+$0x0] =	vst.idx.msk $0xffff, v8  }
0x124: {  	v8 =	vld.idx.msk [tilespmem:v23+s13+$0x0], $0xffff;
	_ =	sdelay $0x7  }
0x125: {  	v8 =	vld.idx.msk [tilespmem:v8+s2+$0x0], $0xffff;
	_ =	sdelay $0x3  }
0x126: {  	v24 =	vor.u32 $0x17, v7  }
0x127: {  	v8 =	vmul.f32 v8, v5  }
0x128: {  	vm10 =	vgt.s32 v6, $0x16  }
0x129: {  	v8 =	vnsel vm10, $0x0, v8  }
0x12a: {  	[tilespmem:v23+s17+$0x0] =	vst.idx.msk $0xffff, v8  }
0x12b: {  	v8 =	vld.idx.msk [tilespmem:v24+s13+$0x0], $0xffff;
	_ =	sdelay $0x7  }
0x12c: {  	v8 =	vld.idx.msk [tilespmem:v8+s2+$0x0], $0xffff;
	_ =	sdelay $0x3  }
0x12d: {  	v25 =	vor.u32 $0x18, v7  }
0x12e: {  	v8 =	vmul.f32 v8, v5  }
0x12f: {  	vm11 =	vgt.s32 v6, $0x17  }
0x130: {  	v8 =	vnsel vm11, $0x0, v8  }
0x131: {  	[tilespmem:v24+s17+$0x0] =	vst.idx.msk $0xffff, v8  }
0x132: {  	v8 =	vld.idx.msk [tilespmem:v25+s13+$0x0], $0xffff;
	_ =	sdelay $0x7  }
0x133: {  	v8 =	vld.idx.msk [tilespmem:v8+s2+$0x0], $0xffff;
	_ =	sdelay $0x3  }
0x134: {  	v26 =	vor.u32 $0x19, v7  }
0x135: {  	v8 =	vmul.f32 v8, v5  }
0x136: {  	vm12 =	vgt.s32 v6, $0x18  }
0x137: {  	v8 =	vnsel vm12, $0x0, v8  }
0x138: {  	[tilespmem:v25+s17+$0x0] =	vst.idx.msk $0xffff, v8  }
0x139: {  	v8 =	vld.idx.msk [tilespmem:v26+s13+$0x0], $0xffff;
	_ =	sdelay $0x7  }
0x13a: {  	v8 =	vld.idx.msk [tilespmem:v8+s2+$0x0], $0xffff;
	_ =	sdelay $0x3  }
0x13b: {  	v27 =	vor.u32 $0x1A, v7  }
0x13c: {  	v8 =	vmul.f32 v8, v5  }
0x13d: {  	vm13 =	vgt.s32 v6, $0x19  }
0x13e: {  	v8 =	vnsel vm13, $0x0, v8  }
0x13f: {  	[tilespmem:v26+s17+$0x0] =	vst.idx.msk $0xffff, v8  }
0x140: {  	v8 =	vld.idx.msk [tilespmem:v27+s13+$0x0], $0xffff;
	_ =	sdelay $0x7  }
0x141: {  	v8 =	vld.idx.msk [tilespmem:v8+s2+$0x0], $0xffff;
	_ =	sdelay $0x3  }
0x142: {  	v28 =	vor.u32 $0x1B, v7  }
0x143: {  	v8 =	vmul.f32 v8, v5  }
0x144: {  	vm14 =	vgt.s32 v6, $0x1A  }
0x145: {  	v8 =	vnsel vm14, $0x0, v8  }
0x146: {  	[tilespmem:v27+s17+$0x0] =	vst.idx.msk $0xffff, v8  }
0x147: {  	v8 =	vld.idx.msk [tilespmem:v28+s13+$0x0], $0xffff;
	_ =	sdelay $0x7  }
0x148: {  	v8 =	vld.idx.msk [tilespmem:v8+s2+$0x0], $0xffff;
	_ =	sdelay $0x3  }
0x149: {  	v29 =	vor.u32 $0x1C, v7  }
0x14a: {  	v8 =	vmul.f32 v8, v5  }
0x14b: {  	vm15 =	vgt.s32 v6, $0x1B  }
0x14c: {  	v8 =	vnsel vm15, $0x0, v8  }
0x14d: {  	[tilespmem:v28+s17+$0x0] =	vst.idx.msk $0xffff, v8  }
0x14e: {  	v8 =	vld.idx.msk [tilespmem:v29+s13+$0x0], $0xffff;
	_ =	sdelay $0x7  }
0x14f: {  	v8 =	vld.idx.msk [tilespmem:v8+s2+$0x0], $0xffff;
	_ =	sdelay $0x3  }
0x150: {  	v30 =	vor.u32 $0x1D, v7  }
0x151: {  	v8 =	vmul.f32 v8, v5  }
0x152: {  	vm4 =	vgt.s32 v6, $0x1C  }
0x153: {  	v8 =	vnsel vm4, $0x0, v8  }
0x154: {  	[tilespmem:v29+s17+$0x0] =	vst.idx.msk $0xffff, v8  }
0x155: {  	v8 =	vld.idx.msk [tilespmem:v30+s13+$0x0], $0xffff;
	_ =	sdelay $0x7  }
0x156: {  	v8 =	vld.idx.msk [tilespmem:v8+s2+$0x0], $0xffff;
	_ =	sdelay $0x3  }
0x157: {  	v31 =	vor.u32 $0x1E, v7  }
0x158: {  	v8 =	vmul.f32 v8, v5  }
0x159: {  	vm5 =	vgt.s32 v6, $0x1D  }
0x15a: {  	v8 =	vnsel vm5, $0x0, v8  }
0x15b: {  	[tilespmem:v30+s17+$0x0] =	vst.idx.msk $0xffff, v8  }
0x15c: {  	v8 =	vld.idx.msk [tilespmem:v31+s13+$0x0], $0xffff;
	_ =	sdelay $0x7  }
0x15d: {  	v8 =	vld.idx.msk [tilespmem:v8+s2+$0x0], $0xffff;
	_ =	sdelay $0x3  }
0x15e: {  	v32 =	vor.u32 $0x1F, v7  }
0x15f: {  	v8 =	vmul.f32 v8, v5  }
0x160: {  	vm6 =	vgt.s32 v6, $0x1E  }
0x161: {  	v8 =	vnsel vm6, $0x0, v8  }
0x162: {  	[tilespmem:v31+s17+$0x0] =	vst.idx.msk $0xffff, v8  }
0x163: {  	v8 =	vld.idx.msk [tilespmem:v32+s13+$0x0], $0xffff;
	_ =	sdelay $0x7  }
0x164: {  	v8 =	vld.idx.msk [tilespmem:v8+s2+$0x0], $0xffff;
	_ =	sdelay $0x3  }
0x165: {  	v33 =	vor.u32 $0x20, v7  }
0x166: {  	v8 =	vmul.f32 v8, v5  }
0x167: {  	vm7 =	vgt.s32 v6, $0x1F  }
0x168: {  	v8 =	vnsel vm7, $0x0, v8  }
0x169: {  	[tilespmem:v32+s17+$0x0] =	vst.idx.msk $0xffff, v8  }
0x16a: {  	v8 =	vld.idx.msk [tilespmem:v33+s13+$0x0], $0xffff;
	_ =	sdelay $0x7  }
0x16b: {  	v8 =	vld.idx.msk [tilespmem:v8+s2+$0x0], $0xffff;
	_ =	sdelay $0x3  }
0x16c: {  	v34 =	vor.u32 $0x21, v7  }
0x16d: {  	v8 =	vmul.f32 v8, v5  }
0x16e: {  	vm8 =	vgt.s32 v6, $0x20  }
0x16f: {  	v8 =	vnsel vm8, $0x0, v8  }
0x170: {  	[tilespmem:v33+s17+$0x0] =	vst.idx.msk $0xffff, v8  }
0x171: {  	v8 =	vld.idx.msk [tilespmem:v34+s13+$0x0], $0xffff;
	_ =	sdelay $0x7  }
0x172: {  	v8 =	vld.idx.msk [tilespmem:v8+s2+$0x0], $0xffff;
	_ =	sdelay $0x3  }
0x173: {  	v35 =	vor.u32 $0x22, v7  }
0x174: {  	v8 =	vmul.f32 v8, v5  }
0x175: {  	vm9 =	vgt.s32 v6, $0x21  }
0x176: {  	v8 =	vnsel vm9, $0x0, v8  }
0x177: {  	[tilespmem:v34+s17+$0x0] =	vst.idx.msk $0xffff, v8  }
0x178: {  	v8 =	vld.idx.msk [tilespmem:v35+s13+$0x0], $0xffff;
	_ =	sdelay $0x7  }
0x179: {  	v8 =	vld.idx.msk [tilespmem:v8+s2+$0x0], $0xffff;
	_ =	sdelay $0x3  }
0x17a: {  	v36 =	vor.u32 $0x23, v7  }
0x17b: {  	v8 =	vmul.f32 v8, v5  }
0x17c: {  	vm10 =	vgt.s32 v6, $0x22  }
0x17d: {  	v8 =	vnsel vm10, $0x0, v8  }
0x17e: {  	[tilespmem:v35+s17+$0x0] =	vst.idx.msk $0xffff, v8  }
0x17f: {  	v8 =	vld.idx.msk [tilespmem:v36+s13+$0x0], $0xffff;
	_ =	sdelay $0x7  }
0x180: {  	v8 =	vld.idx.msk [tilespmem:v8+s2+$0x0], $0xffff;
	_ =	sdelay $0x3  }
0x181: {  	v37 =	vor.u32 $0x24, v7  }
0x182: {  	v8 =	vmul.f32 v8, v5  }
0x183: {  	vm11 =	vgt.s32 v6, $0x23  }
0x184: {  	v8 =	vnsel vm11, $0x0, v8  }
0x185: {  	[tilespmem:v36+s17+$0x0] =	vst.idx.msk $0xffff, v8  }
0x186: {  	v8 =	vld.idx.msk [tilespmem:v37+s13+$0x0], $0xffff;
	_ =	sdelay $0x7  }
0x187: {  	v8 =	vld.idx.msk [tilespmem:v8+s2+$0x0], $0xffff;
	_ =	sdelay $0x3  }
0x188: {  	v38 =	vor.u32 $0x25, v7  }
0x189: {  	v8 =	vmul.f32 v8, v5  }
0x18a: {  	vm12 =	vgt.s32 v6, $0x24  }
0x18b: {  	v8 =	vnsel vm12, $0x0, v8  }
0x18c: {  	[tilespmem:v37+s17+$0x0] =	vst.idx.msk $0xffff, v8  }
0x18d: {  	v8 =	vld.idx.msk [tilespmem:v38+s13+$0x0], $0xffff;
	_ =	sdelay $0x7  }
0x18e: {  	v8 =	vld.idx.msk [tilespmem:v8+s2+$0x0], $0xffff;
	_ =	sdelay $0x3  }
0x18f: {  	v39 =	vor.u32 $0x26, v7  }
0x190: {  	v8 =	vmul.f32 v8, v5  }
0x191: {  	vm13 =	vgt.s32 v6, $0x25  }
0x192: {  	v8 =	vnsel vm13, $0x0, v8  }
0x193: {  	[tilespmem:v38+s17+$0x0] =	vst.idx.msk $0xffff, v8  }
0x194: {  	v8 =	vld.idx.msk [tilespmem:v39+s13+$0x0], $0xffff;
	_ =	sdelay $0x7  }
0x195: {  	v8 =	vld.idx.msk [tilespmem:v8+s2+$0x0], $0xffff;
	_ =	sdelay $0x3  }
0x196: {  	v40 =	vor.u32 $0x27, v7  }
0x197: {  	v8 =	vmul.f32 v8, v5  }
0x198: {  	vm14 =	vgt.s32 v6, $0x26  }
0x199: {  	v8 =	vnsel vm14, $0x0, v8  }
0x19a: {  	[tilespmem:v39+s17+$0x0] =	vst.idx.msk $0xffff, v8  }
0x19b: {  	v8 =	vld.idx.msk [tilespmem:v40+s13+$0x0], $0xffff;
	_ =	sdelay $0x7  }
0x19c: {  	v8 =	vld.idx.msk [tilespmem:v8+s2+$0x0], $0xffff;
	_ =	sdelay $0x3  }
0x19d: {  	v41 =	vor.u32 $0x28, v7  }
0x19e: {  	v8 =	vmul.f32 v8, v5  }
0x19f: {  	vm15 =	vgt.s32 v6, $0x27  }
0x1a0: {  	v8 =	vnsel vm15, $0x0, v8  }
0x1a1: {  	[tilespmem:v40+s17+$0x0] =	vst.idx.msk $0xffff, v8  }
0x1a2: {  	v8 =	vld.idx.msk [tilespmem:v41+s13+$0x0], $0xffff;
	_ =	sdelay $0x7  }
0x1a3: {  	v8 =	vld.idx.msk [tilespmem:v8+s2+$0x0], $0xffff;
	_ =	sdelay $0x3  }
0x1a4: {  	v42 =	vor.u32 $0x29, v7  }
0x1a5: {  	v8 =	vmul.f32 v8, v5  }
0x1a6: {  	vm4 =	vgt.s32 v6, $0x28  }
0x1a7: {  	v8 =	vnsel vm4, $0x0, v8  }
0x1a8: {  	[tilespmem:v41+s17+$0x0] =	vst.idx.msk $0xffff, v8  }
0x1a9: {  	v8 =	vld.idx.msk [tilespmem:v42+s13+$0x0], $0xffff;
	_ =	sdelay $0x7  }
0x1aa: {  	v8 =	vld.idx.msk [tilespmem:v8+s2+$0x0], $0xffff;
	_ =	sdelay $0x3  }
0x1ab: {  	v43 =	vor.u32 $0x2A, v7  }
0x1ac: {  	v8 =	vmul.f32 v8, v5  }
0x1ad: {  	vm5 =	vgt.s32 v6, $0x29  }
0x1ae: {  	v8 =	vnsel vm5, $0x0, v8  }
0x1af: {  	[tilespmem:v42+s17+$0x0] =	vst.idx.msk $0xffff, v8  }
0x1b0: {  	v8 =	vld.idx.msk [tilespmem:v43+s13+$0x0], $0xffff;
	_ =	sdelay $0x7  }
0x1b1: {  	v8 =	vld.idx.msk [tilespmem:v8+s2+$0x0], $0xffff;
	_ =	sdelay $0x3  }
0x1b2: {  	v44 =	vor.u32 $0x2B, v7  }
0x1b3: {  	v8 =	vmul.f32 v8, v5  }
0x1b4: {  	vm6 =	vgt.s32 v6, $0x2A  }
0x1b5: {  	v8 =	vnsel vm6, $0x0, v8  }
0x1b6: {  	[tilespmem:v43+s17+$0x0] =	vst.idx.msk $0xffff, v8  }
0x1b7: {  	v8 =	vld.idx.msk [tilespmem:v44+s13+$0x0], $0xffff;
	_ =	sdelay $0x7  }
0x1b8: {  	v8 =	vld.idx.msk [tilespmem:v8+s2+$0x0], $0xffff;
	_ =	sdelay $0x3  }
0x1b9: {  	v45 =	vor.u32 $0x2C, v7  }
0x1ba: {  	v8 =	vmul.f32 v8, v5  }
0x1bb: {  	vm7 =	vgt.s32 v6, $0x2B  }
0x1bc: {  	v8 =	vnsel vm7, $0x0, v8  }
0x1bd: {  	[tilespmem:v44+s17+$0x0] =	vst.idx.msk $0xffff, v8  }
0x1be: {  	v8 =	vld.idx.msk [tilespmem:v45+s13+$0x0], $0xffff;
	_ =	sdelay $0x7  }
0x1bf: {  	v8 =	vld.idx.msk [tilespmem:v8+s2+$0x0], $0xffff;
	_ =	sdelay $0x3  }
0x1c0: {  	v46 =	vor.u32 $0x2D, v7  }
0x1c1: {  	v8 =	vmul.f32 v8, v5  }
0x1c2: {  	vm8 =	vgt.s32 v6, $0x2C  }
0x1c3: {  	v8 =	vnsel vm8, $0x0, v8  }
0x1c4: {  	[tilespmem:v45+s17+$0x0] =	vst.idx.msk $0xffff, v8  }
0x1c5: {  	v8 =	vld.idx.msk [tilespmem:v46+s13+$0x0], $0xffff;
	_ =	sdelay $0x7  }
0x1c6: {  	v8 =	vld.idx.msk [tilespmem:v8+s2+$0x0], $0xffff;
	_ =	sdelay $0x3  }
0x1c7: {  	v47 =	vor.u32 $0x2E, v7  }
0x1c8: {  	v8 =	vmul.f32 v8, v5  }
0x1c9: {  	vm9 =	vgt.s32 v6, $0x2D  }
0x1ca: {  	v8 =	vnsel vm9, $0x0, v8  }
0x1cb: {  	[tilespmem:v46+s17+$0x0] =	vst.idx.msk $0xffff, v8  }
0x1cc: {  	v8 =	vld.idx.msk [tilespmem:v47+s13+$0x0], $0xffff;
	_ =	sdelay $0x7  }
0x1cd: {  	v8 =	vld.idx.msk [tilespmem:v8+s2+$0x0], $0xffff;
	_ =	sdelay $0x3  }
0x1ce: {  	v48 =	vor.u32 $0x2F, v7  }
0x1cf: {  	v8 =	vmul.f32 v8, v5  }
0x1d0: {  	vm10 =	vgt.s32 v6, $0x2E  }
0x1d1: {  	v8 =	vnsel vm10, $0x0, v8  }
0x1d2: {  	[tilespmem:v47+s17+$0x0] =	vst.idx.msk $0xffff, v8  }
0x1d3: {  	v8 =	vld.idx.msk [tilespmem:v48+s13+$0x0], $0xffff;
	_ =	sdelay $0x7  }
0x1d4: {  	v8 =	vld.idx.msk [tilespmem:v8+s2+$0x0], $0xffff;
	_ =	sdelay $0x3  }
0x1d5: {  	v49 =	vor.u32 $0x30, v7  }
0x1d6: {  	v8 =	vmul.f32 v8, v5  }
0x1d7: {  	vm11 =	vgt.s32 v6, $0x2F  }
0x1d8: {  	v8 =	vnsel vm11, $0x0, v8  }
0x1d9: {  	[tilespmem:v48+s17+$0x0] =	vst.idx.msk $0xffff, v8  }
0x1da: {  	v8 =	vld.idx.msk [tilespmem:v49+s13+$0x0], $0xffff;
	_ =	sdelay $0x7  }
0x1db: {  	v8 =	vld.idx.msk [tilespmem:v8+s2+$0x0], $0xffff;
	_ =	sdelay $0x3  }
0x1dc: {  	v50 =	vor.u32 $0x31, v7  }
0x1dd: {  	v8 =	vmul.f32 v8, v5  }
0x1de: {  	vm12 =	vgt.s32 v6, $0x30  }
0x1df: {  	v8 =	vnsel vm12, $0x0, v8  }
0x1e0: {  	[tilespmem:v49+s17+$0x0] =	vst.idx.msk $0xffff, v8  }
0x1e1: {  	v8 =	vld.idx.msk [tilespmem:v50+s13+$0x0], $0xffff;
	_ =	sdelay $0x7  }
0x1e2: {  	v8 =	vld.idx.msk [tilespmem:v8+s2+$0x0], $0xffff;
	_ =	sdelay $0x3  }
0x1e3: {  	v51 =	vor.u32 $0x32, v7  }
0x1e4: {  	v8 =	vmul.f32 v8, v5  }
0x1e5: {  	vm13 =	vgt.s32 v6, $0x31  }
0x1e6: {  	v8 =	vnsel vm13, $0x0, v8  }
0x1e7: {  	[tilespmem:v50+s17+$0x0] =	vst.idx.msk $0xffff, v8  }
0x1e8: {  	v8 =	vld.idx.msk [tilespmem:v51+s13+$0x0], $0xffff;
	_ =	sdelay $0x7  }
0x1e9: {  	v8 =	vld.idx.msk [tilespmem:v8+s2+$0x0], $0xffff;
	_ =	sdelay $0x3  }
0x1ea: {  	v52 =	vor.u32 $0x33, v7  }
0x1eb: {  	v8 =	vmul.f32 v8, v5  }
0x1ec: {  	vm14 =	vgt.s32 v6, $0x32  }
0x1ed: {  	v8 =	vnsel vm14, $0x0, v8  }
0x1ee: {  	[tilespmem:v51+s17+$0x0] =	vst.idx.msk $0xffff, v8  }
0x1ef: {  	v8 =	vld.idx.msk [tilespmem:v52+s13+$0x0], $0xffff;
	_ =	sdelay $0x7  }
0x1f0: {  	v8 =	vld.idx.msk [tilespmem:v8+s2+$0x0], $0xffff;
	_ =	sdelay $0x3  }
0x1f1: {  	v53 =	vor.u32 $0x34, v7  }
0x1f2: {  	v8 =	vmul.f32 v8, v5  }
0x1f3: {  	vm15 =	vgt.s32 v6, $0x33  }
0x1f4: {  	v8 =	vnsel vm15, $0x0, v8  }
0x1f5: {  	[tilespmem:v52+s17+$0x0] =	vst.idx.msk $0xffff, v8  }
0x1f6: {  	v8 =	vld.idx.msk [tilespmem:v53+s13+$0x0], $0xffff;
	_ =	sdelay $0x7  }
0x1f7: {  	v8 =	vld.idx.msk [tilespmem:v8+s2+$0x0], $0xffff;
	_ =	sdelay $0x3  }
0x1f8: {  	v54 =	vor.u32 $0x35, v7  }
0x1f9: {  	v8 =	vmul.f32 v8, v5  }
0x1fa: {  	vm4 =	vgt.s32 v6, $0x34  }
0x1fb: {  	v8 =	vnsel vm4, $0x0, v8  }
0x1fc: {  	[tilespmem:v53+s17+$0x0] =	vst.idx.msk $0xffff, v8  }
0x1fd: {  	v8 =	vld.idx.msk [tilespmem:v54+s13+$0x0], $0xffff;
	_ =	sdelay $0x7  }
0x1fe: {  	v8 =	vld.idx.msk [tilespmem:v8+s2+$0x0], $0xffff;
	_ =	sdelay $0x3  }
0x1ff: {  	v55 =	vor.u32 $0x36, v7  }
0x200: {  	v8 =	vmul.f32 v8, v5  }
0x201: {  	vm5 =	vgt.s32 v6, $0x35  }
0x202: {  	v8 =	vnsel vm5, $0x0, v8  }
0x203: {  	[tilespmem:v54+s17+$0x0] =	vst.idx.msk $0xffff, v8  }
0x204: {  	v8 =	vld.idx.msk [tilespmem:v55+s13+$0x0], $0xffff;
	_ =	sdelay $0x7  }
0x205: {  	v8 =	vld.idx.msk [tilespmem:v8+s2+$0x0], $0xffff;
	_ =	sdelay $0x3  }
0x206: {  	v56 =	vor.u32 $0x37, v7  }
0x207: {  	v8 =	vmul.f32 v8, v5  }
0x208: {  	vm6 =	vgt.s32 v6, $0x36  }
0x209: {  	v8 =	vnsel vm6, $0x0, v8  }
0x20a: {  	[tilespmem:v55+s17+$0x0] =	vst.idx.msk $0xffff, v8  }
0x20b: {  	v8 =	vld.idx.msk [tilespmem:v56+s13+$0x0], $0xffff;
	_ =	sdelay $0x7  }
0x20c: {  	v8 =	vld.idx.msk [tilespmem:v8+s2+$0x0], $0xffff;
	_ =	sdelay $0x3  }
0x20d: {  	v57 =	vor.u32 $0x38, v7  }
0x20e: {  	v8 =	vmul.f32 v8, v5  }
0x20f: {  	vm7 =	vgt.s32 v6, $0x37  }
0x210: {  	v8 =	vnsel vm7, $0x0, v8  }
0x211: {  	[tilespmem:v56+s17+$0x0] =	vst.idx.msk $0xffff, v8  }
0x212: {  	v8 =	vld.idx.msk [tilespmem:v57+s13+$0x0], $0xffff;
	_ =	sdelay $0x7  }
0x213: {  	v8 =	vld.idx.msk [tilespmem:v8+s2+$0x0], $0xffff;
	_ =	sdelay $0x3  }
0x214: {  	v58 =	vor.u32 $0x39, v7  }
0x215: {  	v8 =	vmul.f32 v8, v5  }
0x216: {  	vm8 =	vgt.s32 v6, $0x38  }
0x217: {  	v8 =	vnsel vm8, $0x0, v8  }
0x218: {  	[tilespmem:v57+s17+$0x0] =	vst.idx.msk $0xffff, v8  }
0x219: {  	v8 =	vld.idx.msk [tilespmem:v58+s13+$0x0], $0xffff;
	_ =	sdelay $0x7  }
0x21a: {  	v8 =	vld.idx.msk [tilespmem:v8+s2+$0x0], $0xffff;
	_ =	sdelay $0x3  }
0x21b: {  	v59 =	vor.u32 $0x3A, v7  }
0x21c: {  	v8 =	vmul.f32 v8, v5  }
0x21d: {  	vm9 =	vgt.s32 v6, $0x39  }
0x21e: {  	v8 =	vnsel vm9, $0x0, v8  }
0x21f: {  	[tilespmem:v58+s17+$0x0] =	vst.idx.msk $0xffff, v8  }
0x220: {  	v8 =	vld.idx.msk [tilespmem:v59+s13+$0x0], $0xffff;
	_ =	sdelay $0x7  }
0x221: {  	v8 =	vld.idx.msk [tilespmem:v8+s2+$0x0], $0xffff;
	_ =	sdelay $0x3  }
0x222: {  	v60 =	vor.u32 $0x3B, v7  }
0x223: {  	v8 =	vmul.f32 v8, v5  }
0x224: {  	vm10 =	vgt.s32 v6, $0x3A  }
0x225: {  	v8 =	vnsel vm10, $0x0, v8  }
0x226: {  	[tilespmem:v59+s17+$0x0] =	vst.idx.msk $0xffff, v8  }
0x227: {  	v8 =	vld.idx.msk [tilespmem:v60+s13+$0x0], $0xffff;
	_ =	sdelay $0x7  }
0x228: {  	v8 =	vld.idx.msk [tilespmem:v8+s2+$0x0], $0xffff;
	_ =	sdelay $0x3  }
0x229: {  	v61 =	vor.u32 $0x3C, v7  }
0x22a: {  	v8 =	vmul.f32 v8, v5  }
0x22b: {  	vm11 =	vgt.s32 v6, $0x3B  }
0x22c: {  	v8 =	vnsel vm11, $0x0, v8  }
0x22d: {  	[tilespmem:v60+s17+$0x0] =	vst.idx.msk $0xffff, v8  }
0x22e: {  	v8 =	vld.idx.msk [tilespmem:v61+s13+$0x0], $0xffff;
	_ =	sdelay $0x7  }
0x22f: {  	v8 =	vld.idx.msk [tilespmem:v8+s2+$0x0], $0xffff;
	_ =	sdelay $0x3  }
0x230: {  	v62 =	vor.u32 $0x3D, v7  }
0x231: {  	v8 =	vmul.f32 v8, v5  }
0x232: {  	vm12 =	vgt.s32 v6, $0x3C  }
0x233: {  	v8 =	vnsel vm12, $0x0, v8  }
0x234: {  	[tilespmem:v61+s17+$0x0] =	vst.idx.msk $0xffff, v8  }
0x235: {  	v8 =	vld.idx.msk [tilespmem:v62+s13+$0x0], $0xffff;
	_ =	sdelay $0x7  }
0x236: {  	v8 =	vld.idx.msk [tilespmem:v8+s2+$0x0], $0xffff;
	_ =	sdelay $0x3  }
0x237: {  	v63 =	vor.u32 $0x3E, v7  }
0x238: {  	v8 =	vmul.f32 v8, v5  }
0x239: {  	vm13 =	vgt.s32 v6, $0x3D  }
0x23a: {  	v8 =	vnsel vm13, $0x0, v8  }
0x23b: {  	[tilespmem:v62+s17+$0x0] =	vst.idx.msk $0xffff, v8  }
0x23c: {  	v8 =	vld.idx.msk [tilespmem:v63+s13+$0x0], $0xffff;
	_ =	sdelay $0x7  }
0x23d: {  	v8 =	vld.idx.msk [tilespmem:v8+s2+$0x0], $0xffff;
	_ =	sdelay $0x3  }
0x23e: {  	v7 =	vor.u32 $0x3F, v7  }
0x23f: {  	v8 =	vmul.f32 v8, v5  }
0x240: {  	vm14 =	vgt.s32 v6, $0x3E  }
0x241: {  	v8 =	vnsel vm14, $0x0, v8  }
0x242: {  	[tilespmem:v63+s17+$0x0] =	vst.idx.msk $0xffff, v8  }
0x243: {  	v8 =	vld.idx.msk [tilespmem:v7+s13+$0x0], $0xffff;
	_ =	sdelay $0x7  }
0x244: {  	v8 =	vld.idx.msk [tilespmem:v8+s2+$0x0], $0xffff;
	_ =	sdelay $0x2  }
0x245: {  	p0 =	sne.s32 s19, $0x130  }
.Ltmp5:
0x246: {  	_ = 	snop;
	(pc) =	sbr.rel @p0 .LBB2_12-.Ltmp5, $4  }
0x247: {  	v5 =	vmul.f32 v8, v5  }
0x248: {  	vm15 =	vgt.s32 v6, $0x3F  }
0x249: {  	v5 =	vnsel vm15, $0x0, v5  }
0x24a: {  	s19 =	sadd.s32 $0x10, s19;
	[tilespmem:v7+s17+$0x0] =	vst.idx.msk $0xffff, v5  }
0x24b: {  	[hbm4b:s8+s2] =	stream.linear.scatter [tilespmem:s13], [sflag:$0x1], $0x5000, $0x38;
	[tilespmem:$0xD980] =	vst v63  }
0x24c: {  	s18 =	sadd.s32 $0x1, s18;
	_ =	swait.ge [sflag:s12], $0x5000  }
0x24d: {  	p0 =	sne.s32 s18, s10;
	[sflag:s12] =	ssyncset.done $0x0  }
.Ltmp6:
0x24e: {  	[sflag:s12] =	ssyncadd.s32 $0xFFFFB000;
	(pc) =	sbr.rel @p0 .LBB2_1-.Ltmp6, $4  }
0x24f: {  	[hbm4b:s9+s2] =	stream.linear.scatter [tilespmem:s17], [sflag:$0x1], $0x5000, $0x38;
	[tilespmem:$0xD980] =	vst v63  }
0x250: {  	_ =	swait.ge [sflag:s12], $0x5000  }
0x251: {  	[sflag:s12] =	ssyncset.done $0x0  }
0x252: {  	[sflag:s12] =	ssyncadd.s32 $0xFFFFB000  }
0x253: {  	_ =	sfence.sel $0x180000  }
0x254: {  	[bflag:$0x0] =	sbarrier.arrive $0xFFFF  }
0x255: {  	p0 =	sne.s32 s1, $0x0;
	_ =	strace $0x9000004A  }
0x256: {  	s0 =	sadd.s32 @!p0 $0x100000, s0;
	[bflag:$0x2] =	sbarrier.arrive $0xFFFF  }
0x257: {  	[sflag:s0] =	ssyncadd.tile.s32 @!p0 $0x1;
	_ =	shalt  }
.Lfunc_end2:
_tile_overlayer_lowered:
.L_overlay_start_2:
0x258: {  	(tag) =	ssettag $0x2  }
0x259: {  	s0 =	rddreg [dreg:$0x0];
	s2 =	stileid.u32  }
0x25a: {  	s1 =	rddreg [dreg:$0x1];
	p0 =	sne.s32 s2, $0x0  }
0x25b: {  	s3 =	rddreg [dreg:$0x2];
	[bflag:$0x3] =	sbarrier.arrive $0xFFFF;
	s2 =	simm.s32 @!p0 $0x1C01  }
0x25c: {  	[timem:s3], [sflag:s2] =	dma.local @!p0 [hbm:s0], s1  }
0x25d: {  	s0 =	simm.s32 @!p0 $0x1  }
0x25e: {  	_ =	swait.ge @!p0 [sflag:s0], s1  }
0x25f: {  	s1 =	ssub.s32 @!p0 $0x0, s1;
	[sflag:s0] =	ssyncset.done @!p0 $0x0  }
0x260: {  	[sflag:s0] =	ssyncadd.s32 @!p0 s1  }
0x261: {  	[bflag:$0x3] =	sbarrier.arrive $0xFFFF  }
0x262: {  	_ =	shalt  }

// kernel: sc_deg_partial.3.cloned.1.call-start
scs
__scs_entry_jumppad:
0x0: {  	(pc) =	sbr.rel $0x88, $3  }
0x1: {  	(tag) =	ssettag $0x0;
	lr =	simm.s32 $0x1  }
0x2: {  	[smem:$0x3F9B] =	sst lr;
	_ =	strace $0xD0000000  }
0x3: {  	_ = 	snop  }
0x4: {  	_ = 	snop  }
0x5: {  	_ = 	snop  }
0x6: {  	_ = 	snop  }
0x7: {  	_ = 	snop  }
__scs_overlays_trampoline_lowered:
0x8: {  	[smem:$0x3FAA] =	sst s0  }
0x9: {  	[smem:$0x3FAB] =	sst s1  }
0xa: {  	[smem:$0x3FAC] =	sst s2  }
0xb: {  	[smem:$0x3FAD] =	sst s3  }
0xc: {  	[smem:$0x3FAE] =	sst s4  }
0xd: {  	[smem:$0x3FAF] =	sst s5  }
0xe: {  	[smem:$0x3FB0] =	sst s6  }
0xf: {  	[smem:$0x3FB1] =	sst s7  }
0x10: {  	[smem:$0x3FB2] =	sst s8  }
0x11: {  	[smem:$0x3FB3] =	sst s9;
	s0 =	simm.s32 @!p0 $0x0  }
0x12: {  	s1 =	sld [smem:$0x3F99];
	s0 =	simm.s32 @p0 $0x1  }
0x13: {  	[smem:$0x3FB4] =	sst s0;
	s0 =	simm.s32 @!p1 $0x0  }
0x14: {  	s2 =	sld [smem:$0x3F98];
	s0 =	simm.s32 @p1 $0x1  }
0x15: {  	[smem:$0x3FB5] =	sst s0;
	s0 =	simm.s32 @!p2 $0x0  }
0x16: {  	s3 =	sld [smem:$0x3FDB];
	s0 =	simm.s32 @p2 $0x1  }
0x17: {  	s4 =	simm.s32 $0x1BF5;
	[smem:$0x3FB7] =	sst s0  }
0x18: {  	s0 =	sld [smem:$0x3F9A];
	_ =	swait.ge [sflag:s4], $0x0  }
0x19: {  	s7 =	sld [smem:$0x3F9B]  }
0x1a: {  	s8 =	sadd.s32 $0xFFFFE003, lr  }
0x1b: {  	s9 =	sadd.s32 $0xFFFFFEF7, lr;
	s5 =	simm.s32 $0xFFFFFFFF;
	p2 =	slt.u32 s8, $0xFFFFF086  }
0x1c: {  	p1 =	slt.u32 s9, $0xF7A;
	s5 =	simm.s32 @!p2 $0x0  }
0x1d: {  	s5 =	simm.s32 @p1 $0x1;
	p0 =	seq.s32 s7, s2  }
0x1e: {  	s7 =	smul.u32 @!p0 $0xF7A, s2;
	p2 =	seq.s32 @!p0 s5, $0x0  }
0x1f: {  	s9 =	smul.u32 $0xF7A, s1;
	s8 =	simm.s32 @!p0 $0x1BF5;
	p2 =	por !p2, p0  }
0x20: {  	[sflag:s8] =	ssyncset.s32 @!p0 $0xFFFFF086;
	s6 =	sadd.s32 @!p0 s3, s7;
	s7 =	simm.s32 @!p0 $0x108  }
0x21: {  	s3 =	sadd.s32 s3, s9;
	s6 =	sadd.s32 @!p0 $0x88, s6;
	s7 =	simm.s32 @p2 $0x1082  }
0x22: {  	[simem:s7], [sflag:s8] =	dma.local @!p0 [hbm:s6], $0xF7A  }
0x23: {  	s9 =	sor.u32 $0xD0000000, s2;
	s6 =	simm.s32 $0x108;
	_ =	swait.ge @!p0 [sflag:s8], $0x0  }
0x24: {  	s3 =	sadd.s32 $0x88, s3;
	s6 =	simm.s32 @!p1 $0x1082;
	[sflag:s4] =	ssyncset.s32 $0xFFFFF086  }
0x25: {  	[simem:s6], [sflag:s4] =	dma.local [hbm:s3], $0xF7A  }
0x26: {  	[smem:$0x3F9B] =	sst s1;
	(tag) =	ssettag s2;
	_ =	strace s9  }
0x27: {  	s1 =	sld [smem:$0x3FAB]  }
0x28: {  	s2 =	sld [smem:$0x3FAC]  }
0x29: {  	s4 =	sld [smem:$0x3FAE]  }
0x2a: {  	p0 =	seq.s32 s5, $0x0;
	s5 =	sld [smem:$0x3FAF]  }
0x2b: {  	s6 =	sld [smem:$0x3FB0]  }
0x2c: {  	s7 =	sld [smem:$0x3FB1]  }
0x2d: {  	s3 =	simm.s32 $0x108;
	s8 =	sld [smem:$0x3FB2]  }
0x2e: {  	s3 =	simm.s32 @!p0 $0x1082;
	s9 =	sld [smem:$0x3FB3]  }
0x2f: {  	lr =	sadd.s32 s0, s3;
	s0 =	sld [smem:$0x3FAA]  }
0x30: {  	s3 =	sld [smem:$0x3FAD]  }
0x31: {  	[smem:$0x3FB6] =	sst s10  }
0x32: {  	s10 =	sld [smem:$0x3FB4];
	_ =	sdelay $0x3  }
0x33: {  	p0 =	seq.s32 s10, $0x1;
	s10 =	sld [smem:$0x3FB6];
	_ =	sdelay $0x3  }
0x34: {  	[smem:$0x3FB6] =	sst s10  }
0x35: {  	s10 =	sld [smem:$0x3FB5];
	_ =	sdelay $0x3  }
0x36: {  	p1 =	seq.s32 s10, $0x1;
	s10 =	sld [smem:$0x3FB6];
	_ =	sdelay $0x3  }
0x37: {  	[smem:$0x3FB6] =	sst s10  }
0x38: {  	s10 =	sld [smem:$0x3FB7]  }
0x39: {  	_ = 	snop;
	(pc) =	sbr.ind lr, $3  }
0x3a: {  	_ = 	snop  }
0x3b: {  	_ = 	snop  }
0x3c: {  	p2 =	seq.s32 s10, $0x1;
	s10 =	sld [smem:$0x3FB6]  }
0x3d: {  	_ =	shalt  }
0x3e: {  	_ =	shalt  }
0x3f: {  	_ =	shalt  }
0x40: {  	_ =	shalt  }
0x41: {  	_ =	shalt  }
0x42: {  	_ =	shalt  }
0x43: {  	_ =	shalt  }
0x44: {  	_ =	shalt  }
0x45: {  	_ =	shalt  }
0x46: {  	_ =	shalt  }
0x47: {  	_ =	shalt  }
0x48: {  	_ =	shalt  }
0x49: {  	_ =	shalt  }
0x4a: {  	_ =	shalt  }
0x4b: {  	_ =	shalt  }
0x4c: {  	_ =	shalt  }
0x4d: {  	_ =	shalt  }
0x4e: {  	_ =	shalt  }
0x4f: {  	_ =	shalt  }
0x50: {  	_ =	shalt  }
0x51: {  	_ =	shalt  }
0x52: {  	_ =	shalt  }
0x53: {  	_ =	shalt  }
0x54: {  	_ =	shalt  }
0x55: {  	_ =	shalt  }
0x56: {  	_ =	shalt  }
0x57: {  	_ =	shalt  }
0x58: {  	_ =	shalt  }
0x59: {  	_ =	shalt  }
0x5a: {  	_ =	shalt  }
0x5b: {  	_ =	shalt  }
0x5c: {  	_ =	shalt  }
0x5d: {  	_ =	shalt  }
0x5e: {  	_ =	shalt  }
0x5f: {  	_ =	shalt  }
0x60: {  	_ =	shalt  }
0x61: {  	_ =	shalt  }
0x62: {  	_ =	shalt  }
0x63: {  	_ =	shalt  }
0x64: {  	_ =	shalt  }
0x65: {  	_ =	shalt  }
0x66: {  	_ =	shalt  }
0x67: {  	_ =	shalt  }
0x68: {  	_ =	shalt  }
0x69: {  	_ =	shalt  }
0x6a: {  	_ =	shalt  }
0x6b: {  	_ =	shalt  }
0x6c: {  	_ =	shalt  }
0x6d: {  	_ =	shalt  }
0x6e: {  	_ =	shalt  }
0x6f: {  	_ =	shalt  }
0x70: {  	_ =	shalt  }
0x71: {  	_ =	shalt  }
0x72: {  	_ =	shalt  }
0x73: {  	_ =	shalt  }
0x74: {  	_ =	shalt  }
0x75: {  	_ =	shalt  }
0x76: {  	_ =	shalt  }
0x77: {  	_ =	shalt  }
0x78: {  	_ =	shalt  }
0x79: {  	_ =	shalt  }
0x7a: {  	_ =	shalt  }
0x7b: {  	_ =	shalt  }
0x7c: {  	_ =	shalt  }
0x7d: {  	_ =	shalt  }
0x7e: {  	_ =	shalt  }
0x7f: {  	_ =	shalt  }
0x80: {  	_ =	shalt  }
0x81: {  	_ =	shalt  }
0x82: {  	_ =	shalt  }
0x83: {  	_ =	shalt  }
0x84: {  	_ =	shalt  }
0x85: {  	_ =	shalt  }
0x86: {  	_ =	shalt  }
0x87: {  	_ =	shalt  }
.Lfunc_end0:
.L_simem_size_0:
called_computation_lowered:
.L_overlay_start_0:
0x88: {  	s2 =	sld [smem:$0x3FD9]  }
0x89: {  	s3 =	sld [smem:$0x3FFE];
	_ =	sdelay $0x1  }
0x8a: {  	s1 =	srdreg.scid  }
0x8b: {  	s0 =	sand.u32 $0x1, s1  }
0x8c: {  	s17 =	sshll.u32 s0, $0xA;
	s2 =	sadd.s32 s3, s2  }
0x8d: {  	s2 =	sadd.s32 s2, s17  }
0x8e: {  	[smem:$0x3FC2] =	sst s2  }
0x8f: {  	_ = 	snop  }
0x90: {  	s2 =	sld [smem:$0x3FD0];
	(tm) =	ssettm $0x1  }
0x91: {  	s18 =	sld [smem:$0x3FFB];
	_ =	sdelay $0x3  }
0x92: {  	_ =	strace s18  }
0x93: {  	s3 =	sld [smem:$0x3FFC];
	_ =	sdelay $0x3  }
0x94: {  	_ =	strace s3  }
0x95: {  	s3 =	sld [smem:$0x3FFD];
	_ =	sdelay $0x3  }
0x96: {  	_ =	strace s3  }
0x97: {  	_ =	strace $0x8FFFFFFF  }
0x98: {  	s19 =	sld [smem:$0x3FDB];
	_ =	sdelay $0x1  }
0x99: {  	s4 =	simm.s32 $_scs_section_size  }
0x9a: {  	s5 =	simm.s32 $_size__tile_overlayer_lowered;
	s6 =	simm.s32 $_tile_overlayer_lowered  }
0x9b: {  	s22 =	simm.s32 $0x1BFF;
	s21 =	sshll.u32 s6, $0x1;
	s3 =	sadd.s32 s4, s19  }
0x9c: {  	s7 =	simm.s32 $0x0;
	s20 =	sshll.u32 s5, $0x1;
	s5 =	sadd.s32 s21, s3  }
0x9d: {  	[timem:s7], [sflag:s22] =	dma.local [hbm:s5], s20  }
0x9e: {  	_ =	swait.ge [sflag:s22], s20  }
0x9f: {  	s4 =	ssub.s32 $0x0, s20;
	[sflag:s22] =	ssyncset.done $0x0  }
0xa0: {  	[sflag:s22] =	ssyncadd.s32 s4;
	_ =	sdelay $0x1  }
0xa1: {  	s23 =	simm.s32 $0x1B8B  }
0xa2: {  	_ =	swait.ge [sflag:s23], $0x1  }
0xa3: {  	[sflag:s23] =	ssyncset.done $0x0  }
0xa4: {  	s25 =	simm.s32 $0x1B8E;
	s24 =	sld [smem:$0x3FFE];
	[sflag:s23] =	ssyncadd.s32 $0xFFFFFFFF  }
0xa5: {  	s26 =	simm.s32 $execute0_lowered;
	[smem:$0x3FD2] =	sst s25  }
0xa6: {  	s5 =	sshll.u32 s26, $0x1;
	_ =	strace $0x80000046;
	[dreg:$0x1] =	wrdreg $0xFFFFFFFF  }
0xa7: {  	s28 =	simm.s32 $_size_execute0_lowered;
	s3 =	sadd.s32 s3, s5;
	[dreg:$0x0] =	wrdreg $0x0  }
0xa8: {  	s5 =	sshll.u32 s28, $0x1;
	[dreg:$0x2] =	wrdreg s3  }
0xa9: {  	[dreg:$0x3] =	wrdreg s5  }
0xaa: {  	[dreg:$0x4] =	wrdreg $0xC0  }
0xab: {  	_ =	task [dreg:s7], $0x5FFFF  }
0xac: {  	[dreg:$0x1] =	wrdreg $0xFFFFFFFF  }
0xad: {  	[dreg:$0x0] =	wrdreg $0x60  }
0xae: {  	[dreg:$0x2] =	wrdreg s24  }
0xaf: {  	[dreg:$0x3] =	wrdreg s2  }
0xb0: {  	[dreg:$0x4] =	wrdreg $0x9  }
0xb1: {  	_ =	task.clear_ibuf [dreg:s7], $0x5FFFF;
	_ =	strace $0x90000046  }
0xb2: {  	s29 =	simm.s32 $0x9;
	_ =	strace $0x80000048  }
0xb3: {  	_ =	swait.ge [sflag:s29], $0x1  }
0xb4: {  	[sflag:s29] =	ssyncadd.s32 $0xFFFFFFFF  }
0xb5: {  	_ =	strace $0x90000048  }
0xb6: {  	_ =	sfence  }
0xb7: {  	s30 =	sld [smem:$0x0];
	_ =	sdelay $0x2  }
0xb8: {  	s31 =	sshll.u32 s1, $0xD;
	s1 =	sshrl.u32 s1, $0x2  }
0xb9: {  	s3 =	sand.u32 $0x4000, s31;
	s1 =	sadd.s32 s1, s30  }
0xba: {  	s0 =	sor.u32 s3, s0;
	s1 =	sshll.u32 s1, $0x11  }
0xbb: {  	s0 =	sor.u32 s1, s0  }
0xbc: {  	s0 =	sadd.s32 $0x8F2B, s0  }
0xbd: {  	[sflag:s0] =	ssyncadd.remote.s32 $0x1  }
0xbe: {  	_ =	sfence.sel $0xFFFF  }
0xbf: {  	[dreg:$0x0] =	wrdreg $0xFFFFFFFF;
	(pc) =	sbr.abs _section_cstart, $3  }
0xc0: {  	[dreg:$0x1] =	wrdreg $0xFFFFFFFF  }
0xc1: {  	_ =	task.clear_ibuf [dreg:s7], $0x2FFFF;
	_ =	strace $0x9FFFFFFF  }
0xc2: {  	(tm) =	ssettm $0x7FFFFFFF  }
0xc3: {  	_ =	shalt  }
tec
execute0_lowered:
.L_overlay_start_1:
0x0: {  	(tag) =	ssettag $0x1  }
0x1: {  	s3 =	rddreg [dreg:$0x0]  }
0x2: {  	s1 =	srdreg.scid;
	s0 =	stileid.u32  }
0x3: {  	s4 =	rddreg [dreg:$0x1];
	s9 =	simm.s32 $0x400;
	s10 =	simm.s32 $0x0  }
0x4: {  	s5 =	sand.u32 $0x1, s1;
	s2 =	sshll.u32 s0, $0x1;
	s1 =	rddreg [dreg:$0x2]  }
0x5: {  	s7 =	sshrl.u32 s0, $0x2;
	s6 =	sor.u32 s5, s2;
	s2 =	simm.s32 $0x0  }
0x6: {  	s7 =	smul.u32 $0x14000, s7;
	s5 =	ssub.s32 $0x2, s5;
	s8 =	sshll.u32 s6, $0x7  }
0x7: {  	[smem:$0x7FF] =	sst s2;
	s6 =	smul.u32 $0x272, s6;
	s31 =	sshrl.u32 s5, $0x1  }
0x8: {  	s8 =	sand.u32 $0x380, s8;
	_ =	strace $0x80000047;
	s5 =	ssub.s32 s5, s31  }
0x9: {  	s7 =	sor.u32 s7, s8;
	s3 =	sadd.s32 s6, s3;
	s5 =	smax.u32 s5, $0x1  }
0xa: {  	s6 =	simm.s32 $0x2800;
	s8 =	simm.s32 $0x80;
	s7 =	sshrl.u32 s7, $0x3  }
0xb: {  	v0 =	vimm.f32 $0.0e+00;
	v1 =	vimm.f32 $1.000000000e+00;
	s3 =	sadd.s32 $0x2C00, s3;
	s4 =	sadd.s32 s4, s7;
	s7 =	simm.s32 $0x1  }
.LBB2_1:
0xc: {  	s11 =	simm.s32 $0x40;
	s12 =	simm.s32 $0x0  }
.LBB2_2:
0xd: {  	p0 =	sne.s32 s11, $0x9FC0;
	[tilespmem:s12+$0x0] =	vst v0;
	s12 =	smov.u32 s11;
	s11 =	sadd.s32 $0x40, s11  }
.Ltmp0:
0xe: {  	(pc) =	sbr.rel @p0 .LBB2_2-.Ltmp0, $2  }
0xf: {  	_ =	sdelay $0x2  }
0x10: {  	s12 =	sshra.s32 s12, $0x2  }
0x11: {  	[tilespmem:s12+$0x0] =	vst v0;
	s11 =	simm.s32 $0x0  }
0x12: {  	[tilespmem:s6], [sflag:$0x1] =	stream.linear.gather [hbm4b:s3+s11], $0x1390, $0x38;
	[tilespmem:$0x3C00] =	vst v63  }
0x13: {  	_ =	swait.ge [sflag:s7], $0x1390  }
0x14: {  	[sflag:s7] =	ssyncset.done $0x0  }
0x15: {  	s12 =	simm.s32 $0x0;
	s11 =	simm.s32 $0x40;
	[sflag:s7] =	ssyncadd.s32 $0xFFFFEC70  }
.LBB2_4:
0x16: {  	p0 =	sne.s32 s11, $0x4E00;
	v2 =	vld [tilespmem:s12+$0x2800];
	_ =	sdelay $0x4  }
0x17: {  	vm0 =	vlt.s32 v2, $0x2710;
	_ =	sdelay $0x1  }
.Ltmp1:
0x18: {  	(pc) =	sbr.rel @p0 .LBB2_4-.Ltmp1, $2  }
0x19: {  	_ =	sdelay $0x2  }
0x1a: {  	s12 =	sshra.s32 s11, $0x2;
	s11 =	sadd.s32 $0x40, s11;
	[tilespmem:v2+s2+$0x0] =	vst.idx.add.f32.msk vm0, v1  }
0x1b: {  	v2 =	vld [tilespmem:s12+$0x2800];
	_ =	sdelay $0x4  }
0x1c: {  	vm0 =	vlt.s32 v2, $0x2710;
	_ =	sdelay $0x3  }
0x1d: {  	s10 =	sadd.s32 $0x1, s10  }
0x1e: {  	p0 =	sne.s32 s10, s5  }
.Ltmp2:
0x1f: {  	[tilespmem:v2+s2+$0x0] =	vst.idx.add.f32.msk vm0, v1;
	(pc) =	sbr.rel @p0 .LBB2_1-.Ltmp2, $4  }
0x20: {  	[hbm4b:s4+s8] =	stream.strided.scatter [tilespmem:s2], [sflag:$0x1], $0x2800, s9, s8, $0x38;
	[tilespmem:$0x3C00] =	vst v63  }
0x21: {  	_ =	swait.ge [sflag:s7], $0x2800  }
0x22: {  	[sflag:s7] =	ssyncset.done $0x0  }
0x23: {  	[sflag:s7] =	ssyncadd.s32 $0xFFFFD800  }
0x24: {  	_ =	sfence.sel $0x180000  }
0x25: {  	[bflag:$0x0] =	sbarrier.arrive $0xFFFF  }
0x26: {  	p0 =	sne.s32 s0, $0x0;
	_ =	strace $0x90000047  }
0x27: {  	s0 =	sadd.s32 @!p0 $0x100000, s1;
	[bflag:$0x2] =	sbarrier.arrive $0xFFFF  }
0x28: {  	[sflag:s0] =	ssyncadd.tile.s32 @!p0 $0x1;
	_ =	shalt  }
.Lfunc_end2:
_tile_overlayer_lowered:
.L_overlay_start_2:
0x29: {  	(tag) =	ssettag $0x2  }
0x2a: {  	s0 =	rddreg [dreg:$0x0];
	s2 =	stileid.u32  }
0x2b: {  	s1 =	rddreg [dreg:$0x1];
	p0 =	sne.s32 s2, $0x0  }
0x2c: {  	s3 =	rddreg [dreg:$0x2];
	[bflag:$0x3] =	sbarrier.arrive $0xFFFF;
	s2 =	simm.s32 @!p0 $0x1C01  }
0x2d: {  	[timem:s3], [sflag:s2] =	dma.local @!p0 [hbm:s0], s1  }
0x2e: {  	s0 =	simm.s32 @!p0 $0x1  }
0x2f: {  	_ =	swait.ge @!p0 [sflag:s0], s1  }
0x30: {  	s1 =	ssub.s32 @!p0 $0x0, s1;
	[sflag:s0] =	ssyncset.done @!p0 $0x0  }
0x31: {  	[sflag:s0] =	ssyncadd.s32 @!p0 s1  }
0x32: {  	[bflag:$0x3] =	sbarrier.arrive $0xFFFF  }
0x33: {  	_ =	shalt  }

// kernel: sc_gather_rows.4.cloned.1.call-start
scs
__scs_entry_jumppad:
0x0: {  	(pc) =	sbr.rel $0x88, $3  }
0x1: {  	(tag) =	ssettag $0x0;
	lr =	simm.s32 $0x1  }
0x2: {  	[smem:$0x3F9B] =	sst lr;
	_ =	strace $0xD0000000  }
0x3: {  	_ = 	snop  }
0x4: {  	_ = 	snop  }
0x5: {  	_ = 	snop  }
0x6: {  	_ = 	snop  }
0x7: {  	_ = 	snop  }
__scs_overlays_trampoline_lowered:
0x8: {  	[smem:$0x3FAA] =	sst s0  }
0x9: {  	[smem:$0x3FAB] =	sst s1  }
0xa: {  	[smem:$0x3FAC] =	sst s2  }
0xb: {  	[smem:$0x3FAD] =	sst s3  }
0xc: {  	[smem:$0x3FAE] =	sst s4  }
0xd: {  	[smem:$0x3FAF] =	sst s5  }
0xe: {  	[smem:$0x3FB0] =	sst s6  }
0xf: {  	[smem:$0x3FB1] =	sst s7  }
0x10: {  	[smem:$0x3FB2] =	sst s8  }
0x11: {  	[smem:$0x3FB3] =	sst s9;
	s0 =	simm.s32 @!p0 $0x0  }
0x12: {  	s1 =	sld [smem:$0x3F99];
	s0 =	simm.s32 @p0 $0x1  }
0x13: {  	[smem:$0x3FB4] =	sst s0;
	s0 =	simm.s32 @!p1 $0x0  }
0x14: {  	s2 =	sld [smem:$0x3F98];
	s0 =	simm.s32 @p1 $0x1  }
0x15: {  	[smem:$0x3FB5] =	sst s0;
	s0 =	simm.s32 @!p2 $0x0  }
0x16: {  	s3 =	sld [smem:$0x3FDB];
	s0 =	simm.s32 @p2 $0x1  }
0x17: {  	s4 =	simm.s32 $0x1BF5;
	[smem:$0x3FB7] =	sst s0  }
0x18: {  	s0 =	sld [smem:$0x3F9A];
	_ =	swait.ge [sflag:s4], $0x0  }
0x19: {  	s7 =	sld [smem:$0x3F9B]  }
0x1a: {  	s8 =	sadd.s32 $0xFFFFE003, lr  }
0x1b: {  	s9 =	sadd.s32 $0xFFFFFEF7, lr;
	s5 =	simm.s32 $0xFFFFFFFF;
	p2 =	slt.u32 s8, $0xFFFFF086  }
0x1c: {  	p1 =	slt.u32 s9, $0xF7A;
	s5 =	simm.s32 @!p2 $0x0  }
0x1d: {  	s5 =	simm.s32 @p1 $0x1;
	p0 =	seq.s32 s7, s2  }
0x1e: {  	s7 =	smul.u32 @!p0 $0xF7A, s2;
	p2 =	seq.s32 @!p0 s5, $0x0  }
0x1f: {  	s9 =	smul.u32 $0xF7A, s1;
	s8 =	simm.s32 @!p0 $0x1BF5;
	p2 =	por !p2, p0  }
0x20: {  	[sflag:s8] =	ssyncset.s32 @!p0 $0xFFFFF086;
	s6 =	sadd.s32 @!p0 s3, s7;
	s7 =	simm.s32 @!p0 $0x108  }
0x21: {  	s3 =	sadd.s32 s3, s9;
	s6 =	sadd.s32 @!p0 $0x88, s6;
	s7 =	simm.s32 @p2 $0x1082  }
0x22: {  	[simem:s7], [sflag:s8] =	dma.local @!p0 [hbm:s6], $0xF7A  }
0x23: {  	s9 =	sor.u32 $0xD0000000, s2;
	s6 =	simm.s32 $0x108;
	_ =	swait.ge @!p0 [sflag:s8], $0x0  }
0x24: {  	s3 =	sadd.s32 $0x88, s3;
	s6 =	simm.s32 @!p1 $0x1082;
	[sflag:s4] =	ssyncset.s32 $0xFFFFF086  }
0x25: {  	[simem:s6], [sflag:s4] =	dma.local [hbm:s3], $0xF7A  }
0x26: {  	[smem:$0x3F9B] =	sst s1;
	(tag) =	ssettag s2;
	_ =	strace s9  }
0x27: {  	s1 =	sld [smem:$0x3FAB]  }
0x28: {  	s2 =	sld [smem:$0x3FAC]  }
0x29: {  	s4 =	sld [smem:$0x3FAE]  }
0x2a: {  	p0 =	seq.s32 s5, $0x0;
	s5 =	sld [smem:$0x3FAF]  }
0x2b: {  	s6 =	sld [smem:$0x3FB0]  }
0x2c: {  	s7 =	sld [smem:$0x3FB1]  }
0x2d: {  	s3 =	simm.s32 $0x108;
	s8 =	sld [smem:$0x3FB2]  }
0x2e: {  	s3 =	simm.s32 @!p0 $0x1082;
	s9 =	sld [smem:$0x3FB3]  }
0x2f: {  	lr =	sadd.s32 s0, s3;
	s0 =	sld [smem:$0x3FAA]  }
0x30: {  	s3 =	sld [smem:$0x3FAD]  }
0x31: {  	[smem:$0x3FB6] =	sst s10  }
0x32: {  	s10 =	sld [smem:$0x3FB4];
	_ =	sdelay $0x3  }
0x33: {  	p0 =	seq.s32 s10, $0x1;
	s10 =	sld [smem:$0x3FB6];
	_ =	sdelay $0x3  }
0x34: {  	[smem:$0x3FB6] =	sst s10  }
0x35: {  	s10 =	sld [smem:$0x3FB5];
	_ =	sdelay $0x3  }
0x36: {  	p1 =	seq.s32 s10, $0x1;
	s10 =	sld [smem:$0x3FB6];
	_ =	sdelay $0x3  }
0x37: {  	[smem:$0x3FB6] =	sst s10  }
0x38: {  	s10 =	sld [smem:$0x3FB7]  }
0x39: {  	_ = 	snop;
	(pc) =	sbr.ind lr, $3  }
0x3a: {  	_ = 	snop  }
0x3b: {  	_ = 	snop  }
0x3c: {  	p2 =	seq.s32 s10, $0x1;
	s10 =	sld [smem:$0x3FB6]  }
0x3d: {  	_ =	shalt  }
0x3e: {  	_ =	shalt  }
0x3f: {  	_ =	shalt  }
0x40: {  	_ =	shalt  }
0x41: {  	_ =	shalt  }
0x42: {  	_ =	shalt  }
0x43: {  	_ =	shalt  }
0x44: {  	_ =	shalt  }
0x45: {  	_ =	shalt  }
0x46: {  	_ =	shalt  }
0x47: {  	_ =	shalt  }
0x48: {  	_ =	shalt  }
0x49: {  	_ =	shalt  }
0x4a: {  	_ =	shalt  }
0x4b: {  	_ =	shalt  }
0x4c: {  	_ =	shalt  }
0x4d: {  	_ =	shalt  }
0x4e: {  	_ =	shalt  }
0x4f: {  	_ =	shalt  }
0x50: {  	_ =	shalt  }
0x51: {  	_ =	shalt  }
0x52: {  	_ =	shalt  }
0x53: {  	_ =	shalt  }
0x54: {  	_ =	shalt  }
0x55: {  	_ =	shalt  }
0x56: {  	_ =	shalt  }
0x57: {  	_ =	shalt  }
0x58: {  	_ =	shalt  }
0x59: {  	_ =	shalt  }
0x5a: {  	_ =	shalt  }
0x5b: {  	_ =	shalt  }
0x5c: {  	_ =	shalt  }
0x5d: {  	_ =	shalt  }
0x5e: {  	_ =	shalt  }
0x5f: {  	_ =	shalt  }
0x60: {  	_ =	shalt  }
0x61: {  	_ =	shalt  }
0x62: {  	_ =	shalt  }
0x63: {  	_ =	shalt  }
0x64: {  	_ =	shalt  }
0x65: {  	_ =	shalt  }
0x66: {  	_ =	shalt  }
0x67: {  	_ =	shalt  }
0x68: {  	_ =	shalt  }
0x69: {  	_ =	shalt  }
0x6a: {  	_ =	shalt  }
0x6b: {  	_ =	shalt  }
0x6c: {  	_ =	shalt  }
0x6d: {  	_ =	shalt  }
0x6e: {  	_ =	shalt  }
0x6f: {  	_ =	shalt  }
0x70: {  	_ =	shalt  }
0x71: {  	_ =	shalt  }
0x72: {  	_ =	shalt  }
0x73: {  	_ =	shalt  }
0x74: {  	_ =	shalt  }
0x75: {  	_ =	shalt  }
0x76: {  	_ =	shalt  }
0x77: {  	_ =	shalt  }
0x78: {  	_ =	shalt  }
0x79: {  	_ =	shalt  }
0x7a: {  	_ =	shalt  }
0x7b: {  	_ =	shalt  }
0x7c: {  	_ =	shalt  }
0x7d: {  	_ =	shalt  }
0x7e: {  	_ =	shalt  }
0x7f: {  	_ =	shalt  }
0x80: {  	_ =	shalt  }
0x81: {  	_ =	shalt  }
0x82: {  	_ =	shalt  }
0x83: {  	_ =	shalt  }
0x84: {  	_ =	shalt  }
0x85: {  	_ =	shalt  }
0x86: {  	_ =	shalt  }
0x87: {  	_ =	shalt  }
.Lfunc_end0:
.L_simem_size_0:
called_computation.2_lowered:
.L_overlay_start_0:
0x88: {  	s2 =	sld [smem:$0x3FD9]  }
0x89: {  	s3 =	sld [smem:$0x3FFE];
	_ =	sdelay $0x1  }
0x8a: {  	s1 =	srdreg.scid  }
0x8b: {  	s0 =	sand.u32 $0x1, s1  }
0x8c: {  	s17 =	sshll.u32 s0, $0xA;
	s2 =	sadd.s32 s3, s2  }
0x8d: {  	s2 =	sadd.s32 s2, s17  }
0x8e: {  	[smem:$0x3FC2] =	sst s2  }
0x8f: {  	_ = 	snop  }
0x90: {  	s2 =	sld [smem:$0x3FD0];
	(tm) =	ssettm $0x1  }
0x91: {  	s18 =	sld [smem:$0x3FFB];
	_ =	sdelay $0x3  }
0x92: {  	_ =	strace s18  }
0x93: {  	s3 =	sld [smem:$0x3FFC];
	_ =	sdelay $0x3  }
0x94: {  	_ =	strace s3  }
0x95: {  	s3 =	sld [smem:$0x3FFD];
	_ =	sdelay $0x3  }
0x96: {  	_ =	strace s3  }
0x97: {  	_ =	strace $0x8FFFFFFF  }
0x98: {  	s19 =	sld [smem:$0x3FDB];
	_ =	sdelay $0x1  }
0x99: {  	s4 =	simm.s32 $_scs_section_size  }
0x9a: {  	s5 =	simm.s32 $_size__tile_overlayer_lowered;
	s6 =	simm.s32 $_tile_overlayer_lowered  }
0x9b: {  	s22 =	simm.s32 $0x1BFF;
	s21 =	sshll.u32 s6, $0x1;
	s3 =	sadd.s32 s4, s19  }
0x9c: {  	s7 =	simm.s32 $0x0;
	s20 =	sshll.u32 s5, $0x1;
	s5 =	sadd.s32 s21, s3  }
0x9d: {  	[timem:s7], [sflag:s22] =	dma.local [hbm:s5], s20  }
0x9e: {  	_ =	swait.ge [sflag:s22], s20  }
0x9f: {  	s4 =	ssub.s32 $0x0, s20;
	[sflag:s22] =	ssyncset.done $0x0  }
0xa0: {  	[sflag:s22] =	ssyncadd.s32 s4;
	_ =	sdelay $0x1  }
0xa1: {  	s23 =	simm.s32 $0x1B8B  }
0xa2: {  	_ =	swait.ge [sflag:s23], $0x1  }
0xa3: {  	[sflag:s23] =	ssyncset.done $0x0  }
0xa4: {  	s25 =	simm.s32 $0x1B8E;
	s24 =	sld [smem:$0x3FFE];
	[sflag:s23] =	ssyncadd.s32 $0xFFFFFFFF  }
0xa5: {  	s26 =	simm.s32 $execute0_lowered;
	[smem:$0x3FD2] =	sst s25  }
0xa6: {  	s5 =	sshll.u32 s26, $0x1;
	_ =	strace $0x8000004C;
	[dreg:$0x1] =	wrdreg $0xFFFFFFFF  }
0xa7: {  	s28 =	simm.s32 $_size_execute0_lowered;
	s3 =	sadd.s32 s3, s5;
	[dreg:$0x0] =	wrdreg $0x0  }
0xa8: {  	s5 =	sshll.u32 s28, $0x1;
	[dreg:$0x2] =	wrdreg s3  }
0xa9: {  	[dreg:$0x3] =	wrdreg s5  }
0xaa: {  	[dreg:$0x4] =	wrdreg $0xC0  }
0xab: {  	_ =	task [dreg:s7], $0x5FFFF  }
0xac: {  	[dreg:$0x1] =	wrdreg $0xFFFFFFFF  }
0xad: {  	[dreg:$0x0] =	wrdreg $0x60  }
0xae: {  	[dreg:$0x2] =	wrdreg s24  }
0xaf: {  	[dreg:$0x3] =	wrdreg s2  }
0xb0: {  	[dreg:$0x4] =	wrdreg $0x9  }
0xb1: {  	_ =	task.clear_ibuf [dreg:s7], $0x5FFFF;
	_ =	strace $0x9000004C  }
0xb2: {  	s29 =	simm.s32 $0x9;
	_ =	strace $0x8000004E  }
0xb3: {  	_ =	swait.ge [sflag:s29], $0x1  }
0xb4: {  	[sflag:s29] =	ssyncadd.s32 $0xFFFFFFFF  }
0xb5: {  	_ =	strace $0x9000004E  }
0xb6: {  	_ =	sfence  }
0xb7: {  	s30 =	sld [smem:$0x0];
	_ =	sdelay $0x2  }
0xb8: {  	s31 =	sshll.u32 s1, $0xD;
	s1 =	sshrl.u32 s1, $0x2  }
0xb9: {  	s3 =	sand.u32 $0x4000, s31;
	s1 =	sadd.s32 s1, s30  }
0xba: {  	s0 =	sor.u32 s3, s0;
	s1 =	sshll.u32 s1, $0x11  }
0xbb: {  	s0 =	sor.u32 s1, s0  }
0xbc: {  	s0 =	sadd.s32 $0x8F2B, s0  }
0xbd: {  	[sflag:s0] =	ssyncadd.remote.s32 $0x1  }
0xbe: {  	_ =	sfence.sel $0xFFFF  }
0xbf: {  	[dreg:$0x0] =	wrdreg $0xFFFFFFFF;
	(pc) =	sbr.abs _section_cstart, $3  }
0xc0: {  	[dreg:$0x1] =	wrdreg $0xFFFFFFFF  }
0xc1: {  	_ =	task.clear_ibuf [dreg:s7], $0x2FFFF;
	_ =	strace $0x9FFFFFFF  }
0xc2: {  	(tm) =	ssettm $0x7FFFFFFF  }
0xc3: {  	_ =	shalt  }
tec
execute0_lowered:
.L_overlay_start_1:
0x0: {  	(tag) =	ssettag $0x1  }
0x1: {  	s0 =	srdreg.scid;
	s1 =	rddreg [dreg:$0x0]  }
0x2: {  	s12 =	stileid.u32;
	s2 =	rddreg [dreg:$0x1]  }
0x3: {  	s15 =	simm.s32 $0x5;
	s16 =	simm.s32 $0x80;
	s17 =	simm.s32 $0x4E80  }
0x4: {  	s18 =	simm.s32 $0x8E80;
	s20 =	simm.s32 $0xCE80;
	s22 =	simm.s32 $0x10E80  }
0x5: {  	s23 =	simm.s32 $0x1;
	s24 =	simm.s32 $0x2;
	s7 =	smul.u32 $0x13A, s12  }
0x6: {  	s25 =	simm.s32 $0x3;
	s0 =	sand.u32 $0x1, s0;
	s14 =	smul.u32 $0x9D000, s12  }
0x7: {  	s26 =	simm.s32 $0x4;
	s3 =	sshll.u32 s12, $0x1;
	s10 =	smul.u32 $0x9D, s0  }
0x8: {  	s4 =	sor.u32 s0, s3;
	s6 =	ssub.s32 $0x2, s0;
	s0 =	smul.u32 $0x4E800, s0  }
0x9: {  	s29 =	simm.s32 $0x0;
	s3 =	simm.s32 $0x0;
	s5 =	smul.u32 $0x9D0, s4  }
0xa: {  	[smem:$0x7FF] =	sst s3;
	s4 =	smul.u32 $0x274000, s4;
	s8 =	sshrl.u32 s6, $0x1  }
0xb: {  	_ =	strace $0x8000004D;
	s11 =	ssub.s32 s6, s8;
	s10 =	sadd.s32 s10, s7  }
0xc: {  	s5 =	sadd.s32 s5, s1;
	s1 =	sadd.s32 $0x48C00, s1;
	s9 =	sshrl.u32 s4, $0x3  }
0xd: {  	s10 =	sshll.u32 s10, $0xB;
	s4 =	sadd.s32 $0x35200, s5;
	s9 =	sadd.s32 s1, s9  }
0xe: {  	s13 =	sadd.s32 s1, s10;
	s10 =	smax.u32 s11, $0x1;
	s1 =	sadd.s32 s14, s1  }
0xf: {  	s5 =	sadd.s32 $0x4C000, s9;
	s6 =	sadd.s32 $0x4C800, s9;
	s7 =	sadd.s32 $0x4D000, s9  }
0x10: {  	s8 =	sadd.s32 $0x4D800, s9;
	s9 =	sadd.s32 $0x4E000, s9;
	s11 =	sadd.s32 $0x1800, s13  }
0x11: {  	s12 =	sadd.s32 $0x1000, s13;
	s13 =	sadd.s32 $0x800, s13;
	s14 =	sadd.s32 s0, s1  }
.LBB2_1:
0x12: {  	[tilespmem:s3], [sflag:$0x5] =	stream.linear.gather [hbm4b:s4+s3], $0x4E80, $0x38;
	[tilespmem:$0x14E80] =	vst v63  }
0x13: {  	_ =	swait.ge [sflag:s15], $0x4E80  }
0x14: {  	[sflag:s15] =	ssyncset.done $0x0  }
0x15: {  	[sflag:s15] =	ssyncadd.s32 $0xFFFFB180  }
0x16: {  	[tilespmem:s17], [sflag:$0x1] =	stream.indirect.gather [hbm4b:s2+s16], $0x80, s3, s16, $0xb8;
	[tilespmem:$0x14E80] =	vst v63  }
0x17: {  	_ = 	snop  }
0x18: {  	[tilespmem:s18], [sflag:$0x2] =	stream.indirect.gather [hbm4b:s2+s16], $0x80, s16, s16, $0xb8;
	[tilespmem:$0x14E80] =	vst v63  }
0x19: {  	s0 =	simm.s32 $0x100  }
0x1a: {  	[tilespmem:s20], [sflag:$0x3] =	stream.indirect.gather [hbm4b:s2+s16], $0x80, s0, s16, $0xb8;
	[tilespmem:$0x14E80] =	vst v63  }
0x1b: {  	s1 =	simm.s32 $0x180  }
0x1c: {  	[tilespmem:s22], [sflag:$0x4] =	stream.indirect.gather [hbm4b:s2+s16], $0x80, s1, s16, $0xb8;
	[tilespmem:$0x14E80] =	vst v63  }
0x1d: {  	_ =	swait.ge [sflag:s23], $0x4000  }
0x1e: {  	[sflag:s23] =	ssyncset.done $0x0  }
0x1f: {  	[sflag:s23] =	ssyncadd.s32 $0xFFFFC000  }
0x20: {  	[hbm4b:s14+s3] =	stream.linear.scatter [tilespmem:s17], [sflag:$0x5], $0x4000, $0x38;
	[tilespmem:$0x14E80] =	vst v63  }
0x21: {  	_ =	swait.ge [sflag:s15], $0x4000  }
0x22: {  	[sflag:s15] =	ssyncset.done $0x0  }
0x23: {  	s19 =	simm.s32 $0x200;
	[sflag:s15] =	ssyncadd.s32 $0xFFFFC000  }
0x24: {  	[tilespmem:s17], [sflag:$0x1] =	stream.indirect.gather [hbm4b:s2+s16], $0x80, s19, s16, $0xb8;
	[tilespmem:$0x14E80] =	vst v63  }
0x25: {  	_ =	swait.ge [sflag:s24], $0x4000  }
0x26: {  	[sflag:s24] =	ssyncset.done $0x0  }
0x27: {  	[sflag:s24] =	ssyncadd.s32 $0xFFFFC000  }
0x28: {  	[hbm4b:s13+s3] =	stream.linear.scatter [tilespmem:s18], [sflag:$0x5], $0x4000, $0x38;
	[tilespmem:$0x14E80] =	vst v63  }
0x29: {  	_ =	swait.ge [sflag:s15], $0x4000  }
0x2a: {  	[sflag:s15] =	ssyncset.done $0x0  }
0x2b: {  	s21 =	simm.s32 $0x280;
	[sflag:s15] =	ssyncadd.s32 $0xFFFFC000  }
0x2c: {  	[tilespmem:s18], [sflag:$0x2] =	stream.indirect.gather [hbm4b:s2+s16], $0x80, s21, s16, $0xb8;
	[tilespmem:$0x14E80] =	vst v63  }
0x2d: {  	_ =	swait.ge [sflag:s25], $0x4000  }
0x2e: {  	[sflag:s25] =	ssyncset.done $0x0  }
0x2f: {  	[sflag:s25] =	ssyncadd.s32 $0xFFFFC000  }
0x30: {  	[hbm4b:s12+s3] =	stream.linear.scatter [tilespmem:s20], [sflag:$0x5], $0x4000, $0x38;
	[tilespmem:$0x14E80] =	vst v63  }
0x31: {  	_ =	swait.ge [sflag:s15], $0x4000  }
0x32: {  	[sflag:s15] =	ssyncset.done $0x0  }
0x33: {  	s28 =	simm.s32 $0x300;
	[sflag:s15] =	ssyncadd.s32 $0xFFFFC000  }
0x34: {  	[tilespmem:s20], [sflag:$0x3] =	stream.indirect.gather [hbm4b:s2+s16], $0x80, s28, s16, $0xb8;
	[tilespmem:$0x14E80] =	vst v63  }
0x35: {  	_ =	swait.ge [sflag:s26], $0x4000  }
0x36: {  	[sflag:s26] =	ssyncset.done $0x0  }
0x37: {  	[sflag:s26] =	ssyncadd.s32 $0xFFFFC000  }
0x38: {  	[hbm4b:s11+s3] =	stream.linear.scatter [tilespmem:s22], [sflag:$0x5], $0x4000, $0x38;
	[tilespmem:$0x14E80] =	vst v63  }
0x39: {  	s30 =	simm.s32 $0x800;
	s31 =	sadd.s32 $0x2000, s14;
	_ =	swait.ge [sflag:s15], $0x4000  }
0x3a: {  	s0 =	sadd.s32 $0x2000, s13;
	s1 =	sadd.s32 $0x2000, s12;
	[sflag:s15] =	ssyncset.done $0x0  }
0x3b: {  	s19 =	sadd.s32 $0x2000, s11;
	s21 =	simm.s32 $0x380;
	[sflag:s15] =	ssyncadd.s32 $0xFFFFC000  }
.LBB2_2:
0x3c: {  	[tilespmem:s22], [sflag:$0x4] =	stream.indirect.gather [hbm4b:s2+s16], $0x80, s21, s16, $0xb8;
	[tilespmem:$0x14E80] =	vst v63  }
0x3d: {  	s21 =	smov.u32 s30  }
0x3e: {  	p0 =	sne.s32 s30, $0x12800;
	s30 =	sadd.s32 $0x800, s30;
	_ =	swait.ge [sflag:s23], $0x4000  }
0x3f: {  	[sflag:s23] =	ssyncset.done $0x0  }
0x40: {  	[sflag:s23] =	ssyncadd.s32 $0xFFFFC000  }
0x41: {  	[hbm4b:s31+s3] =	stream.linear.scatter [tilespmem:s17], [sflag:$0x5], $0x4000, $0x38;
	[tilespmem:$0x14E80] =	vst v63  }
0x42: {  	_ =	swait.ge [sflag:s15], $0x4000  }
0x43: {  	s21 =	sshra.s32 s21, $0x2;
	[sflag:s15] =	ssyncset.done $0x0  }
0x44: {  	s28 =	sadd.s32 $0x200, s21;
	[sflag:s15] =	ssyncadd.s32 $0xFFFFC000  }
0x45: {  	[tilespmem:s17], [sflag:$0x1] =	stream.indirect.gather [hbm4b:s2+s16], $0x80, s28, s16, $0xb8;
	[tilespmem:$0x14E80] =	vst v63  }
0x46: {  	_ =	swait.ge [sflag:s24], $0x4000  }
0x47: {  	[sflag:s24] =	ssyncset.done $0x0  }
0x48: {  	[sflag:s24] =	ssyncadd.s32 $0xFFFFC000  }
0x49: {  	[hbm4b:s0+s3] =	stream.linear.scatter [tilespmem:s18], [sflag:$0x5], $0x4000, $0x38;
	[tilespmem:$0x14E80] =	vst v63  }
0x4a: {  	_ =	swait.ge [sflag:s15], $0x4000  }
0x4b: {  	[sflag:s15] =	ssyncset.done $0x0  }
0x4c: {  	s28 =	sadd.s32 $0x280, s21;
	[sflag:s15] =	ssyncadd.s32 $0xFFFFC000  }
0x4d: {  	[tilespmem:s18], [sflag:$0x2] =	stream.indirect.gather [hbm4b:s2+s16], $0x80, s28, s16, $0xb8;
	[tilespmem:$0x14E80] =	vst v63  }
0x4e: {  	_ =	swait.ge [sflag:s25], $0x4000  }
0x4f: {  	[sflag:s25] =	ssyncset.done $0x0  }
0x50: {  	[sflag:s25] =	ssyncadd.s32 $0xFFFFC000  }
0x51: {  	[hbm4b:s1+s3] =	stream.linear.scatter [tilespmem:s20], [sflag:$0x5], $0x4000, $0x38;
	[tilespmem:$0x14E80] =	vst v63  }
0x52: {  	_ =	swait.ge [sflag:s15], $0x4000  }
0x53: {  	[sflag:s15] =	ssyncset.done $0x0  }
0x54: {  	s28 =	sadd.s32 $0x300, s21;
	[sflag:s15] =	ssyncadd.s32 $0xFFFFC000  }
0x55: {  	[tilespmem:s20], [sflag:$0x3] =	stream.indirect.gather [hbm4b:s2+s16], $0x80, s28, s16, $0xb8;
	[tilespmem:$0x14E80] =	vst v63  }
0x56: {  	_ =	swait.ge [sflag:s26], $0x4000  }
0x57: {  	[sflag:s26] =	ssyncset.done $0x0  }
.Ltmp0:
0x58: {  	[sflag:s26] =	ssyncadd.s32 $0xFFFFC000;
	(pc) =	sbr.rel @p0 .LBB2_2-.Ltmp0, $4  }
0x59: {  	[hbm4b:s19+s3] =	stream.linear.scatter [tilespmem:s22], [sflag:$0x5], $0x4000, $0x38;
	[tilespmem:$0x14E80] =	vst v63  }
0x5a: {  	s31 =	sadd.s32 $0x2000, s31;
	_ =	swait.ge [sflag:s15], $0x4000  }
0x5b: {  	s0 =	sadd.s32 $0x2000, s0;
	s1 =	sadd.s32 $0x2000, s1;
	[sflag:s15] =	ssyncset.done $0x0  }
0x5c: {  	s21 =	sadd.s32 $0x380, s21;
	s19 =	sadd.s32 $0x2000, s19;
	[sflag:s15] =	ssyncadd.s32 $0xFFFFC000  }
0x5d: {  	[tilespmem:s22], [sflag:$0x4] =	stream.indirect.gather [hbm4b:s2+s16], $0x80, s21, s16, $0xb8;
	[tilespmem:$0x14E80] =	vst v63  }
0x5e: {  	_ =	swait.ge [sflag:s23], $0x4000  }
0x5f: {  	[sflag:s23] =	ssyncset.done $0x0  }
0x60: {  	[sflag:s23] =	ssyncadd.s32 $0xFFFFC000  }
0x61: {  	[hbm4b:s5+s3] =	stream.linear.scatter [tilespmem:s17], [sflag:$0x5], $0x4000, $0x38;
	[tilespmem:$0x14E80] =	vst v63  }
0x62: {  	_ =	swait.ge [sflag:s15], $0x4000  }
0x63: {  	[sflag:s15] =	ssyncset.done $0x0  }
0x64: {  	s0 =	simm.s32 $0x4E00;
	[sflag:s15] =	ssyncadd.s32 $0xFFFFC000  }
0x65: {  	[tilespmem:s17], [sflag:$0x1] =	stream.indirect.gather [hbm4b:s2+s16], $0x80, s0, s16, $0xb8;
	[tilespmem:$0x14E80] =	vst v63  }
0x66: {  	_ =	swait.ge [sflag:s24], $0x4000  }
0x67: {  	[sflag:s24] =	ssyncset.done $0x0  }
0x68: {  	[sflag:s24] =	ssyncadd.s32 $0xFFFFC000  }
0x69: {  	[hbm4b:s6+s3] =	stream.linear.scatter [tilespmem:s18], [sflag:$0x5], $0x4000, $0x38;
	[tilespmem:$0x14E80] =	vst v63  }
0x6a: {  	_ =	swait.ge [sflag:s15], $0x4000  }
0x6b: {  	[sflag:s15] =	ssyncset.done $0x0  }
0x6c: {  	[sflag:s15] =	ssyncadd.s32 $0xFFFFC000  }
0x6d: {  	_ =	swait.ge [sflag:s25], $0x4000  }
0x6e: {  	[sflag:s25] =	ssyncset.done $0x0  }
0x6f: {  	[sflag:s25] =	ssyncadd.s32 $0xFFFFC000  }
0x70: {  	[hbm4b:s7+s3] =	stream.linear.scatter [tilespmem:s20], [sflag:$0x5], $0x4000, $0x38;
	[tilespmem:$0x14E80] =	vst v63  }
0x71: {  	_ =	swait.ge [sflag:s15], $0x4000  }
0x72: {  	[sflag:s15] =	ssyncset.done $0x0  }
0x73: {  	[sflag:s15] =	ssyncadd.s32 $0xFFFFC000  }
0x74: {  	_ =	swait.ge [sflag:s26], $0x4000  }
0x75: {  	[sflag:s26] =	ssyncset.done $0x0  }
0x76: {  	[sflag:s26] =	ssyncadd.s32 $0xFFFFC000  }
0x77: {  	[hbm4b:s8+s3] =	stream.linear.scatter [tilespmem:s22], [sflag:$0x5], $0x4000, $0x38;
	[tilespmem:$0x14E80] =	vst v63  }
0x78: {  	_ =	swait.ge [sflag:s15], $0x4000  }
0x79: {  	[sflag:s15] =	ssyncset.done $0x0  }
0x7a: {  	[sflag:s15] =	ssyncadd.s32 $0xFFFFC000  }
0x7b: {  	s29 =	sadd.s32 $0x1, s29;
	_ =	swait.ge [sflag:s23], $0x4000  }
0x7c: {  	p0 =	sne.s32 s29, s10;
	[sflag:s23] =	ssyncset.done $0x0  }
.Ltmp1:
0x7d: {  	[sflag:s23] =	ssyncadd.s32 $0xFFFFC000;
	(pc) =	sbr.rel @p0 .LBB2_1-.Ltmp1, $4  }
0x7e: {  	[hbm4b:s9+s3] =	stream.linear.scatter [tilespmem:s17], [sflag:$0x5], $0x4000, $0x38;
	[tilespmem:$0x14E80] =	vst v63  }
0x7f: {  	_ =	swait.ge [sflag:s15], $0x4000  }
0x80: {  	[sflag:s15] =	ssyncset.done $0x0  }
0x81: {  	[sflag:s15] =	ssyncadd.s32 $0xFFFFC000  }
0x82: {  	_ =	sfence.sel $0x180000  }
0x83: {  	[bflag:$0x0] =	sbarrier.arrive $0xFFFF  }
0x84: {  	_ =	strace $0x9000004D  }
0x85: {  	s0 =	stileid.u32;
	[bflag:$0x2] =	sbarrier.arrive $0xFFFF  }
0x86: {  	p0 =	sne.s32 s0, $0x0;
	s0 =	rddreg [dreg:$0x2]  }
0x87: {  	s0 =	sadd.s32 @!p0 $0x100000, s0  }
0x88: {  	[sflag:s0] =	ssyncadd.tile.s32 @!p0 $0x1;
	_ =	shalt  }
.Lfunc_end2:
_tile_overlayer_lowered:
.L_overlay_start_2:
0x89: {  	(tag) =	ssettag $0x2  }
0x8a: {  	s0 =	rddreg [dreg:$0x0];
	s2 =	stileid.u32  }
0x8b: {  	s1 =	rddreg [dreg:$0x1];
	p0 =	sne.s32 s2, $0x0  }
0x8c: {  	s3 =	rddreg [dreg:$0x2];
	[bflag:$0x3] =	sbarrier.arrive $0xFFFF;
	s2 =	simm.s32 @!p0 $0x1C05  }
0x8d: {  	[timem:s3], [sflag:s2] =	dma.local @!p0 [hbm:s0], s1  }
0x8e: {  	s0 =	simm.s32 @!p0 $0x5  }
0x8f: {  	_ =	swait.ge @!p0 [sflag:s0], s1  }
0x90: {  	s1 =	ssub.s32 @!p0 $0x0, s1;
	[sflag:s0] =	ssyncset.done @!p0 $0x0  }
0x91: {  	[sflag:s0] =	ssyncadd.s32 @!p0 s1  }
0x92: {  	[bflag:$0x3] =	sbarrier.arrive $0xFFFF  }
0x93: {  	_ =	shalt  }

// kernel: sc_gather_rows.7.cloned.1.call-start
scs
__scs_entry_jumppad:
0x0: {  	(pc) =	sbr.rel $0x88, $3  }
0x1: {  	(tag) =	ssettag $0x0;
	lr =	simm.s32 $0x1  }
0x2: {  	[smem:$0x3F9B] =	sst lr;
	_ =	strace $0xD0000000  }
0x3: {  	_ = 	snop  }
0x4: {  	_ = 	snop  }
0x5: {  	_ = 	snop  }
0x6: {  	_ = 	snop  }
0x7: {  	_ = 	snop  }
__scs_overlays_trampoline_lowered:
0x8: {  	[smem:$0x3FAA] =	sst s0  }
0x9: {  	[smem:$0x3FAB] =	sst s1  }
0xa: {  	[smem:$0x3FAC] =	sst s2  }
0xb: {  	[smem:$0x3FAD] =	sst s3  }
0xc: {  	[smem:$0x3FAE] =	sst s4  }
0xd: {  	[smem:$0x3FAF] =	sst s5  }
0xe: {  	[smem:$0x3FB0] =	sst s6  }
0xf: {  	[smem:$0x3FB1] =	sst s7  }
0x10: {  	[smem:$0x3FB2] =	sst s8  }
0x11: {  	[smem:$0x3FB3] =	sst s9;
	s0 =	simm.s32 @!p0 $0x0  }
0x12: {  	s1 =	sld [smem:$0x3F99];
	s0 =	simm.s32 @p0 $0x1  }
0x13: {  	[smem:$0x3FB4] =	sst s0;
	s0 =	simm.s32 @!p1 $0x0  }
0x14: {  	s2 =	sld [smem:$0x3F98];
	s0 =	simm.s32 @p1 $0x1  }
0x15: {  	[smem:$0x3FB5] =	sst s0;
	s0 =	simm.s32 @!p2 $0x0  }
0x16: {  	s3 =	sld [smem:$0x3FDB];
	s0 =	simm.s32 @p2 $0x1  }
0x17: {  	s4 =	simm.s32 $0x1BF5;
	[smem:$0x3FB7] =	sst s0  }
0x18: {  	s0 =	sld [smem:$0x3F9A];
	_ =	swait.ge [sflag:s4], $0x0  }
0x19: {  	s7 =	sld [smem:$0x3F9B]  }
0x1a: {  	s8 =	sadd.s32 $0xFFFFE003, lr  }
0x1b: {  	s9 =	sadd.s32 $0xFFFFFEF7, lr;
	s5 =	simm.s32 $0xFFFFFFFF;
	p2 =	slt.u32 s8, $0xFFFFF086  }
0x1c: {  	p1 =	slt.u32 s9, $0xF7A;
	s5 =	simm.s32 @!p2 $0x0  }
0x1d: {  	s5 =	simm.s32 @p1 $0x1;
	p0 =	seq.s32 s7, s2  }
0x1e: {  	s7 =	smul.u32 @!p0 $0xF7A, s2;
	p2 =	seq.s32 @!p0 s5, $0x0  }
0x1f: {  	s9 =	smul.u32 $0xF7A, s1;
	s8 =	simm.s32 @!p0 $0x1BF5;
	p2 =	por !p2, p0  }
0x20: {  	[sflag:s8] =	ssyncset.s32 @!p0 $0xFFFFF086;
	s6 =	sadd.s32 @!p0 s3, s7;
	s7 =	simm.s32 @!p0 $0x108  }
0x21: {  	s3 =	sadd.s32 s3, s9;
	s6 =	sadd.s32 @!p0 $0x88, s6;
	s7 =	simm.s32 @p2 $0x1082  }
0x22: {  	[simem:s7], [sflag:s8] =	dma.local @!p0 [hbm:s6], $0xF7A  }
0x23: {  	s9 =	sor.u32 $0xD0000000, s2;
	s6 =	simm.s32 $0x108;
	_ =	swait.ge @!p0 [sflag:s8], $0x0  }
0x24: {  	s3 =	sadd.s32 $0x88, s3;
	s6 =	simm.s32 @!p1 $0x1082;
	[sflag:s4] =	ssyncset.s32 $0xFFFFF086  }
0x25: {  	[simem:s6], [sflag:s4] =	dma.local [hbm:s3], $0xF7A  }
0x26: {  	[smem:$0x3F9B] =	sst s1;
	(tag) =	ssettag s2;
	_ =	strace s9  }
0x27: {  	s1 =	sld [smem:$0x3FAB]  }
0x28: {  	s2 =	sld [smem:$0x3FAC]  }
0x29: {  	s4 =	sld [smem:$0x3FAE]  }
0x2a: {  	p0 =	seq.s32 s5, $0x0;
	s5 =	sld [smem:$0x3FAF]  }
0x2b: {  	s6 =	sld [smem:$0x3FB0]  }
0x2c: {  	s7 =	sld [smem:$0x3FB1]  }
0x2d: {  	s3 =	simm.s32 $0x108;
	s8 =	sld [smem:$0x3FB2]  }
0x2e: {  	s3 =	simm.s32 @!p0 $0x1082;
	s9 =	sld [smem:$0x3FB3]  }
0x2f: {  	lr =	sadd.s32 s0, s3;
	s0 =	sld [smem:$0x3FAA]  }
0x30: {  	s3 =	sld [smem:$0x3FAD]  }
0x31: {  	[smem:$0x3FB6] =	sst s10  }
0x32: {  	s10 =	sld [smem:$0x3FB4];
	_ =	sdelay $0x3  }
0x33: {  	p0 =	seq.s32 s10, $0x1;
	s10 =	sld [smem:$0x3FB6];
	_ =	sdelay $0x3  }
0x34: {  	[smem:$0x3FB6] =	sst s10  }
0x35: {  	s10 =	sld [smem:$0x3FB5];
	_ =	sdelay $0x3  }
0x36: {  	p1 =	seq.s32 s10, $0x1;
	s10 =	sld [smem:$0x3FB6];
	_ =	sdelay $0x3  }
0x37: {  	[smem:$0x3FB6] =	sst s10  }
0x38: {  	s10 =	sld [smem:$0x3FB7]  }
0x39: {  	_ = 	snop;
	(pc) =	sbr.ind lr, $3  }
0x3a: {  	_ = 	snop  }
0x3b: {  	_ = 	snop  }
0x3c: {  	p2 =	seq.s32 s10, $0x1;
	s10 =	sld [smem:$0x3FB6]  }
0x3d: {  	_ =	shalt  }
0x3e: {  	_ =	shalt  }
0x3f: {  	_ =	shalt  }
0x40: {  	_ =	shalt  }
0x41: {  	_ =	shalt  }
0x42: {  	_ =	shalt  }
0x43: {  	_ =	shalt  }
0x44: {  	_ =	shalt  }
0x45: {  	_ =	shalt  }
0x46: {  	_ =	shalt  }
0x47: {  	_ =	shalt  }
0x48: {  	_ =	shalt  }
0x49: {  	_ =	shalt  }
0x4a: {  	_ =	shalt  }
0x4b: {  	_ =	shalt  }
0x4c: {  	_ =	shalt  }
0x4d: {  	_ =	shalt  }
0x4e: {  	_ =	shalt  }
0x4f: {  	_ =	shalt  }
0x50: {  	_ =	shalt  }
0x51: {  	_ =	shalt  }
0x52: {  	_ =	shalt  }
0x53: {  	_ =	shalt  }
0x54: {  	_ =	shalt  }
0x55: {  	_ =	shalt  }
0x56: {  	_ =	shalt  }
0x57: {  	_ =	shalt  }
0x58: {  	_ =	shalt  }
0x59: {  	_ =	shalt  }
0x5a: {  	_ =	shalt  }
0x5b: {  	_ =	shalt  }
0x5c: {  	_ =	shalt  }
0x5d: {  	_ =	shalt  }
0x5e: {  	_ =	shalt  }
0x5f: {  	_ =	shalt  }
0x60: {  	_ =	shalt  }
0x61: {  	_ =	shalt  }
0x62: {  	_ =	shalt  }
0x63: {  	_ =	shalt  }
0x64: {  	_ =	shalt  }
0x65: {  	_ =	shalt  }
0x66: {  	_ =	shalt  }
0x67: {  	_ =	shalt  }
0x68: {  	_ =	shalt  }
0x69: {  	_ =	shalt  }
0x6a: {  	_ =	shalt  }
0x6b: {  	_ =	shalt  }
0x6c: {  	_ =	shalt  }
0x6d: {  	_ =	shalt  }
0x6e: {  	_ =	shalt  }
0x6f: {  	_ =	shalt  }
0x70: {  	_ =	shalt  }
0x71: {  	_ =	shalt  }
0x72: {  	_ =	shalt  }
0x73: {  	_ =	shalt  }
0x74: {  	_ =	shalt  }
0x75: {  	_ =	shalt  }
0x76: {  	_ =	shalt  }
0x77: {  	_ =	shalt  }
0x78: {  	_ =	shalt  }
0x79: {  	_ =	shalt  }
0x7a: {  	_ =	shalt  }
0x7b: {  	_ =	shalt  }
0x7c: {  	_ =	shalt  }
0x7d: {  	_ =	shalt  }
0x7e: {  	_ =	shalt  }
0x7f: {  	_ =	shalt  }
0x80: {  	_ =	shalt  }
0x81: {  	_ =	shalt  }
0x82: {  	_ =	shalt  }
0x83: {  	_ =	shalt  }
0x84: {  	_ =	shalt  }
0x85: {  	_ =	shalt  }
0x86: {  	_ =	shalt  }
0x87: {  	_ =	shalt  }
.Lfunc_end0:
.L_simem_size_0:
called_computation.3_lowered:
.L_overlay_start_0:
0x88: {  	s2 =	sld [smem:$0x3FD9]  }
0x89: {  	s3 =	sld [smem:$0x3FFE];
	_ =	sdelay $0x1  }
0x8a: {  	s1 =	srdreg.scid  }
0x8b: {  	s0 =	sand.u32 $0x1, s1  }
0x8c: {  	s17 =	sshll.u32 s0, $0xA;
	s2 =	sadd.s32 s3, s2  }
0x8d: {  	s2 =	sadd.s32 s2, s17  }
0x8e: {  	[smem:$0x3FC2] =	sst s2  }
0x8f: {  	_ = 	snop  }
0x90: {  	s2 =	sld [smem:$0x3FD0];
	(tm) =	ssettm $0x1  }
0x91: {  	s18 =	sld [smem:$0x3FFB];
	_ =	sdelay $0x3  }
0x92: {  	_ =	strace s18  }
0x93: {  	s3 =	sld [smem:$0x3FFC];
	_ =	sdelay $0x3  }
0x94: {  	_ =	strace s3  }
0x95: {  	s3 =	sld [smem:$0x3FFD];
	_ =	sdelay $0x3  }
0x96: {  	_ =	strace s3  }
0x97: {  	_ =	strace $0x8FFFFFFF  }
0x98: {  	s19 =	sld [smem:$0x3FDB];
	_ =	sdelay $0x1  }
0x99: {  	s4 =	simm.s32 $_scs_section_size  }
0x9a: {  	s5 =	simm.s32 $_size__tile_overlayer_lowered;
	s6 =	simm.s32 $_tile_overlayer_lowered  }
0x9b: {  	s22 =	simm.s32 $0x1BFF;
	s21 =	sshll.u32 s6, $0x1;
	s3 =	sadd.s32 s4, s19  }
0x9c: {  	s7 =	simm.s32 $0x0;
	s20 =	sshll.u32 s5, $0x1;
	s5 =	sadd.s32 s21, s3  }
0x9d: {  	[timem:s7], [sflag:s22] =	dma.local [hbm:s5], s20  }
0x9e: {  	_ =	swait.ge [sflag:s22], s20  }
0x9f: {  	s4 =	ssub.s32 $0x0, s20;
	[sflag:s22] =	ssyncset.done $0x0  }
0xa0: {  	[sflag:s22] =	ssyncadd.s32 s4;
	_ =	sdelay $0x1  }
0xa1: {  	s23 =	simm.s32 $0x1B8B  }
0xa2: {  	_ =	swait.ge [sflag:s23], $0x1  }
0xa3: {  	[sflag:s23] =	ssyncset.done $0x0  }
0xa4: {  	s25 =	simm.s32 $0x1B8E;
	s24 =	sld [smem:$0x3FFE];
	[sflag:s23] =	ssyncadd.s32 $0xFFFFFFFF  }
0xa5: {  	s26 =	simm.s32 $execute0_lowered;
	[smem:$0x3FD2] =	sst s25  }
0xa6: {  	s5 =	sshll.u32 s26, $0x1;
	_ =	strace $0x8000004F;
	[dreg:$0x1] =	wrdreg $0xFFFFFFFF  }
0xa7: {  	s28 =	simm.s32 $_size_execute0_lowered;
	s3 =	sadd.s32 s3, s5;
	[dreg:$0x0] =	wrdreg $0x0  }
0xa8: {  	s5 =	sshll.u32 s28, $0x1;
	[dreg:$0x2] =	wrdreg s3  }
0xa9: {  	[dreg:$0x3] =	wrdreg s5  }
0xaa: {  	[dreg:$0x4] =	wrdreg $0xC0  }
0xab: {  	_ =	task [dreg:s7], $0x5FFFF  }
0xac: {  	[dreg:$0x1] =	wrdreg $0xFFFFFFFF  }
0xad: {  	[dreg:$0x0] =	wrdreg $0x60  }
0xae: {  	[dreg:$0x2] =	wrdreg s24  }
0xaf: {  	[dreg:$0x3] =	wrdreg s2  }
0xb0: {  	[dreg:$0x4] =	wrdreg $0x9  }
0xb1: {  	_ =	task.clear_ibuf [dreg:s7], $0x5FFFF;
	_ =	strace $0x9000004F  }
0xb2: {  	s29 =	simm.s32 $0x9;
	_ =	strace $0x80000051  }
0xb3: {  	_ =	swait.ge [sflag:s29], $0x1  }
0xb4: {  	[sflag:s29] =	ssyncadd.s32 $0xFFFFFFFF  }
0xb5: {  	_ =	strace $0x90000051  }
0xb6: {  	_ =	sfence  }
0xb7: {  	s30 =	sld [smem:$0x0];
	_ =	sdelay $0x2  }
0xb8: {  	s31 =	sshll.u32 s1, $0xD;
	s1 =	sshrl.u32 s1, $0x2  }
0xb9: {  	s3 =	sand.u32 $0x4000, s31;
	s1 =	sadd.s32 s1, s30  }
0xba: {  	s0 =	sor.u32 s3, s0;
	s1 =	sshll.u32 s1, $0x11  }
0xbb: {  	s0 =	sor.u32 s1, s0  }
0xbc: {  	s0 =	sadd.s32 $0x8F2B, s0  }
0xbd: {  	[sflag:s0] =	ssyncadd.remote.s32 $0x1  }
0xbe: {  	_ =	sfence.sel $0xFFFF  }
0xbf: {  	[dreg:$0x0] =	wrdreg $0xFFFFFFFF;
	(pc) =	sbr.abs _section_cstart, $3  }
0xc0: {  	[dreg:$0x1] =	wrdreg $0xFFFFFFFF  }
0xc1: {  	_ =	task.clear_ibuf [dreg:s7], $0x2FFFF;
	_ =	strace $0x9FFFFFFF  }
0xc2: {  	(tm) =	ssettm $0x7FFFFFFF  }
0xc3: {  	_ =	shalt  }
tec
execute0_lowered:
.L_overlay_start_1:
0x0: {  	(tag) =	ssettag $0x1  }
0x1: {  	s0 =	srdreg.scid;
	s1 =	rddreg [dreg:$0x0]  }
0x2: {  	s12 =	stileid.u32;
	s2 =	rddreg [dreg:$0x1]  }
0x3: {  	s15 =	simm.s32 $0x5;
	s16 =	simm.s32 $0x80;
	s17 =	simm.s32 $0x4E80  }
0x4: {  	s18 =	simm.s32 $0x8E80;
	s20 =	simm.s32 $0xCE80;
	s22 =	simm.s32 $0x10E80  }
0x5: {  	s23 =	simm.s32 $0x1;
	s24 =	simm.s32 $0x2;
	s7 =	smul.u32 $0x13A, s12  }
0x6: {  	s25 =	simm.s32 $0x3;
	s0 =	sand.u32 $0x1, s0;
	s14 =	smul.u32 $0x9D000, s12  }
0x7: {  	s26 =	simm.s32 $0x4;
	s3 =	sshll.u32 s12, $0x1;
	s10 =	smul.u32 $0x9D, s0  }
0x8: {  	s4 =	sor.u32 s0, s3;
	s6 =	ssub.s32 $0x2, s0;
	s0 =	smul.u32 $0x4E800, s0  }
0x9: {  	s29 =	simm.s32 $0x0;
	s3 =	simm.s32 $0x0;
	s5 =	smul.u32 $0x9D0, s4  }
0xa: {  	[smem:$0x7FF] =	sst s3;
	s4 =	smul.u32 $0x274000, s4;
	s8 =	sshrl.u32 s6, $0x1  }
0xb: {  	_ =	strace $0x80000050;
	s11 =	ssub.s32 s6, s8;
	s10 =	sadd.s32 s10, s7  }
0xc: {  	s5 =	sadd.s32 s5, s1;
	s1 =	sadd.s32 $0x48C00, s1;
	s9 =	sshrl.u32 s4, $0x3  }
0xd: {  	s10 =	sshll.u32 s10, $0xB;
	s4 =	sadd.s32 $0x35200, s5;
	s9 =	sadd.s32 s1, s9  }
0xe: {  	s13 =	sadd.s32 s1, s10;
	s10 =	smax.u32 s11, $0x1;
	s1 =	sadd.s32 s14, s1  }
0xf: {  	s5 =	sadd.s32 $0x4C000, s9;
	s6 =	sadd.s32 $0x4C800, s9;
	s7 =	sadd.s32 $0x4D000, s9  }
0x10: {  	s8 =	sadd.s32 $0x4D800, s9;
	s9 =	sadd.s32 $0x4E000, s9;
	s11 =	sadd.s32 $0x1800, s13  }
0x11: {  	s12 =	sadd.s32 $0x1000, s13;
	s13 =	sadd.s32 $0x800, s13;
	s14 =	sadd.s32 s0, s1  }
.LBB2_1:
0x12: {  	[tilespmem:s3], [sflag:$0x5] =	stream.linear.gather [hbm4b:s4+s3], $0x4E80, $0x38;
	[tilespmem:$0x14E80] =	vst v63  }
0x13: {  	_ =	swait.ge [sflag:s15], $0x4E80  }
0x14: {  	[sflag:s15] =	ssyncset.done $0x0  }
0x15: {  	[sflag:s15] =	ssyncadd.s32 $0xFFFFB180  }
0x16: {  	[tilespmem:s17], [sflag:$0x1] =	stream.indirect.gather [hbm4b:s2+s16], $0x80, s3, s16, $0xb8;
	[tilespmem:$0x14E80] =	vst v63  }
0x17: {  	_ = 	snop  }
0x18: {  	[tilespmem:s18], [sflag:$0x2] =	stream.indirect.gather [hbm4b:s2+s16], $0x80, s16, s16, $0xb8;
	[tilespmem:$0x14E80] =	vst v63  }
0x19: {  	s0 =	simm.s32 $0x100  }
0x1a: {  	[tilespmem:s20], [sflag:$0x3] =	stream.indirect.gather [hbm4b:s2+s16], $0x80, s0, s16, $0xb8;
	[tilespmem:$0x14E80] =	vst v63  }
0x1b: {  	s1 =	simm.s32 $0x180  }
0x1c: {  	[tilespmem:s22], [sflag:$0x4] =	stream.indirect.gather [hbm4b:s2+s16], $0x80, s1, s16, $0xb8;
	[tilespmem:$0x14E80] =	vst v63  }
0x1d: {  	_ =	swait.ge [sflag:s23], $0x4000  }
0x1e: {  	[sflag:s23] =	ssyncset.done $0x0  }
0x1f: {  	[sflag:s23] =	ssyncadd.s32 $0xFFFFC000  }
0x20: {  	[hbm4b:s14+s3] =	stream.linear.scatter [tilespmem:s17], [sflag:$0x5], $0x4000, $0x38;
	[tilespmem:$0x14E80] =	vst v63  }
0x21: {  	_ =	swait.ge [sflag:s15], $0x4000  }
0x22: {  	[sflag:s15] =	ssyncset.done $0x0  }
0x23: {  	s19 =	simm.s32 $0x200;
	[sflag:s15] =	ssyncadd.s32 $0xFFFFC000  }
0x24: {  	[tilespmem:s17], [sflag:$0x1] =	stream.indirect.gather [hbm4b:s2+s16], $0x80, s19, s16, $0xb8;
	[tilespmem:$0x14E80] =	vst v63  }
0x25: {  	_ =	swait.ge [sflag:s24], $0x4000  }
0x26: {  	[sflag:s24] =	ssyncset.done $0x0  }
0x27: {  	[sflag:s24] =	ssyncadd.s32 $0xFFFFC000  }
0x28: {  	[hbm4b:s13+s3] =	stream.linear.scatter [tilespmem:s18], [sflag:$0x5], $0x4000, $0x38;
	[tilespmem:$0x14E80] =	vst v63  }
0x29: {  	_ =	swait.ge [sflag:s15], $0x4000  }
0x2a: {  	[sflag:s15] =	ssyncset.done $0x0  }
0x2b: {  	s21 =	simm.s32 $0x280;
	[sflag:s15] =	ssyncadd.s32 $0xFFFFC000  }
0x2c: {  	[tilespmem:s18], [sflag:$0x2] =	stream.indirect.gather [hbm4b:s2+s16], $0x80, s21, s16, $0xb8;
	[tilespmem:$0x14E80] =	vst v63  }
0x2d: {  	_ =	swait.ge [sflag:s25], $0x4000  }
0x2e: {  	[sflag:s25] =	ssyncset.done $0x0  }
0x2f: {  	[sflag:s25] =	ssyncadd.s32 $0xFFFFC000  }
0x30: {  	[hbm4b:s12+s3] =	stream.linear.scatter [tilespmem:s20], [sflag:$0x5], $0x4000, $0x38;
	[tilespmem:$0x14E80] =	vst v63  }
0x31: {  	_ =	swait.ge [sflag:s15], $0x4000  }
0x32: {  	[sflag:s15] =	ssyncset.done $0x0  }
0x33: {  	s28 =	simm.s32 $0x300;
	[sflag:s15] =	ssyncadd.s32 $0xFFFFC000  }
0x34: {  	[tilespmem:s20], [sflag:$0x3] =	stream.indirect.gather [hbm4b:s2+s16], $0x80, s28, s16, $0xb8;
	[tilespmem:$0x14E80] =	vst v63  }
0x35: {  	_ =	swait.ge [sflag:s26], $0x4000  }
0x36: {  	[sflag:s26] =	ssyncset.done $0x0  }
0x37: {  	[sflag:s26] =	ssyncadd.s32 $0xFFFFC000  }
0x38: {  	[hbm4b:s11+s3] =	stream.linear.scatter [tilespmem:s22], [sflag:$0x5], $0x4000, $0x38;
	[tilespmem:$0x14E80] =	vst v63  }
0x39: {  	s30 =	simm.s32 $0x800;
	s31 =	sadd.s32 $0x2000, s14;
	_ =	swait.ge [sflag:s15], $0x4000  }
0x3a: {  	s0 =	sadd.s32 $0x2000, s13;
	s1 =	sadd.s32 $0x2000, s12;
	[sflag:s15] =	ssyncset.done $0x0  }
0x3b: {  	s19 =	sadd.s32 $0x2000, s11;
	s21 =	simm.s32 $0x380;
	[sflag:s15] =	ssyncadd.s32 $0xFFFFC000  }
.LBB2_2:
0x3c: {  	[tilespmem:s22], [sflag:$0x4] =	stream.indirect.gather [hbm4b:s2+s16], $0x80, s21, s16, $0xb8;
	[tilespmem:$0x14E80] =	vst v63  }
0x3d: {  	s21 =	smov.u32 s30  }
0x3e: {  	p0 =	sne.s32 s30, $0x12800;
	s30 =	sadd.s32 $0x800, s30;
	_ =	swait.ge [sflag:s23], $0x4000  }
0x3f: {  	[sflag:s23] =	ssyncset.done $0x0  }
0x40: {  	[sflag:s23] =	ssyncadd.s32 $0xFFFFC000  }
0x41: {  	[hbm4b:s31+s3] =	stream.linear.scatter [tilespmem:s17], [sflag:$0x5], $0x4000, $0x38;
	[tilespmem:$0x14E80] =	vst v63  }
0x42: {  	_ =	swait.ge [sflag:s15], $0x4000  }
0x43: {  	s21 =	sshra.s32 s21, $0x2;
	[sflag:s15] =	ssyncset.done $0x0  }
0x44: {  	s28 =	sadd.s32 $0x200, s21;
	[sflag:s15] =	ssyncadd.s32 $0xFFFFC000  }
0x45: {  	[tilespmem:s17], [sflag:$0x1] =	stream.indirect.gather [hbm4b:s2+s16], $0x80, s28, s16, $0xb8;
	[tilespmem:$0x14E80] =	vst v63  }
0x46: {  	_ =	swait.ge [sflag:s24], $0x4000  }
0x47: {  	[sflag:s24] =	ssyncset.done $0x0  }
0x48: {  	[sflag:s24] =	ssyncadd.s32 $0xFFFFC000  }
0x49: {  	[hbm4b:s0+s3] =	stream.linear.scatter [tilespmem:s18], [sflag:$0x5], $0x4000, $0x38;
	[tilespmem:$0x14E80] =	vst v63  }
0x4a: {  	_ =	swait.ge [sflag:s15], $0x4000  }
0x4b: {  	[sflag:s15] =	ssyncset.done $0x0  }
0x4c: {  	s28 =	sadd.s32 $0x280, s21;
	[sflag:s15] =	ssyncadd.s32 $0xFFFFC000  }
0x4d: {  	[tilespmem:s18], [sflag:$0x2] =	stream.indirect.gather [hbm4b:s2+s16], $0x80, s28, s16, $0xb8;
	[tilespmem:$0x14E80] =	vst v63  }
0x4e: {  	_ =	swait.ge [sflag:s25], $0x4000  }
0x4f: {  	[sflag:s25] =	ssyncset.done $0x0  }
0x50: {  	[sflag:s25] =	ssyncadd.s32 $0xFFFFC000  }
0x51: {  	[hbm4b:s1+s3] =	stream.linear.scatter [tilespmem:s20], [sflag:$0x5], $0x4000, $0x38;
	[tilespmem:$0x14E80] =	vst v63  }
0x52: {  	_ =	swait.ge [sflag:s15], $0x4000  }
0x53: {  	[sflag:s15] =	ssyncset.done $0x0  }
0x54: {  	s28 =	sadd.s32 $0x300, s21;
	[sflag:s15] =	ssyncadd.s32 $0xFFFFC000  }
0x55: {  	[tilespmem:s20], [sflag:$0x3] =	stream.indirect.gather [hbm4b:s2+s16], $0x80, s28, s16, $0xb8;
	[tilespmem:$0x14E80] =	vst v63  }
0x56: {  	_ =	swait.ge [sflag:s26], $0x4000  }
0x57: {  	[sflag:s26] =	ssyncset.done $0x0  }
.Ltmp0:
0x58: {  	[sflag:s26] =	ssyncadd.s32 $0xFFFFC000;
	(pc) =	sbr.rel @p0 .LBB2_2-.Ltmp0, $4  }
0x59: {  	[hbm4b:s19+s3] =	stream.linear.scatter [tilespmem:s22], [sflag:$0x5], $0x4000, $0x38;
	[tilespmem:$0x14E80] =	vst v63  }
0x5a: {  	s31 =	sadd.s32 $0x2000, s31;
	_ =	swait.ge [sflag:s15], $0x4000  }
0x5b: {  	s0 =	sadd.s32 $0x2000, s0;
	s1 =	sadd.s32 $0x2000, s1;
	[sflag:s15] =	ssyncset.done $0x0  }
0x5c: {  	s21 =	sadd.s32 $0x380, s21;
	s19 =	sadd.s32 $0x2000, s19;
	[sflag:s15] =	ssyncadd.s32 $0xFFFFC000  }
0x5d: {  	[tilespmem:s22], [sflag:$0x4] =	stream.indirect.gather [hbm4b:s2+s16], $0x80, s21, s16, $0xb8;
	[tilespmem:$0x14E80] =	vst v63  }
0x5e: {  	_ =	swait.ge [sflag:s23], $0x4000  }
0x5f: {  	[sflag:s23] =	ssyncset.done $0x0  }
0x60: {  	[sflag:s23] =	ssyncadd.s32 $0xFFFFC000  }
0x61: {  	[hbm4b:s5+s3] =	stream.linear.scatter [tilespmem:s17], [sflag:$0x5], $0x4000, $0x38;
	[tilespmem:$0x14E80] =	vst v63  }
0x62: {  	_ =	swait.ge [sflag:s15], $0x4000  }
0x63: {  	[sflag:s15] =	ssyncset.done $0x0  }
0x64: {  	s0 =	simm.s32 $0x4E00;
	[sflag:s15] =	ssyncadd.s32 $0xFFFFC000  }
0x65: {  	[tilespmem:s17], [sflag:$0x1] =	stream.indirect.gather [hbm4b:s2+s16], $0x80, s0, s16, $0xb8;
	[tilespmem:$0x14E80] =	vst v63  }
0x66: {  	_ =	swait.ge [sflag:s24], $0x4000  }
0x67: {  	[sflag:s24] =	ssyncset.done $0x0  }
0x68: {  	[sflag:s24] =	ssyncadd.s32 $0xFFFFC000  }
0x69: {  	[hbm4b:s6+s3] =	stream.linear.scatter [tilespmem:s18], [sflag:$0x5], $0x4000, $0x38;
	[tilespmem:$0x14E80] =	vst v63  }
0x6a: {  	_ =	swait.ge [sflag:s15], $0x4000  }
0x6b: {  	[sflag:s15] =	ssyncset.done $0x0  }
0x6c: {  	[sflag:s15] =	ssyncadd.s32 $0xFFFFC000  }
0x6d: {  	_ =	swait.ge [sflag:s25], $0x4000  }
0x6e: {  	[sflag:s25] =	ssyncset.done $0x0  }
0x6f: {  	[sflag:s25] =	ssyncadd.s32 $0xFFFFC000  }
0x70: {  	[hbm4b:s7+s3] =	stream.linear.scatter [tilespmem:s20], [sflag:$0x5], $0x4000, $0x38;
	[tilespmem:$0x14E80] =	vst v63  }
0x71: {  	_ =	swait.ge [sflag:s15], $0x4000  }
0x72: {  	[sflag:s15] =	ssyncset.done $0x0  }
0x73: {  	[sflag:s15] =	ssyncadd.s32 $0xFFFFC000  }
0x74: {  	_ =	swait.ge [sflag:s26], $0x4000  }
0x75: {  	[sflag:s26] =	ssyncset.done $0x0  }
0x76: {  	[sflag:s26] =	ssyncadd.s32 $0xFFFFC000  }
0x77: {  	[hbm4b:s8+s3] =	stream.linear.scatter [tilespmem:s22], [sflag:$0x5], $0x4000, $0x38;
	[tilespmem:$0x14E80] =	vst v63  }
0x78: {  	_ =	swait.ge [sflag:s15], $0x4000  }
0x79: {  	[sflag:s15] =	ssyncset.done $0x0  }
0x7a: {  	[sflag:s15] =	ssyncadd.s32 $0xFFFFC000  }
0x7b: {  	s29 =	sadd.s32 $0x1, s29;
	_ =	swait.ge [sflag:s23], $0x4000  }
0x7c: {  	p0 =	sne.s32 s29, s10;
	[sflag:s23] =	ssyncset.done $0x0  }
.Ltmp1:
0x7d: {  	[sflag:s23] =	ssyncadd.s32 $0xFFFFC000;
	(pc) =	sbr.rel @p0 .LBB2_1-.Ltmp1, $4  }
0x7e: {  	[hbm4b:s9+s3] =	stream.linear.scatter [tilespmem:s17], [sflag:$0x5], $0x4000, $0x38;
	[tilespmem:$0x14E80] =	vst v63  }
0x7f: {  	_ =	swait.ge [sflag:s15], $0x4000  }
0x80: {  	[sflag:s15] =	ssyncset.done $0x0  }
0x81: {  	[sflag:s15] =	ssyncadd.s32 $0xFFFFC000  }
0x82: {  	_ =	sfence.sel $0x180000  }
0x83: {  	[bflag:$0x0] =	sbarrier.arrive $0xFFFF  }
0x84: {  	_ =	strace $0x90000050  }
0x85: {  	s0 =	stileid.u32;
	[bflag:$0x2] =	sbarrier.arrive $0xFFFF  }
0x86: {  	p0 =	sne.s32 s0, $0x0;
	s0 =	rddreg [dreg:$0x2]  }
0x87: {  	s0 =	sadd.s32 @!p0 $0x100000, s0  }
0x88: {  	[sflag:s0] =	ssyncadd.tile.s32 @!p0 $0x1;
	_ =	shalt  }
.Lfunc_end2:
_tile_overlayer_lowered:
.L_overlay_start_2:
0x89: {  	(tag) =	ssettag $0x2  }
0x8a: {  	s0 =	rddreg [dreg:$0x0];
	s2 =	stileid.u32  }
0x8b: {  	s1 =	rddreg [dreg:$0x1];
	p0 =	sne.s32 s2, $0x0  }
0x8c: {  	s3 =	rddreg [dreg:$0x2];
	[bflag:$0x3] =	sbarrier.arrive $0xFFFF;
	s2 =	simm.s32 @!p0 $0x1C05  }
0x8d: {  	[timem:s3], [sflag:s2] =	dma.local @!p0 [hbm:s0], s1  }
0x8e: {  	s0 =	simm.s32 @!p0 $0x5  }
0x8f: {  	_ =	swait.ge @!p0 [sflag:s0], s1  }
0x90: {  	s1 =	ssub.s32 @!p0 $0x0, s1;
	[sflag:s0] =	ssyncset.done @!p0 $0x0  }
0x91: {  	[sflag:s0] =	ssyncadd.s32 @!p0 s1  }
0x92: {  	[bflag:$0x3] =	sbarrier.arrive $0xFFFF  }
0x93: {  	_ =	shalt  }

</sc_bundles>
